<compile_context>
chip_gen: v7x
topology: tpu7x:2x2x1
jax: 0.10.2.dev20260603
libtpu: 0.0.44.dev20260713+nightly
codegen_flags: <defaults>
</compile_context>

<pallas_src>
import functools

import jax
import jax.numpy as jnp
from jax import lax
from jax.experimental import pallas as pl
from jax.experimental.pallas import tpu as pltpu
from jax.experimental.pallas import tpu_sc as plsc

_N = 2048
_E = 32768
_D = 1024
_SCALE = 1.0 / float(_D) ** 0.5


_EPT = _E // 16
_OWN = 65536


def _sc_counts(s1, d1, s2, d2):
    mesh = plsc.VectorSubcoreMesh(core_axis_name="c", subcore_axis_name="s")
    out_t = (jax.ShapeDtypeStruct((_N * _N,), jnp.float32),
             jax.ShapeDtypeStruct((_N * _N,), jnp.float32))
    qs = _E // 4
    scratch = [
        pltpu.VMEM((qs,), jnp.int32),
        pltpu.VMEM((qs,), jnp.int32),
        pltpu.VMEM((qs,), jnp.int32),
        pltpu.VMEM((qs,), jnp.int32),
        pltpu.VMEM((_OWN,), jnp.float32),
        pltpu.VMEM_SHARED((_E,), jnp.int32),
        pltpu.VMEM_SHARED((_E,), jnp.int32),
        pltpu.SemaphoreType.DMA,
        pltpu.SemaphoreType.DMA,
        pltpu.SemaphoreType.DMA,
        pltpu.SemaphoreType.DMA,
    ]

    @functools.partial(pl.kernel, out_type=out_t, mesh=mesh,
                       scratch_types=scratch,
                       compiler_params=pltpu.CompilerParams(
                           needs_layout_passes=False))
    def k(s1_hbm, d1_hbm, s2_hbm, d2_hbm, o1_hbm, o2_hbm,
          sa_v, da_v, sb_v, db_v, own_v, spm_s, spm_d, ssa, sda, ssb, sdb):
        c = lax.axis_index("c")
        t = lax.axis_index("s")
        w = c * 16 + t
        base = t * _EPT
        z16f = jnp.zeros((16,), jnp.float32)
        one16 = jnp.ones((16,), jnp.float32)
        bufs = ((sa_v, da_v, ssa, sda), (sb_v, db_v, ssb, sdb))

        for l in range(2):
            sh = (s1_hbm, s2_hbm)[l]
            dh = (d1_hbm, d2_hbm)[l]
            out_hbm = (o1_hbm, o2_hbm)[l]

            plsc.subcore_barrier()
            pltpu.sync_copy(sh.at[pl.ds(base, _EPT)], sa_v.at[pl.ds(0, _EPT)])
            pltpu.sync_copy(dh.at[pl.ds(base, _EPT)], da_v.at[pl.ds(0, _EPT)])
            pltpu.sync_copy(sa_v.at[pl.ds(0, _EPT)], spm_s.at[pl.ds(base, _EPT)])
            pltpu.sync_copy(da_v.at[pl.ds(0, _EPT)], spm_d.at[pl.ds(base, _EPT)])
            plsc.subcore_barrier()

            def start(q, bset):
                sv, dv, ss, sd = bset
                return (pltpu.async_copy(spm_s.at[pl.ds(q * qs, qs)], sv, ss),
                        pltpu.async_copy(spm_d.at[pl.ds(q * qs, qs)], dv, sd))

            for p in range(2):
                own_lo = (2 * w + p) * _OWN

                def zero(i, carry):
                    for u in range(8):
                        own_v[pl.ds(i * 128 + u * 16, 16)] = z16f
                    return carry
                lax.fori_loop(0, _OWN // 128, zero, 0)

                pend = start(0, bufs[0])
                for q in range(4):
                    sq_v, dq_v = bufs[q % 2][:2]
                    pend[0].wait()
                    pend[1].wait()
                    if q < 3:
                        pend = start(q + 1, bufs[(q + 1) % 2])

                    def scan(g8, carry, sq_v=sq_v, dq_v=dq_v):
                        for u in range(8):
                            o = g8 * 128 + u * 16
                            fv = (dq_v[pl.ds(o, 16)] * _N
                                  + sq_v[pl.ds(o, 16)])
                            m = (fv >= own_lo) & (fv < own_lo + _OWN)
                            idx = jnp.where(m, fv - own_lo, 0)
                            plsc.addupdate_scatter(own_v, [idx], one16,
                                                   mask=m)
                        return carry
                    lax.fori_loop(0, qs // 128, scan, 0)
                pltpu.sync_copy(own_v, out_hbm.at[pl.ds(own_lo, _OWN)])

    return k(s1, d1, s2, d2)



def _mm_nn(a, b, bias=None, relu=False, bm=512, bn=512,
           out_dtype=jnp.float32):
    M, K = a.shape
    _, Nn = b.shape
    in_specs = [pl.BlockSpec((bm, K), lambda i, j: (i, 0)),
                pl.BlockSpec((K, bn), lambda i, j: (0, j))]
    args = [a, b]
    if bias is not None:
        in_specs.append(pl.BlockSpec((1, bn), lambda i, j: (0, j)))
        args.append(bias.reshape(1, Nn))

    def body(a_ref, b_ref, *rest):
        out_ref = rest[-1]
        acc = jnp.dot(a_ref[...], b_ref[...],
                      preferred_element_type=jnp.float32)
        if bias is not None:
            acc = acc + rest[0][...]
        if relu:
            acc = jnp.maximum(acc, 0.0)
        out_ref[...] = acc.astype(out_dtype)

    return pl.pallas_call(
        body,
        grid=(M // bm, Nn // bn),
        in_specs=in_specs,
        out_specs=pl.BlockSpec((bm, bn), lambda i, j: (i, j)),
        out_shape=jax.ShapeDtypeStruct((M, Nn), out_dtype),
        compiler_params=pltpu.CompilerParams(
            dimension_semantics=("parallel", "parallel")),
    )(*args)


def _mm_nt(a, b, mode, gates=(), bm=512, bn=512,
           out_dtype=jnp.float32):
    M, K = a.shape
    Nn, _ = b.shape
    in_specs = [pl.BlockSpec((bm, K), lambda i, j: (i, 0)),
                pl.BlockSpec((bn, K), lambda i, j: (j, 0))]
    for _g in gates:
        in_specs.append(pl.BlockSpec((bm, bn), lambda i, j: (i, j)))
    if mode == "dual":
        out_shape = (jax.ShapeDtypeStruct((M, Nn), jnp.float32),
                     jax.ShapeDtypeStruct((M, Nn), out_dtype))
        out_specs = (pl.BlockSpec((bm, bn), lambda i, j: (i, j)),
                     pl.BlockSpec((bm, bn), lambda i, j: (i, j)))
    else:
        out_shape = jax.ShapeDtypeStruct((M, Nn), out_dtype)
        out_specs = pl.BlockSpec((bm, bn), lambda i, j: (i, j))

    ng = len(gates)

    def body(a_ref, b_ref, *rest):
        acc = lax.dot_general(a_ref[...], b_ref[...],
                              (((1,), (1,)), ((), ())),
                              preferred_element_type=jnp.float32)
        if mode == "scale":
            rest[-1][...] = (acc * _SCALE).astype(out_dtype)
        elif mode == "gate":
            sig = jax.nn.sigmoid(acc * _SCALE)
            rest[-1][...] = (rest[0][...] * rest[1][...] * sig
                             ).astype(out_dtype)
        else:
            sig = jax.nn.sigmoid(acc * _SCALE)
            rest[ng][...] = sig
            rest[ng + 1][...] = (rest[0][...] * sig).astype(out_dtype)

    return pl.pallas_call(
        body,
        grid=(M // bm, Nn // bn),
        in_specs=in_specs,
        out_specs=out_specs,
        out_shape=out_shape,
        compiler_params=pltpu.CompilerParams(
            dimension_semantics=("parallel", "parallel")),
    )(a, b, *gates)


def _softmax_mm_t(S, V, addend, br=256):
    K, M = S.shape
    _, Dv = V.shape

    def body(s_ref, v_ref, add_ref, out_ref):
        s = s_ref[...].astype(jnp.float32)
        m = jnp.max(s, axis=0, keepdims=True)
        e = jnp.exp(s - m)
        den = jnp.sum(e, axis=0, keepdims=True)
        p = (e / den).astype(v_ref.dtype)
        acc = add_ref[...].astype(jnp.float32) + lax.dot_general(
            p, v_ref[...], (((0,), (0,)), ((), ())),
            preferred_element_type=jnp.float32)
        out_ref[...] = acc.astype(out_ref.dtype)

    return pl.pallas_call(
        body,
        grid=(M // br,),
        in_specs=[pl.BlockSpec((K, br), lambda i: (0, i)),
                  pl.BlockSpec((K, Dv), lambda i: (0, 0)),
                  pl.BlockSpec((br, Dv), lambda i: (i, 0))],
        out_specs=pl.BlockSpec((br, Dv), lambda i: (i, 0)),
        out_shape=jax.ShapeDtypeStruct((M, Dv), jnp.bfloat16),
        compiler_params=pltpu.CompilerParams(
            dimension_semantics=("arbitrary",)),
    )(S, V, addend)


def _softmax_mm(S, V, addend, br=256):
    M, K = S.shape
    _, Dv = V.shape

    def body(s_ref, v_ref, add_ref, out_ref):
        s = s_ref[...].astype(jnp.float32)
        m = jnp.max(s, axis=1, keepdims=True)
        e = jnp.exp(s - m)
        den = jnp.sum(e, axis=1, keepdims=True)
        p = (e / den).astype(v_ref.dtype)
        acc = add_ref[...].astype(jnp.float32) + jnp.dot(
            p, v_ref[...], preferred_element_type=jnp.float32)
        out_ref[...] = acc.astype(out_ref.dtype)

    return pl.pallas_call(
        body,
        grid=(M // br,),
        in_specs=[pl.BlockSpec((br, K), lambda i: (i, 0)),
                  pl.BlockSpec((K, Dv), lambda i: (0, 0)),
                  pl.BlockSpec((br, Dv), lambda i: (i, 0))],
        out_specs=pl.BlockSpec((br, Dv), lambda i: (i, 0)),
        out_shape=jax.ShapeDtypeStruct((M, Dv), jnp.bfloat16),
        compiler_params=pltpu.CompilerParams(
            dimension_semantics=("arbitrary",)),
    )(S, V, addend)


def kernel(x_g1, y_g2, edge_index_g1, edge_index_g2, base_adj,
           Wi, Wj, W1, b1, W2, b2, Wc):
    s1, d1 = edge_index_g1[0], edge_index_g1[1]
    s2, d2 = edge_index_g2[0], edge_index_g2[1]
    cnt1, cnt2 = _sc_counts(s1, d1, s2, d2)
    bf = jnp.bfloat16
    C1t = cnt1.reshape(_N, _N).astype(bf)
    C2t = cnt2.reshape(_N, _N).astype(bf)

    xy = jnp.concatenate([x_g1, y_g2], axis=0).astype(bf)
    Wcat = jnp.concatenate([Wi, Wj, W1], axis=1).astype(bf)
    proj = _mm_nn(xy, Wcat, bm=1024, bn=1024, out_dtype=bf)
    xi1, xj1, h1 = proj[:_N, :_D], proj[:_N, _D:2 * _D], proj[:_N, 2 * _D:]
    xi2, xj2, h2 = proj[_N:, :_D], proj[_N:, _D:2 * _D], proj[_N:, 2 * _D:]

    adjT = base_adj.T.astype(bf)
    B1 = _mm_nt(xj1, xi1, "gate", gates=(C1t, adjT), bm=1024, bn=1024,
                out_dtype=bf)
    B2 = _mm_nt(xj2, xi2, "gate", gates=(C2t, adjT), bm=1024, bn=1024,
                out_dtype=bf)
    c1 = _mm_nn(B1, h1, bias=b1, relu=True, bm=1024, bn=1024, out_dtype=bf)
    c2 = _mm_nn(B2, h2, bias=b1, relu=True, bm=1024, bn=1024, out_dtype=bf)

    t = _mm_nn(c1, Wc.astype(bf), bm=1024, bn=1024, out_dtype=bf)
    S = _mm_nt(t, c2, "scale", bm=1024, bn=1024, out_dtype=bf)
    xn = _softmax_mm(S, c2, c1, br=512)
    yn = _softmax_mm_t(S, c1, c2, br=512)

    attr1, B1p = _mm_nt(xn, xn, "dual", gates=(C1t,), bm=1024, bn=1024,
                        out_dtype=bf)
    attr2, B2p = _mm_nt(yn, yn, "dual", gates=(C2t,), bm=1024, bn=1024,
                        out_dtype=bf)
    W2b = W2.astype(bf)
    hx = _mm_nn(xn, W2b, bm=1024, bn=1024, out_dtype=bf)
    hy = _mm_nn(yn, W2b, bm=1024, bn=1024, out_dtype=bf)
    o1 = _mm_nn(B1p, hx, bias=b2, bm=1024, bn=1024)
    o2 = _mm_nn(B2p, hy, bias=b2, bm=1024, bn=1024)
    return (o1, o2, edge_index_g1, edge_index_g2, attr1, attr2)

# --- scband reference (transcript-rebuilt; emitter-appended) ---
"""Pipeline reference for scband-glmnet-50551765074385 (READ-ONLY COPY).

The authoritative reference and input builder live on the scoring server;
editing this copy changes nothing except your own understanding.
"""

import jax, jax.numpy as jnp
import numpy as np

N = 2048
E = 32768
D = 1024


def setup_inputs(seed: int = 0) -> dict:
    key = jax.random.key(seed)
    ks = jax.random.split(key, 12)
    x_g1 = jax.random.normal(ks[0], (N, D), dtype=jnp.float32)
    y_g2 = jax.random.normal(ks[1], (N, D), dtype=jnp.float32)
    edge_index_g1 = jax.random.randint(ks[2], (2, E), 0, N, dtype=jnp.int32)
    edge_index_g2 = jax.random.randint(ks[3], (2, E), 0, N, dtype=jnp.int32)
    # fixed random adjacency prior built in __init__ (zero diagonal)
    base_adj = jax.random.uniform(ks[4], (N, N), dtype=jnp.float32) * (1.0 - jnp.eye(N, dtype=jnp.float32))
    s = 1.0 / np.sqrt(D)
    Wi = jax.random.normal(ks[5], (D, D), dtype=jnp.float32) * s   # graph_learn x_i projection
    Wj = jax.random.normal(ks[6], (D, D), dtype=jnp.float32) * s   # graph_learn x_j projection
    W1 = jax.random.normal(ks[7], (D, D), dtype=jnp.float32) * s   # conv1 weight
    b1 = jnp.zeros((D,), dtype=jnp.float32)
    W2 = jax.random.normal(ks[8], (D, D), dtype=jnp.float32) * s   # conv2 weight
    b2 = jnp.zeros((D,), dtype=jnp.float32)
    Wc = jax.random.normal(ks[9], (D, D), dtype=jnp.float32) * s   # cross-graph bilinear weight
    return {"x_g1": x_g1, "y_g2": y_g2, "edge_index_g1": edge_index_g1,
            "edge_index_g2": edge_index_g2, "base_adj": base_adj,
            "Wi": Wi, "Wj": Wj, "W1": W1, "b1": b1, "W2": W2, "b2": b2, "Wc": Wc}


def _graph_learning(x, base_adj, Wi, Wj):
    # GraphModule / graph_learn: learn a dense NxN edge_attr from node projections,
    # gated by the fixed random adjacency prior.
    xi = x @ Wi
    xj = x @ Wj
    attr = jax.nn.sigmoid((xi @ xj.T) / jnp.sqrt(jnp.float32(D))) * base_adj
    return x, attr


def _gcn_conv(x, edge_index, edge_weight, W, b):
    # GCNConv with per-edge scalar weights: gather src features, scale, scatter-add to dst.
    src = edge_index[0]
    dst = edge_index[1]
    h = x @ W
    msg = jnp.take(h, src, axis=0) * edge_weight[:, None]
    out = jax.ops.segment_sum(msg, dst, num_segments=N)
    return out + b


def _cross_graph(x, y, Wc):
    S = (x @ Wc) @ y.T / jnp.sqrt(jnp.float32(D))
    Axy = jax.nn.softmax(S, axis=-1)
    Ayx = jax.nn.softmax(S.T, axis=-1)
    x_new = x + Axy @ y
    y_new = y + Ayx @ x
    attr1 = jax.nn.sigmoid((x_new @ x_new.T) / jnp.sqrt(jnp.float32(D)))
    attr2 = jax.nn.sigmoid((y_new @ y_new.T) / jnp.sqrt(jnp.float32(D)))
    return x_new, y_new, attr1, attr2


def reference(x_g1, y_g2, edge_index_g1, edge_index_g2, base_adj, Wi, Wj, W1, b1, W2, b2, Wc):
    x1, attr1 = _graph_learning(x_g1, base_adj, Wi, Wj)
    y2, attr2 = _graph_learning(y_g2, base_adj, Wi, Wj)
    # gather per-edge weights from dense learned adjacency (the python list-comp in torch)
    e1 = attr1[edge_index_g1[0], edge_index_g1[1]]
    e2 = attr2[edge_index_g2[0], edge_index_g2[1]]
    # both branches use conv1 (as in the torch code)
    x1 = jax.nn.relu(_gcn_conv(x1, edge_index_g1, e1, W1, b1))
    y2 = jax.nn.relu(_gcn_conv(y2, edge_index_g2, e2, W1, b1))
    x1, y2, attr1, attr2 = _cross_graph(x1, y2, Wc)
    e1 = attr1[edge_index_g1[0], edge_index_g1[1]]
    e2 = attr2[edge_index_g2[0], edge_index_g2[1]]
    x1 = _gcn_conv(x1, edge_index_g1, e1, W2, b2)
    y2 = _gcn_conv(y2, edge_index_g2, e2, W2, b2)
    return (x1, y2, edge_index_g1, edge_index_g2, attr1, attr2)

if __name__ == "__main__":
    import jax
    _d = setup_inputs()
    print(jax.jit(kernel)(*tuple(_d.values())))

</pallas_src>

<mosaic_0001>
#map = affine_map<(d0, d1) -> (0)>
module attributes {stable_mosaic.version = 14 : i64} {
  func.func @k(%arg0: i32, %arg1: i32, %arg2: memref<32768xi32, #tpu.memory_space<hbm>>, %arg3: memref<32768xi32, #tpu.memory_space<hbm>>, %arg4: memref<32768xi32, #tpu.memory_space<hbm>>, %arg5: memref<32768xi32, #tpu.memory_space<hbm>>, %arg6: memref<4194304xf32, #tpu.memory_space<hbm>>, %arg7: memref<4194304xf32, #tpu.memory_space<hbm>>, %arg8: memref<8192xi32, #tpu.memory_space<vmem>>, %arg9: memref<8192xi32, #tpu.memory_space<vmem>>, %arg10: memref<8192xi32, #tpu.memory_space<vmem>>, %arg11: memref<8192xi32, #tpu.memory_space<vmem>>, %arg12: memref<65536xf32, #tpu.memory_space<vmem>>, %arg13: memref<32768xi32, #tpu.memory_space<vmem_shared>>, %arg14: memref<32768xi32, #tpu.memory_space<vmem_shared>>, %arg15: memref<!tpu.dma_semaphore, #tpu.memory_space<semaphore_mem>>, %arg16: memref<!tpu.dma_semaphore, #tpu.memory_space<semaphore_mem>>, %arg17: memref<!tpu.dma_semaphore, #tpu.memory_space<semaphore_mem>>, %arg18: memref<!tpu.dma_semaphore, #tpu.memory_space<semaphore_mem>>) attributes {dimension_semantics = [#tpu.dimension_semantics<core_parallel>, #tpu.dimension_semantics<subcore_parallel>], iteration_bounds = array<i64: 2, 16>, scalar_prefetch = 0 : i64, scratch_operands = 11 : i64, tpu.core_type = #tpu.core_type<sc_vector_subcore>, window_params = [{transform_indices = #map}, {transform_indices = #map}, {transform_indices = #map}, {transform_indices = #map}, {transform_indices = #map}, {transform_indices = #map}]} {
    %mul3A = arith.constant 16 : i32
    %mul3A_0 = arith.muli %arg0, %mul3A : i32
    %add3A = arith.addi %mul3A_0, %arg1 : i32
    %mul3A_1 = arith.constant 2048 : i32
    %mul3A_2 = arith.muli %arg1, %mul3A_1 : i32
    %broadcast_in_dim3A = arith.constant 0.000000e+00 : f32
    %broadcast_in_dim3A_3 = vector.broadcast %broadcast_in_dim3A : f32 to vector<16xf32>
    %broadcast_in_dim3A_4 = arith.constant 1.000000e+00 : f32
    %broadcast_in_dim3A_5 = vector.broadcast %broadcast_in_dim3A_4 : f32 to vector<16xf32>
    %barrier3A = arith.constant 0 : index
    tpu.barrier barrier_id(%barrier3A)
    "tpu.region"() ({
      %run_scoped3A = tpu.sem_alloc : memref<!tpu.dma_semaphore, #tpu.memory_space<semaphore_mem>>
      %dma_start3A_406 = arith.constant 0 : i32
      %dma_start3A_407 = tpu.memref_slice %arg8[%dma_start3A_406] : memref<8192xi32, #tpu.memory_space<vmem>> -> memref<2048xi32, #tpu.memory_space<vmem>>
      %dma_start3A_408 = tpu.memref_slice %arg2[%mul3A_2] : memref<32768xi32, #tpu.memory_space<hbm>> -> memref<2048xi32, #tpu.memory_space<hbm>>
      %dma_start3A_409 = arith.constant 0 : i32
      %dma_start3A_410 = tpu.memref_slice %arg8[%dma_start3A_409] : memref<8192xi32, #tpu.memory_space<vmem>> -> memref<2048xi32, #tpu.memory_space<vmem>>
      %dma_start3A_411 = tpu.memref_slice %arg2[%mul3A_2] : memref<32768xi32, #tpu.memory_space<hbm>> -> memref<2048xi32, #tpu.memory_space<hbm>>
      tpu.enqueue_dma source(%dma_start3A_411 : memref<2048xi32, #tpu.memory_space<hbm>>) target(%dma_start3A_410 : memref<2048xi32, #tpu.memory_space<vmem>>) target_semaphore(%run_scoped3A : memref<!tpu.dma_semaphore, #tpu.memory_space<semaphore_mem>>)
      %dma_wait3A_412 = arith.constant 0 : i32
      %dma_wait3A_413 = tpu.memref_slice %arg8[%dma_wait3A_412] : memref<8192xi32, #tpu.memory_space<vmem>> -> memref<2048xi32, #tpu.memory_space<vmem>>
      %dma_wait3A_414 = tpu.memref_slice %arg2[%mul3A_2] : memref<32768xi32, #tpu.memory_space<hbm>> -> memref<2048xi32, #tpu.memory_space<hbm>>
      %dma_wait3A_415 = arith.constant 0 : i32
      %dma_wait3A_416 = tpu.memref_slice %arg8[%dma_wait3A_415] : memref<8192xi32, #tpu.memory_space<vmem>> -> memref<2048xi32, #tpu.memory_space<vmem>>
      %dma_wait3A_417 = tpu.memref_slice %arg2[%mul3A_2] : memref<32768xi32, #tpu.memory_space<hbm>> -> memref<2048xi32, #tpu.memory_space<hbm>>
      tpu.wait_dma2 semaphore(%run_scoped3A : memref<!tpu.dma_semaphore, #tpu.memory_space<semaphore_mem>>) src(%dma_wait3A_417 : memref<2048xi32, #tpu.memory_space<hbm>>) dst(%dma_wait3A_416 : memref<2048xi32, #tpu.memory_space<vmem>>)
      tpu.yield
    }) : () -> ()
    "tpu.region"() ({
      %run_scoped3A = tpu.sem_alloc : memref<!tpu.dma_semaphore, #tpu.memory_space<semaphore_mem>>
      %dma_start3A_406 = arith.constant 0 : i32
      %dma_start3A_407 = tpu.memref_slice %arg9[%dma_start3A_406] : memref<8192xi32, #tpu.memory_space<vmem>> -> memref<2048xi32, #tpu.memory_space<vmem>>
      %dma_start3A_408 = tpu.memref_slice %arg3[%mul3A_2] : memref<32768xi32, #tpu.memory_space<hbm>> -> memref<2048xi32, #tpu.memory_space<hbm>>
      %dma_start3A_409 = arith.constant 0 : i32
      %dma_start3A_410 = tpu.memref_slice %arg9[%dma_start3A_409] : memref<8192xi32, #tpu.memory_space<vmem>> -> memref<2048xi32, #tpu.memory_space<vmem>>
      %dma_start3A_411 = tpu.memref_slice %arg3[%mul3A_2] : memref<32768xi32, #tpu.memory_space<hbm>> -> memref<2048xi32, #tpu.memory_space<hbm>>
      tpu.enqueue_dma source(%dma_start3A_411 : memref<2048xi32, #tpu.memory_space<hbm>>) target(%dma_start3A_410 : memref<2048xi32, #tpu.memory_space<vmem>>) target_semaphore(%run_scoped3A : memref<!tpu.dma_semaphore, #tpu.memory_space<semaphore_mem>>)
      %dma_wait3A_412 = arith.constant 0 : i32
      %dma_wait3A_413 = tpu.memref_slice %arg9[%dma_wait3A_412] : memref<8192xi32, #tpu.memory_space<vmem>> -> memref<2048xi32, #tpu.memory_space<vmem>>
      %dma_wait3A_414 = tpu.memref_slice %arg3[%mul3A_2] : memref<32768xi32, #tpu.memory_space<hbm>> -> memref<2048xi32, #tpu.memory_space<hbm>>
      %dma_wait3A_415 = arith.constant 0 : i32
      %dma_wait3A_416 = tpu.memref_slice %arg9[%dma_wait3A_415] : memref<8192xi32, #tpu.memory_space<vmem>> -> memref<2048xi32, #tpu.memory_space<vmem>>
      %dma_wait3A_417 = tpu.memref_slice %arg3[%mul3A_2] : memref<32768xi32, #tpu.memory_space<hbm>> -> memref<2048xi32, #tpu.memory_space<hbm>>
      tpu.wait_dma2 semaphore(%run_scoped3A : memref<!tpu.dma_semaphore, #tpu.memory_space<semaphore_mem>>) src(%dma_wait3A_417 : memref<2048xi32, #tpu.memory_space<hbm>>) dst(%dma_wait3A_416 : memref<2048xi32, #tpu.memory_space<vmem>>)
      tpu.yield
    }) : () -> ()
    "tpu.region"() ({
      %run_scoped3A = tpu.sem_alloc : memref<!tpu.dma_semaphore, #tpu.memory_space<semaphore_mem>>
      %dma_start3A_406 = arith.constant 0 : i32
      %dma_start3A_407 = tpu.memref_slice %arg8[%dma_start3A_406] : memref<8192xi32, #tpu.memory_space<vmem>> -> memref<2048xi32, #tpu.memory_space<vmem>>
      %dma_start3A_408 = tpu.memref_slice %arg13[%mul3A_2] : memref<32768xi32, #tpu.memory_space<vmem_shared>> -> memref<2048xi32, #tpu.memory_space<vmem_shared>>
      %dma_start3A_409 = tpu.memref_slice %arg13[%mul3A_2] : memref<32768xi32, #tpu.memory_space<vmem_shared>> -> memref<2048xi32, #tpu.memory_space<vmem_shared>>
      %dma_start3A_410 = arith.constant 0 : i32
      %dma_start3A_411 = tpu.memref_slice %arg8[%dma_start3A_410] : memref<8192xi32, #tpu.memory_space<vmem>> -> memref<2048xi32, #tpu.memory_space<vmem>>
      tpu.enqueue_dma source(%dma_start3A_411 : memref<2048xi32, #tpu.memory_space<vmem>>) target(%dma_start3A_409 : memref<2048xi32, #tpu.memory_space<vmem_shared>>) target_semaphore(%run_scoped3A : memref<!tpu.dma_semaphore, #tpu.memory_space<semaphore_mem>>)
      %dma_wait3A_412 = arith.constant 0 : i32
      %dma_wait3A_413 = tpu.memref_slice %arg8[%dma_wait3A_412] : memref<8192xi32, #tpu.memory_space<vmem>> -> memref<2048xi32, #tpu.memory_space<vmem>>
      %dma_wait3A_414 = tpu.memref_slice %arg13[%mul3A_2] : memref<32768xi32, #tpu.memory_space<vmem_shared>> -> memref<2048xi32, #tpu.memory_space<vmem_shared>>
      %dma_wait3A_415 = tpu.memref_slice %arg13[%mul3A_2] : memref<32768xi32, #tpu.memory_space<vmem_shared>> -> memref<2048xi32, #tpu.memory_space<vmem_shared>>
      %dma_wait3A_416 = arith.constant 0 : i32
      %dma_wait3A_417 = tpu.memref_slice %arg8[%dma_wait3A_416] : memref<8192xi32, #tpu.memory_space<vmem>> -> memref<2048xi32, #tpu.memory_space<vmem>>
      tpu.wait_dma2 semaphore(%run_scoped3A : memref<!tpu.dma_semaphore, #tpu.memory_space<semaphore_mem>>) src(%dma_wait3A_417 : memref<2048xi32, #tpu.memory_space<vmem>>) dst(%dma_wait3A_415 : memref<2048xi32, #tpu.memory_space<vmem_shared>>)
      tpu.yield
    }) : () -> ()
    "tpu.region"() ({
      %run_scoped3A = tpu.sem_alloc : memref<!tpu.dma_semaphore, #tpu.memory_space<semaphore_mem>>
      %dma_start3A_406 = arith.constant 0 : i32
      %dma_start3A_407 = tpu.memref_slice %arg9[%dma_start3A_406] : memref<8192xi32, #tpu.memory_space<vmem>> -> memref<2048xi32, #tpu.memory_space<vmem>>
      %dma_start3A_408 = tpu.memref_slice %arg14[%mul3A_2] : memref<32768xi32, #tpu.memory_space<vmem_shared>> -> memref<2048xi32, #tpu.memory_space<vmem_shared>>
      %dma_start3A_409 = tpu.memref_slice %arg14[%mul3A_2] : memref<32768xi32, #tpu.memory_space<vmem_shared>> -> memref<2048xi32, #tpu.memory_space<vmem_shared>>
      %dma_start3A_410 = arith.constant 0 : i32
      %dma_start3A_411 = tpu.memref_slice %arg9[%dma_start3A_410] : memref<8192xi32, #tpu.memory_space<vmem>> -> memref<2048xi32, #tpu.memory_space<vmem>>
      tpu.enqueue_dma source(%dma_start3A_411 : memref<2048xi32, #tpu.memory_space<vmem>>) target(%dma_start3A_409 : memref<2048xi32, #tpu.memory_space<vmem_shared>>) target_semaphore(%run_scoped3A : memref<!tpu.dma_semaphore, #tpu.memory_space<semaphore_mem>>)
      %dma_wait3A_412 = arith.constant 0 : i32
      %dma_wait3A_413 = tpu.memref_slice %arg9[%dma_wait3A_412] : memref<8192xi32, #tpu.memory_space<vmem>> -> memref<2048xi32, #tpu.memory_space<vmem>>
      %dma_wait3A_414 = tpu.memref_slice %arg14[%mul3A_2] : memref<32768xi32, #tpu.memory_space<vmem_shared>> -> memref<2048xi32, #tpu.memory_space<vmem_shared>>
      %dma_wait3A_415 = tpu.memref_slice %arg14[%mul3A_2] : memref<32768xi32, #tpu.memory_space<vmem_shared>> -> memref<2048xi32, #tpu.memory_space<vmem_shared>>
      %dma_wait3A_416 = arith.constant 0 : i32
      %dma_wait3A_417 = tpu.memref_slice %arg9[%dma_wait3A_416] : memref<8192xi32, #tpu.memory_space<vmem>> -> memref<2048xi32, #tpu.memory_space<vmem>>
      tpu.wait_dma2 semaphore(%run_scoped3A : memref<!tpu.dma_semaphore, #tpu.memory_space<semaphore_mem>>) src(%dma_wait3A_417 : memref<2048xi32, #tpu.memory_space<vmem>>) dst(%dma_wait3A_415 : memref<2048xi32, #tpu.memory_space<vmem_shared>>)
      tpu.yield
    }) : () -> ()
    %barrier3A_6 = arith.constant 0 : index
    tpu.barrier barrier_id(%barrier3A_6)
    %mul3A_7 = arith.constant 2 : i32
    %mul3A_8 = arith.muli %mul3A_7, %add3A : i32
    %add3A_9 = arith.constant 0 : i32
    %add3A_10 = arith.addi %mul3A_8, %add3A_9 : i32
    %mul3A_11 = arith.constant 65536 : i32
    %mul3A_12 = arith.muli %add3A_10, %mul3A_11 : i32
    %scan3A = arith.constant 0 : i32
    %scan3A_13 = arith.constant 0 : i32
    %scan3A_14 = arith.constant 512 : i32
    %scan3A_15 = arith.addi %scan3A_13, %scan3A_14 : i32
    %scan3A_16 = arith.constant 1 : i32
    scf.for %scan3A_406 = %scan3A_13 to %scan3A_15 step %scan3A_16  : i32 {
      %mul3A_407 = arith.constant 128 : i32
      %mul3A_408 = arith.muli %scan3A_406, %mul3A_407 : i32
      %add3A_409 = arith.constant 0 : i32
      %add3A_410 = arith.addi %mul3A_408, %add3A_409 : i32
      %swap3A = arith.index_cast %add3A_410 : i32 to index
      %swap3A_411 = tpu.vector_load %arg12[%swap3A] {strides = array<i32>} : memref<65536xf32, #tpu.memory_space<vmem>>, vector<16xf32>,
      tpu.vector_store %arg12[%swap3A], %broadcast_in_dim3A_3 {strides = array<i32>} : memref<65536xf32, #tpu.memory_space<vmem>>, vector<16xf32>,
      %mul3A_412 = arith.constant 128 : i32
      %mul3A_413 = arith.muli %scan3A_406, %mul3A_412 : i32
      %add3A_414 = arith.constant 16 : i32
      %add3A_415 = arith.addi %mul3A_413, %add3A_414 : i32
      %swap3A_416 = arith.index_cast %add3A_415 : i32 to index
      %swap3A_417 = tpu.vector_load %arg12[%swap3A_416] {strides = array<i32>} : memref<65536xf32, #tpu.memory_space<vmem>>, vector<16xf32>,
      tpu.vector_store %arg12[%swap3A_416], %broadcast_in_dim3A_3 {strides = array<i32>} : memref<65536xf32, #tpu.memory_space<vmem>>, vector<16xf32>,
      %mul3A_418 = arith.constant 128 : i32
      %mul3A_419 = arith.muli %scan3A_406, %mul3A_418 : i32
      %add3A_420 = arith.constant 32 : i32
      %add3A_421 = arith.addi %mul3A_419, %add3A_420 : i32
      %swap3A_422 = arith.index_cast %add3A_421 : i32 to index
      %swap3A_423 = tpu.vector_load %arg12[%swap3A_422] {strides = array<i32>} : memref<65536xf32, #tpu.memory_space<vmem>>, vector<16xf32>,
      tpu.vector_store %arg12[%swap3A_422], %broadcast_in_dim3A_3 {strides = array<i32>} : memref<65536xf32, #tpu.memory_space<vmem>>, vector<16xf32>,
      %mul3A_424 = arith.constant 128 : i32
      %mul3A_425 = arith.muli %scan3A_406, %mul3A_424 : i32
      %add3A_426 = arith.constant 48 : i32
      %add3A_427 = arith.addi %mul3A_425, %add3A_426 : i32
      %swap3A_428 = arith.index_cast %add3A_427 : i32 to index
      %swap3A_429 = tpu.vector_load %arg12[%swap3A_428] {strides = array<i32>} : memref<65536xf32, #tpu.memory_space<vmem>>, vector<16xf32>,
      tpu.vector_store %arg12[%swap3A_428], %broadcast_in_dim3A_3 {strides = array<i32>} : memref<65536xf32, #tpu.memory_space<vmem>>, vector<16xf32>,
      %mul3A_430 = arith.constant 128 : i32
      %mul3A_431 = arith.muli %scan3A_406, %mul3A_430 : i32
      %add3A_432 = arith.constant 64 : i32
      %add3A_433 = arith.addi %mul3A_431, %add3A_432 : i32
      %swap3A_434 = arith.index_cast %add3A_433 : i32 to index
      %swap3A_435 = tpu.vector_load %arg12[%swap3A_434] {strides = array<i32>} : memref<65536xf32, #tpu.memory_space<vmem>>, vector<16xf32>,
      tpu.vector_store %arg12[%swap3A_434], %broadcast_in_dim3A_3 {strides = array<i32>} : memref<65536xf32, #tpu.memory_space<vmem>>, vector<16xf32>,
      %mul3A_436 = arith.constant 128 : i32
      %mul3A_437 = arith.muli %scan3A_406, %mul3A_436 : i32
      %add3A_438 = arith.constant 80 : i32
      %add3A_439 = arith.addi %mul3A_437, %add3A_438 : i32
      %swap3A_440 = arith.index_cast %add3A_439 : i32 to index
      %swap3A_441 = tpu.vector_load %arg12[%swap3A_440] {strides = array<i32>} : memref<65536xf32, #tpu.memory_space<vmem>>, vector<16xf32>,
      tpu.vector_store %arg12[%swap3A_440], %broadcast_in_dim3A_3 {strides = array<i32>} : memref<65536xf32, #tpu.memory_space<vmem>>, vector<16xf32>,
      %mul3A_442 = arith.constant 128 : i32
      %mul3A_443 = arith.muli %scan3A_406, %mul3A_442 : i32
      %add3A_444 = arith.constant 96 : i32
      %add3A_445 = arith.addi %mul3A_443, %add3A_444 : i32
      %swap3A_446 = arith.index_cast %add3A_445 : i32 to index
      %swap3A_447 = tpu.vector_load %arg12[%swap3A_446] {strides = array<i32>} : memref<65536xf32, #tpu.memory_space<vmem>>, vector<16xf32>,
      tpu.vector_store %arg12[%swap3A_446], %broadcast_in_dim3A_3 {strides = array<i32>} : memref<65536xf32, #tpu.memory_space<vmem>>, vector<16xf32>,
      %mul3A_448 = arith.constant 128 : i32
      %mul3A_449 = arith.muli %scan3A_406, %mul3A_448 : i32
      %add3A_450 = arith.constant 112 : i32
      %add3A_451 = arith.addi %mul3A_449, %add3A_450 : i32
      %swap3A_452 = arith.index_cast %add3A_451 : i32 to index
      %swap3A_453 = tpu.vector_load %arg12[%swap3A_452] {strides = array<i32>} : memref<65536xf32, #tpu.memory_space<vmem>>, vector<16xf32>,
      tpu.vector_store %arg12[%swap3A_452], %broadcast_in_dim3A_3 {strides = array<i32>} : memref<65536xf32, #tpu.memory_space<vmem>>, vector<16xf32>,
    }
    %scan3A_17 = arith.constant 512 : i32
    %dma_start3A = arith.constant 0 : i32
    %dma_start3A_18 = tpu.memref_slice %arg13[%dma_start3A] : memref<32768xi32, #tpu.memory_space<vmem_shared>> -> memref<8192xi32, #tpu.memory_space<vmem_shared>>
    %dma_start3A_19 = arith.constant 0 : i32
    %dma_start3A_20 = tpu.memref_slice %arg13[%dma_start3A_19] : memref<32768xi32, #tpu.memory_space<vmem_shared>> -> memref<8192xi32, #tpu.memory_space<vmem_shared>>
    tpu.enqueue_dma source(%dma_start3A_20 : memref<8192xi32, #tpu.memory_space<vmem_shared>>) target(%arg8 : memref<8192xi32, #tpu.memory_space<vmem>>) target_semaphore(%arg15 : memref<!tpu.dma_semaphore, #tpu.memory_space<semaphore_mem>>)
    %dma_start3A_21 = arith.constant 0 : i32
    %dma_start3A_22 = tpu.memref_slice %arg14[%dma_start3A_21] : memref<32768xi32, #tpu.memory_space<vmem_shared>> -> memref<8192xi32, #tpu.memory_space<vmem_shared>>
    %dma_start3A_23 = arith.constant 0 : i32
    %dma_start3A_24 = tpu.memref_slice %arg14[%dma_start3A_23] : memref<32768xi32, #tpu.memory_space<vmem_shared>> -> memref<8192xi32, #tpu.memory_space<vmem_shared>>
    tpu.enqueue_dma source(%dma_start3A_24 : memref<8192xi32, #tpu.memory_space<vmem_shared>>) target(%arg9 : memref<8192xi32, #tpu.memory_space<vmem>>) target_semaphore(%arg16 : memref<!tpu.dma_semaphore, #tpu.memory_space<semaphore_mem>>)
    %dma_wait3A = arith.constant 0 : i32
    %dma_wait3A_25 = tpu.memref_slice %arg13[%dma_wait3A] : memref<32768xi32, #tpu.memory_space<vmem_shared>> -> memref<8192xi32, #tpu.memory_space<vmem_shared>>
    %dma_wait3A_26 = arith.constant 0 : i32
    %dma_wait3A_27 = tpu.memref_slice %arg13[%dma_wait3A_26] : memref<32768xi32, #tpu.memory_space<vmem_shared>> -> memref<8192xi32, #tpu.memory_space<vmem_shared>>
    tpu.wait_dma2 semaphore(%arg15 : memref<!tpu.dma_semaphore, #tpu.memory_space<semaphore_mem>>) src(%dma_wait3A_27 : memref<8192xi32, #tpu.memory_space<vmem_shared>>) dst(%arg8 : memref<8192xi32, #tpu.memory_space<vmem>>)
    %dma_wait3A_28 = arith.constant 0 : i32
    %dma_wait3A_29 = tpu.memref_slice %arg14[%dma_wait3A_28] : memref<32768xi32, #tpu.memory_space<vmem_shared>> -> memref<8192xi32, #tpu.memory_space<vmem_shared>>
    %dma_wait3A_30 = arith.constant 0 : i32
    %dma_wait3A_31 = tpu.memref_slice %arg14[%dma_wait3A_30] : memref<32768xi32, #tpu.memory_space<vmem_shared>> -> memref<8192xi32, #tpu.memory_space<vmem_shared>>
    tpu.wait_dma2 semaphore(%arg16 : memref<!tpu.dma_semaphore, #tpu.memory_space<semaphore_mem>>) src(%dma_wait3A_31 : memref<8192xi32, #tpu.memory_space<vmem_shared>>) dst(%arg9 : memref<8192xi32, #tpu.memory_space<vmem>>)
    %dma_start3A_32 = arith.constant 8192 : i32
    %dma_start3A_33 = tpu.memref_slice %arg13[%dma_start3A_32] : memref<32768xi32, #tpu.memory_space<vmem_shared>> -> memref<8192xi32, #tpu.memory_space<vmem_shared>>
    %dma_start3A_34 = arith.constant 8192 : i32
    %dma_start3A_35 = tpu.memref_slice %arg13[%dma_start3A_34] : memref<32768xi32, #tpu.memory_space<vmem_shared>> -> memref<8192xi32, #tpu.memory_space<vmem_shared>>
    tpu.enqueue_dma source(%dma_start3A_35 : memref<8192xi32, #tpu.memory_space<vmem_shared>>) target(%arg10 : memref<8192xi32, #tpu.memory_space<vmem>>) target_semaphore(%arg17 : memref<!tpu.dma_semaphore, #tpu.memory_space<semaphore_mem>>)
    %dma_start3A_36 = arith.constant 8192 : i32
    %dma_start3A_37 = tpu.memref_slice %arg14[%dma_start3A_36] : memref<32768xi32, #tpu.memory_space<vmem_shared>> -> memref<8192xi32, #tpu.memory_space<vmem_shared>>
    %dma_start3A_38 = arith.constant 8192 : i32
    %dma_start3A_39 = tpu.memref_slice %arg14[%dma_start3A_38] : memref<32768xi32, #tpu.memory_space<vmem_shared>> -> memref<8192xi32, #tpu.memory_space<vmem_shared>>
    tpu.enqueue_dma source(%dma_start3A_39 : memref<8192xi32, #tpu.memory_space<vmem_shared>>) target(%arg11 : memref<8192xi32, #tpu.memory_space<vmem>>) target_semaphore(%arg18 : memref<!tpu.dma_semaphore, #tpu.memory_space<semaphore_mem>>)
    %scan3A_40 = arith.constant 0 : i32
    %scan3A_41 = arith.constant 0 : i32
    %scan3A_42 = arith.constant 64 : i32
    %scan3A_43 = arith.addi %scan3A_41, %scan3A_42 : i32
    %scan3A_44 = arith.constant 1 : i32
    scf.for %scan3A_406 = %scan3A_41 to %scan3A_43 step %scan3A_44  : i32 {
      %mul3A_407 = arith.constant 128 : i32
      %mul3A_408 = arith.muli %scan3A_406, %mul3A_407 : i32
      %add3A_409 = arith.constant 0 : i32
      %add3A_410 = arith.addi %mul3A_408, %add3A_409 : i32
      %get3A = arith.index_cast %add3A_410 : i32 to index
      %get3A_411 = tpu.vector_load %arg9[%get3A] {strides = array<i32>} : memref<8192xi32, #tpu.memory_space<vmem>>, vector<16xi32>,
      %mul3A_412 = arith.constant 2048 : i32
      %mul3A_413 = vector.broadcast %mul3A_412 : i32 to vector<16xi32>
      %mul3A_414 = arith.muli %get3A_411, %mul3A_413 : vector<16xi32>
      %get3A_415 = arith.index_cast %add3A_410 : i32 to index
      %get3A_416 = tpu.vector_load %arg8[%get3A_415] {strides = array<i32>} : memref<8192xi32, #tpu.memory_space<vmem>>, vector<16xi32>,
      %add3A_417 = arith.addi %mul3A_414, %get3A_416 : vector<16xi32>
      %ge3A = vector.broadcast %mul3A_12 : i32 to vector<16xi32>
      %ge3A_418 = arith.cmpi sge, %add3A_417, %ge3A : vector<16xi32>
      %add3A_419 = arith.constant 65536 : i32
      %add3A_420 = arith.addi %mul3A_12, %add3A_419 : i32
      %lt3A = vector.broadcast %add3A_420 : i32 to vector<16xi32>
      %lt3A_421 = arith.cmpi slt, %add3A_417, %lt3A : vector<16xi32>
      %and3A = arith.andi %ge3A_418, %lt3A_421 : vector<16xi1>
      %sub3A = vector.broadcast %mul3A_12 : i32 to vector<16xi32>
      %sub3A_422 = arith.subi %add3A_417, %sub3A : vector<16xi32>
      %jit3A = arith.constant 0 : i32
      %broadcast_in_dim3A_423 = vector.broadcast %jit3A : i32 to vector<16xi32>
      %select_n3A = arith.select %and3A, %sub3A_422, %broadcast_in_dim3A_423 : vector<16xi1>, vector<16xi32>
      tpu.vector_store_idx %arg12[%select_n3A], %broadcast_in_dim3A_5 masked %and3A {add = true} : memref<65536xf32, #tpu.memory_space<vmem>>[vector<16xi32>], vector<16xf32>, vector<16xi1>
      %mul3A_424 = arith.constant 128 : i32
      %mul3A_425 = arith.muli %scan3A_406, %mul3A_424 : i32
      %add3A_426 = arith.constant 16 : i32
      %add3A_427 = arith.addi %mul3A_425, %add3A_426 : i32
      %get3A_428 = arith.index_cast %add3A_427 : i32 to index
      %get3A_429 = tpu.vector_load %arg9[%get3A_428] {strides = array<i32>} : memref<8192xi32, #tpu.memory_space<vmem>>, vector<16xi32>,
      %mul3A_430 = arith.constant 2048 : i32
      %mul3A_431 = vector.broadcast %mul3A_430 : i32 to vector<16xi32>
      %mul3A_432 = arith.muli %get3A_429, %mul3A_431 : vector<16xi32>
      %get3A_433 = arith.index_cast %add3A_427 : i32 to index
      %get3A_434 = tpu.vector_load %arg8[%get3A_433] {strides = array<i32>} : memref<8192xi32, #tpu.memory_space<vmem>>, vector<16xi32>,
      %add3A_435 = arith.addi %mul3A_432, %get3A_434 : vector<16xi32>
      %ge3A_436 = vector.broadcast %mul3A_12 : i32 to vector<16xi32>
      %ge3A_437 = arith.cmpi sge, %add3A_435, %ge3A_436 : vector<16xi32>
      %add3A_438 = arith.constant 65536 : i32
      %add3A_439 = arith.addi %mul3A_12, %add3A_438 : i32
      %lt3A_440 = vector.broadcast %add3A_439 : i32 to vector<16xi32>
      %lt3A_441 = arith.cmpi slt, %add3A_435, %lt3A_440 : vector<16xi32>
      %and3A_442 = arith.andi %ge3A_437, %lt3A_441 : vector<16xi1>
      %sub3A_443 = vector.broadcast %mul3A_12 : i32 to vector<16xi32>
      %sub3A_444 = arith.subi %add3A_435, %sub3A_443 : vector<16xi32>
      %jit3A_445 = arith.constant 0 : i32
      %broadcast_in_dim3A_446 = vector.broadcast %jit3A_445 : i32 to vector<16xi32>
      %select_n3A_447 = arith.select %and3A_442, %sub3A_444, %broadcast_in_dim3A_446 : vector<16xi1>, vector<16xi32>
      tpu.vector_store_idx %arg12[%select_n3A_447], %broadcast_in_dim3A_5 masked %and3A_442 {add = true} : memref<65536xf32, #tpu.memory_space<vmem>>[vector<16xi32>], vector<16xf32>, vector<16xi1>
      %mul3A_448 = arith.constant 128 : i32
      %mul3A_449 = arith.muli %scan3A_406, %mul3A_448 : i32
      %add3A_450 = arith.constant 32 : i32
      %add3A_451 = arith.addi %mul3A_449, %add3A_450 : i32
      %get3A_452 = arith.index_cast %add3A_451 : i32 to index
      %get3A_453 = tpu.vector_load %arg9[%get3A_452] {strides = array<i32>} : memref<8192xi32, #tpu.memory_space<vmem>>, vector<16xi32>,
      %mul3A_454 = arith.constant 2048 : i32
      %mul3A_455 = vector.broadcast %mul3A_454 : i32 to vector<16xi32>
      %mul3A_456 = arith.muli %get3A_453, %mul3A_455 : vector<16xi32>
      %get3A_457 = arith.index_cast %add3A_451 : i32 to index
      %get3A_458 = tpu.vector_load %arg8[%get3A_457] {strides = array<i32>} : memref<8192xi32, #tpu.memory_space<vmem>>, vector<16xi32>,
      %add3A_459 = arith.addi %mul3A_456, %get3A_458 : vector<16xi32>
      %ge3A_460 = vector.broadcast %mul3A_12 : i32 to vector<16xi32>
      %ge3A_461 = arith.cmpi sge, %add3A_459, %ge3A_460 : vector<16xi32>
      %add3A_462 = arith.constant 65536 : i32
      %add3A_463 = arith.addi %mul3A_12, %add3A_462 : i32
      %lt3A_464 = vector.broadcast %add3A_463 : i32 to vector<16xi32>
      %lt3A_465 = arith.cmpi slt, %add3A_459, %lt3A_464 : vector<16xi32>
      %and3A_466 = arith.andi %ge3A_461, %lt3A_465 : vector<16xi1>
      %sub3A_467 = vector.broadcast %mul3A_12 : i32 to vector<16xi32>
      %sub3A_468 = arith.subi %add3A_459, %sub3A_467 : vector<16xi32>
      %jit3A_469 = arith.constant 0 : i32
      %broadcast_in_dim3A_470 = vector.broadcast %jit3A_469 : i32 to vector<16xi32>
      %select_n3A_471 = arith.select %and3A_466, %sub3A_468, %broadcast_in_dim3A_470 : vector<16xi1>, vector<16xi32>
      tpu.vector_store_idx %arg12[%select_n3A_471], %broadcast_in_dim3A_5 masked %and3A_466 {add = true} : memref<65536xf32, #tpu.memory_space<vmem>>[vector<16xi32>], vector<16xf32>, vector<16xi1>
      %mul3A_472 = arith.constant 128 : i32
      %mul3A_473 = arith.muli %scan3A_406, %mul3A_472 : i32
      %add3A_474 = arith.constant 48 : i32
      %add3A_475 = arith.addi %mul3A_473, %add3A_474 : i32
      %get3A_476 = arith.index_cast %add3A_475 : i32 to index
      %get3A_477 = tpu.vector_load %arg9[%get3A_476] {strides = array<i32>} : memref<8192xi32, #tpu.memory_space<vmem>>, vector<16xi32>,
      %mul3A_478 = arith.constant 2048 : i32
      %mul3A_479 = vector.broadcast %mul3A_478 : i32 to vector<16xi32>
      %mul3A_480 = arith.muli %get3A_477, %mul3A_479 : vector<16xi32>
      %get3A_481 = arith.index_cast %add3A_475 : i32 to index
      %get3A_482 = tpu.vector_load %arg8[%get3A_481] {strides = array<i32>} : memref<8192xi32, #tpu.memory_space<vmem>>, vector<16xi32>,
      %add3A_483 = arith.addi %mul3A_480, %get3A_482 : vector<16xi32>
      %ge3A_484 = vector.broadcast %mul3A_12 : i32 to vector<16xi32>
      %ge3A_485 = arith.cmpi sge, %add3A_483, %ge3A_484 : vector<16xi32>
      %add3A_486 = arith.constant 65536 : i32
      %add3A_487 = arith.addi %mul3A_12, %add3A_486 : i32
      %lt3A_488 = vector.broadcast %add3A_487 : i32 to vector<16xi32>
      %lt3A_489 = arith.cmpi slt, %add3A_483, %lt3A_488 : vector<16xi32>
      %and3A_490 = arith.andi %ge3A_485, %lt3A_489 : vector<16xi1>
      %sub3A_491 = vector.broadcast %mul3A_12 : i32 to vector<16xi32>
      %sub3A_492 = arith.subi %add3A_483, %sub3A_491 : vector<16xi32>
      %jit3A_493 = arith.constant 0 : i32
      %broadcast_in_dim3A_494 = vector.broadcast %jit3A_493 : i32 to vector<16xi32>
      %select_n3A_495 = arith.select %and3A_490, %sub3A_492, %broadcast_in_dim3A_494 : vector<16xi1>, vector<16xi32>
      tpu.vector_store_idx %arg12[%select_n3A_495], %broadcast_in_dim3A_5 masked %and3A_490 {add = true} : memref<65536xf32, #tpu.memory_space<vmem>>[vector<16xi32>], vector<16xf32>, vector<16xi1>
      %mul3A_496 = arith.constant 128 : i32
      %mul3A_497 = arith.muli %scan3A_406, %mul3A_496 : i32
      %add3A_498 = arith.constant 64 : i32
      %add3A_499 = arith.addi %mul3A_497, %add3A_498 : i32
      %get3A_500 = arith.index_cast %add3A_499 : i32 to index
      %get3A_501 = tpu.vector_load %arg9[%get3A_500] {strides = array<i32>} : memref<8192xi32, #tpu.memory_space<vmem>>, vector<16xi32>,
      %mul3A_502 = arith.constant 2048 : i32
      %mul3A_503 = vector.broadcast %mul3A_502 : i32 to vector<16xi32>
      %mul3A_504 = arith.muli %get3A_501, %mul3A_503 : vector<16xi32>
      %get3A_505 = arith.index_cast %add3A_499 : i32 to index
      %get3A_506 = tpu.vector_load %arg8[%get3A_505] {strides = array<i32>} : memref<8192xi32, #tpu.memory_space<vmem>>, vector<16xi32>,
      %add3A_507 = arith.addi %mul3A_504, %get3A_506 : vector<16xi32>
      %ge3A_508 = vector.broadcast %mul3A_12 : i32 to vector<16xi32>
      %ge3A_509 = arith.cmpi sge, %add3A_507, %ge3A_508 : vector<16xi32>
      %add3A_510 = arith.constant 65536 : i32
      %add3A_511 = arith.addi %mul3A_12, %add3A_510 : i32
      %lt3A_512 = vector.broadcast %add3A_511 : i32 to vector<16xi32>
      %lt3A_513 = arith.cmpi slt, %add3A_507, %lt3A_512 : vector<16xi32>
      %and3A_514 = arith.andi %ge3A_509, %lt3A_513 : vector<16xi1>
      %sub3A_515 = vector.broadcast %mul3A_12 : i32 to vector<16xi32>
      %sub3A_516 = arith.subi %add3A_507, %sub3A_515 : vector<16xi32>
      %jit3A_517 = arith.constant 0 : i32
      %broadcast_in_dim3A_518 = vector.broadcast %jit3A_517 : i32 to vector<16xi32>
      %select_n3A_519 = arith.select %and3A_514, %sub3A_516, %broadcast_in_dim3A_518 : vector<16xi1>, vector<16xi32>
      tpu.vector_store_idx %arg12[%select_n3A_519], %broadcast_in_dim3A_5 masked %and3A_514 {add = true} : memref<65536xf32, #tpu.memory_space<vmem>>[vector<16xi32>], vector<16xf32>, vector<16xi1>
      %mul3A_520 = arith.constant 128 : i32
      %mul3A_521 = arith.muli %scan3A_406, %mul3A_520 : i32
      %add3A_522 = arith.constant 80 : i32
      %add3A_523 = arith.addi %mul3A_521, %add3A_522 : i32
      %get3A_524 = arith.index_cast %add3A_523 : i32 to index
      %get3A_525 = tpu.vector_load %arg9[%get3A_524] {strides = array<i32>} : memref<8192xi32, #tpu.memory_space<vmem>>, vector<16xi32>,
      %mul3A_526 = arith.constant 2048 : i32
      %mul3A_527 = vector.broadcast %mul3A_526 : i32 to vector<16xi32>
      %mul3A_528 = arith.muli %get3A_525, %mul3A_527 : vector<16xi32>
      %get3A_529 = arith.index_cast %add3A_523 : i32 to index
      %get3A_530 = tpu.vector_load %arg8[%get3A_529] {strides = array<i32>} : memref<8192xi32, #tpu.memory_space<vmem>>, vector<16xi32>,
      %add3A_531 = arith.addi %mul3A_528, %get3A_530 : vector<16xi32>
      %ge3A_532 = vector.broadcast %mul3A_12 : i32 to vector<16xi32>
      %ge3A_533 = arith.cmpi sge, %add3A_531, %ge3A_532 : vector<16xi32>
      %add3A_534 = arith.constant 65536 : i32
      %add3A_535 = arith.addi %mul3A_12, %add3A_534 : i32
      %lt3A_536 = vector.broadcast %add3A_535 : i32 to vector<16xi32>
      %lt3A_537 = arith.cmpi slt, %add3A_531, %lt3A_536 : vector<16xi32>
      %and3A_538 = arith.andi %ge3A_533, %lt3A_537 : vector<16xi1>
      %sub3A_539 = vector.broadcast %mul3A_12 : i32 to vector<16xi32>
      %sub3A_540 = arith.subi %add3A_531, %sub3A_539 : vector<16xi32>
      %jit3A_541 = arith.constant 0 : i32
      %broadcast_in_dim3A_542 = vector.broadcast %jit3A_541 : i32 to vector<16xi32>
      %select_n3A_543 = arith.select %and3A_538, %sub3A_540, %broadcast_in_dim3A_542 : vector<16xi1>, vector<16xi32>
      tpu.vector_store_idx %arg12[%select_n3A_543], %broadcast_in_dim3A_5 masked %and3A_538 {add = true} : memref<65536xf32, #tpu.memory_space<vmem>>[vector<16xi32>], vector<16xf32>, vector<16xi1>
      %mul3A_544 = arith.constant 128 : i32
      %mul3A_545 = arith.muli %scan3A_406, %mul3A_544 : i32
      %add3A_546 = arith.constant 96 : i32
      %add3A_547 = arith.addi %mul3A_545, %add3A_546 : i32
      %get3A_548 = arith.index_cast %add3A_547 : i32 to index
      %get3A_549 = tpu.vector_load %arg9[%get3A_548] {strides = array<i32>} : memref<8192xi32, #tpu.memory_space<vmem>>, vector<16xi32>,
      %mul3A_550 = arith.constant 2048 : i32
      %mul3A_551 = vector.broadcast %mul3A_550 : i32 to vector<16xi32>
      %mul3A_552 = arith.muli %get3A_549, %mul3A_551 : vector<16xi32>
      %get3A_553 = arith.index_cast %add3A_547 : i32 to index
      %get3A_554 = tpu.vector_load %arg8[%get3A_553] {strides = array<i32>} : memref<8192xi32, #tpu.memory_space<vmem>>, vector<16xi32>,
      %add3A_555 = arith.addi %mul3A_552, %get3A_554 : vector<16xi32>
      %ge3A_556 = vector.broadcast %mul3A_12 : i32 to vector<16xi32>
      %ge3A_557 = arith.cmpi sge, %add3A_555, %ge3A_556 : vector<16xi32>
      %add3A_558 = arith.constant 65536 : i32
      %add3A_559 = arith.addi %mul3A_12, %add3A_558 : i32
      %lt3A_560 = vector.broadcast %add3A_559 : i32 to vector<16xi32>
      %lt3A_561 = arith.cmpi slt, %add3A_555, %lt3A_560 : vector<16xi32>
      %and3A_562 = arith.andi %ge3A_557, %lt3A_561 : vector<16xi1>
      %sub3A_563 = vector.broadcast %mul3A_12 : i32 to vector<16xi32>
      %sub3A_564 = arith.subi %add3A_555, %sub3A_563 : vector<16xi32>
      %jit3A_565 = arith.constant 0 : i32
      %broadcast_in_dim3A_566 = vector.broadcast %jit3A_565 : i32 to vector<16xi32>
      %select_n3A_567 = arith.select %and3A_562, %sub3A_564, %broadcast_in_dim3A_566 : vector<16xi1>, vector<16xi32>
      tpu.vector_store_idx %arg12[%select_n3A_567], %broadcast_in_dim3A_5 masked %and3A_562 {add = true} : memref<65536xf32, #tpu.memory_space<vmem>>[vector<16xi32>], vector<16xf32>, vector<16xi1>
      %mul3A_568 = arith.constant 128 : i32
      %mul3A_569 = arith.muli %scan3A_406, %mul3A_568 : i32
      %add3A_570 = arith.constant 112 : i32
      %add3A_571 = arith.addi %mul3A_569, %add3A_570 : i32
      %get3A_572 = arith.index_cast %add3A_571 : i32 to index
      %get3A_573 = tpu.vector_load %arg9[%get3A_572] {strides = array<i32>} : memref<8192xi32, #tpu.memory_space<vmem>>, vector<16xi32>,
      %mul3A_574 = arith.constant 2048 : i32
      %mul3A_575 = vector.broadcast %mul3A_574 : i32 to vector<16xi32>
      %mul3A_576 = arith.muli %get3A_573, %mul3A_575 : vector<16xi32>
      %get3A_577 = arith.index_cast %add3A_571 : i32 to index
      %get3A_578 = tpu.vector_load %arg8[%get3A_577] {strides = array<i32>} : memref<8192xi32, #tpu.memory_space<vmem>>, vector<16xi32>,
      %add3A_579 = arith.addi %mul3A_576, %get3A_578 : vector<16xi32>
      %ge3A_580 = vector.broadcast %mul3A_12 : i32 to vector<16xi32>
      %ge3A_581 = arith.cmpi sge, %add3A_579, %ge3A_580 : vector<16xi32>
      %add3A_582 = arith.constant 65536 : i32
      %add3A_583 = arith.addi %mul3A_12, %add3A_582 : i32
      %lt3A_584 = vector.broadcast %add3A_583 : i32 to vector<16xi32>
      %lt3A_585 = arith.cmpi slt, %add3A_579, %lt3A_584 : vector<16xi32>
      %and3A_586 = arith.andi %ge3A_581, %lt3A_585 : vector<16xi1>
      %sub3A_587 = vector.broadcast %mul3A_12 : i32 to vector<16xi32>
      %sub3A_588 = arith.subi %add3A_579, %sub3A_587 : vector<16xi32>
      %jit3A_589 = arith.constant 0 : i32
      %broadcast_in_dim3A_590 = vector.broadcast %jit3A_589 : i32 to vector<16xi32>
      %select_n3A_591 = arith.select %and3A_586, %sub3A_588, %broadcast_in_dim3A_590 : vector<16xi1>, vector<16xi32>
      tpu.vector_store_idx %arg12[%select_n3A_591], %broadcast_in_dim3A_5 masked %and3A_586 {add = true} : memref<65536xf32, #tpu.memory_space<vmem>>[vector<16xi32>], vector<16xf32>, vector<16xi1>
    }
    %scan3A_45 = arith.constant 64 : i32
    %dma_wait3A_46 = arith.constant 8192 : i32
    %dma_wait3A_47 = tpu.memref_slice %arg13[%dma_wait3A_46] : memref<32768xi32, #tpu.memory_space<vmem_shared>> -> memref<8192xi32, #tpu.memory_space<vmem_shared>>
    %dma_wait3A_48 = arith.constant 8192 : i32
    %dma_wait3A_49 = tpu.memref_slice %arg13[%dma_wait3A_48] : memref<32768xi32, #tpu.memory_space<vmem_shared>> -> memref<8192xi32, #tpu.memory_space<vmem_shared>>
    tpu.wait_dma2 semaphore(%arg17 : memref<!tpu.dma_semaphore, #tpu.memory_space<semaphore_mem>>) src(%dma_wait3A_49 : memref<8192xi32, #tpu.memory_space<vmem_shared>>) dst(%arg10 : memref<8192xi32, #tpu.memory_space<vmem>>)
    %dma_wait3A_50 = arith.constant 8192 : i32
    %dma_wait3A_51 = tpu.memref_slice %arg14[%dma_wait3A_50] : memref<32768xi32, #tpu.memory_space<vmem_shared>> -> memref<8192xi32, #tpu.memory_space<vmem_shared>>
    %dma_wait3A_52 = arith.constant 8192 : i32
    %dma_wait3A_53 = tpu.memref_slice %arg14[%dma_wait3A_52] : memref<32768xi32, #tpu.memory_space<vmem_shared>> -> memref<8192xi32, #tpu.memory_space<vmem_shared>>
    tpu.wait_dma2 semaphore(%arg18 : memref<!tpu.dma_semaphore, #tpu.memory_space<semaphore_mem>>) src(%dma_wait3A_53 : memref<8192xi32, #tpu.memory_space<vmem_shared>>) dst(%arg11 : memref<8192xi32, #tpu.memory_space<vmem>>)
    %dma_start3A_54 = arith.constant 16384 : i32
    %dma_start3A_55 = tpu.memref_slice %arg13[%dma_start3A_54] : memref<32768xi32, #tpu.memory_space<vmem_shared>> -> memref<8192xi32, #tpu.memory_space<vmem_shared>>
    %dma_start3A_56 = arith.constant 16384 : i32
    %dma_start3A_57 = tpu.memref_slice %arg13[%dma_start3A_56] : memref<32768xi32, #tpu.memory_space<vmem_shared>> -> memref<8192xi32, #tpu.memory_space<vmem_shared>>
    tpu.enqueue_dma source(%dma_start3A_57 : memref<8192xi32, #tpu.memory_space<vmem_shared>>) target(%arg8 : memref<8192xi32, #tpu.memory_space<vmem>>) target_semaphore(%arg15 : memref<!tpu.dma_semaphore, #tpu.memory_space<semaphore_mem>>)
    %dma_start3A_58 = arith.constant 16384 : i32
    %dma_start3A_59 = tpu.memref_slice %arg14[%dma_start3A_58] : memref<32768xi32, #tpu.memory_space<vmem_shared>> -> memref<8192xi32, #tpu.memory_space<vmem_shared>>
    %dma_start3A_60 = arith.constant 16384 : i32
    %dma_start3A_61 = tpu.memref_slice %arg14[%dma_start3A_60] : memref<32768xi32, #tpu.memory_space<vmem_shared>> -> memref<8192xi32, #tpu.memory_space<vmem_shared>>
    tpu.enqueue_dma source(%dma_start3A_61 : memref<8192xi32, #tpu.memory_space<vmem_shared>>) target(%arg9 : memref<8192xi32, #tpu.memory_space<vmem>>) target_semaphore(%arg16 : memref<!tpu.dma_semaphore, #tpu.memory_space<semaphore_mem>>)
    %scan3A_62 = arith.constant 0 : i32
    %scan3A_63 = arith.constant 0 : i32
    %scan3A_64 = arith.constant 64 : i32
    %scan3A_65 = arith.addi %scan3A_63, %scan3A_64 : i32
    %scan3A_66 = arith.constant 1 : i32
    scf.for %scan3A_406 = %scan3A_63 to %scan3A_65 step %scan3A_66  : i32 {
      %mul3A_407 = arith.constant 128 : i32
      %mul3A_408 = arith.muli %scan3A_406, %mul3A_407 : i32
      %add3A_409 = arith.constant 0 : i32
      %add3A_410 = arith.addi %mul3A_408, %add3A_409 : i32
      %get3A = arith.index_cast %add3A_410 : i32 to index
      %get3A_411 = tpu.vector_load %arg11[%get3A] {strides = array<i32>} : memref<8192xi32, #tpu.memory_space<vmem>>, vector<16xi32>,
      %mul3A_412 = arith.constant 2048 : i32
      %mul3A_413 = vector.broadcast %mul3A_412 : i32 to vector<16xi32>
      %mul3A_414 = arith.muli %get3A_411, %mul3A_413 : vector<16xi32>
      %get3A_415 = arith.index_cast %add3A_410 : i32 to index
      %get3A_416 = tpu.vector_load %arg10[%get3A_415] {strides = array<i32>} : memref<8192xi32, #tpu.memory_space<vmem>>, vector<16xi32>,
      %add3A_417 = arith.addi %mul3A_414, %get3A_416 : vector<16xi32>
      %ge3A = vector.broadcast %mul3A_12 : i32 to vector<16xi32>
      %ge3A_418 = arith.cmpi sge, %add3A_417, %ge3A : vector<16xi32>
      %add3A_419 = arith.constant 65536 : i32
      %add3A_420 = arith.addi %mul3A_12, %add3A_419 : i32
      %lt3A = vector.broadcast %add3A_420 : i32 to vector<16xi32>
      %lt3A_421 = arith.cmpi slt, %add3A_417, %lt3A : vector<16xi32>
      %and3A = arith.andi %ge3A_418, %lt3A_421 : vector<16xi1>
      %sub3A = vector.broadcast %mul3A_12 : i32 to vector<16xi32>
      %sub3A_422 = arith.subi %add3A_417, %sub3A : vector<16xi32>
      %jit3A = arith.constant 0 : i32
      %broadcast_in_dim3A_423 = vector.broadcast %jit3A : i32 to vector<16xi32>
      %select_n3A = arith.select %and3A, %sub3A_422, %broadcast_in_dim3A_423 : vector<16xi1>, vector<16xi32>
      tpu.vector_store_idx %arg12[%select_n3A], %broadcast_in_dim3A_5 masked %and3A {add = true} : memref<65536xf32, #tpu.memory_space<vmem>>[vector<16xi32>], vector<16xf32>, vector<16xi1>
      %mul3A_424 = arith.constant 128 : i32
      %mul3A_425 = arith.muli %scan3A_406, %mul3A_424 : i32
      %add3A_426 = arith.constant 16 : i32
      %add3A_427 = arith.addi %mul3A_425, %add3A_426 : i32
      %get3A_428 = arith.index_cast %add3A_427 : i32 to index
      %get3A_429 = tpu.vector_load %arg11[%get3A_428] {strides = array<i32>} : memref<8192xi32, #tpu.memory_space<vmem>>, vector<16xi32>,
      %mul3A_430 = arith.constant 2048 : i32
      %mul3A_431 = vector.broadcast %mul3A_430 : i32 to vector<16xi32>
      %mul3A_432 = arith.muli %get3A_429, %mul3A_431 : vector<16xi32>
      %get3A_433 = arith.index_cast %add3A_427 : i32 to index
      %get3A_434 = tpu.vector_load %arg10[%get3A_433] {strides = array<i32>} : memref<8192xi32, #tpu.memory_space<vmem>>, vector<16xi32>,
      %add3A_435 = arith.addi %mul3A_432, %get3A_434 : vector<16xi32>
      %ge3A_436 = vector.broadcast %mul3A_12 : i32 to vector<16xi32>
      %ge3A_437 = arith.cmpi sge, %add3A_435, %ge3A_436 : vector<16xi32>
      %add3A_438 = arith.constant 65536 : i32
      %add3A_439 = arith.addi %mul3A_12, %add3A_438 : i32
      %lt3A_440 = vector.broadcast %add3A_439 : i32 to vector<16xi32>
      %lt3A_441 = arith.cmpi slt, %add3A_435, %lt3A_440 : vector<16xi32>
      %and3A_442 = arith.andi %ge3A_437, %lt3A_441 : vector<16xi1>
      %sub3A_443 = vector.broadcast %mul3A_12 : i32 to vector<16xi32>
      %sub3A_444 = arith.subi %add3A_435, %sub3A_443 : vector<16xi32>
      %jit3A_445 = arith.constant 0 : i32
      %broadcast_in_dim3A_446 = vector.broadcast %jit3A_445 : i32 to vector<16xi32>
      %select_n3A_447 = arith.select %and3A_442, %sub3A_444, %broadcast_in_dim3A_446 : vector<16xi1>, vector<16xi32>
      tpu.vector_store_idx %arg12[%select_n3A_447], %broadcast_in_dim3A_5 masked %and3A_442 {add = true} : memref<65536xf32, #tpu.memory_space<vmem>>[vector<16xi32>], vector<16xf32>, vector<16xi1>
      %mul3A_448 = arith.constant 128 : i32
      %mul3A_449 = arith.muli %scan3A_406, %mul3A_448 : i32
      %add3A_450 = arith.constant 32 : i32
      %add3A_451 = arith.addi %mul3A_449, %add3A_450 : i32
      %get3A_452 = arith.index_cast %add3A_451 : i32 to index
      %get3A_453 = tpu.vector_load %arg11[%get3A_452] {strides = array<i32>} : memref<8192xi32, #tpu.memory_space<vmem>>, vector<16xi32>,
      %mul3A_454 = arith.constant 2048 : i32
      %mul3A_455 = vector.broadcast %mul3A_454 : i32 to vector<16xi32>
      %mul3A_456 = arith.muli %get3A_453, %mul3A_455 : vector<16xi32>
      %get3A_457 = arith.index_cast %add3A_451 : i32 to index
      %get3A_458 = tpu.vector_load %arg10[%get3A_457] {strides = array<i32>} : memref<8192xi32, #tpu.memory_space<vmem>>, vector<16xi32>,
      %add3A_459 = arith.addi %mul3A_456, %get3A_458 : vector<16xi32>
      %ge3A_460 = vector.broadcast %mul3A_12 : i32 to vector<16xi32>
      %ge3A_461 = arith.cmpi sge, %add3A_459, %ge3A_460 : vector<16xi32>
      %add3A_462 = arith.constant 65536 : i32
      %add3A_463 = arith.addi %mul3A_12, %add3A_462 : i32
      %lt3A_464 = vector.broadcast %add3A_463 : i32 to vector<16xi32>
      %lt3A_465 = arith.cmpi slt, %add3A_459, %lt3A_464 : vector<16xi32>
      %and3A_466 = arith.andi %ge3A_461, %lt3A_465 : vector<16xi1>
      %sub3A_467 = vector.broadcast %mul3A_12 : i32 to vector<16xi32>
      %sub3A_468 = arith.subi %add3A_459, %sub3A_467 : vector<16xi32>
      %jit3A_469 = arith.constant 0 : i32
      %broadcast_in_dim3A_470 = vector.broadcast %jit3A_469 : i32 to vector<16xi32>
      %select_n3A_471 = arith.select %and3A_466, %sub3A_468, %broadcast_in_dim3A_470 : vector<16xi1>, vector<16xi32>
      tpu.vector_store_idx %arg12[%select_n3A_471], %broadcast_in_dim3A_5 masked %and3A_466 {add = true} : memref<65536xf32, #tpu.memory_space<vmem>>[vector<16xi32>], vector<16xf32>, vector<16xi1>
      %mul3A_472 = arith.constant 128 : i32
      %mul3A_473 = arith.muli %scan3A_406, %mul3A_472 : i32
      %add3A_474 = arith.constant 48 : i32
      %add3A_475 = arith.addi %mul3A_473, %add3A_474 : i32
      %get3A_476 = arith.index_cast %add3A_475 : i32 to index
      %get3A_477 = tpu.vector_load %arg11[%get3A_476] {strides = array<i32>} : memref<8192xi32, #tpu.memory_space<vmem>>, vector<16xi32>,
      %mul3A_478 = arith.constant 2048 : i32
      %mul3A_479 = vector.broadcast %mul3A_478 : i32 to vector<16xi32>
      %mul3A_480 = arith.muli %get3A_477, %mul3A_479 : vector<16xi32>
      %get3A_481 = arith.index_cast %add3A_475 : i32 to index
      %get3A_482 = tpu.vector_load %arg10[%get3A_481] {strides = array<i32>} : memref<8192xi32, #tpu.memory_space<vmem>>, vector<16xi32>,
      %add3A_483 = arith.addi %mul3A_480, %get3A_482 : vector<16xi32>
      %ge3A_484 = vector.broadcast %mul3A_12 : i32 to vector<16xi32>
      %ge3A_485 = arith.cmpi sge, %add3A_483, %ge3A_484 : vector<16xi32>
      %add3A_486 = arith.constant 65536 : i32
      %add3A_487 = arith.addi %mul3A_12, %add3A_486 : i32
      %lt3A_488 = vector.broadcast %add3A_487 : i32 to vector<16xi32>
      %lt3A_489 = arith.cmpi slt, %add3A_483, %lt3A_488 : vector<16xi32>
      %and3A_490 = arith.andi %ge3A_485, %lt3A_489 : vector<16xi1>
      %sub3A_491 = vector.broadcast %mul3A_12 : i32 to vector<16xi32>
      %sub3A_492 = arith.subi %add3A_483, %sub3A_491 : vector<16xi32>
      %jit3A_493 = arith.constant 0 : i32
      %broadcast_in_dim3A_494 = vector.broadcast %jit3A_493 : i32 to vector<16xi32>
      %select_n3A_495 = arith.select %and3A_490, %sub3A_492, %broadcast_in_dim3A_494 : vector<16xi1>, vector<16xi32>
      tpu.vector_store_idx %arg12[%select_n3A_495], %broadcast_in_dim3A_5 masked %and3A_490 {add = true} : memref<65536xf32, #tpu.memory_space<vmem>>[vector<16xi32>], vector<16xf32>, vector<16xi1>
      %mul3A_496 = arith.constant 128 : i32
      %mul3A_497 = arith.muli %scan3A_406, %mul3A_496 : i32
      %add3A_498 = arith.constant 64 : i32
      %add3A_499 = arith.addi %mul3A_497, %add3A_498 : i32
      %get3A_500 = arith.index_cast %add3A_499 : i32 to index
      %get3A_501 = tpu.vector_load %arg11[%get3A_500] {strides = array<i32>} : memref<8192xi32, #tpu.memory_space<vmem>>, vector<16xi32>,
      %mul3A_502 = arith.constant 2048 : i32
      %mul3A_503 = vector.broadcast %mul3A_502 : i32 to vector<16xi32>
      %mul3A_504 = arith.muli %get3A_501, %mul3A_503 : vector<16xi32>
      %get3A_505 = arith.index_cast %add3A_499 : i32 to index
      %get3A_506 = tpu.vector_load %arg10[%get3A_505] {strides = array<i32>} : memref<8192xi32, #tpu.memory_space<vmem>>, vector<16xi32>,
      %add3A_507 = arith.addi %mul3A_504, %get3A_506 : vector<16xi32>
      %ge3A_508 = vector.broadcast %mul3A_12 : i32 to vector<16xi32>
      %ge3A_509 = arith.cmpi sge, %add3A_507, %ge3A_508 : vector<16xi32>
      %add3A_510 = arith.constant 65536 : i32
      %add3A_511 = arith.addi %mul3A_12, %add3A_510 : i32
      %lt3A_512 = vector.broadcast %add3A_511 : i32 to vector<16xi32>
      %lt3A_513 = arith.cmpi slt, %add3A_507, %lt3A_512 : vector<16xi32>
      %and3A_514 = arith.andi %ge3A_509, %lt3A_513 : vector<16xi1>
      %sub3A_515 = vector.broadcast %mul3A_12 : i32 to vector<16xi32>
      %sub3A_516 = arith.subi %add3A_507, %sub3A_515 : vector<16xi32>
      %jit3A_517 = arith.constant 0 : i32
      %broadcast_in_dim3A_518 = vector.broadcast %jit3A_517 : i32 to vector<16xi32>
      %select_n3A_519 = arith.select %and3A_514, %sub3A_516, %broadcast_in_dim3A_518 : vector<16xi1>, vector<16xi32>
      tpu.vector_store_idx %arg12[%select_n3A_519], %broadcast_in_dim3A_5 masked %and3A_514 {add = true} : memref<65536xf32, #tpu.memory_space<vmem>>[vector<16xi32>], vector<16xf32>, vector<16xi1>
      %mul3A_520 = arith.constant 128 : i32
      %mul3A_521 = arith.muli %scan3A_406, %mul3A_520 : i32
      %add3A_522 = arith.constant 80 : i32
      %add3A_523 = arith.addi %mul3A_521, %add3A_522 : i32
      %get3A_524 = arith.index_cast %add3A_523 : i32 to index
      %get3A_525 = tpu.vector_load %arg11[%get3A_524] {strides = array<i32>} : memref<8192xi32, #tpu.memory_space<vmem>>, vector<16xi32>,
      %mul3A_526 = arith.constant 2048 : i32
      %mul3A_527 = vector.broadcast %mul3A_526 : i32 to vector<16xi32>
      %mul3A_528 = arith.muli %get3A_525, %mul3A_527 : vector<16xi32>
      %get3A_529 = arith.index_cast %add3A_523 : i32 to index
      %get3A_530 = tpu.vector_load %arg10[%get3A_529] {strides = array<i32>} : memref<8192xi32, #tpu.memory_space<vmem>>, vector<16xi32>,
      %add3A_531 = arith.addi %mul3A_528, %get3A_530 : vector<16xi32>
      %ge3A_532 = vector.broadcast %mul3A_12 : i32 to vector<16xi32>
      %ge3A_533 = arith.cmpi sge, %add3A_531, %ge3A_532 : vector<16xi32>
      %add3A_534 = arith.constant 65536 : i32
      %add3A_535 = arith.addi %mul3A_12, %add3A_534 : i32
      %lt3A_536 = vector.broadcast %add3A_535 : i32 to vector<16xi32>
      %lt3A_537 = arith.cmpi slt, %add3A_531, %lt3A_536 : vector<16xi32>
      %and3A_538 = arith.andi %ge3A_533, %lt3A_537 : vector<16xi1>
      %sub3A_539 = vector.broadcast %mul3A_12 : i32 to vector<16xi32>
      %sub3A_540 = arith.subi %add3A_531, %sub3A_539 : vector<16xi32>
      %jit3A_541 = arith.constant 0 : i32
      %broadcast_in_dim3A_542 = vector.broadcast %jit3A_541 : i32 to vector<16xi32>
      %select_n3A_543 = arith.select %and3A_538, %sub3A_540, %broadcast_in_dim3A_542 : vector<16xi1>, vector<16xi32>
      tpu.vector_store_idx %arg12[%select_n3A_543], %broadcast_in_dim3A_5 masked %and3A_538 {add = true} : memref<65536xf32, #tpu.memory_space<vmem>>[vector<16xi32>], vector<16xf32>, vector<16xi1>
      %mul3A_544 = arith.constant 128 : i32
      %mul3A_545 = arith.muli %scan3A_406, %mul3A_544 : i32
      %add3A_546 = arith.constant 96 : i32
      %add3A_547 = arith.addi %mul3A_545, %add3A_546 : i32
      %get3A_548 = arith.index_cast %add3A_547 : i32 to index
      %get3A_549 = tpu.vector_load %arg11[%get3A_548] {strides = array<i32>} : memref<8192xi32, #tpu.memory_space<vmem>>, vector<16xi32>,
      %mul3A_550 = arith.constant 2048 : i32
      %mul3A_551 = vector.broadcast %mul3A_550 : i32 to vector<16xi32>
      %mul3A_552 = arith.muli %get3A_549, %mul3A_551 : vector<16xi32>
      %get3A_553 = arith.index_cast %add3A_547 : i32 to index
      %get3A_554 = tpu.vector_load %arg10[%get3A_553] {strides = array<i32>} : memref<8192xi32, #tpu.memory_space<vmem>>, vector<16xi32>,
      %add3A_555 = arith.addi %mul3A_552, %get3A_554 : vector<16xi32>
      %ge3A_556 = vector.broadcast %mul3A_12 : i32 to vector<16xi32>
      %ge3A_557 = arith.cmpi sge, %add3A_555, %ge3A_556 : vector<16xi32>
      %add3A_558 = arith.constant 65536 : i32
      %add3A_559 = arith.addi %mul3A_12, %add3A_558 : i32
      %lt3A_560 = vector.broadcast %add3A_559 : i32 to vector<16xi32>
      %lt3A_561 = arith.cmpi slt, %add3A_555, %lt3A_560 : vector<16xi32>
      %and3A_562 = arith.andi %ge3A_557, %lt3A_561 : vector<16xi1>
      %sub3A_563 = vector.broadcast %mul3A_12 : i32 to vector<16xi32>
      %sub3A_564 = arith.subi %add3A_555, %sub3A_563 : vector<16xi32>
      %jit3A_565 = arith.constant 0 : i32
      %broadcast_in_dim3A_566 = vector.broadcast %jit3A_565 : i32 to vector<16xi32>
      %select_n3A_567 = arith.select %and3A_562, %sub3A_564, %broadcast_in_dim3A_566 : vector<16xi1>, vector<16xi32>
      tpu.vector_store_idx %arg12[%select_n3A_567], %broadcast_in_dim3A_5 masked %and3A_562 {add = true} : memref<65536xf32, #tpu.memory_space<vmem>>[vector<16xi32>], vector<16xf32>, vector<16xi1>
      %mul3A_568 = arith.constant 128 : i32
      %mul3A_569 = arith.muli %scan3A_406, %mul3A_568 : i32
      %add3A_570 = arith.constant 112 : i32
      %add3A_571 = arith.addi %mul3A_569, %add3A_570 : i32
      %get3A_572 = arith.index_cast %add3A_571 : i32 to index
      %get3A_573 = tpu.vector_load %arg11[%get3A_572] {strides = array<i32>} : memref<8192xi32, #tpu.memory_space<vmem>>, vector<16xi32>,
      %mul3A_574 = arith.constant 2048 : i32
      %mul3A_575 = vector.broadcast %mul3A_574 : i32 to vector<16xi32>
      %mul3A_576 = arith.muli %get3A_573, %mul3A_575 : vector<16xi32>
      %get3A_577 = arith.index_cast %add3A_571 : i32 to index
      %get3A_578 = tpu.vector_load %arg10[%get3A_577] {strides = array<i32>} : memref<8192xi32, #tpu.memory_space<vmem>>, vector<16xi32>,
      %add3A_579 = arith.addi %mul3A_576, %get3A_578 : vector<16xi32>
      %ge3A_580 = vector.broadcast %mul3A_12 : i32 to vector<16xi32>
      %ge3A_581 = arith.cmpi sge, %add3A_579, %ge3A_580 : vector<16xi32>
      %add3A_582 = arith.constant 65536 : i32
      %add3A_583 = arith.addi %mul3A_12, %add3A_582 : i32
      %lt3A_584 = vector.broadcast %add3A_583 : i32 to vector<16xi32>
      %lt3A_585 = arith.cmpi slt, %add3A_579, %lt3A_584 : vector<16xi32>
      %and3A_586 = arith.andi %ge3A_581, %lt3A_585 : vector<16xi1>
      %sub3A_587 = vector.broadcast %mul3A_12 : i32 to vector<16xi32>
      %sub3A_588 = arith.subi %add3A_579, %sub3A_587 : vector<16xi32>
      %jit3A_589 = arith.constant 0 : i32
      %broadcast_in_dim3A_590 = vector.broadcast %jit3A_589 : i32 to vector<16xi32>
      %select_n3A_591 = arith.select %and3A_586, %sub3A_588, %broadcast_in_dim3A_590 : vector<16xi1>, vector<16xi32>
      tpu.vector_store_idx %arg12[%select_n3A_591], %broadcast_in_dim3A_5 masked %and3A_586 {add = true} : memref<65536xf32, #tpu.memory_space<vmem>>[vector<16xi32>], vector<16xf32>, vector<16xi1>
    }
    %scan3A_67 = arith.constant 64 : i32
    %dma_wait3A_68 = arith.constant 16384 : i32
    %dma_wait3A_69 = tpu.memref_slice %arg13[%dma_wait3A_68] : memref<32768xi32, #tpu.memory_space<vmem_shared>> -> memref<8192xi32, #tpu.memory_space<vmem_shared>>
    %dma_wait3A_70 = arith.constant 16384 : i32
    %dma_wait3A_71 = tpu.memref_slice %arg13[%dma_wait3A_70] : memref<32768xi32, #tpu.memory_space<vmem_shared>> -> memref<8192xi32, #tpu.memory_space<vmem_shared>>
    tpu.wait_dma2 semaphore(%arg15 : memref<!tpu.dma_semaphore, #tpu.memory_space<semaphore_mem>>) src(%dma_wait3A_71 : memref<8192xi32, #tpu.memory_space<vmem_shared>>) dst(%arg8 : memref<8192xi32, #tpu.memory_space<vmem>>)
    %dma_wait3A_72 = arith.constant 16384 : i32
    %dma_wait3A_73 = tpu.memref_slice %arg14[%dma_wait3A_72] : memref<32768xi32, #tpu.memory_space<vmem_shared>> -> memref<8192xi32, #tpu.memory_space<vmem_shared>>
    %dma_wait3A_74 = arith.constant 16384 : i32
    %dma_wait3A_75 = tpu.memref_slice %arg14[%dma_wait3A_74] : memref<32768xi32, #tpu.memory_space<vmem_shared>> -> memref<8192xi32, #tpu.memory_space<vmem_shared>>
    tpu.wait_dma2 semaphore(%arg16 : memref<!tpu.dma_semaphore, #tpu.memory_space<semaphore_mem>>) src(%dma_wait3A_75 : memref<8192xi32, #tpu.memory_space<vmem_shared>>) dst(%arg9 : memref<8192xi32, #tpu.memory_space<vmem>>)
    %dma_start3A_76 = arith.constant 24576 : i32
    %dma_start3A_77 = tpu.memref_slice %arg13[%dma_start3A_76] : memref<32768xi32, #tpu.memory_space<vmem_shared>> -> memref<8192xi32, #tpu.memory_space<vmem_shared>>
    %dma_start3A_78 = arith.constant 24576 : i32
    %dma_start3A_79 = tpu.memref_slice %arg13[%dma_start3A_78] : memref<32768xi32, #tpu.memory_space<vmem_shared>> -> memref<8192xi32, #tpu.memory_space<vmem_shared>>
    tpu.enqueue_dma source(%dma_start3A_79 : memref<8192xi32, #tpu.memory_space<vmem_shared>>) target(%arg10 : memref<8192xi32, #tpu.memory_space<vmem>>) target_semaphore(%arg17 : memref<!tpu.dma_semaphore, #tpu.memory_space<semaphore_mem>>)
    %dma_start3A_80 = arith.constant 24576 : i32
    %dma_start3A_81 = tpu.memref_slice %arg14[%dma_start3A_80] : memref<32768xi32, #tpu.memory_space<vmem_shared>> -> memref<8192xi32, #tpu.memory_space<vmem_shared>>
    %dma_start3A_82 = arith.constant 24576 : i32
    %dma_start3A_83 = tpu.memref_slice %arg14[%dma_start3A_82] : memref<32768xi32, #tpu.memory_space<vmem_shared>> -> memref<8192xi32, #tpu.memory_space<vmem_shared>>
    tpu.enqueue_dma source(%dma_start3A_83 : memref<8192xi32, #tpu.memory_space<vmem_shared>>) target(%arg11 : memref<8192xi32, #tpu.memory_space<vmem>>) target_semaphore(%arg18 : memref<!tpu.dma_semaphore, #tpu.memory_space<semaphore_mem>>)
    %scan3A_84 = arith.constant 0 : i32
    %scan3A_85 = arith.constant 0 : i32
    %scan3A_86 = arith.constant 64 : i32
    %scan3A_87 = arith.addi %scan3A_85, %scan3A_86 : i32
    %scan3A_88 = arith.constant 1 : i32
    scf.for %scan3A_406 = %scan3A_85 to %scan3A_87 step %scan3A_88  : i32 {
      %mul3A_407 = arith.constant 128 : i32
      %mul3A_408 = arith.muli %scan3A_406, %mul3A_407 : i32
      %add3A_409 = arith.constant 0 : i32
      %add3A_410 = arith.addi %mul3A_408, %add3A_409 : i32
      %get3A = arith.index_cast %add3A_410 : i32 to index
      %get3A_411 = tpu.vector_load %arg9[%get3A] {strides = array<i32>} : memref<8192xi32, #tpu.memory_space<vmem>>, vector<16xi32>,
      %mul3A_412 = arith.constant 2048 : i32
      %mul3A_413 = vector.broadcast %mul3A_412 : i32 to vector<16xi32>
      %mul3A_414 = arith.muli %get3A_411, %mul3A_413 : vector<16xi32>
      %get3A_415 = arith.index_cast %add3A_410 : i32 to index
      %get3A_416 = tpu.vector_load %arg8[%get3A_415] {strides = array<i32>} : memref<8192xi32, #tpu.memory_space<vmem>>, vector<16xi32>,
      %add3A_417 = arith.addi %mul3A_414, %get3A_416 : vector<16xi32>
      %ge3A = vector.broadcast %mul3A_12 : i32 to vector<16xi32>
      %ge3A_418 = arith.cmpi sge, %add3A_417, %ge3A : vector<16xi32>
      %add3A_419 = arith.constant 65536 : i32
      %add3A_420 = arith.addi %mul3A_12, %add3A_419 : i32
      %lt3A = vector.broadcast %add3A_420 : i32 to vector<16xi32>
      %lt3A_421 = arith.cmpi slt, %add3A_417, %lt3A : vector<16xi32>
      %and3A = arith.andi %ge3A_418, %lt3A_421 : vector<16xi1>
      %sub3A = vector.broadcast %mul3A_12 : i32 to vector<16xi32>
      %sub3A_422 = arith.subi %add3A_417, %sub3A : vector<16xi32>
      %jit3A = arith.constant 0 : i32
      %broadcast_in_dim3A_423 = vector.broadcast %jit3A : i32 to vector<16xi32>
      %select_n3A = arith.select %and3A, %sub3A_422, %broadcast_in_dim3A_423 : vector<16xi1>, vector<16xi32>
      tpu.vector_store_idx %arg12[%select_n3A], %broadcast_in_dim3A_5 masked %and3A {add = true} : memref<65536xf32, #tpu.memory_space<vmem>>[vector<16xi32>], vector<16xf32>, vector<16xi1>
      %mul3A_424 = arith.constant 128 : i32
      %mul3A_425 = arith.muli %scan3A_406, %mul3A_424 : i32
      %add3A_426 = arith.constant 16 : i32
      %add3A_427 = arith.addi %mul3A_425, %add3A_426 : i32
      %get3A_428 = arith.index_cast %add3A_427 : i32 to index
      %get3A_429 = tpu.vector_load %arg9[%get3A_428] {strides = array<i32>} : memref<8192xi32, #tpu.memory_space<vmem>>, vector<16xi32>,
      %mul3A_430 = arith.constant 2048 : i32
      %mul3A_431 = vector.broadcast %mul3A_430 : i32 to vector<16xi32>
      %mul3A_432 = arith.muli %get3A_429, %mul3A_431 : vector<16xi32>
      %get3A_433 = arith.index_cast %add3A_427 : i32 to index
      %get3A_434 = tpu.vector_load %arg8[%get3A_433] {strides = array<i32>} : memref<8192xi32, #tpu.memory_space<vmem>>, vector<16xi32>,
      %add3A_435 = arith.addi %mul3A_432, %get3A_434 : vector<16xi32>
      %ge3A_436 = vector.broadcast %mul3A_12 : i32 to vector<16xi32>
      %ge3A_437 = arith.cmpi sge, %add3A_435, %ge3A_436 : vector<16xi32>
      %add3A_438 = arith.constant 65536 : i32
      %add3A_439 = arith.addi %mul3A_12, %add3A_438 : i32
      %lt3A_440 = vector.broadcast %add3A_439 : i32 to vector<16xi32>
      %lt3A_441 = arith.cmpi slt, %add3A_435, %lt3A_440 : vector<16xi32>
      %and3A_442 = arith.andi %ge3A_437, %lt3A_441 : vector<16xi1>
      %sub3A_443 = vector.broadcast %mul3A_12 : i32 to vector<16xi32>
      %sub3A_444 = arith.subi %add3A_435, %sub3A_443 : vector<16xi32>
      %jit3A_445 = arith.constant 0 : i32
      %broadcast_in_dim3A_446 = vector.broadcast %jit3A_445 : i32 to vector<16xi32>
      %select_n3A_447 = arith.select %and3A_442, %sub3A_444, %broadcast_in_dim3A_446 : vector<16xi1>, vector<16xi32>
      tpu.vector_store_idx %arg12[%select_n3A_447], %broadcast_in_dim3A_5 masked %and3A_442 {add = true} : memref<65536xf32, #tpu.memory_space<vmem>>[vector<16xi32>], vector<16xf32>, vector<16xi1>
      %mul3A_448 = arith.constant 128 : i32
      %mul3A_449 = arith.muli %scan3A_406, %mul3A_448 : i32
      %add3A_450 = arith.constant 32 : i32
      %add3A_451 = arith.addi %mul3A_449, %add3A_450 : i32
      %get3A_452 = arith.index_cast %add3A_451 : i32 to index
      %get3A_453 = tpu.vector_load %arg9[%get3A_452] {strides = array<i32>} : memref<8192xi32, #tpu.memory_space<vmem>>, vector<16xi32>,
      %mul3A_454 = arith.constant 2048 : i32
      %mul3A_455 = vector.broadcast %mul3A_454 : i32 to vector<16xi32>
      %mul3A_456 = arith.muli %get3A_453, %mul3A_455 : vector<16xi32>
      %get3A_457 = arith.index_cast %add3A_451 : i32 to index
      %get3A_458 = tpu.vector_load %arg8[%get3A_457] {strides = array<i32>} : memref<8192xi32, #tpu.memory_space<vmem>>, vector<16xi32>,
      %add3A_459 = arith.addi %mul3A_456, %get3A_458 : vector<16xi32>
      %ge3A_460 = vector.broadcast %mul3A_12 : i32 to vector<16xi32>
      %ge3A_461 = arith.cmpi sge, %add3A_459, %ge3A_460 : vector<16xi32>
      %add3A_462 = arith.constant 65536 : i32
      %add3A_463 = arith.addi %mul3A_12, %add3A_462 : i32
      %lt3A_464 = vector.broadcast %add3A_463 : i32 to vector<16xi32>
      %lt3A_465 = arith.cmpi slt, %add3A_459, %lt3A_464 : vector<16xi32>
      %and3A_466 = arith.andi %ge3A_461, %lt3A_465 : vector<16xi1>
      %sub3A_467 = vector.broadcast %mul3A_12 : i32 to vector<16xi32>
      %sub3A_468 = arith.subi %add3A_459, %sub3A_467 : vector<16xi32>
      %jit3A_469 = arith.constant 0 : i32
      %broadcast_in_dim3A_470 = vector.broadcast %jit3A_469 : i32 to vector<16xi32>
      %select_n3A_471 = arith.select %and3A_466, %sub3A_468, %broadcast_in_dim3A_470 : vector<16xi1>, vector<16xi32>
      tpu.vector_store_idx %arg12[%select_n3A_471], %broadcast_in_dim3A_5 masked %and3A_466 {add = true} : memref<65536xf32, #tpu.memory_space<vmem>>[vector<16xi32>], vector<16xf32>, vector<16xi1>
      %mul3A_472 = arith.constant 128 : i32
      %mul3A_473 = arith.muli %scan3A_406, %mul3A_472 : i32
      %add3A_474 = arith.constant 48 : i32
      %add3A_475 = arith.addi %mul3A_473, %add3A_474 : i32
      %get3A_476 = arith.index_cast %add3A_475 : i32 to index
      %get3A_477 = tpu.vector_load %arg9[%get3A_476] {strides = array<i32>} : memref<8192xi32, #tpu.memory_space<vmem>>, vector<16xi32>,
      %mul3A_478 = arith.constant 2048 : i32
      %mul3A_479 = vector.broadcast %mul3A_478 : i32 to vector<16xi32>
      %mul3A_480 = arith.muli %get3A_477, %mul3A_479 : vector<16xi32>
      %get3A_481 = arith.index_cast %add3A_475 : i32 to index
      %get3A_482 = tpu.vector_load %arg8[%get3A_481] {strides = array<i32>} : memref<8192xi32, #tpu.memory_space<vmem>>, vector<16xi32>,
      %add3A_483 = arith.addi %mul3A_480, %get3A_482 : vector<16xi32>
      %ge3A_484 = vector.broadcast %mul3A_12 : i32 to vector<16xi32>
      %ge3A_485 = arith.cmpi sge, %add3A_483, %ge3A_484 : vector<16xi32>
      %add3A_486 = arith.constant 65536 : i32
      %add3A_487 = arith.addi %mul3A_12, %add3A_486 : i32
      %lt3A_488 = vector.broadcast %add3A_487 : i32 to vector<16xi32>
      %lt3A_489 = arith.cmpi slt, %add3A_483, %lt3A_488 : vector<16xi32>
      %and3A_490 = arith.andi %ge3A_485, %lt3A_489 : vector<16xi1>
      %sub3A_491 = vector.broadcast %mul3A_12 : i32 to vector<16xi32>
      %sub3A_492 = arith.subi %add3A_483, %sub3A_491 : vector<16xi32>
      %jit3A_493 = arith.constant 0 : i32
      %broadcast_in_dim3A_494 = vector.broadcast %jit3A_493 : i32 to vector<16xi32>
      %select_n3A_495 = arith.select %and3A_490, %sub3A_492, %broadcast_in_dim3A_494 : vector<16xi1>, vector<16xi32>
      tpu.vector_store_idx %arg12[%select_n3A_495], %broadcast_in_dim3A_5 masked %and3A_490 {add = true} : memref<65536xf32, #tpu.memory_space<vmem>>[vector<16xi32>], vector<16xf32>, vector<16xi1>
      %mul3A_496 = arith.constant 128 : i32
      %mul3A_497 = arith.muli %scan3A_406, %mul3A_496 : i32
      %add3A_498 = arith.constant 64 : i32
      %add3A_499 = arith.addi %mul3A_497, %add3A_498 : i32
      %get3A_500 = arith.index_cast %add3A_499 : i32 to index
      %get3A_501 = tpu.vector_load %arg9[%get3A_500] {strides = array<i32>} : memref<8192xi32, #tpu.memory_space<vmem>>, vector<16xi32>,
      %mul3A_502 = arith.constant 2048 : i32
      %mul3A_503 = vector.broadcast %mul3A_502 : i32 to vector<16xi32>
      %mul3A_504 = arith.muli %get3A_501, %mul3A_503 : vector<16xi32>
      %get3A_505 = arith.index_cast %add3A_499 : i32 to index
      %get3A_506 = tpu.vector_load %arg8[%get3A_505] {strides = array<i32>} : memref<8192xi32, #tpu.memory_space<vmem>>, vector<16xi32>,
      %add3A_507 = arith.addi %mul3A_504, %get3A_506 : vector<16xi32>
      %ge3A_508 = vector.broadcast %mul3A_12 : i32 to vector<16xi32>
      %ge3A_509 = arith.cmpi sge, %add3A_507, %ge3A_508 : vector<16xi32>
      %add3A_510 = arith.constant 65536 : i32
      %add3A_511 = arith.addi %mul3A_12, %add3A_510 : i32
      %lt3A_512 = vector.broadcast %add3A_511 : i32 to vector<16xi32>
      %lt3A_513 = arith.cmpi slt, %add3A_507, %lt3A_512 : vector<16xi32>
      %and3A_514 = arith.andi %ge3A_509, %lt3A_513 : vector<16xi1>
      %sub3A_515 = vector.broadcast %mul3A_12 : i32 to vector<16xi32>
      %sub3A_516 = arith.subi %add3A_507, %sub3A_515 : vector<16xi32>
      %jit3A_517 = arith.constant 0 : i32
      %broadcast_in_dim3A_518 = vector.broadcast %jit3A_517 : i32 to vector<16xi32>
      %select_n3A_519 = arith.select %and3A_514, %sub3A_516, %broadcast_in_dim3A_518 : vector<16xi1>, vector<16xi32>
      tpu.vector_store_idx %arg12[%select_n3A_519], %broadcast_in_dim3A_5 masked %and3A_514 {add = true} : memref<65536xf32, #tpu.memory_space<vmem>>[vector<16xi32>], vector<16xf32>, vector<16xi1>
      %mul3A_520 = arith.constant 128 : i32
      %mul3A_521 = arith.muli %scan3A_406, %mul3A_520 : i32
      %add3A_522 = arith.constant 80 : i32
      %add3A_523 = arith.addi %mul3A_521, %add3A_522 : i32
      %get3A_524 = arith.index_cast %add3A_523 : i32 to index
      %get3A_525 = tpu.vector_load %arg9[%get3A_524] {strides = array<i32>} : memref<8192xi32, #tpu.memory_space<vmem>>, vector<16xi32>,
      %mul3A_526 = arith.constant 2048 : i32
      %mul3A_527 = vector.broadcast %mul3A_526 : i32 to vector<16xi32>
      %mul3A_528 = arith.muli %get3A_525, %mul3A_527 : vector<16xi32>
      %get3A_529 = arith.index_cast %add3A_523 : i32 to index
      %get3A_530 = tpu.vector_load %arg8[%get3A_529] {strides = array<i32>} : memref<8192xi32, #tpu.memory_space<vmem>>, vector<16xi32>,
      %add3A_531 = arith.addi %mul3A_528, %get3A_530 : vector<16xi32>
      %ge3A_532 = vector.broadcast %mul3A_12 : i32 to vector<16xi32>
      %ge3A_533 = arith.cmpi sge, %add3A_531, %ge3A_532 : vector<16xi32>
      %add3A_534 = arith.constant 65536 : i32
      %add3A_535 = arith.addi %mul3A_12, %add3A_534 : i32
      %lt3A_536 = vector.broadcast %add3A_535 : i32 to vector<16xi32>
      %lt3A_537 = arith.cmpi slt, %add3A_531, %lt3A_536 : vector<16xi32>
      %and3A_538 = arith.andi %ge3A_533, %lt3A_537 : vector<16xi1>
      %sub3A_539 = vector.broadcast %mul3A_12 : i32 to vector<16xi32>
      %sub3A_540 = arith.subi %add3A_531, %sub3A_539 : vector<16xi32>
      %jit3A_541 = arith.constant 0 : i32
      %broadcast_in_dim3A_542 = vector.broadcast %jit3A_541 : i32 to vector<16xi32>
      %select_n3A_543 = arith.select %and3A_538, %sub3A_540, %broadcast_in_dim3A_542 : vector<16xi1>, vector<16xi32>
      tpu.vector_store_idx %arg12[%select_n3A_543], %broadcast_in_dim3A_5 masked %and3A_538 {add = true} : memref<65536xf32, #tpu.memory_space<vmem>>[vector<16xi32>], vector<16xf32>, vector<16xi1>
      %mul3A_544 = arith.constant 128 : i32
      %mul3A_545 = arith.muli %scan3A_406, %mul3A_544 : i32
      %add3A_546 = arith.constant 96 : i32
      %add3A_547 = arith.addi %mul3A_545, %add3A_546 : i32
      %get3A_548 = arith.index_cast %add3A_547 : i32 to index
      %get3A_549 = tpu.vector_load %arg9[%get3A_548] {strides = array<i32>} : memref<8192xi32, #tpu.memory_space<vmem>>, vector<16xi32>,
      %mul3A_550 = arith.constant 2048 : i32
      %mul3A_551 = vector.broadcast %mul3A_550 : i32 to vector<16xi32>
      %mul3A_552 = arith.muli %get3A_549, %mul3A_551 : vector<16xi32>
      %get3A_553 = arith.index_cast %add3A_547 : i32 to index
      %get3A_554 = tpu.vector_load %arg8[%get3A_553] {strides = array<i32>} : memref<8192xi32, #tpu.memory_space<vmem>>, vector<16xi32>,
      %add3A_555 = arith.addi %mul3A_552, %get3A_554 : vector<16xi32>
      %ge3A_556 = vector.broadcast %mul3A_12 : i32 to vector<16xi32>
      %ge3A_557 = arith.cmpi sge, %add3A_555, %ge3A_556 : vector<16xi32>
      %add3A_558 = arith.constant 65536 : i32
      %add3A_559 = arith.addi %mul3A_12, %add3A_558 : i32
      %lt3A_560 = vector.broadcast %add3A_559 : i32 to vector<16xi32>
      %lt3A_561 = arith.cmpi slt, %add3A_555, %lt3A_560 : vector<16xi32>
      %and3A_562 = arith.andi %ge3A_557, %lt3A_561 : vector<16xi1>
      %sub3A_563 = vector.broadcast %mul3A_12 : i32 to vector<16xi32>
      %sub3A_564 = arith.subi %add3A_555, %sub3A_563 : vector<16xi32>
      %jit3A_565 = arith.constant 0 : i32
      %broadcast_in_dim3A_566 = vector.broadcast %jit3A_565 : i32 to vector<16xi32>
      %select_n3A_567 = arith.select %and3A_562, %sub3A_564, %broadcast_in_dim3A_566 : vector<16xi1>, vector<16xi32>
      tpu.vector_store_idx %arg12[%select_n3A_567], %broadcast_in_dim3A_5 masked %and3A_562 {add = true} : memref<65536xf32, #tpu.memory_space<vmem>>[vector<16xi32>], vector<16xf32>, vector<16xi1>
      %mul3A_568 = arith.constant 128 : i32
      %mul3A_569 = arith.muli %scan3A_406, %mul3A_568 : i32
      %add3A_570 = arith.constant 112 : i32
      %add3A_571 = arith.addi %mul3A_569, %add3A_570 : i32
      %get3A_572 = arith.index_cast %add3A_571 : i32 to index
      %get3A_573 = tpu.vector_load %arg9[%get3A_572] {strides = array<i32>} : memref<8192xi32, #tpu.memory_space<vmem>>, vector<16xi32>,
      %mul3A_574 = arith.constant 2048 : i32
      %mul3A_575 = vector.broadcast %mul3A_574 : i32 to vector<16xi32>
      %mul3A_576 = arith.muli %get3A_573, %mul3A_575 : vector<16xi32>
      %get3A_577 = arith.index_cast %add3A_571 : i32 to index
      %get3A_578 = tpu.vector_load %arg8[%get3A_577] {strides = array<i32>} : memref<8192xi32, #tpu.memory_space<vmem>>, vector<16xi32>,
      %add3A_579 = arith.addi %mul3A_576, %get3A_578 : vector<16xi32>
      %ge3A_580 = vector.broadcast %mul3A_12 : i32 to vector<16xi32>
      %ge3A_581 = arith.cmpi sge, %add3A_579, %ge3A_580 : vector<16xi32>
      %add3A_582 = arith.constant 65536 : i32
      %add3A_583 = arith.addi %mul3A_12, %add3A_582 : i32
      %lt3A_584 = vector.broadcast %add3A_583 : i32 to vector<16xi32>
      %lt3A_585 = arith.cmpi slt, %add3A_579, %lt3A_584 : vector<16xi32>
      %and3A_586 = arith.andi %ge3A_581, %lt3A_585 : vector<16xi1>
      %sub3A_587 = vector.broadcast %mul3A_12 : i32 to vector<16xi32>
      %sub3A_588 = arith.subi %add3A_579, %sub3A_587 : vector<16xi32>
      %jit3A_589 = arith.constant 0 : i32
      %broadcast_in_dim3A_590 = vector.broadcast %jit3A_589 : i32 to vector<16xi32>
      %select_n3A_591 = arith.select %and3A_586, %sub3A_588, %broadcast_in_dim3A_590 : vector<16xi1>, vector<16xi32>
      tpu.vector_store_idx %arg12[%select_n3A_591], %broadcast_in_dim3A_5 masked %and3A_586 {add = true} : memref<65536xf32, #tpu.memory_space<vmem>>[vector<16xi32>], vector<16xf32>, vector<16xi1>
    }
    %scan3A_89 = arith.constant 64 : i32
    %dma_wait3A_90 = arith.constant 24576 : i32
    %dma_wait3A_91 = tpu.memref_slice %arg13[%dma_wait3A_90] : memref<32768xi32, #tpu.memory_space<vmem_shared>> -> memref<8192xi32, #tpu.memory_space<vmem_shared>>
    %dma_wait3A_92 = arith.constant 24576 : i32
    %dma_wait3A_93 = tpu.memref_slice %arg13[%dma_wait3A_92] : memref<32768xi32, #tpu.memory_space<vmem_shared>> -> memref<8192xi32, #tpu.memory_space<vmem_shared>>
    tpu.wait_dma2 semaphore(%arg17 : memref<!tpu.dma_semaphore, #tpu.memory_space<semaphore_mem>>) src(%dma_wait3A_93 : memref<8192xi32, #tpu.memory_space<vmem_shared>>) dst(%arg10 : memref<8192xi32, #tpu.memory_space<vmem>>)
    %dma_wait3A_94 = arith.constant 24576 : i32
    %dma_wait3A_95 = tpu.memref_slice %arg14[%dma_wait3A_94] : memref<32768xi32, #tpu.memory_space<vmem_shared>> -> memref<8192xi32, #tpu.memory_space<vmem_shared>>
    %dma_wait3A_96 = arith.constant 24576 : i32
    %dma_wait3A_97 = tpu.memref_slice %arg14[%dma_wait3A_96] : memref<32768xi32, #tpu.memory_space<vmem_shared>> -> memref<8192xi32, #tpu.memory_space<vmem_shared>>
    tpu.wait_dma2 semaphore(%arg18 : memref<!tpu.dma_semaphore, #tpu.memory_space<semaphore_mem>>) src(%dma_wait3A_97 : memref<8192xi32, #tpu.memory_space<vmem_shared>>) dst(%arg11 : memref<8192xi32, #tpu.memory_space<vmem>>)
    %scan3A_98 = arith.constant 0 : i32
    %scan3A_99 = arith.constant 0 : i32
    %scan3A_100 = arith.constant 64 : i32
    %scan3A_101 = arith.addi %scan3A_99, %scan3A_100 : i32
    %scan3A_102 = arith.constant 1 : i32
    scf.for %scan3A_406 = %scan3A_99 to %scan3A_101 step %scan3A_102  : i32 {
      %mul3A_407 = arith.constant 128 : i32
      %mul3A_408 = arith.muli %scan3A_406, %mul3A_407 : i32
      %add3A_409 = arith.constant 0 : i32
      %add3A_410 = arith.addi %mul3A_408, %add3A_409 : i32
      %get3A = arith.index_cast %add3A_410 : i32 to index
      %get3A_411 = tpu.vector_load %arg11[%get3A] {strides = array<i32>} : memref<8192xi32, #tpu.memory_space<vmem>>, vector<16xi32>,
      %mul3A_412 = arith.constant 2048 : i32
      %mul3A_413 = vector.broadcast %mul3A_412 : i32 to vector<16xi32>
      %mul3A_414 = arith.muli %get3A_411, %mul3A_413 : vector<16xi32>
      %get3A_415 = arith.index_cast %add3A_410 : i32 to index
      %get3A_416 = tpu.vector_load %arg10[%get3A_415] {strides = array<i32>} : memref<8192xi32, #tpu.memory_space<vmem>>, vector<16xi32>,
      %add3A_417 = arith.addi %mul3A_414, %get3A_416 : vector<16xi32>
      %ge3A = vector.broadcast %mul3A_12 : i32 to vector<16xi32>
      %ge3A_418 = arith.cmpi sge, %add3A_417, %ge3A : vector<16xi32>
      %add3A_419 = arith.constant 65536 : i32
      %add3A_420 = arith.addi %mul3A_12, %add3A_419 : i32
      %lt3A = vector.broadcast %add3A_420 : i32 to vector<16xi32>
      %lt3A_421 = arith.cmpi slt, %add3A_417, %lt3A : vector<16xi32>
      %and3A = arith.andi %ge3A_418, %lt3A_421 : vector<16xi1>
      %sub3A = vector.broadcast %mul3A_12 : i32 to vector<16xi32>
      %sub3A_422 = arith.subi %add3A_417, %sub3A : vector<16xi32>
      %jit3A = arith.constant 0 : i32
      %broadcast_in_dim3A_423 = vector.broadcast %jit3A : i32 to vector<16xi32>
      %select_n3A = arith.select %and3A, %sub3A_422, %broadcast_in_dim3A_423 : vector<16xi1>, vector<16xi32>
      tpu.vector_store_idx %arg12[%select_n3A], %broadcast_in_dim3A_5 masked %and3A {add = true} : memref<65536xf32, #tpu.memory_space<vmem>>[vector<16xi32>], vector<16xf32>, vector<16xi1>
      %mul3A_424 = arith.constant 128 : i32
      %mul3A_425 = arith.muli %scan3A_406, %mul3A_424 : i32
      %add3A_426 = arith.constant 16 : i32
      %add3A_427 = arith.addi %mul3A_425, %add3A_426 : i32
      %get3A_428 = arith.index_cast %add3A_427 : i32 to index
      %get3A_429 = tpu.vector_load %arg11[%get3A_428] {strides = array<i32>} : memref<8192xi32, #tpu.memory_space<vmem>>, vector<16xi32>,
      %mul3A_430 = arith.constant 2048 : i32
      %mul3A_431 = vector.broadcast %mul3A_430 : i32 to vector<16xi32>
      %mul3A_432 = arith.muli %get3A_429, %mul3A_431 : vector<16xi32>
      %get3A_433 = arith.index_cast %add3A_427 : i32 to index
      %get3A_434 = tpu.vector_load %arg10[%get3A_433] {strides = array<i32>} : memref<8192xi32, #tpu.memory_space<vmem>>, vector<16xi32>,
      %add3A_435 = arith.addi %mul3A_432, %get3A_434 : vector<16xi32>
      %ge3A_436 = vector.broadcast %mul3A_12 : i32 to vector<16xi32>
      %ge3A_437 = arith.cmpi sge, %add3A_435, %ge3A_436 : vector<16xi32>
      %add3A_438 = arith.constant 65536 : i32
      %add3A_439 = arith.addi %mul3A_12, %add3A_438 : i32
      %lt3A_440 = vector.broadcast %add3A_439 : i32 to vector<16xi32>
      %lt3A_441 = arith.cmpi slt, %add3A_435, %lt3A_440 : vector<16xi32>
      %and3A_442 = arith.andi %ge3A_437, %lt3A_441 : vector<16xi1>
      %sub3A_443 = vector.broadcast %mul3A_12 : i32 to vector<16xi32>
      %sub3A_444 = arith.subi %add3A_435, %sub3A_443 : vector<16xi32>
      %jit3A_445 = arith.constant 0 : i32
      %broadcast_in_dim3A_446 = vector.broadcast %jit3A_445 : i32 to vector<16xi32>
      %select_n3A_447 = arith.select %and3A_442, %sub3A_444, %broadcast_in_dim3A_446 : vector<16xi1>, vector<16xi32>
      tpu.vector_store_idx %arg12[%select_n3A_447], %broadcast_in_dim3A_5 masked %and3A_442 {add = true} : memref<65536xf32, #tpu.memory_space<vmem>>[vector<16xi32>], vector<16xf32>, vector<16xi1>
      %mul3A_448 = arith.constant 128 : i32
      %mul3A_449 = arith.muli %scan3A_406, %mul3A_448 : i32
      %add3A_450 = arith.constant 32 : i32
      %add3A_451 = arith.addi %mul3A_449, %add3A_450 : i32
      %get3A_452 = arith.index_cast %add3A_451 : i32 to index
      %get3A_453 = tpu.vector_load %arg11[%get3A_452] {strides = array<i32>} : memref<8192xi32, #tpu.memory_space<vmem>>, vector<16xi32>,
      %mul3A_454 = arith.constant 2048 : i32
      %mul3A_455 = vector.broadcast %mul3A_454 : i32 to vector<16xi32>
      %mul3A_456 = arith.muli %get3A_453, %mul3A_455 : vector<16xi32>
      %get3A_457 = arith.index_cast %add3A_451 : i32 to index
      %get3A_458 = tpu.vector_load %arg10[%get3A_457] {strides = array<i32>} : memref<8192xi32, #tpu.memory_space<vmem>>, vector<16xi32>,
      %add3A_459 = arith.addi %mul3A_456, %get3A_458 : vector<16xi32>
      %ge3A_460 = vector.broadcast %mul3A_12 : i32 to vector<16xi32>
      %ge3A_461 = arith.cmpi sge, %add3A_459, %ge3A_460 : vector<16xi32>
      %add3A_462 = arith.constant 65536 : i32
      %add3A_463 = arith.addi %mul3A_12, %add3A_462 : i32
      %lt3A_464 = vector.broadcast %add3A_463 : i32 to vector<16xi32>
      %lt3A_465 = arith.cmpi slt, %add3A_459, %lt3A_464 : vector<16xi32>
      %and3A_466 = arith.andi %ge3A_461, %lt3A_465 : vector<16xi1>
      %sub3A_467 = vector.broadcast %mul3A_12 : i32 to vector<16xi32>
      %sub3A_468 = arith.subi %add3A_459, %sub3A_467 : vector<16xi32>
      %jit3A_469 = arith.constant 0 : i32
      %broadcast_in_dim3A_470 = vector.broadcast %jit3A_469 : i32 to vector<16xi32>
      %select_n3A_471 = arith.select %and3A_466, %sub3A_468, %broadcast_in_dim3A_470 : vector<16xi1>, vector<16xi32>
      tpu.vector_store_idx %arg12[%select_n3A_471], %broadcast_in_dim3A_5 masked %and3A_466 {add = true} : memref<65536xf32, #tpu.memory_space<vmem>>[vector<16xi32>], vector<16xf32>, vector<16xi1>
      %mul3A_472 = arith.constant 128 : i32
      %mul3A_473 = arith.muli %scan3A_406, %mul3A_472 : i32
      %add3A_474 = arith.constant 48 : i32
      %add3A_475 = arith.addi %mul3A_473, %add3A_474 : i32
      %get3A_476 = arith.index_cast %add3A_475 : i32 to index
      %get3A_477 = tpu.vector_load %arg11[%get3A_476] {strides = array<i32>} : memref<8192xi32, #tpu.memory_space<vmem>>, vector<16xi32>,
      %mul3A_478 = arith.constant 2048 : i32
      %mul3A_479 = vector.broadcast %mul3A_478 : i32 to vector<16xi32>
      %mul3A_480 = arith.muli %get3A_477, %mul3A_479 : vector<16xi32>
      %get3A_481 = arith.index_cast %add3A_475 : i32 to index
      %get3A_482 = tpu.vector_load %arg10[%get3A_481] {strides = array<i32>} : memref<8192xi32, #tpu.memory_space<vmem>>, vector<16xi32>,
      %add3A_483 = arith.addi %mul3A_480, %get3A_482 : vector<16xi32>
      %ge3A_484 = vector.broadcast %mul3A_12 : i32 to vector<16xi32>
      %ge3A_485 = arith.cmpi sge, %add3A_483, %ge3A_484 : vector<16xi32>
      %add3A_486 = arith.constant 65536 : i32
      %add3A_487 = arith.addi %mul3A_12, %add3A_486 : i32
      %lt3A_488 = vector.broadcast %add3A_487 : i32 to vector<16xi32>
      %lt3A_489 = arith.cmpi slt, %add3A_483, %lt3A_488 : vector<16xi32>
      %and3A_490 = arith.andi %ge3A_485, %lt3A_489 : vector<16xi1>
      %sub3A_491 = vector.broadcast %mul3A_12 : i32 to vector<16xi32>
      %sub3A_492 = arith.subi %add3A_483, %sub3A_491 : vector<16xi32>
      %jit3A_493 = arith.constant 0 : i32
      %broadcast_in_dim3A_494 = vector.broadcast %jit3A_493 : i32 to vector<16xi32>
      %select_n3A_495 = arith.select %and3A_490, %sub3A_492, %broadcast_in_dim3A_494 : vector<16xi1>, vector<16xi32>
      tpu.vector_store_idx %arg12[%select_n3A_495], %broadcast_in_dim3A_5 masked %and3A_490 {add = true} : memref<65536xf32, #tpu.memory_space<vmem>>[vector<16xi32>], vector<16xf32>, vector<16xi1>
      %mul3A_496 = arith.constant 128 : i32
      %mul3A_497 = arith.muli %scan3A_406, %mul3A_496 : i32
      %add3A_498 = arith.constant 64 : i32
      %add3A_499 = arith.addi %mul3A_497, %add3A_498 : i32
      %get3A_500 = arith.index_cast %add3A_499 : i32 to index
      %get3A_501 = tpu.vector_load %arg11[%get3A_500] {strides = array<i32>} : memref<8192xi32, #tpu.memory_space<vmem>>, vector<16xi32>,
      %mul3A_502 = arith.constant 2048 : i32
      %mul3A_503 = vector.broadcast %mul3A_502 : i32 to vector<16xi32>
      %mul3A_504 = arith.muli %get3A_501, %mul3A_503 : vector<16xi32>
      %get3A_505 = arith.index_cast %add3A_499 : i32 to index
      %get3A_506 = tpu.vector_load %arg10[%get3A_505] {strides = array<i32>} : memref<8192xi32, #tpu.memory_space<vmem>>, vector<16xi32>,
      %add3A_507 = arith.addi %mul3A_504, %get3A_506 : vector<16xi32>
      %ge3A_508 = vector.broadcast %mul3A_12 : i32 to vector<16xi32>
      %ge3A_509 = arith.cmpi sge, %add3A_507, %ge3A_508 : vector<16xi32>
      %add3A_510 = arith.constant 65536 : i32
      %add3A_511 = arith.addi %mul3A_12, %add3A_510 : i32
      %lt3A_512 = vector.broadcast %add3A_511 : i32 to vector<16xi32>
      %lt3A_513 = arith.cmpi slt, %add3A_507, %lt3A_512 : vector<16xi32>
      %and3A_514 = arith.andi %ge3A_509, %lt3A_513 : vector<16xi1>
      %sub3A_515 = vector.broadcast %mul3A_12 : i32 to vector<16xi32>
      %sub3A_516 = arith.subi %add3A_507, %sub3A_515 : vector<16xi32>
      %jit3A_517 = arith.constant 0 : i32
      %broadcast_in_dim3A_518 = vector.broadcast %jit3A_517 : i32 to vector<16xi32>
      %select_n3A_519 = arith.select %and3A_514, %sub3A_516, %broadcast_in_dim3A_518 : vector<16xi1>, vector<16xi32>
      tpu.vector_store_idx %arg12[%select_n3A_519], %broadcast_in_dim3A_5 masked %and3A_514 {add = true} : memref<65536xf32, #tpu.memory_space<vmem>>[vector<16xi32>], vector<16xf32>, vector<16xi1>
      %mul3A_520 = arith.constant 128 : i32
      %mul3A_521 = arith.muli %scan3A_406, %mul3A_520 : i32
      %add3A_522 = arith.constant 80 : i32
      %add3A_523 = arith.addi %mul3A_521, %add3A_522 : i32
      %get3A_524 = arith.index_cast %add3A_523 : i32 to index
      %get3A_525 = tpu.vector_load %arg11[%get3A_524] {strides = array<i32>} : memref<8192xi32, #tpu.memory_space<vmem>>, vector<16xi32>,
      %mul3A_526 = arith.constant 2048 : i32
      %mul3A_527 = vector.broadcast %mul3A_526 : i32 to vector<16xi32>
      %mul3A_528 = arith.muli %get3A_525, %mul3A_527 : vector<16xi32>
      %get3A_529 = arith.index_cast %add3A_523 : i32 to index
      %get3A_530 = tpu.vector_load %arg10[%get3A_529] {strides = array<i32>} : memref<8192xi32, #tpu.memory_space<vmem>>, vector<16xi32>,
      %add3A_531 = arith.addi %mul3A_528, %get3A_530 : vector<16xi32>
      %ge3A_532 = vector.broadcast %mul3A_12 : i32 to vector<16xi32>
      %ge3A_533 = arith.cmpi sge, %add3A_531, %ge3A_532 : vector<16xi32>
      %add3A_534 = arith.constant 65536 : i32
      %add3A_535 = arith.addi %mul3A_12, %add3A_534 : i32
      %lt3A_536 = vector.broadcast %add3A_535 : i32 to vector<16xi32>
      %lt3A_537 = arith.cmpi slt, %add3A_531, %lt3A_536 : vector<16xi32>
      %and3A_538 = arith.andi %ge3A_533, %lt3A_537 : vector<16xi1>
      %sub3A_539 = vector.broadcast %mul3A_12 : i32 to vector<16xi32>
      %sub3A_540 = arith.subi %add3A_531, %sub3A_539 : vector<16xi32>
      %jit3A_541 = arith.constant 0 : i32
      %broadcast_in_dim3A_542 = vector.broadcast %jit3A_541 : i32 to vector<16xi32>
      %select_n3A_543 = arith.select %and3A_538, %sub3A_540, %broadcast_in_dim3A_542 : vector<16xi1>, vector<16xi32>
      tpu.vector_store_idx %arg12[%select_n3A_543], %broadcast_in_dim3A_5 masked %and3A_538 {add = true} : memref<65536xf32, #tpu.memory_space<vmem>>[vector<16xi32>], vector<16xf32>, vector<16xi1>
      %mul3A_544 = arith.constant 128 : i32
      %mul3A_545 = arith.muli %scan3A_406, %mul3A_544 : i32
      %add3A_546 = arith.constant 96 : i32
      %add3A_547 = arith.addi %mul3A_545, %add3A_546 : i32
      %get3A_548 = arith.index_cast %add3A_547 : i32 to index
      %get3A_549 = tpu.vector_load %arg11[%get3A_548] {strides = array<i32>} : memref<8192xi32, #tpu.memory_space<vmem>>, vector<16xi32>,
      %mul3A_550 = arith.constant 2048 : i32
      %mul3A_551 = vector.broadcast %mul3A_550 : i32 to vector<16xi32>
      %mul3A_552 = arith.muli %get3A_549, %mul3A_551 : vector<16xi32>
      %get3A_553 = arith.index_cast %add3A_547 : i32 to index
      %get3A_554 = tpu.vector_load %arg10[%get3A_553] {strides = array<i32>} : memref<8192xi32, #tpu.memory_space<vmem>>, vector<16xi32>,
      %add3A_555 = arith.addi %mul3A_552, %get3A_554 : vector<16xi32>
      %ge3A_556 = vector.broadcast %mul3A_12 : i32 to vector<16xi32>
      %ge3A_557 = arith.cmpi sge, %add3A_555, %ge3A_556 : vector<16xi32>
      %add3A_558 = arith.constant 65536 : i32
      %add3A_559 = arith.addi %mul3A_12, %add3A_558 : i32
      %lt3A_560 = vector.broadcast %add3A_559 : i32 to vector<16xi32>
      %lt3A_561 = arith.cmpi slt, %add3A_555, %lt3A_560 : vector<16xi32>
      %and3A_562 = arith.andi %ge3A_557, %lt3A_561 : vector<16xi1>
      %sub3A_563 = vector.broadcast %mul3A_12 : i32 to vector<16xi32>
      %sub3A_564 = arith.subi %add3A_555, %sub3A_563 : vector<16xi32>
      %jit3A_565 = arith.constant 0 : i32
      %broadcast_in_dim3A_566 = vector.broadcast %jit3A_565 : i32 to vector<16xi32>
      %select_n3A_567 = arith.select %and3A_562, %sub3A_564, %broadcast_in_dim3A_566 : vector<16xi1>, vector<16xi32>
      tpu.vector_store_idx %arg12[%select_n3A_567], %broadcast_in_dim3A_5 masked %and3A_562 {add = true} : memref<65536xf32, #tpu.memory_space<vmem>>[vector<16xi32>], vector<16xf32>, vector<16xi1>
      %mul3A_568 = arith.constant 128 : i32
      %mul3A_569 = arith.muli %scan3A_406, %mul3A_568 : i32
      %add3A_570 = arith.constant 112 : i32
      %add3A_571 = arith.addi %mul3A_569, %add3A_570 : i32
      %get3A_572 = arith.index_cast %add3A_571 : i32 to index
      %get3A_573 = tpu.vector_load %arg11[%get3A_572] {strides = array<i32>} : memref<8192xi32, #tpu.memory_space<vmem>>, vector<16xi32>,
      %mul3A_574 = arith.constant 2048 : i32
      %mul3A_575 = vector.broadcast %mul3A_574 : i32 to vector<16xi32>
      %mul3A_576 = arith.muli %get3A_573, %mul3A_575 : vector<16xi32>
      %get3A_577 = arith.index_cast %add3A_571 : i32 to index
      %get3A_578 = tpu.vector_load %arg10[%get3A_577] {strides = array<i32>} : memref<8192xi32, #tpu.memory_space<vmem>>, vector<16xi32>,
      %add3A_579 = arith.addi %mul3A_576, %get3A_578 : vector<16xi32>
      %ge3A_580 = vector.broadcast %mul3A_12 : i32 to vector<16xi32>
      %ge3A_581 = arith.cmpi sge, %add3A_579, %ge3A_580 : vector<16xi32>
      %add3A_582 = arith.constant 65536 : i32
      %add3A_583 = arith.addi %mul3A_12, %add3A_582 : i32
      %lt3A_584 = vector.broadcast %add3A_583 : i32 to vector<16xi32>
      %lt3A_585 = arith.cmpi slt, %add3A_579, %lt3A_584 : vector<16xi32>
      %and3A_586 = arith.andi %ge3A_581, %lt3A_585 : vector<16xi1>
      %sub3A_587 = vector.broadcast %mul3A_12 : i32 to vector<16xi32>
      %sub3A_588 = arith.subi %add3A_579, %sub3A_587 : vector<16xi32>
      %jit3A_589 = arith.constant 0 : i32
      %broadcast_in_dim3A_590 = vector.broadcast %jit3A_589 : i32 to vector<16xi32>
      %select_n3A_591 = arith.select %and3A_586, %sub3A_588, %broadcast_in_dim3A_590 : vector<16xi1>, vector<16xi32>
      tpu.vector_store_idx %arg12[%select_n3A_591], %broadcast_in_dim3A_5 masked %and3A_586 {add = true} : memref<65536xf32, #tpu.memory_space<vmem>>[vector<16xi32>], vector<16xf32>, vector<16xi1>
    }
    %scan3A_103 = arith.constant 64 : i32
    "tpu.region"() ({
      %run_scoped3A = tpu.sem_alloc : memref<!tpu.dma_semaphore, #tpu.memory_space<semaphore_mem>>
      %dma_start3A_406 = tpu.memref_slice %arg6[%mul3A_12] : memref<4194304xf32, #tpu.memory_space<hbm>> -> memref<65536xf32, #tpu.memory_space<hbm>>
      %dma_start3A_407 = tpu.memref_slice %arg6[%mul3A_12] : memref<4194304xf32, #tpu.memory_space<hbm>> -> memref<65536xf32, #tpu.memory_space<hbm>>
      tpu.enqueue_dma source(%arg12 : memref<65536xf32, #tpu.memory_space<vmem>>) target(%dma_start3A_407 : memref<65536xf32, #tpu.memory_space<hbm>>) target_semaphore(%run_scoped3A : memref<!tpu.dma_semaphore, #tpu.memory_space<semaphore_mem>>)
      %dma_wait3A_408 = tpu.memref_slice %arg6[%mul3A_12] : memref<4194304xf32, #tpu.memory_space<hbm>> -> memref<65536xf32, #tpu.memory_space<hbm>>
      %dma_wait3A_409 = tpu.memref_slice %arg6[%mul3A_12] : memref<4194304xf32, #tpu.memory_space<hbm>> -> memref<65536xf32, #tpu.memory_space<hbm>>
      tpu.wait_dma2 semaphore(%run_scoped3A : memref<!tpu.dma_semaphore, #tpu.memory_space<semaphore_mem>>) src(%arg12 : memref<65536xf32, #tpu.memory_space<vmem>>) dst(%dma_wait3A_409 : memref<65536xf32, #tpu.memory_space<hbm>>)
      tpu.yield
    }) : () -> ()
    %mul3A_104 = arith.constant 2 : i32
    %mul3A_105 = arith.muli %mul3A_104, %add3A : i32
    %add3A_106 = arith.constant 1 : i32
    %add3A_107 = arith.addi %mul3A_105, %add3A_106 : i32
    %mul3A_108 = arith.constant 65536 : i32
    %mul3A_109 = arith.muli %add3A_107, %mul3A_108 : i32
    %scan3A_110 = arith.constant 0 : i32
    %scan3A_111 = arith.constant 0 : i32
    %scan3A_112 = arith.constant 512 : i32
    %scan3A_113 = arith.addi %scan3A_111, %scan3A_112 : i32
    %scan3A_114 = arith.constant 1 : i32
    scf.for %scan3A_406 = %scan3A_111 to %scan3A_113 step %scan3A_114  : i32 {
      %mul3A_407 = arith.constant 128 : i32
      %mul3A_408 = arith.muli %scan3A_406, %mul3A_407 : i32
      %add3A_409 = arith.constant 0 : i32
      %add3A_410 = arith.addi %mul3A_408, %add3A_409 : i32
      %swap3A = arith.index_cast %add3A_410 : i32 to index
      %swap3A_411 = tpu.vector_load %arg12[%swap3A] {strides = array<i32>} : memref<65536xf32, #tpu.memory_space<vmem>>, vector<16xf32>,
      tpu.vector_store %arg12[%swap3A], %broadcast_in_dim3A_3 {strides = array<i32>} : memref<65536xf32, #tpu.memory_space<vmem>>, vector<16xf32>,
      %mul3A_412 = arith.constant 128 : i32
      %mul3A_413 = arith.muli %scan3A_406, %mul3A_412 : i32
      %add3A_414 = arith.constant 16 : i32
      %add3A_415 = arith.addi %mul3A_413, %add3A_414 : i32
      %swap3A_416 = arith.index_cast %add3A_415 : i32 to index
      %swap3A_417 = tpu.vector_load %arg12[%swap3A_416] {strides = array<i32>} : memref<65536xf32, #tpu.memory_space<vmem>>, vector<16xf32>,
      tpu.vector_store %arg12[%swap3A_416], %broadcast_in_dim3A_3 {strides = array<i32>} : memref<65536xf32, #tpu.memory_space<vmem>>, vector<16xf32>,
      %mul3A_418 = arith.constant 128 : i32
      %mul3A_419 = arith.muli %scan3A_406, %mul3A_418 : i32
      %add3A_420 = arith.constant 32 : i32
      %add3A_421 = arith.addi %mul3A_419, %add3A_420 : i32
      %swap3A_422 = arith.index_cast %add3A_421 : i32 to index
      %swap3A_423 = tpu.vector_load %arg12[%swap3A_422] {strides = array<i32>} : memref<65536xf32, #tpu.memory_space<vmem>>, vector<16xf32>,
      tpu.vector_store %arg12[%swap3A_422], %broadcast_in_dim3A_3 {strides = array<i32>} : memref<65536xf32, #tpu.memory_space<vmem>>, vector<16xf32>,
      %mul3A_424 = arith.constant 128 : i32
      %mul3A_425 = arith.muli %scan3A_406, %mul3A_424 : i32
      %add3A_426 = arith.constant 48 : i32
      %add3A_427 = arith.addi %mul3A_425, %add3A_426 : i32
      %swap3A_428 = arith.index_cast %add3A_427 : i32 to index
      %swap3A_429 = tpu.vector_load %arg12[%swap3A_428] {strides = array<i32>} : memref<65536xf32, #tpu.memory_space<vmem>>, vector<16xf32>,
      tpu.vector_store %arg12[%swap3A_428], %broadcast_in_dim3A_3 {strides = array<i32>} : memref<65536xf32, #tpu.memory_space<vmem>>, vector<16xf32>,
      %mul3A_430 = arith.constant 128 : i32
      %mul3A_431 = arith.muli %scan3A_406, %mul3A_430 : i32
      %add3A_432 = arith.constant 64 : i32
      %add3A_433 = arith.addi %mul3A_431, %add3A_432 : i32
      %swap3A_434 = arith.index_cast %add3A_433 : i32 to index
      %swap3A_435 = tpu.vector_load %arg12[%swap3A_434] {strides = array<i32>} : memref<65536xf32, #tpu.memory_space<vmem>>, vector<16xf32>,
      tpu.vector_store %arg12[%swap3A_434], %broadcast_in_dim3A_3 {strides = array<i32>} : memref<65536xf32, #tpu.memory_space<vmem>>, vector<16xf32>,
      %mul3A_436 = arith.constant 128 : i32
      %mul3A_437 = arith.muli %scan3A_406, %mul3A_436 : i32
      %add3A_438 = arith.constant 80 : i32
      %add3A_439 = arith.addi %mul3A_437, %add3A_438 : i32
      %swap3A_440 = arith.index_cast %add3A_439 : i32 to index
      %swap3A_441 = tpu.vector_load %arg12[%swap3A_440] {strides = array<i32>} : memref<65536xf32, #tpu.memory_space<vmem>>, vector<16xf32>,
      tpu.vector_store %arg12[%swap3A_440], %broadcast_in_dim3A_3 {strides = array<i32>} : memref<65536xf32, #tpu.memory_space<vmem>>, vector<16xf32>,
      %mul3A_442 = arith.constant 128 : i32
      %mul3A_443 = arith.muli %scan3A_406, %mul3A_442 : i32
      %add3A_444 = arith.constant 96 : i32
      %add3A_445 = arith.addi %mul3A_443, %add3A_444 : i32
      %swap3A_446 = arith.index_cast %add3A_445 : i32 to index
      %swap3A_447 = tpu.vector_load %arg12[%swap3A_446] {strides = array<i32>} : memref<65536xf32, #tpu.memory_space<vmem>>, vector<16xf32>,
      tpu.vector_store %arg12[%swap3A_446], %broadcast_in_dim3A_3 {strides = array<i32>} : memref<65536xf32, #tpu.memory_space<vmem>>, vector<16xf32>,
      %mul3A_448 = arith.constant 128 : i32
      %mul3A_449 = arith.muli %scan3A_406, %mul3A_448 : i32
      %add3A_450 = arith.constant 112 : i32
      %add3A_451 = arith.addi %mul3A_449, %add3A_450 : i32
      %swap3A_452 = arith.index_cast %add3A_451 : i32 to index
      %swap3A_453 = tpu.vector_load %arg12[%swap3A_452] {strides = array<i32>} : memref<65536xf32, #tpu.memory_space<vmem>>, vector<16xf32>,
      tpu.vector_store %arg12[%swap3A_452], %broadcast_in_dim3A_3 {strides = array<i32>} : memref<65536xf32, #tpu.memory_space<vmem>>, vector<16xf32>,
    }
    %scan3A_115 = arith.constant 512 : i32
    %dma_start3A_116 = arith.constant 0 : i32
    %dma_start3A_117 = tpu.memref_slice %arg13[%dma_start3A_116] : memref<32768xi32, #tpu.memory_space<vmem_shared>> -> memref<8192xi32, #tpu.memory_space<vmem_shared>>
    %dma_start3A_118 = arith.constant 0 : i32
    %dma_start3A_119 = tpu.memref_slice %arg13[%dma_start3A_118] : memref<32768xi32, #tpu.memory_space<vmem_shared>> -> memref<8192xi32, #tpu.memory_space<vmem_shared>>
    tpu.enqueue_dma source(%dma_start3A_119 : memref<8192xi32, #tpu.memory_space<vmem_shared>>) target(%arg8 : memref<8192xi32, #tpu.memory_space<vmem>>) target_semaphore(%arg15 : memref<!tpu.dma_semaphore, #tpu.memory_space<semaphore_mem>>)
    %dma_start3A_120 = arith.constant 0 : i32
    %dma_start3A_121 = tpu.memref_slice %arg14[%dma_start3A_120] : memref<32768xi32, #tpu.memory_space<vmem_shared>> -> memref<8192xi32, #tpu.memory_space<vmem_shared>>
    %dma_start3A_122 = arith.constant 0 : i32
    %dma_start3A_123 = tpu.memref_slice %arg14[%dma_start3A_122] : memref<32768xi32, #tpu.memory_space<vmem_shared>> -> memref<8192xi32, #tpu.memory_space<vmem_shared>>
    tpu.enqueue_dma source(%dma_start3A_123 : memref<8192xi32, #tpu.memory_space<vmem_shared>>) target(%arg9 : memref<8192xi32, #tpu.memory_space<vmem>>) target_semaphore(%arg16 : memref<!tpu.dma_semaphore, #tpu.memory_space<semaphore_mem>>)
    %dma_wait3A_124 = arith.constant 0 : i32
    %dma_wait3A_125 = tpu.memref_slice %arg13[%dma_wait3A_124] : memref<32768xi32, #tpu.memory_space<vmem_shared>> -> memref<8192xi32, #tpu.memory_space<vmem_shared>>
    %dma_wait3A_126 = arith.constant 0 : i32
    %dma_wait3A_127 = tpu.memref_slice %arg13[%dma_wait3A_126] : memref<32768xi32, #tpu.memory_space<vmem_shared>> -> memref<8192xi32, #tpu.memory_space<vmem_shared>>
    tpu.wait_dma2 semaphore(%arg15 : memref<!tpu.dma_semaphore, #tpu.memory_space<semaphore_mem>>) src(%dma_wait3A_127 : memref<8192xi32, #tpu.memory_space<vmem_shared>>) dst(%arg8 : memref<8192xi32, #tpu.memory_space<vmem>>)
    %dma_wait3A_128 = arith.constant 0 : i32
    %dma_wait3A_129 = tpu.memref_slice %arg14[%dma_wait3A_128] : memref<32768xi32, #tpu.memory_space<vmem_shared>> -> memref<8192xi32, #tpu.memory_space<vmem_shared>>
    %dma_wait3A_130 = arith.constant 0 : i32
    %dma_wait3A_131 = tpu.memref_slice %arg14[%dma_wait3A_130] : memref<32768xi32, #tpu.memory_space<vmem_shared>> -> memref<8192xi32, #tpu.memory_space<vmem_shared>>
    tpu.wait_dma2 semaphore(%arg16 : memref<!tpu.dma_semaphore, #tpu.memory_space<semaphore_mem>>) src(%dma_wait3A_131 : memref<8192xi32, #tpu.memory_space<vmem_shared>>) dst(%arg9 : memref<8192xi32, #tpu.memory_space<vmem>>)
    %dma_start3A_132 = arith.constant 8192 : i32
    %dma_start3A_133 = tpu.memref_slice %arg13[%dma_start3A_132] : memref<32768xi32, #tpu.memory_space<vmem_shared>> -> memref<8192xi32, #tpu.memory_space<vmem_shared>>
    %dma_start3A_134 = arith.constant 8192 : i32
    %dma_start3A_135 = tpu.memref_slice %arg13[%dma_start3A_134] : memref<32768xi32, #tpu.memory_space<vmem_shared>> -> memref<8192xi32, #tpu.memory_space<vmem_shared>>
    tpu.enqueue_dma source(%dma_start3A_135 : memref<8192xi32, #tpu.memory_space<vmem_shared>>) target(%arg10 : memref<8192xi32, #tpu.memory_space<vmem>>) target_semaphore(%arg17 : memref<!tpu.dma_semaphore, #tpu.memory_space<semaphore_mem>>)
    %dma_start3A_136 = arith.constant 8192 : i32
    %dma_start3A_137 = tpu.memref_slice %arg14[%dma_start3A_136] : memref<32768xi32, #tpu.memory_space<vmem_shared>> -> memref<8192xi32, #tpu.memory_space<vmem_shared>>
    %dma_start3A_138 = arith.constant 8192 : i32
    %dma_start3A_139 = tpu.memref_slice %arg14[%dma_start3A_138] : memref<32768xi32, #tpu.memory_space<vmem_shared>> -> memref<8192xi32, #tpu.memory_space<vmem_shared>>
    tpu.enqueue_dma source(%dma_start3A_139 : memref<8192xi32, #tpu.memory_space<vmem_shared>>) target(%arg11 : memref<8192xi32, #tpu.memory_space<vmem>>) target_semaphore(%arg18 : memref<!tpu.dma_semaphore, #tpu.memory_space<semaphore_mem>>)
    %scan3A_140 = arith.constant 0 : i32
    %scan3A_141 = arith.constant 0 : i32
    %scan3A_142 = arith.constant 64 : i32
    %scan3A_143 = arith.addi %scan3A_141, %scan3A_142 : i32
    %scan3A_144 = arith.constant 1 : i32
    scf.for %scan3A_406 = %scan3A_141 to %scan3A_143 step %scan3A_144  : i32 {
      %mul3A_407 = arith.constant 128 : i32
      %mul3A_408 = arith.muli %scan3A_406, %mul3A_407 : i32
      %add3A_409 = arith.constant 0 : i32
      %add3A_410 = arith.addi %mul3A_408, %add3A_409 : i32
      %get3A = arith.index_cast %add3A_410 : i32 to index
      %get3A_411 = tpu.vector_load %arg9[%get3A] {strides = array<i32>} : memref<8192xi32, #tpu.memory_space<vmem>>, vector<16xi32>,
      %mul3A_412 = arith.constant 2048 : i32
      %mul3A_413 = vector.broadcast %mul3A_412 : i32 to vector<16xi32>
      %mul3A_414 = arith.muli %get3A_411, %mul3A_413 : vector<16xi32>
      %get3A_415 = arith.index_cast %add3A_410 : i32 to index
      %get3A_416 = tpu.vector_load %arg8[%get3A_415] {strides = array<i32>} : memref<8192xi32, #tpu.memory_space<vmem>>, vector<16xi32>,
      %add3A_417 = arith.addi %mul3A_414, %get3A_416 : vector<16xi32>
      %ge3A = vector.broadcast %mul3A_109 : i32 to vector<16xi32>
      %ge3A_418 = arith.cmpi sge, %add3A_417, %ge3A : vector<16xi32>
      %add3A_419 = arith.constant 65536 : i32
      %add3A_420 = arith.addi %mul3A_109, %add3A_419 : i32
      %lt3A = vector.broadcast %add3A_420 : i32 to vector<16xi32>
      %lt3A_421 = arith.cmpi slt, %add3A_417, %lt3A : vector<16xi32>
      %and3A = arith.andi %ge3A_418, %lt3A_421 : vector<16xi1>
      %sub3A = vector.broadcast %mul3A_109 : i32 to vector<16xi32>
      %sub3A_422 = arith.subi %add3A_417, %sub3A : vector<16xi32>
      %jit3A = arith.constant 0 : i32
      %broadcast_in_dim3A_423 = vector.broadcast %jit3A : i32 to vector<16xi32>
      %select_n3A = arith.select %and3A, %sub3A_422, %broadcast_in_dim3A_423 : vector<16xi1>, vector<16xi32>
      tpu.vector_store_idx %arg12[%select_n3A], %broadcast_in_dim3A_5 masked %and3A {add = true} : memref<65536xf32, #tpu.memory_space<vmem>>[vector<16xi32>], vector<16xf32>, vector<16xi1>
      %mul3A_424 = arith.constant 128 : i32
      %mul3A_425 = arith.muli %scan3A_406, %mul3A_424 : i32
      %add3A_426 = arith.constant 16 : i32
      %add3A_427 = arith.addi %mul3A_425, %add3A_426 : i32
      %get3A_428 = arith.index_cast %add3A_427 : i32 to index
      %get3A_429 = tpu.vector_load %arg9[%get3A_428] {strides = array<i32>} : memref<8192xi32, #tpu.memory_space<vmem>>, vector<16xi32>,
      %mul3A_430 = arith.constant 2048 : i32
      %mul3A_431 = vector.broadcast %mul3A_430 : i32 to vector<16xi32>
      %mul3A_432 = arith.muli %get3A_429, %mul3A_431 : vector<16xi32>
      %get3A_433 = arith.index_cast %add3A_427 : i32 to index
      %get3A_434 = tpu.vector_load %arg8[%get3A_433] {strides = array<i32>} : memref<8192xi32, #tpu.memory_space<vmem>>, vector<16xi32>,
      %add3A_435 = arith.addi %mul3A_432, %get3A_434 : vector<16xi32>
      %ge3A_436 = vector.broadcast %mul3A_109 : i32 to vector<16xi32>
      %ge3A_437 = arith.cmpi sge, %add3A_435, %ge3A_436 : vector<16xi32>
      %add3A_438 = arith.constant 65536 : i32
      %add3A_439 = arith.addi %mul3A_109, %add3A_438 : i32
      %lt3A_440 = vector.broadcast %add3A_439 : i32 to vector<16xi32>
      %lt3A_441 = arith.cmpi slt, %add3A_435, %lt3A_440 : vector<16xi32>
      %and3A_442 = arith.andi %ge3A_437, %lt3A_441 : vector<16xi1>
      %sub3A_443 = vector.broadcast %mul3A_109 : i32 to vector<16xi32>
      %sub3A_444 = arith.subi %add3A_435, %sub3A_443 : vector<16xi32>
      %jit3A_445 = arith.constant 0 : i32
      %broadcast_in_dim3A_446 = vector.broadcast %jit3A_445 : i32 to vector<16xi32>
      %select_n3A_447 = arith.select %and3A_442, %sub3A_444, %broadcast_in_dim3A_446 : vector<16xi1>, vector<16xi32>
      tpu.vector_store_idx %arg12[%select_n3A_447], %broadcast_in_dim3A_5 masked %and3A_442 {add = true} : memref<65536xf32, #tpu.memory_space<vmem>>[vector<16xi32>], vector<16xf32>, vector<16xi1>
      %mul3A_448 = arith.constant 128 : i32
      %mul3A_449 = arith.muli %scan3A_406, %mul3A_448 : i32
      %add3A_450 = arith.constant 32 : i32
      %add3A_451 = arith.addi %mul3A_449, %add3A_450 : i32
      %get3A_452 = arith.index_cast %add3A_451 : i32 to index
      %get3A_453 = tpu.vector_load %arg9[%get3A_452] {strides = array<i32>} : memref<8192xi32, #tpu.memory_space<vmem>>, vector<16xi32>,
      %mul3A_454 = arith.constant 2048 : i32
      %mul3A_455 = vector.broadcast %mul3A_454 : i32 to vector<16xi32>
      %mul3A_456 = arith.muli %get3A_453, %mul3A_455 : vector<16xi32>
      %get3A_457 = arith.index_cast %add3A_451 : i32 to index
      %get3A_458 = tpu.vector_load %arg8[%get3A_457] {strides = array<i32>} : memref<8192xi32, #tpu.memory_space<vmem>>, vector<16xi32>,
      %add3A_459 = arith.addi %mul3A_456, %get3A_458 : vector<16xi32>
      %ge3A_460 = vector.broadcast %mul3A_109 : i32 to vector<16xi32>
      %ge3A_461 = arith.cmpi sge, %add3A_459, %ge3A_460 : vector<16xi32>
      %add3A_462 = arith.constant 65536 : i32
      %add3A_463 = arith.addi %mul3A_109, %add3A_462 : i32
      %lt3A_464 = vector.broadcast %add3A_463 : i32 to vector<16xi32>
      %lt3A_465 = arith.cmpi slt, %add3A_459, %lt3A_464 : vector<16xi32>
      %and3A_466 = arith.andi %ge3A_461, %lt3A_465 : vector<16xi1>
      %sub3A_467 = vector.broadcast %mul3A_109 : i32 to vector<16xi32>
      %sub3A_468 = arith.subi %add3A_459, %sub3A_467 : vector<16xi32>
      %jit3A_469 = arith.constant 0 : i32
      %broadcast_in_dim3A_470 = vector.broadcast %jit3A_469 : i32 to vector<16xi32>
      %select_n3A_471 = arith.select %and3A_466, %sub3A_468, %broadcast_in_dim3A_470 : vector<16xi1>, vector<16xi32>
      tpu.vector_store_idx %arg12[%select_n3A_471], %broadcast_in_dim3A_5 masked %and3A_466 {add = true} : memref<65536xf32, #tpu.memory_space<vmem>>[vector<16xi32>], vector<16xf32>, vector<16xi1>
      %mul3A_472 = arith.constant 128 : i32
      %mul3A_473 = arith.muli %scan3A_406, %mul3A_472 : i32
      %add3A_474 = arith.constant 48 : i32
      %add3A_475 = arith.addi %mul3A_473, %add3A_474 : i32
      %get3A_476 = arith.index_cast %add3A_475 : i32 to index
      %get3A_477 = tpu.vector_load %arg9[%get3A_476] {strides = array<i32>} : memref<8192xi32, #tpu.memory_space<vmem>>, vector<16xi32>,
      %mul3A_478 = arith.constant 2048 : i32
      %mul3A_479 = vector.broadcast %mul3A_478 : i32 to vector<16xi32>
      %mul3A_480 = arith.muli %get3A_477, %mul3A_479 : vector<16xi32>
      %get3A_481 = arith.index_cast %add3A_475 : i32 to index
      %get3A_482 = tpu.vector_load %arg8[%get3A_481] {strides = array<i32>} : memref<8192xi32, #tpu.memory_space<vmem>>, vector<16xi32>,
      %add3A_483 = arith.addi %mul3A_480, %get3A_482 : vector<16xi32>
      %ge3A_484 = vector.broadcast %mul3A_109 : i32 to vector<16xi32>
      %ge3A_485 = arith.cmpi sge, %add3A_483, %ge3A_484 : vector<16xi32>
      %add3A_486 = arith.constant 65536 : i32
      %add3A_487 = arith.addi %mul3A_109, %add3A_486 : i32
      %lt3A_488 = vector.broadcast %add3A_487 : i32 to vector<16xi32>
      %lt3A_489 = arith.cmpi slt, %add3A_483, %lt3A_488 : vector<16xi32>
      %and3A_490 = arith.andi %ge3A_485, %lt3A_489 : vector<16xi1>
      %sub3A_491 = vector.broadcast %mul3A_109 : i32 to vector<16xi32>
      %sub3A_492 = arith.subi %add3A_483, %sub3A_491 : vector<16xi32>
      %jit3A_493 = arith.constant 0 : i32
      %broadcast_in_dim3A_494 = vector.broadcast %jit3A_493 : i32 to vector<16xi32>
      %select_n3A_495 = arith.select %and3A_490, %sub3A_492, %broadcast_in_dim3A_494 : vector<16xi1>, vector<16xi32>
      tpu.vector_store_idx %arg12[%select_n3A_495], %broadcast_in_dim3A_5 masked %and3A_490 {add = true} : memref<65536xf32, #tpu.memory_space<vmem>>[vector<16xi32>], vector<16xf32>, vector<16xi1>
      %mul3A_496 = arith.constant 128 : i32
      %mul3A_497 = arith.muli %scan3A_406, %mul3A_496 : i32
      %add3A_498 = arith.constant 64 : i32
      %add3A_499 = arith.addi %mul3A_497, %add3A_498 : i32
      %get3A_500 = arith.index_cast %add3A_499 : i32 to index
      %get3A_501 = tpu.vector_load %arg9[%get3A_500] {strides = array<i32>} : memref<8192xi32, #tpu.memory_space<vmem>>, vector<16xi32>,
      %mul3A_502 = arith.constant 2048 : i32
      %mul3A_503 = vector.broadcast %mul3A_502 : i32 to vector<16xi32>
      %mul3A_504 = arith.muli %get3A_501, %mul3A_503 : vector<16xi32>
      %get3A_505 = arith.index_cast %add3A_499 : i32 to index
      %get3A_506 = tpu.vector_load %arg8[%get3A_505] {strides = array<i32>} : memref<8192xi32, #tpu.memory_space<vmem>>, vector<16xi32>,
      %add3A_507 = arith.addi %mul3A_504, %get3A_506 : vector<16xi32>
      %ge3A_508 = vector.broadcast %mul3A_109 : i32 to vector<16xi32>
      %ge3A_509 = arith.cmpi sge, %add3A_507, %ge3A_508 : vector<16xi32>
      %add3A_510 = arith.constant 65536 : i32
      %add3A_511 = arith.addi %mul3A_109, %add3A_510 : i32
      %lt3A_512 = vector.broadcast %add3A_511 : i32 to vector<16xi32>
      %lt3A_513 = arith.cmpi slt, %add3A_507, %lt3A_512 : vector<16xi32>
      %and3A_514 = arith.andi %ge3A_509, %lt3A_513 : vector<16xi1>
      %sub3A_515 = vector.broadcast %mul3A_109 : i32 to vector<16xi32>
      %sub3A_516 = arith.subi %add3A_507, %sub3A_515 : vector<16xi32>
      %jit3A_517 = arith.constant 0 : i32
      %broadcast_in_dim3A_518 = vector.broadcast %jit3A_517 : i32 to vector<16xi32>
      %select_n3A_519 = arith.select %and3A_514, %sub3A_516, %broadcast_in_dim3A_518 : vector<16xi1>, vector<16xi32>
      tpu.vector_store_idx %arg12[%select_n3A_519], %broadcast_in_dim3A_5 masked %and3A_514 {add = true} : memref<65536xf32, #tpu.memory_space<vmem>>[vector<16xi32>], vector<16xf32>, vector<16xi1>
      %mul3A_520 = arith.constant 128 : i32
      %mul3A_521 = arith.muli %scan3A_406, %mul3A_520 : i32
      %add3A_522 = arith.constant 80 : i32
      %add3A_523 = arith.addi %mul3A_521, %add3A_522 : i32
      %get3A_524 = arith.index_cast %add3A_523 : i32 to index
      %get3A_525 = tpu.vector_load %arg9[%get3A_524] {strides = array<i32>} : memref<8192xi32, #tpu.memory_space<vmem>>, vector<16xi32>,
      %mul3A_526 = arith.constant 2048 : i32
      %mul3A_527 = vector.broadcast %mul3A_526 : i32 to vector<16xi32>
      %mul3A_528 = arith.muli %get3A_525, %mul3A_527 : vector<16xi32>
      %get3A_529 = arith.index_cast %add3A_523 : i32 to index
      %get3A_530 = tpu.vector_load %arg8[%get3A_529] {strides = array<i32>} : memref<8192xi32, #tpu.memory_space<vmem>>, vector<16xi32>,
      %add3A_531 = arith.addi %mul3A_528, %get3A_530 : vector<16xi32>
      %ge3A_532 = vector.broadcast %mul3A_109 : i32 to vector<16xi32>
      %ge3A_533 = arith.cmpi sge, %add3A_531, %ge3A_532 : vector<16xi32>
      %add3A_534 = arith.constant 65536 : i32
      %add3A_535 = arith.addi %mul3A_109, %add3A_534 : i32
      %lt3A_536 = vector.broadcast %add3A_535 : i32 to vector<16xi32>
      %lt3A_537 = arith.cmpi slt, %add3A_531, %lt3A_536 : vector<16xi32>
      %and3A_538 = arith.andi %ge3A_533, %lt3A_537 : vector<16xi1>
      %sub3A_539 = vector.broadcast %mul3A_109 : i32 to vector<16xi32>
      %sub3A_540 = arith.subi %add3A_531, %sub3A_539 : vector<16xi32>
      %jit3A_541 = arith.constant 0 : i32
      %broadcast_in_dim3A_542 = vector.broadcast %jit3A_541 : i32 to vector<16xi32>
      %select_n3A_543 = arith.select %and3A_538, %sub3A_540, %broadcast_in_dim3A_542 : vector<16xi1>, vector<16xi32>
      tpu.vector_store_idx %arg12[%select_n3A_543], %broadcast_in_dim3A_5 masked %and3A_538 {add = true} : memref<65536xf32, #tpu.memory_space<vmem>>[vector<16xi32>], vector<16xf32>, vector<16xi1>
      %mul3A_544 = arith.constant 128 : i32
      %mul3A_545 = arith.muli %scan3A_406, %mul3A_544 : i32
      %add3A_546 = arith.constant 96 : i32
      %add3A_547 = arith.addi %mul3A_545, %add3A_546 : i32
      %get3A_548 = arith.index_cast %add3A_547 : i32 to index
      %get3A_549 = tpu.vector_load %arg9[%get3A_548] {strides = array<i32>} : memref<8192xi32, #tpu.memory_space<vmem>>, vector<16xi32>,
      %mul3A_550 = arith.constant 2048 : i32
      %mul3A_551 = vector.broadcast %mul3A_550 : i32 to vector<16xi32>
      %mul3A_552 = arith.muli %get3A_549, %mul3A_551 : vector<16xi32>
      %get3A_553 = arith.index_cast %add3A_547 : i32 to index
      %get3A_554 = tpu.vector_load %arg8[%get3A_553] {strides = array<i32>} : memref<8192xi32, #tpu.memory_space<vmem>>, vector<16xi32>,
      %add3A_555 = arith.addi %mul3A_552, %get3A_554 : vector<16xi32>
      %ge3A_556 = vector.broadcast %mul3A_109 : i32 to vector<16xi32>
      %ge3A_557 = arith.cmpi sge, %add3A_555, %ge3A_556 : vector<16xi32>
      %add3A_558 = arith.constant 65536 : i32
      %add3A_559 = arith.addi %mul3A_109, %add3A_558 : i32
      %lt3A_560 = vector.broadcast %add3A_559 : i32 to vector<16xi32>
      %lt3A_561 = arith.cmpi slt, %add3A_555, %lt3A_560 : vector<16xi32>
      %and3A_562 = arith.andi %ge3A_557, %lt3A_561 : vector<16xi1>
      %sub3A_563 = vector.broadcast %mul3A_109 : i32 to vector<16xi32>
      %sub3A_564 = arith.subi %add3A_555, %sub3A_563 : vector<16xi32>
      %jit3A_565 = arith.constant 0 : i32
      %broadcast_in_dim3A_566 = vector.broadcast %jit3A_565 : i32 to vector<16xi32>
      %select_n3A_567 = arith.select %and3A_562, %sub3A_564, %broadcast_in_dim3A_566 : vector<16xi1>, vector<16xi32>
      tpu.vector_store_idx %arg12[%select_n3A_567], %broadcast_in_dim3A_5 masked %and3A_562 {add = true} : memref<65536xf32, #tpu.memory_space<vmem>>[vector<16xi32>], vector<16xf32>, vector<16xi1>
      %mul3A_568 = arith.constant 128 : i32
      %mul3A_569 = arith.muli %scan3A_406, %mul3A_568 : i32
      %add3A_570 = arith.constant 112 : i32
      %add3A_571 = arith.addi %mul3A_569, %add3A_570 : i32
      %get3A_572 = arith.index_cast %add3A_571 : i32 to index
      %get3A_573 = tpu.vector_load %arg9[%get3A_572] {strides = array<i32>} : memref<8192xi32, #tpu.memory_space<vmem>>, vector<16xi32>,
      %mul3A_574 = arith.constant 2048 : i32
      %mul3A_575 = vector.broadcast %mul3A_574 : i32 to vector<16xi32>
      %mul3A_576 = arith.muli %get3A_573, %mul3A_575 : vector<16xi32>
      %get3A_577 = arith.index_cast %add3A_571 : i32 to index
      %get3A_578 = tpu.vector_load %arg8[%get3A_577] {strides = array<i32>} : memref<8192xi32, #tpu.memory_space<vmem>>, vector<16xi32>,
      %add3A_579 = arith.addi %mul3A_576, %get3A_578 : vector<16xi32>
      %ge3A_580 = vector.broadcast %mul3A_109 : i32 to vector<16xi32>
      %ge3A_581 = arith.cmpi sge, %add3A_579, %ge3A_580 : vector<16xi32>
      %add3A_582 = arith.constant 65536 : i32
      %add3A_583 = arith.addi %mul3A_109, %add3A_582 : i32
      %lt3A_584 = vector.broadcast %add3A_583 : i32 to vector<16xi32>
      %lt3A_585 = arith.cmpi slt, %add3A_579, %lt3A_584 : vector<16xi32>
      %and3A_586 = arith.andi %ge3A_581, %lt3A_585 : vector<16xi1>
      %sub3A_587 = vector.broadcast %mul3A_109 : i32 to vector<16xi32>
      %sub3A_588 = arith.subi %add3A_579, %sub3A_587 : vector<16xi32>
      %jit3A_589 = arith.constant 0 : i32
      %broadcast_in_dim3A_590 = vector.broadcast %jit3A_589 : i32 to vector<16xi32>
      %select_n3A_591 = arith.select %and3A_586, %sub3A_588, %broadcast_in_dim3A_590 : vector<16xi1>, vector<16xi32>
      tpu.vector_store_idx %arg12[%select_n3A_591], %broadcast_in_dim3A_5 masked %and3A_586 {add = true} : memref<65536xf32, #tpu.memory_space<vmem>>[vector<16xi32>], vector<16xf32>, vector<16xi1>
    }
    %scan3A_145 = arith.constant 64 : i32
    %dma_wait3A_146 = arith.constant 8192 : i32
    %dma_wait3A_147 = tpu.memref_slice %arg13[%dma_wait3A_146] : memref<32768xi32, #tpu.memory_space<vmem_shared>> -> memref<8192xi32, #tpu.memory_space<vmem_shared>>
    %dma_wait3A_148 = arith.constant 8192 : i32
    %dma_wait3A_149 = tpu.memref_slice %arg13[%dma_wait3A_148] : memref<32768xi32, #tpu.memory_space<vmem_shared>> -> memref<8192xi32, #tpu.memory_space<vmem_shared>>
    tpu.wait_dma2 semaphore(%arg17 : memref<!tpu.dma_semaphore, #tpu.memory_space<semaphore_mem>>) src(%dma_wait3A_149 : memref<8192xi32, #tpu.memory_space<vmem_shared>>) dst(%arg10 : memref<8192xi32, #tpu.memory_space<vmem>>)
    %dma_wait3A_150 = arith.constant 8192 : i32
    %dma_wait3A_151 = tpu.memref_slice %arg14[%dma_wait3A_150] : memref<32768xi32, #tpu.memory_space<vmem_shared>> -> memref<8192xi32, #tpu.memory_space<vmem_shared>>
    %dma_wait3A_152 = arith.constant 8192 : i32
    %dma_wait3A_153 = tpu.memref_slice %arg14[%dma_wait3A_152] : memref<32768xi32, #tpu.memory_space<vmem_shared>> -> memref<8192xi32, #tpu.memory_space<vmem_shared>>
    tpu.wait_dma2 semaphore(%arg18 : memref<!tpu.dma_semaphore, #tpu.memory_space<semaphore_mem>>) src(%dma_wait3A_153 : memref<8192xi32, #tpu.memory_space<vmem_shared>>) dst(%arg11 : memref<8192xi32, #tpu.memory_space<vmem>>)
    %dma_start3A_154 = arith.constant 16384 : i32
    %dma_start3A_155 = tpu.memref_slice %arg13[%dma_start3A_154] : memref<32768xi32, #tpu.memory_space<vmem_shared>> -> memref<8192xi32, #tpu.memory_space<vmem_shared>>
    %dma_start3A_156 = arith.constant 16384 : i32
    %dma_start3A_157 = tpu.memref_slice %arg13[%dma_start3A_156] : memref<32768xi32, #tpu.memory_space<vmem_shared>> -> memref<8192xi32, #tpu.memory_space<vmem_shared>>
    tpu.enqueue_dma source(%dma_start3A_157 : memref<8192xi32, #tpu.memory_space<vmem_shared>>) target(%arg8 : memref<8192xi32, #tpu.memory_space<vmem>>) target_semaphore(%arg15 : memref<!tpu.dma_semaphore, #tpu.memory_space<semaphore_mem>>)
    %dma_start3A_158 = arith.constant 16384 : i32
    %dma_start3A_159 = tpu.memref_slice %arg14[%dma_start3A_158] : memref<32768xi32, #tpu.memory_space<vmem_shared>> -> memref<8192xi32, #tpu.memory_space<vmem_shared>>
    %dma_start3A_160 = arith.constant 16384 : i32
    %dma_start3A_161 = tpu.memref_slice %arg14[%dma_start3A_160] : memref<32768xi32, #tpu.memory_space<vmem_shared>> -> memref<8192xi32, #tpu.memory_space<vmem_shared>>
    tpu.enqueue_dma source(%dma_start3A_161 : memref<8192xi32, #tpu.memory_space<vmem_shared>>) target(%arg9 : memref<8192xi32, #tpu.memory_space<vmem>>) target_semaphore(%arg16 : memref<!tpu.dma_semaphore, #tpu.memory_space<semaphore_mem>>)
    %scan3A_162 = arith.constant 0 : i32
    %scan3A_163 = arith.constant 0 : i32
    %scan3A_164 = arith.constant 64 : i32
    %scan3A_165 = arith.addi %scan3A_163, %scan3A_164 : i32
    %scan3A_166 = arith.constant 1 : i32
    scf.for %scan3A_406 = %scan3A_163 to %scan3A_165 step %scan3A_166  : i32 {
      %mul3A_407 = arith.constant 128 : i32
      %mul3A_408 = arith.muli %scan3A_406, %mul3A_407 : i32
      %add3A_409 = arith.constant 0 : i32
      %add3A_410 = arith.addi %mul3A_408, %add3A_409 : i32
      %get3A = arith.index_cast %add3A_410 : i32 to index
      %get3A_411 = tpu.vector_load %arg11[%get3A] {strides = array<i32>} : memref<8192xi32, #tpu.memory_space<vmem>>, vector<16xi32>,
      %mul3A_412 = arith.constant 2048 : i32
      %mul3A_413 = vector.broadcast %mul3A_412 : i32 to vector<16xi32>
      %mul3A_414 = arith.muli %get3A_411, %mul3A_413 : vector<16xi32>
      %get3A_415 = arith.index_cast %add3A_410 : i32 to index
      %get3A_416 = tpu.vector_load %arg10[%get3A_415] {strides = array<i32>} : memref<8192xi32, #tpu.memory_space<vmem>>, vector<16xi32>,
      %add3A_417 = arith.addi %mul3A_414, %get3A_416 : vector<16xi32>
      %ge3A = vector.broadcast %mul3A_109 : i32 to vector<16xi32>
      %ge3A_418 = arith.cmpi sge, %add3A_417, %ge3A : vector<16xi32>
      %add3A_419 = arith.constant 65536 : i32
      %add3A_420 = arith.addi %mul3A_109, %add3A_419 : i32
      %lt3A = vector.broadcast %add3A_420 : i32 to vector<16xi32>
      %lt3A_421 = arith.cmpi slt, %add3A_417, %lt3A : vector<16xi32>
      %and3A = arith.andi %ge3A_418, %lt3A_421 : vector<16xi1>
      %sub3A = vector.broadcast %mul3A_109 : i32 to vector<16xi32>
      %sub3A_422 = arith.subi %add3A_417, %sub3A : vector<16xi32>
      %jit3A = arith.constant 0 : i32
      %broadcast_in_dim3A_423 = vector.broadcast %jit3A : i32 to vector<16xi32>
      %select_n3A = arith.select %and3A, %sub3A_422, %broadcast_in_dim3A_423 : vector<16xi1>, vector<16xi32>
      tpu.vector_store_idx %arg12[%select_n3A], %broadcast_in_dim3A_5 masked %and3A {add = true} : memref<65536xf32, #tpu.memory_space<vmem>>[vector<16xi32>], vector<16xf32>, vector<16xi1>
      %mul3A_424 = arith.constant 128 : i32
      %mul3A_425 = arith.muli %scan3A_406, %mul3A_424 : i32
      %add3A_426 = arith.constant 16 : i32
      %add3A_427 = arith.addi %mul3A_425, %add3A_426 : i32
      %get3A_428 = arith.index_cast %add3A_427 : i32 to index
      %get3A_429 = tpu.vector_load %arg11[%get3A_428] {strides = array<i32>} : memref<8192xi32, #tpu.memory_space<vmem>>, vector<16xi32>,
      %mul3A_430 = arith.constant 2048 : i32
      %mul3A_431 = vector.broadcast %mul3A_430 : i32 to vector<16xi32>
      %mul3A_432 = arith.muli %get3A_429, %mul3A_431 : vector<16xi32>
      %get3A_433 = arith.index_cast %add3A_427 : i32 to index
      %get3A_434 = tpu.vector_load %arg10[%get3A_433] {strides = array<i32>} : memref<8192xi32, #tpu.memory_space<vmem>>, vector<16xi32>,
      %add3A_435 = arith.addi %mul3A_432, %get3A_434 : vector<16xi32>
      %ge3A_436 = vector.broadcast %mul3A_109 : i32 to vector<16xi32>
      %ge3A_437 = arith.cmpi sge, %add3A_435, %ge3A_436 : vector<16xi32>
      %add3A_438 = arith.constant 65536 : i32
      %add3A_439 = arith.addi %mul3A_109, %add3A_438 : i32
      %lt3A_440 = vector.broadcast %add3A_439 : i32 to vector<16xi32>
      %lt3A_441 = arith.cmpi slt, %add3A_435, %lt3A_440 : vector<16xi32>
      %and3A_442 = arith.andi %ge3A_437, %lt3A_441 : vector<16xi1>
      %sub3A_443 = vector.broadcast %mul3A_109 : i32 to vector<16xi32>
      %sub3A_444 = arith.subi %add3A_435, %sub3A_443 : vector<16xi32>
      %jit3A_445 = arith.constant 0 : i32
      %broadcast_in_dim3A_446 = vector.broadcast %jit3A_445 : i32 to vector<16xi32>
      %select_n3A_447 = arith.select %and3A_442, %sub3A_444, %broadcast_in_dim3A_446 : vector<16xi1>, vector<16xi32>
      tpu.vector_store_idx %arg12[%select_n3A_447], %broadcast_in_dim3A_5 masked %and3A_442 {add = true} : memref<65536xf32, #tpu.memory_space<vmem>>[vector<16xi32>], vector<16xf32>, vector<16xi1>
      %mul3A_448 = arith.constant 128 : i32
      %mul3A_449 = arith.muli %scan3A_406, %mul3A_448 : i32
      %add3A_450 = arith.constant 32 : i32
      %add3A_451 = arith.addi %mul3A_449, %add3A_450 : i32
      %get3A_452 = arith.index_cast %add3A_451 : i32 to index
      %get3A_453 = tpu.vector_load %arg11[%get3A_452] {strides = array<i32>} : memref<8192xi32, #tpu.memory_space<vmem>>, vector<16xi32>,
      %mul3A_454 = arith.constant 2048 : i32
      %mul3A_455 = vector.broadcast %mul3A_454 : i32 to vector<16xi32>
      %mul3A_456 = arith.muli %get3A_453, %mul3A_455 : vector<16xi32>
      %get3A_457 = arith.index_cast %add3A_451 : i32 to index
      %get3A_458 = tpu.vector_load %arg10[%get3A_457] {strides = array<i32>} : memref<8192xi32, #tpu.memory_space<vmem>>, vector<16xi32>,
      %add3A_459 = arith.addi %mul3A_456, %get3A_458 : vector<16xi32>
      %ge3A_460 = vector.broadcast %mul3A_109 : i32 to vector<16xi32>
      %ge3A_461 = arith.cmpi sge, %add3A_459, %ge3A_460 : vector<16xi32>
      %add3A_462 = arith.constant 65536 : i32
      %add3A_463 = arith.addi %mul3A_109, %add3A_462 : i32
      %lt3A_464 = vector.broadcast %add3A_463 : i32 to vector<16xi32>
      %lt3A_465 = arith.cmpi slt, %add3A_459, %lt3A_464 : vector<16xi32>
      %and3A_466 = arith.andi %ge3A_461, %lt3A_465 : vector<16xi1>
      %sub3A_467 = vector.broadcast %mul3A_109 : i32 to vector<16xi32>
      %sub3A_468 = arith.subi %add3A_459, %sub3A_467 : vector<16xi32>
      %jit3A_469 = arith.constant 0 : i32
      %broadcast_in_dim3A_470 = vector.broadcast %jit3A_469 : i32 to vector<16xi32>
      %select_n3A_471 = arith.select %and3A_466, %sub3A_468, %broadcast_in_dim3A_470 : vector<16xi1>, vector<16xi32>
      tpu.vector_store_idx %arg12[%select_n3A_471], %broadcast_in_dim3A_5 masked %and3A_466 {add = true} : memref<65536xf32, #tpu.memory_space<vmem>>[vector<16xi32>], vector<16xf32>, vector<16xi1>
      %mul3A_472 = arith.constant 128 : i32
      %mul3A_473 = arith.muli %scan3A_406, %mul3A_472 : i32
      %add3A_474 = arith.constant 48 : i32
      %add3A_475 = arith.addi %mul3A_473, %add3A_474 : i32
      %get3A_476 = arith.index_cast %add3A_475 : i32 to index
      %get3A_477 = tpu.vector_load %arg11[%get3A_476] {strides = array<i32>} : memref<8192xi32, #tpu.memory_space<vmem>>, vector<16xi32>,
      %mul3A_478 = arith.constant 2048 : i32
      %mul3A_479 = vector.broadcast %mul3A_478 : i32 to vector<16xi32>
      %mul3A_480 = arith.muli %get3A_477, %mul3A_479 : vector<16xi32>
      %get3A_481 = arith.index_cast %add3A_475 : i32 to index
      %get3A_482 = tpu.vector_load %arg10[%get3A_481] {strides = array<i32>} : memref<8192xi32, #tpu.memory_space<vmem>>, vector<16xi32>,
      %add3A_483 = arith.addi %mul3A_480, %get3A_482 : vector<16xi32>
      %ge3A_484 = vector.broadcast %mul3A_109 : i32 to vector<16xi32>
      %ge3A_485 = arith.cmpi sge, %add3A_483, %ge3A_484 : vector<16xi32>
      %add3A_486 = arith.constant 65536 : i32
      %add3A_487 = arith.addi %mul3A_109, %add3A_486 : i32
      %lt3A_488 = vector.broadcast %add3A_487 : i32 to vector<16xi32>
      %lt3A_489 = arith.cmpi slt, %add3A_483, %lt3A_488 : vector<16xi32>
      %and3A_490 = arith.andi %ge3A_485, %lt3A_489 : vector<16xi1>
      %sub3A_491 = vector.broadcast %mul3A_109 : i32 to vector<16xi32>
      %sub3A_492 = arith.subi %add3A_483, %sub3A_491 : vector<16xi32>
      %jit3A_493 = arith.constant 0 : i32
      %broadcast_in_dim3A_494 = vector.broadcast %jit3A_493 : i32 to vector<16xi32>
      %select_n3A_495 = arith.select %and3A_490, %sub3A_492, %broadcast_in_dim3A_494 : vector<16xi1>, vector<16xi32>
      tpu.vector_store_idx %arg12[%select_n3A_495], %broadcast_in_dim3A_5 masked %and3A_490 {add = true} : memref<65536xf32, #tpu.memory_space<vmem>>[vector<16xi32>], vector<16xf32>, vector<16xi1>
      %mul3A_496 = arith.constant 128 : i32
      %mul3A_497 = arith.muli %scan3A_406, %mul3A_496 : i32
      %add3A_498 = arith.constant 64 : i32
      %add3A_499 = arith.addi %mul3A_497, %add3A_498 : i32
      %get3A_500 = arith.index_cast %add3A_499 : i32 to index
      %get3A_501 = tpu.vector_load %arg11[%get3A_500] {strides = array<i32>} : memref<8192xi32, #tpu.memory_space<vmem>>, vector<16xi32>,
      %mul3A_502 = arith.constant 2048 : i32
      %mul3A_503 = vector.broadcast %mul3A_502 : i32 to vector<16xi32>
      %mul3A_504 = arith.muli %get3A_501, %mul3A_503 : vector<16xi32>
      %get3A_505 = arith.index_cast %add3A_499 : i32 to index
      %get3A_506 = tpu.vector_load %arg10[%get3A_505] {strides = array<i32>} : memref<8192xi32, #tpu.memory_space<vmem>>, vector<16xi32>,
      %add3A_507 = arith.addi %mul3A_504, %get3A_506 : vector<16xi32>
      %ge3A_508 = vector.broadcast %mul3A_109 : i32 to vector<16xi32>
      %ge3A_509 = arith.cmpi sge, %add3A_507, %ge3A_508 : vector<16xi32>
      %add3A_510 = arith.constant 65536 : i32
      %add3A_511 = arith.addi %mul3A_109, %add3A_510 : i32
      %lt3A_512 = vector.broadcast %add3A_511 : i32 to vector<16xi32>
      %lt3A_513 = arith.cmpi slt, %add3A_507, %lt3A_512 : vector<16xi32>
      %and3A_514 = arith.andi %ge3A_509, %lt3A_513 : vector<16xi1>
      %sub3A_515 = vector.broadcast %mul3A_109 : i32 to vector<16xi32>
      %sub3A_516 = arith.subi %add3A_507, %sub3A_515 : vector<16xi32>
      %jit3A_517 = arith.constant 0 : i32
      %broadcast_in_dim3A_518 = vector.broadcast %jit3A_517 : i32 to vector<16xi32>
      %select_n3A_519 = arith.select %and3A_514, %sub3A_516, %broadcast_in_dim3A_518 : vector<16xi1>, vector<16xi32>
      tpu.vector_store_idx %arg12[%select_n3A_519], %broadcast_in_dim3A_5 masked %and3A_514 {add = true} : memref<65536xf32, #tpu.memory_space<vmem>>[vector<16xi32>], vector<16xf32>, vector<16xi1>
      %mul3A_520 = arith.constant 128 : i32
      %mul3A_521 = arith.muli %scan3A_406, %mul3A_520 : i32
      %add3A_522 = arith.constant 80 : i32
      %add3A_523 = arith.addi %mul3A_521, %add3A_522 : i32
      %get3A_524 = arith.index_cast %add3A_523 : i32 to index
      %get3A_525 = tpu.vector_load %arg11[%get3A_524] {strides = array<i32>} : memref<8192xi32, #tpu.memory_space<vmem>>, vector<16xi32>,
      %mul3A_526 = arith.constant 2048 : i32
      %mul3A_527 = vector.broadcast %mul3A_526 : i32 to vector<16xi32>
      %mul3A_528 = arith.muli %get3A_525, %mul3A_527 : vector<16xi32>
      %get3A_529 = arith.index_cast %add3A_523 : i32 to index
      %get3A_530 = tpu.vector_load %arg10[%get3A_529] {strides = array<i32>} : memref<8192xi32, #tpu.memory_space<vmem>>, vector<16xi32>,
      %add3A_531 = arith.addi %mul3A_528, %get3A_530 : vector<16xi32>
      %ge3A_532 = vector.broadcast %mul3A_109 : i32 to vector<16xi32>
      %ge3A_533 = arith.cmpi sge, %add3A_531, %ge3A_532 : vector<16xi32>
      %add3A_534 = arith.constant 65536 : i32
      %add3A_535 = arith.addi %mul3A_109, %add3A_534 : i32
      %lt3A_536 = vector.broadcast %add3A_535 : i32 to vector<16xi32>
      %lt3A_537 = arith.cmpi slt, %add3A_531, %lt3A_536 : vector<16xi32>
      %and3A_538 = arith.andi %ge3A_533, %lt3A_537 : vector<16xi1>
      %sub3A_539 = vector.broadcast %mul3A_109 : i32 to vector<16xi32>
      %sub3A_540 = arith.subi %add3A_531, %sub3A_539 : vector<16xi32>
      %jit3A_541 = arith.constant 0 : i32
      %broadcast_in_dim3A_542 = vector.broadcast %jit3A_541 : i32 to vector<16xi32>
      %select_n3A_543 = arith.select %and3A_538, %sub3A_540, %broadcast_in_dim3A_542 : vector<16xi1>, vector<16xi32>
      tpu.vector_store_idx %arg12[%select_n3A_543], %broadcast_in_dim3A_5 masked %and3A_538 {add = true} : memref<65536xf32, #tpu.memory_space<vmem>>[vector<16xi32>], vector<16xf32>, vector<16xi1>
      %mul3A_544 = arith.constant 128 : i32
      %mul3A_545 = arith.muli %scan3A_406, %mul3A_544 : i32
      %add3A_546 = arith.constant 96 : i32
      %add3A_547 = arith.addi %mul3A_545, %add3A_546 : i32
      %get3A_548 = arith.index_cast %add3A_547 : i32 to index
      %get3A_549 = tpu.vector_load %arg11[%get3A_548] {strides = array<i32>} : memref<8192xi32, #tpu.memory_space<vmem>>, vector<16xi32>,
      %mul3A_550 = arith.constant 2048 : i32
      %mul3A_551 = vector.broadcast %mul3A_550 : i32 to vector<16xi32>
      %mul3A_552 = arith.muli %get3A_549, %mul3A_551 : vector<16xi32>
      %get3A_553 = arith.index_cast %add3A_547 : i32 to index
      %get3A_554 = tpu.vector_load %arg10[%get3A_553] {strides = array<i32>} : memref<8192xi32, #tpu.memory_space<vmem>>, vector<16xi32>,
      %add3A_555 = arith.addi %mul3A_552, %get3A_554 : vector<16xi32>
      %ge3A_556 = vector.broadcast %mul3A_109 : i32 to vector<16xi32>
      %ge3A_557 = arith.cmpi sge, %add3A_555, %ge3A_556 : vector<16xi32>
      %add3A_558 = arith.constant 65536 : i32
      %add3A_559 = arith.addi %mul3A_109, %add3A_558 : i32
      %lt3A_560 = vector.broadcast %add3A_559 : i32 to vector<16xi32>
      %lt3A_561 = arith.cmpi slt, %add3A_555, %lt3A_560 : vector<16xi32>
      %and3A_562 = arith.andi %ge3A_557, %lt3A_561 : vector<16xi1>
      %sub3A_563 = vector.broadcast %mul3A_109 : i32 to vector<16xi32>
      %sub3A_564 = arith.subi %add3A_555, %sub3A_563 : vector<16xi32>
      %jit3A_565 = arith.constant 0 : i32
      %broadcast_in_dim3A_566 = vector.broadcast %jit3A_565 : i32 to vector<16xi32>
      %select_n3A_567 = arith.select %and3A_562, %sub3A_564, %broadcast_in_dim3A_566 : vector<16xi1>, vector<16xi32>
      tpu.vector_store_idx %arg12[%select_n3A_567], %broadcast_in_dim3A_5 masked %and3A_562 {add = true} : memref<65536xf32, #tpu.memory_space<vmem>>[vector<16xi32>], vector<16xf32>, vector<16xi1>
      %mul3A_568 = arith.constant 128 : i32
      %mul3A_569 = arith.muli %scan3A_406, %mul3A_568 : i32
      %add3A_570 = arith.constant 112 : i32
      %add3A_571 = arith.addi %mul3A_569, %add3A_570 : i32
      %get3A_572 = arith.index_cast %add3A_571 : i32 to index
      %get3A_573 = tpu.vector_load %arg11[%get3A_572] {strides = array<i32>} : memref<8192xi32, #tpu.memory_space<vmem>>, vector<16xi32>,
      %mul3A_574 = arith.constant 2048 : i32
      %mul3A_575 = vector.broadcast %mul3A_574 : i32 to vector<16xi32>
      %mul3A_576 = arith.muli %get3A_573, %mul3A_575 : vector<16xi32>
      %get3A_577 = arith.index_cast %add3A_571 : i32 to index
      %get3A_578 = tpu.vector_load %arg10[%get3A_577] {strides = array<i32>} : memref<8192xi32, #tpu.memory_space<vmem>>, vector<16xi32>,
      %add3A_579 = arith.addi %mul3A_576, %get3A_578 : vector<16xi32>
      %ge3A_580 = vector.broadcast %mul3A_109 : i32 to vector<16xi32>
      %ge3A_581 = arith.cmpi sge, %add3A_579, %ge3A_580 : vector<16xi32>
      %add3A_582 = arith.constant 65536 : i32
      %add3A_583 = arith.addi %mul3A_109, %add3A_582 : i32
      %lt3A_584 = vector.broadcast %add3A_583 : i32 to vector<16xi32>
      %lt3A_585 = arith.cmpi slt, %add3A_579, %lt3A_584 : vector<16xi32>
      %and3A_586 = arith.andi %ge3A_581, %lt3A_585 : vector<16xi1>
      %sub3A_587 = vector.broadcast %mul3A_109 : i32 to vector<16xi32>
      %sub3A_588 = arith.subi %add3A_579, %sub3A_587 : vector<16xi32>
      %jit3A_589 = arith.constant 0 : i32
      %broadcast_in_dim3A_590 = vector.broadcast %jit3A_589 : i32 to vector<16xi32>
      %select_n3A_591 = arith.select %and3A_586, %sub3A_588, %broadcast_in_dim3A_590 : vector<16xi1>, vector<16xi32>
      tpu.vector_store_idx %arg12[%select_n3A_591], %broadcast_in_dim3A_5 masked %and3A_586 {add = true} : memref<65536xf32, #tpu.memory_space<vmem>>[vector<16xi32>], vector<16xf32>, vector<16xi1>
    }
    %scan3A_167 = arith.constant 64 : i32
    %dma_wait3A_168 = arith.constant 16384 : i32
    %dma_wait3A_169 = tpu.memref_slice %arg13[%dma_wait3A_168] : memref<32768xi32, #tpu.memory_space<vmem_shared>> -> memref<8192xi32, #tpu.memory_space<vmem_shared>>
    %dma_wait3A_170 = arith.constant 16384 : i32
    %dma_wait3A_171 = tpu.memref_slice %arg13[%dma_wait3A_170] : memref<32768xi32, #tpu.memory_space<vmem_shared>> -> memref<8192xi32, #tpu.memory_space<vmem_shared>>
    tpu.wait_dma2 semaphore(%arg15 : memref<!tpu.dma_semaphore, #tpu.memory_space<semaphore_mem>>) src(%dma_wait3A_171 : memref<8192xi32, #tpu.memory_space<vmem_shared>>) dst(%arg8 : memref<8192xi32, #tpu.memory_space<vmem>>)
    %dma_wait3A_172 = arith.constant 16384 : i32
    %dma_wait3A_173 = tpu.memref_slice %arg14[%dma_wait3A_172] : memref<32768xi32, #tpu.memory_space<vmem_shared>> -> memref<8192xi32, #tpu.memory_space<vmem_shared>>
    %dma_wait3A_174 = arith.constant 16384 : i32
    %dma_wait3A_175 = tpu.memref_slice %arg14[%dma_wait3A_174] : memref<32768xi32, #tpu.memory_space<vmem_shared>> -> memref<8192xi32, #tpu.memory_space<vmem_shared>>
    tpu.wait_dma2 semaphore(%arg16 : memref<!tpu.dma_semaphore, #tpu.memory_space<semaphore_mem>>) src(%dma_wait3A_175 : memref<8192xi32, #tpu.memory_space<vmem_shared>>) dst(%arg9 : memref<8192xi32, #tpu.memory_space<vmem>>)
    %dma_start3A_176 = arith.constant 24576 : i32
    %dma_start3A_177 = tpu.memref_slice %arg13[%dma_start3A_176] : memref<32768xi32, #tpu.memory_space<vmem_shared>> -> memref<8192xi32, #tpu.memory_space<vmem_shared>>
    %dma_start3A_178 = arith.constant 24576 : i32
    %dma_start3A_179 = tpu.memref_slice %arg13[%dma_start3A_178] : memref<32768xi32, #tpu.memory_space<vmem_shared>> -> memref<8192xi32, #tpu.memory_space<vmem_shared>>
    tpu.enqueue_dma source(%dma_start3A_179 : memref<8192xi32, #tpu.memory_space<vmem_shared>>) target(%arg10 : memref<8192xi32, #tpu.memory_space<vmem>>) target_semaphore(%arg17 : memref<!tpu.dma_semaphore, #tpu.memory_space<semaphore_mem>>)
    %dma_start3A_180 = arith.constant 24576 : i32
    %dma_start3A_181 = tpu.memref_slice %arg14[%dma_start3A_180] : memref<32768xi32, #tpu.memory_space<vmem_shared>> -> memref<8192xi32, #tpu.memory_space<vmem_shared>>
    %dma_start3A_182 = arith.constant 24576 : i32
    %dma_start3A_183 = tpu.memref_slice %arg14[%dma_start3A_182] : memref<32768xi32, #tpu.memory_space<vmem_shared>> -> memref<8192xi32, #tpu.memory_space<vmem_shared>>
    tpu.enqueue_dma source(%dma_start3A_183 : memref<8192xi32, #tpu.memory_space<vmem_shared>>) target(%arg11 : memref<8192xi32, #tpu.memory_space<vmem>>) target_semaphore(%arg18 : memref<!tpu.dma_semaphore, #tpu.memory_space<semaphore_mem>>)
    %scan3A_184 = arith.constant 0 : i32
    %scan3A_185 = arith.constant 0 : i32
    %scan3A_186 = arith.constant 64 : i32
    %scan3A_187 = arith.addi %scan3A_185, %scan3A_186 : i32
    %scan3A_188 = arith.constant 1 : i32
    scf.for %scan3A_406 = %scan3A_185 to %scan3A_187 step %scan3A_188  : i32 {
      %mul3A_407 = arith.constant 128 : i32
      %mul3A_408 = arith.muli %scan3A_406, %mul3A_407 : i32
      %add3A_409 = arith.constant 0 : i32
      %add3A_410 = arith.addi %mul3A_408, %add3A_409 : i32
      %get3A = arith.index_cast %add3A_410 : i32 to index
      %get3A_411 = tpu.vector_load %arg9[%get3A] {strides = array<i32>} : memref<8192xi32, #tpu.memory_space<vmem>>, vector<16xi32>,
      %mul3A_412 = arith.constant 2048 : i32
      %mul3A_413 = vector.broadcast %mul3A_412 : i32 to vector<16xi32>
      %mul3A_414 = arith.muli %get3A_411, %mul3A_413 : vector<16xi32>
      %get3A_415 = arith.index_cast %add3A_410 : i32 to index
      %get3A_416 = tpu.vector_load %arg8[%get3A_415] {strides = array<i32>} : memref<8192xi32, #tpu.memory_space<vmem>>, vector<16xi32>,
      %add3A_417 = arith.addi %mul3A_414, %get3A_416 : vector<16xi32>
      %ge3A = vector.broadcast %mul3A_109 : i32 to vector<16xi32>
      %ge3A_418 = arith.cmpi sge, %add3A_417, %ge3A : vector<16xi32>
      %add3A_419 = arith.constant 65536 : i32
      %add3A_420 = arith.addi %mul3A_109, %add3A_419 : i32
      %lt3A = vector.broadcast %add3A_420 : i32 to vector<16xi32>
      %lt3A_421 = arith.cmpi slt, %add3A_417, %lt3A : vector<16xi32>
      %and3A = arith.andi %ge3A_418, %lt3A_421 : vector<16xi1>
      %sub3A = vector.broadcast %mul3A_109 : i32 to vector<16xi32>
      %sub3A_422 = arith.subi %add3A_417, %sub3A : vector<16xi32>
      %jit3A = arith.constant 0 : i32
      %broadcast_in_dim3A_423 = vector.broadcast %jit3A : i32 to vector<16xi32>
      %select_n3A = arith.select %and3A, %sub3A_422, %broadcast_in_dim3A_423 : vector<16xi1>, vector<16xi32>
      tpu.vector_store_idx %arg12[%select_n3A], %broadcast_in_dim3A_5 masked %and3A {add = true} : memref<65536xf32, #tpu.memory_space<vmem>>[vector<16xi32>], vector<16xf32>, vector<16xi1>
      %mul3A_424 = arith.constant 128 : i32
      %mul3A_425 = arith.muli %scan3A_406, %mul3A_424 : i32
      %add3A_426 = arith.constant 16 : i32
      %add3A_427 = arith.addi %mul3A_425, %add3A_426 : i32
      %get3A_428 = arith.index_cast %add3A_427 : i32 to index
      %get3A_429 = tpu.vector_load %arg9[%get3A_428] {strides = array<i32>} : memref<8192xi32, #tpu.memory_space<vmem>>, vector<16xi32>,
      %mul3A_430 = arith.constant 2048 : i32
      %mul3A_431 = vector.broadcast %mul3A_430 : i32 to vector<16xi32>
      %mul3A_432 = arith.muli %get3A_429, %mul3A_431 : vector<16xi32>
      %get3A_433 = arith.index_cast %add3A_427 : i32 to index
      %get3A_434 = tpu.vector_load %arg8[%get3A_433] {strides = array<i32>} : memref<8192xi32, #tpu.memory_space<vmem>>, vector<16xi32>,
      %add3A_435 = arith.addi %mul3A_432, %get3A_434 : vector<16xi32>
      %ge3A_436 = vector.broadcast %mul3A_109 : i32 to vector<16xi32>
      %ge3A_437 = arith.cmpi sge, %add3A_435, %ge3A_436 : vector<16xi32>
      %add3A_438 = arith.constant 65536 : i32
      %add3A_439 = arith.addi %mul3A_109, %add3A_438 : i32
      %lt3A_440 = vector.broadcast %add3A_439 : i32 to vector<16xi32>
      %lt3A_441 = arith.cmpi slt, %add3A_435, %lt3A_440 : vector<16xi32>
      %and3A_442 = arith.andi %ge3A_437, %lt3A_441 : vector<16xi1>
      %sub3A_443 = vector.broadcast %mul3A_109 : i32 to vector<16xi32>
      %sub3A_444 = arith.subi %add3A_435, %sub3A_443 : vector<16xi32>
      %jit3A_445 = arith.constant 0 : i32
      %broadcast_in_dim3A_446 = vector.broadcast %jit3A_445 : i32 to vector<16xi32>
      %select_n3A_447 = arith.select %and3A_442, %sub3A_444, %broadcast_in_dim3A_446 : vector<16xi1>, vector<16xi32>
      tpu.vector_store_idx %arg12[%select_n3A_447], %broadcast_in_dim3A_5 masked %and3A_442 {add = true} : memref<65536xf32, #tpu.memory_space<vmem>>[vector<16xi32>], vector<16xf32>, vector<16xi1>
      %mul3A_448 = arith.constant 128 : i32
      %mul3A_449 = arith.muli %scan3A_406, %mul3A_448 : i32
      %add3A_450 = arith.constant 32 : i32
      %add3A_451 = arith.addi %mul3A_449, %add3A_450 : i32
      %get3A_452 = arith.index_cast %add3A_451 : i32 to index
      %get3A_453 = tpu.vector_load %arg9[%get3A_452] {strides = array<i32>} : memref<8192xi32, #tpu.memory_space<vmem>>, vector<16xi32>,
      %mul3A_454 = arith.constant 2048 : i32
      %mul3A_455 = vector.broadcast %mul3A_454 : i32 to vector<16xi32>
      %mul3A_456 = arith.muli %get3A_453, %mul3A_455 : vector<16xi32>
      %get3A_457 = arith.index_cast %add3A_451 : i32 to index
      %get3A_458 = tpu.vector_load %arg8[%get3A_457] {strides = array<i32>} : memref<8192xi32, #tpu.memory_space<vmem>>, vector<16xi32>,
      %add3A_459 = arith.addi %mul3A_456, %get3A_458 : vector<16xi32>
      %ge3A_460 = vector.broadcast %mul3A_109 : i32 to vector<16xi32>
      %ge3A_461 = arith.cmpi sge, %add3A_459, %ge3A_460 : vector<16xi32>
      %add3A_462 = arith.constant 65536 : i32
      %add3A_463 = arith.addi %mul3A_109, %add3A_462 : i32
      %lt3A_464 = vector.broadcast %add3A_463 : i32 to vector<16xi32>
      %lt3A_465 = arith.cmpi slt, %add3A_459, %lt3A_464 : vector<16xi32>
      %and3A_466 = arith.andi %ge3A_461, %lt3A_465 : vector<16xi1>
      %sub3A_467 = vector.broadcast %mul3A_109 : i32 to vector<16xi32>
      %sub3A_468 = arith.subi %add3A_459, %sub3A_467 : vector<16xi32>
      %jit3A_469 = arith.constant 0 : i32
      %broadcast_in_dim3A_470 = vector.broadcast %jit3A_469 : i32 to vector<16xi32>
      %select_n3A_471 = arith.select %and3A_466, %sub3A_468, %broadcast_in_dim3A_470 : vector<16xi1>, vector<16xi32>
      tpu.vector_store_idx %arg12[%select_n3A_471], %broadcast_in_dim3A_5 masked %and3A_466 {add = true} : memref<65536xf32, #tpu.memory_space<vmem>>[vector<16xi32>], vector<16xf32>, vector<16xi1>
      %mul3A_472 = arith.constant 128 : i32
      %mul3A_473 = arith.muli %scan3A_406, %mul3A_472 : i32
      %add3A_474 = arith.constant 48 : i32
      %add3A_475 = arith.addi %mul3A_473, %add3A_474 : i32
      %get3A_476 = arith.index_cast %add3A_475 : i32 to index
      %get3A_477 = tpu.vector_load %arg9[%get3A_476] {strides = array<i32>} : memref<8192xi32, #tpu.memory_space<vmem>>, vector<16xi32>,
      %mul3A_478 = arith.constant 2048 : i32
      %mul3A_479 = vector.broadcast %mul3A_478 : i32 to vector<16xi32>
      %mul3A_480 = arith.muli %get3A_477, %mul3A_479 : vector<16xi32>
      %get3A_481 = arith.index_cast %add3A_475 : i32 to index
      %get3A_482 = tpu.vector_load %arg8[%get3A_481] {strides = array<i32>} : memref<8192xi32, #tpu.memory_space<vmem>>, vector<16xi32>,
      %add3A_483 = arith.addi %mul3A_480, %get3A_482 : vector<16xi32>
      %ge3A_484 = vector.broadcast %mul3A_109 : i32 to vector<16xi32>
      %ge3A_485 = arith.cmpi sge, %add3A_483, %ge3A_484 : vector<16xi32>
      %add3A_486 = arith.constant 65536 : i32
      %add3A_487 = arith.addi %mul3A_109, %add3A_486 : i32
      %lt3A_488 = vector.broadcast %add3A_487 : i32 to vector<16xi32>
      %lt3A_489 = arith.cmpi slt, %add3A_483, %lt3A_488 : vector<16xi32>
      %and3A_490 = arith.andi %ge3A_485, %lt3A_489 : vector<16xi1>
      %sub3A_491 = vector.broadcast %mul3A_109 : i32 to vector<16xi32>
      %sub3A_492 = arith.subi %add3A_483, %sub3A_491 : vector<16xi32>
      %jit3A_493 = arith.constant 0 : i32
      %broadcast_in_dim3A_494 = vector.broadcast %jit3A_493 : i32 to vector<16xi32>
      %select_n3A_495 = arith.select %and3A_490, %sub3A_492, %broadcast_in_dim3A_494 : vector<16xi1>, vector<16xi32>
      tpu.vector_store_idx %arg12[%select_n3A_495], %broadcast_in_dim3A_5 masked %and3A_490 {add = true} : memref<65536xf32, #tpu.memory_space<vmem>>[vector<16xi32>], vector<16xf32>, vector<16xi1>
      %mul3A_496 = arith.constant 128 : i32
      %mul3A_497 = arith.muli %scan3A_406, %mul3A_496 : i32
      %add3A_498 = arith.constant 64 : i32
      %add3A_499 = arith.addi %mul3A_497, %add3A_498 : i32
      %get3A_500 = arith.index_cast %add3A_499 : i32 to index
      %get3A_501 = tpu.vector_load %arg9[%get3A_500] {strides = array<i32>} : memref<8192xi32, #tpu.memory_space<vmem>>, vector<16xi32>,
      %mul3A_502 = arith.constant 2048 : i32
      %mul3A_503 = vector.broadcast %mul3A_502 : i32 to vector<16xi32>
      %mul3A_504 = arith.muli %get3A_501, %mul3A_503 : vector<16xi32>
      %get3A_505 = arith.index_cast %add3A_499 : i32 to index
      %get3A_506 = tpu.vector_load %arg8[%get3A_505] {strides = array<i32>} : memref<8192xi32, #tpu.memory_space<vmem>>, vector<16xi32>,
      %add3A_507 = arith.addi %mul3A_504, %get3A_506 : vector<16xi32>
      %ge3A_508 = vector.broadcast %mul3A_109 : i32 to vector<16xi32>
      %ge3A_509 = arith.cmpi sge, %add3A_507, %ge3A_508 : vector<16xi32>
      %add3A_510 = arith.constant 65536 : i32
      %add3A_511 = arith.addi %mul3A_109, %add3A_510 : i32
      %lt3A_512 = vector.broadcast %add3A_511 : i32 to vector<16xi32>
      %lt3A_513 = arith.cmpi slt, %add3A_507, %lt3A_512 : vector<16xi32>
      %and3A_514 = arith.andi %ge3A_509, %lt3A_513 : vector<16xi1>
      %sub3A_515 = vector.broadcast %mul3A_109 : i32 to vector<16xi32>
      %sub3A_516 = arith.subi %add3A_507, %sub3A_515 : vector<16xi32>
      %jit3A_517 = arith.constant 0 : i32
      %broadcast_in_dim3A_518 = vector.broadcast %jit3A_517 : i32 to vector<16xi32>
      %select_n3A_519 = arith.select %and3A_514, %sub3A_516, %broadcast_in_dim3A_518 : vector<16xi1>, vector<16xi32>
      tpu.vector_store_idx %arg12[%select_n3A_519], %broadcast_in_dim3A_5 masked %and3A_514 {add = true} : memref<65536xf32, #tpu.memory_space<vmem>>[vector<16xi32>], vector<16xf32>, vector<16xi1>
      %mul3A_520 = arith.constant 128 : i32
      %mul3A_521 = arith.muli %scan3A_406, %mul3A_520 : i32
      %add3A_522 = arith.constant 80 : i32
      %add3A_523 = arith.addi %mul3A_521, %add3A_522 : i32
      %get3A_524 = arith.index_cast %add3A_523 : i32 to index
      %get3A_525 = tpu.vector_load %arg9[%get3A_524] {strides = array<i32>} : memref<8192xi32, #tpu.memory_space<vmem>>, vector<16xi32>,
      %mul3A_526 = arith.constant 2048 : i32
      %mul3A_527 = vector.broadcast %mul3A_526 : i32 to vector<16xi32>
      %mul3A_528 = arith.muli %get3A_525, %mul3A_527 : vector<16xi32>
      %get3A_529 = arith.index_cast %add3A_523 : i32 to index
      %get3A_530 = tpu.vector_load %arg8[%get3A_529] {strides = array<i32>} : memref<8192xi32, #tpu.memory_space<vmem>>, vector<16xi32>,
      %add3A_531 = arith.addi %mul3A_528, %get3A_530 : vector<16xi32>
      %ge3A_532 = vector.broadcast %mul3A_109 : i32 to vector<16xi32>
      %ge3A_533 = arith.cmpi sge, %add3A_531, %ge3A_532 : vector<16xi32>
      %add3A_534 = arith.constant 65536 : i32
      %add3A_535 = arith.addi %mul3A_109, %add3A_534 : i32
      %lt3A_536 = vector.broadcast %add3A_535 : i32 to vector<16xi32>
      %lt3A_537 = arith.cmpi slt, %add3A_531, %lt3A_536 : vector<16xi32>
      %and3A_538 = arith.andi %ge3A_533, %lt3A_537 : vector<16xi1>
      %sub3A_539 = vector.broadcast %mul3A_109 : i32 to vector<16xi32>
      %sub3A_540 = arith.subi %add3A_531, %sub3A_539 : vector<16xi32>
      %jit3A_541 = arith.constant 0 : i32
      %broadcast_in_dim3A_542 = vector.broadcast %jit3A_541 : i32 to vector<16xi32>
      %select_n3A_543 = arith.select %and3A_538, %sub3A_540, %broadcast_in_dim3A_542 : vector<16xi1>, vector<16xi32>
      tpu.vector_store_idx %arg12[%select_n3A_543], %broadcast_in_dim3A_5 masked %and3A_538 {add = true} : memref<65536xf32, #tpu.memory_space<vmem>>[vector<16xi32>], vector<16xf32>, vector<16xi1>
      %mul3A_544 = arith.constant 128 : i32
      %mul3A_545 = arith.muli %scan3A_406, %mul3A_544 : i32
      %add3A_546 = arith.constant 96 : i32
      %add3A_547 = arith.addi %mul3A_545, %add3A_546 : i32
      %get3A_548 = arith.index_cast %add3A_547 : i32 to index
      %get3A_549 = tpu.vector_load %arg9[%get3A_548] {strides = array<i32>} : memref<8192xi32, #tpu.memory_space<vmem>>, vector<16xi32>,
      %mul3A_550 = arith.constant 2048 : i32
      %mul3A_551 = vector.broadcast %mul3A_550 : i32 to vector<16xi32>
      %mul3A_552 = arith.muli %get3A_549, %mul3A_551 : vector<16xi32>
      %get3A_553 = arith.index_cast %add3A_547 : i32 to index
      %get3A_554 = tpu.vector_load %arg8[%get3A_553] {strides = array<i32>} : memref<8192xi32, #tpu.memory_space<vmem>>, vector<16xi32>,
      %add3A_555 = arith.addi %mul3A_552, %get3A_554 : vector<16xi32>
      %ge3A_556 = vector.broadcast %mul3A_109 : i32 to vector<16xi32>
      %ge3A_557 = arith.cmpi sge, %add3A_555, %ge3A_556 : vector<16xi32>
      %add3A_558 = arith.constant 65536 : i32
      %add3A_559 = arith.addi %mul3A_109, %add3A_558 : i32
      %lt3A_560 = vector.broadcast %add3A_559 : i32 to vector<16xi32>
      %lt3A_561 = arith.cmpi slt, %add3A_555, %lt3A_560 : vector<16xi32>
      %and3A_562 = arith.andi %ge3A_557, %lt3A_561 : vector<16xi1>
      %sub3A_563 = vector.broadcast %mul3A_109 : i32 to vector<16xi32>
      %sub3A_564 = arith.subi %add3A_555, %sub3A_563 : vector<16xi32>
      %jit3A_565 = arith.constant 0 : i32
      %broadcast_in_dim3A_566 = vector.broadcast %jit3A_565 : i32 to vector<16xi32>
      %select_n3A_567 = arith.select %and3A_562, %sub3A_564, %broadcast_in_dim3A_566 : vector<16xi1>, vector<16xi32>
      tpu.vector_store_idx %arg12[%select_n3A_567], %broadcast_in_dim3A_5 masked %and3A_562 {add = true} : memref<65536xf32, #tpu.memory_space<vmem>>[vector<16xi32>], vector<16xf32>, vector<16xi1>
      %mul3A_568 = arith.constant 128 : i32
      %mul3A_569 = arith.muli %scan3A_406, %mul3A_568 : i32
      %add3A_570 = arith.constant 112 : i32
      %add3A_571 = arith.addi %mul3A_569, %add3A_570 : i32
      %get3A_572 = arith.index_cast %add3A_571 : i32 to index
      %get3A_573 = tpu.vector_load %arg9[%get3A_572] {strides = array<i32>} : memref<8192xi32, #tpu.memory_space<vmem>>, vector<16xi32>,
      %mul3A_574 = arith.constant 2048 : i32
      %mul3A_575 = vector.broadcast %mul3A_574 : i32 to vector<16xi32>
      %mul3A_576 = arith.muli %get3A_573, %mul3A_575 : vector<16xi32>
      %get3A_577 = arith.index_cast %add3A_571 : i32 to index
      %get3A_578 = tpu.vector_load %arg8[%get3A_577] {strides = array<i32>} : memref<8192xi32, #tpu.memory_space<vmem>>, vector<16xi32>,
      %add3A_579 = arith.addi %mul3A_576, %get3A_578 : vector<16xi32>
      %ge3A_580 = vector.broadcast %mul3A_109 : i32 to vector<16xi32>
      %ge3A_581 = arith.cmpi sge, %add3A_579, %ge3A_580 : vector<16xi32>
      %add3A_582 = arith.constant 65536 : i32
      %add3A_583 = arith.addi %mul3A_109, %add3A_582 : i32
      %lt3A_584 = vector.broadcast %add3A_583 : i32 to vector<16xi32>
      %lt3A_585 = arith.cmpi slt, %add3A_579, %lt3A_584 : vector<16xi32>
      %and3A_586 = arith.andi %ge3A_581, %lt3A_585 : vector<16xi1>
      %sub3A_587 = vector.broadcast %mul3A_109 : i32 to vector<16xi32>
      %sub3A_588 = arith.subi %add3A_579, %sub3A_587 : vector<16xi32>
      %jit3A_589 = arith.constant 0 : i32
      %broadcast_in_dim3A_590 = vector.broadcast %jit3A_589 : i32 to vector<16xi32>
      %select_n3A_591 = arith.select %and3A_586, %sub3A_588, %broadcast_in_dim3A_590 : vector<16xi1>, vector<16xi32>
      tpu.vector_store_idx %arg12[%select_n3A_591], %broadcast_in_dim3A_5 masked %and3A_586 {add = true} : memref<65536xf32, #tpu.memory_space<vmem>>[vector<16xi32>], vector<16xf32>, vector<16xi1>
    }
    %scan3A_189 = arith.constant 64 : i32
    %dma_wait3A_190 = arith.constant 24576 : i32
    %dma_wait3A_191 = tpu.memref_slice %arg13[%dma_wait3A_190] : memref<32768xi32, #tpu.memory_space<vmem_shared>> -> memref<8192xi32, #tpu.memory_space<vmem_shared>>
    %dma_wait3A_192 = arith.constant 24576 : i32
    %dma_wait3A_193 = tpu.memref_slice %arg13[%dma_wait3A_192] : memref<32768xi32, #tpu.memory_space<vmem_shared>> -> memref<8192xi32, #tpu.memory_space<vmem_shared>>
    tpu.wait_dma2 semaphore(%arg17 : memref<!tpu.dma_semaphore, #tpu.memory_space<semaphore_mem>>) src(%dma_wait3A_193 : memref<8192xi32, #tpu.memory_space<vmem_shared>>) dst(%arg10 : memref<8192xi32, #tpu.memory_space<vmem>>)
    %dma_wait3A_194 = arith.constant 24576 : i32
    %dma_wait3A_195 = tpu.memref_slice %arg14[%dma_wait3A_194] : memref<32768xi32, #tpu.memory_space<vmem_shared>> -> memref<8192xi32, #tpu.memory_space<vmem_shared>>
    %dma_wait3A_196 = arith.constant 24576 : i32
    %dma_wait3A_197 = tpu.memref_slice %arg14[%dma_wait3A_196] : memref<32768xi32, #tpu.memory_space<vmem_shared>> -> memref<8192xi32, #tpu.memory_space<vmem_shared>>
    tpu.wait_dma2 semaphore(%arg18 : memref<!tpu.dma_semaphore, #tpu.memory_space<semaphore_mem>>) src(%dma_wait3A_197 : memref<8192xi32, #tpu.memory_space<vmem_shared>>) dst(%arg11 : memref<8192xi32, #tpu.memory_space<vmem>>)
    %scan3A_198 = arith.constant 0 : i32
    %scan3A_199 = arith.constant 0 : i32
    %scan3A_200 = arith.constant 64 : i32
    %scan3A_201 = arith.addi %scan3A_199, %scan3A_200 : i32
    %scan3A_202 = arith.constant 1 : i32
    scf.for %scan3A_406 = %scan3A_199 to %scan3A_201 step %scan3A_202  : i32 {
      %mul3A_407 = arith.constant 128 : i32
      %mul3A_408 = arith.muli %scan3A_406, %mul3A_407 : i32
      %add3A_409 = arith.constant 0 : i32
      %add3A_410 = arith.addi %mul3A_408, %add3A_409 : i32
      %get3A = arith.index_cast %add3A_410 : i32 to index
      %get3A_411 = tpu.vector_load %arg11[%get3A] {strides = array<i32>} : memref<8192xi32, #tpu.memory_space<vmem>>, vector<16xi32>,
      %mul3A_412 = arith.constant 2048 : i32
      %mul3A_413 = vector.broadcast %mul3A_412 : i32 to vector<16xi32>
      %mul3A_414 = arith.muli %get3A_411, %mul3A_413 : vector<16xi32>
      %get3A_415 = arith.index_cast %add3A_410 : i32 to index
      %get3A_416 = tpu.vector_load %arg10[%get3A_415] {strides = array<i32>} : memref<8192xi32, #tpu.memory_space<vmem>>, vector<16xi32>,
      %add3A_417 = arith.addi %mul3A_414, %get3A_416 : vector<16xi32>
      %ge3A = vector.broadcast %mul3A_109 : i32 to vector<16xi32>
      %ge3A_418 = arith.cmpi sge, %add3A_417, %ge3A : vector<16xi32>
      %add3A_419 = arith.constant 65536 : i32
      %add3A_420 = arith.addi %mul3A_109, %add3A_419 : i32
      %lt3A = vector.broadcast %add3A_420 : i32 to vector<16xi32>
      %lt3A_421 = arith.cmpi slt, %add3A_417, %lt3A : vector<16xi32>
      %and3A = arith.andi %ge3A_418, %lt3A_421 : vector<16xi1>
      %sub3A = vector.broadcast %mul3A_109 : i32 to vector<16xi32>
      %sub3A_422 = arith.subi %add3A_417, %sub3A : vector<16xi32>
      %jit3A = arith.constant 0 : i32
      %broadcast_in_dim3A_423 = vector.broadcast %jit3A : i32 to vector<16xi32>
      %select_n3A = arith.select %and3A, %sub3A_422, %broadcast_in_dim3A_423 : vector<16xi1>, vector<16xi32>
      tpu.vector_store_idx %arg12[%select_n3A], %broadcast_in_dim3A_5 masked %and3A {add = true} : memref<65536xf32, #tpu.memory_space<vmem>>[vector<16xi32>], vector<16xf32>, vector<16xi1>
      %mul3A_424 = arith.constant 128 : i32
      %mul3A_425 = arith.muli %scan3A_406, %mul3A_424 : i32
      %add3A_426 = arith.constant 16 : i32
      %add3A_427 = arith.addi %mul3A_425, %add3A_426 : i32
      %get3A_428 = arith.index_cast %add3A_427 : i32 to index
      %get3A_429 = tpu.vector_load %arg11[%get3A_428] {strides = array<i32>} : memref<8192xi32, #tpu.memory_space<vmem>>, vector<16xi32>,
      %mul3A_430 = arith.constant 2048 : i32
      %mul3A_431 = vector.broadcast %mul3A_430 : i32 to vector<16xi32>
      %mul3A_432 = arith.muli %get3A_429, %mul3A_431 : vector<16xi32>
      %get3A_433 = arith.index_cast %add3A_427 : i32 to index
      %get3A_434 = tpu.vector_load %arg10[%get3A_433] {strides = array<i32>} : memref<8192xi32, #tpu.memory_space<vmem>>, vector<16xi32>,
      %add3A_435 = arith.addi %mul3A_432, %get3A_434 : vector<16xi32>
      %ge3A_436 = vector.broadcast %mul3A_109 : i32 to vector<16xi32>
      %ge3A_437 = arith.cmpi sge, %add3A_435, %ge3A_436 : vector<16xi32>
      %add3A_438 = arith.constant 65536 : i32
      %add3A_439 = arith.addi %mul3A_109, %add3A_438 : i32
      %lt3A_440 = vector.broadcast %add3A_439 : i32 to vector<16xi32>
      %lt3A_441 = arith.cmpi slt, %add3A_435, %lt3A_440 : vector<16xi32>
      %and3A_442 = arith.andi %ge3A_437, %lt3A_441 : vector<16xi1>
      %sub3A_443 = vector.broadcast %mul3A_109 : i32 to vector<16xi32>
      %sub3A_444 = arith.subi %add3A_435, %sub3A_443 : vector<16xi32>
      %jit3A_445 = arith.constant 0 : i32
      %broadcast_in_dim3A_446 = vector.broadcast %jit3A_445 : i32 to vector<16xi32>
      %select_n3A_447 = arith.select %and3A_442, %sub3A_444, %broadcast_in_dim3A_446 : vector<16xi1>, vector<16xi32>
      tpu.vector_store_idx %arg12[%select_n3A_447], %broadcast_in_dim3A_5 masked %and3A_442 {add = true} : memref<65536xf32, #tpu.memory_space<vmem>>[vector<16xi32>], vector<16xf32>, vector<16xi1>
      %mul3A_448 = arith.constant 128 : i32
      %mul3A_449 = arith.muli %scan3A_406, %mul3A_448 : i32
      %add3A_450 = arith.constant 32 : i32
      %add3A_451 = arith.addi %mul3A_449, %add3A_450 : i32
      %get3A_452 = arith.index_cast %add3A_451 : i32 to index
      %get3A_453 = tpu.vector_load %arg11[%get3A_452] {strides = array<i32>} : memref<8192xi32, #tpu.memory_space<vmem>>, vector<16xi32>,
      %mul3A_454 = arith.constant 2048 : i32
      %mul3A_455 = vector.broadcast %mul3A_454 : i32 to vector<16xi32>
      %mul3A_456 = arith.muli %get3A_453, %mul3A_455 : vector<16xi32>
      %get3A_457 = arith.index_cast %add3A_451 : i32 to index
      %get3A_458 = tpu.vector_load %arg10[%get3A_457] {strides = array<i32>} : memref<8192xi32, #tpu.memory_space<vmem>>, vector<16xi32>,
      %add3A_459 = arith.addi %mul3A_456, %get3A_458 : vector<16xi32>
      %ge3A_460 = vector.broadcast %mul3A_109 : i32 to vector<16xi32>
      %ge3A_461 = arith.cmpi sge, %add3A_459, %ge3A_460 : vector<16xi32>
      %add3A_462 = arith.constant 65536 : i32
      %add3A_463 = arith.addi %mul3A_109, %add3A_462 : i32
      %lt3A_464 = vector.broadcast %add3A_463 : i32 to vector<16xi32>
      %lt3A_465 = arith.cmpi slt, %add3A_459, %lt3A_464 : vector<16xi32>
      %and3A_466 = arith.andi %ge3A_461, %lt3A_465 : vector<16xi1>
      %sub3A_467 = vector.broadcast %mul3A_109 : i32 to vector<16xi32>
      %sub3A_468 = arith.subi %add3A_459, %sub3A_467 : vector<16xi32>
      %jit3A_469 = arith.constant 0 : i32
      %broadcast_in_dim3A_470 = vector.broadcast %jit3A_469 : i32 to vector<16xi32>
      %select_n3A_471 = arith.select %and3A_466, %sub3A_468, %broadcast_in_dim3A_470 : vector<16xi1>, vector<16xi32>
      tpu.vector_store_idx %arg12[%select_n3A_471], %broadcast_in_dim3A_5 masked %and3A_466 {add = true} : memref<65536xf32, #tpu.memory_space<vmem>>[vector<16xi32>], vector<16xf32>, vector<16xi1>
      %mul3A_472 = arith.constant 128 : i32
      %mul3A_473 = arith.muli %scan3A_406, %mul3A_472 : i32
      %add3A_474 = arith.constant 48 : i32
      %add3A_475 = arith.addi %mul3A_473, %add3A_474 : i32
      %get3A_476 = arith.index_cast %add3A_475 : i32 to index
      %get3A_477 = tpu.vector_load %arg11[%get3A_476] {strides = array<i32>} : memref<8192xi32, #tpu.memory_space<vmem>>, vector<16xi32>,
      %mul3A_478 = arith.constant 2048 : i32
      %mul3A_479 = vector.broadcast %mul3A_478 : i32 to vector<16xi32>
      %mul3A_480 = arith.muli %get3A_477, %mul3A_479 : vector<16xi32>
      %get3A_481 = arith.index_cast %add3A_475 : i32 to index
      %get3A_482 = tpu.vector_load %arg10[%get3A_481] {strides = array<i32>} : memref<8192xi32, #tpu.memory_space<vmem>>, vector<16xi32>,
      %add3A_483 = arith.addi %mul3A_480, %get3A_482 : vector<16xi32>
      %ge3A_484 = vector.broadcast %mul3A_109 : i32 to vector<16xi32>
      %ge3A_485 = arith.cmpi sge, %add3A_483, %ge3A_484 : vector<16xi32>
      %add3A_486 = arith.constant 65536 : i32
      %add3A_487 = arith.addi %mul3A_109, %add3A_486 : i32
      %lt3A_488 = vector.broadcast %add3A_487 : i32 to vector<16xi32>
      %lt3A_489 = arith.cmpi slt, %add3A_483, %lt3A_488 : vector<16xi32>
      %and3A_490 = arith.andi %ge3A_485, %lt3A_489 : vector<16xi1>
      %sub3A_491 = vector.broadcast %mul3A_109 : i32 to vector<16xi32>
      %sub3A_492 = arith.subi %add3A_483, %sub3A_491 : vector<16xi32>
      %jit3A_493 = arith.constant 0 : i32
      %broadcast_in_dim3A_494 = vector.broadcast %jit3A_493 : i32 to vector<16xi32>
      %select_n3A_495 = arith.select %and3A_490, %sub3A_492, %broadcast_in_dim3A_494 : vector<16xi1>, vector<16xi32>
      tpu.vector_store_idx %arg12[%select_n3A_495], %broadcast_in_dim3A_5 masked %and3A_490 {add = true} : memref<65536xf32, #tpu.memory_space<vmem>>[vector<16xi32>], vector<16xf32>, vector<16xi1>
      %mul3A_496 = arith.constant 128 : i32
      %mul3A_497 = arith.muli %scan3A_406, %mul3A_496 : i32
      %add3A_498 = arith.constant 64 : i32
      %add3A_499 = arith.addi %mul3A_497, %add3A_498 : i32
      %get3A_500 = arith.index_cast %add3A_499 : i32 to index
      %get3A_501 = tpu.vector_load %arg11[%get3A_500] {strides = array<i32>} : memref<8192xi32, #tpu.memory_space<vmem>>, vector<16xi32>,
      %mul3A_502 = arith.constant 2048 : i32
      %mul3A_503 = vector.broadcast %mul3A_502 : i32 to vector<16xi32>
      %mul3A_504 = arith.muli %get3A_501, %mul3A_503 : vector<16xi32>
      %get3A_505 = arith.index_cast %add3A_499 : i32 to index
      %get3A_506 = tpu.vector_load %arg10[%get3A_505] {strides = array<i32>} : memref<8192xi32, #tpu.memory_space<vmem>>, vector<16xi32>,
      %add3A_507 = arith.addi %mul3A_504, %get3A_506 : vector<16xi32>
      %ge3A_508 = vector.broadcast %mul3A_109 : i32 to vector<16xi32>
      %ge3A_509 = arith.cmpi sge, %add3A_507, %ge3A_508 : vector<16xi32>
      %add3A_510 = arith.constant 65536 : i32
      %add3A_511 = arith.addi %mul3A_109, %add3A_510 : i32
      %lt3A_512 = vector.broadcast %add3A_511 : i32 to vector<16xi32>
      %lt3A_513 = arith.cmpi slt, %add3A_507, %lt3A_512 : vector<16xi32>
      %and3A_514 = arith.andi %ge3A_509, %lt3A_513 : vector<16xi1>
      %sub3A_515 = vector.broadcast %mul3A_109 : i32 to vector<16xi32>
      %sub3A_516 = arith.subi %add3A_507, %sub3A_515 : vector<16xi32>
      %jit3A_517 = arith.constant 0 : i32
      %broadcast_in_dim3A_518 = vector.broadcast %jit3A_517 : i32 to vector<16xi32>
      %select_n3A_519 = arith.select %and3A_514, %sub3A_516, %broadcast_in_dim3A_518 : vector<16xi1>, vector<16xi32>
      tpu.vector_store_idx %arg12[%select_n3A_519], %broadcast_in_dim3A_5 masked %and3A_514 {add = true} : memref<65536xf32, #tpu.memory_space<vmem>>[vector<16xi32>], vector<16xf32>, vector<16xi1>
      %mul3A_520 = arith.constant 128 : i32
      %mul3A_521 = arith.muli %scan3A_406, %mul3A_520 : i32
      %add3A_522 = arith.constant 80 : i32
      %add3A_523 = arith.addi %mul3A_521, %add3A_522 : i32
      %get3A_524 = arith.index_cast %add3A_523 : i32 to index
      %get3A_525 = tpu.vector_load %arg11[%get3A_524] {strides = array<i32>} : memref<8192xi32, #tpu.memory_space<vmem>>, vector<16xi32>,
      %mul3A_526 = arith.constant 2048 : i32
      %mul3A_527 = vector.broadcast %mul3A_526 : i32 to vector<16xi32>
      %mul3A_528 = arith.muli %get3A_525, %mul3A_527 : vector<16xi32>
      %get3A_529 = arith.index_cast %add3A_523 : i32 to index
      %get3A_530 = tpu.vector_load %arg10[%get3A_529] {strides = array<i32>} : memref<8192xi32, #tpu.memory_space<vmem>>, vector<16xi32>,
      %add3A_531 = arith.addi %mul3A_528, %get3A_530 : vector<16xi32>
      %ge3A_532 = vector.broadcast %mul3A_109 : i32 to vector<16xi32>
      %ge3A_533 = arith.cmpi sge, %add3A_531, %ge3A_532 : vector<16xi32>
      %add3A_534 = arith.constant 65536 : i32
      %add3A_535 = arith.addi %mul3A_109, %add3A_534 : i32
      %lt3A_536 = vector.broadcast %add3A_535 : i32 to vector<16xi32>
      %lt3A_537 = arith.cmpi slt, %add3A_531, %lt3A_536 : vector<16xi32>
      %and3A_538 = arith.andi %ge3A_533, %lt3A_537 : vector<16xi1>
      %sub3A_539 = vector.broadcast %mul3A_109 : i32 to vector<16xi32>
      %sub3A_540 = arith.subi %add3A_531, %sub3A_539 : vector<16xi32>
      %jit3A_541 = arith.constant 0 : i32
      %broadcast_in_dim3A_542 = vector.broadcast %jit3A_541 : i32 to vector<16xi32>
      %select_n3A_543 = arith.select %and3A_538, %sub3A_540, %broadcast_in_dim3A_542 : vector<16xi1>, vector<16xi32>
      tpu.vector_store_idx %arg12[%select_n3A_543], %broadcast_in_dim3A_5 masked %and3A_538 {add = true} : memref<65536xf32, #tpu.memory_space<vmem>>[vector<16xi32>], vector<16xf32>, vector<16xi1>
      %mul3A_544 = arith.constant 128 : i32
      %mul3A_545 = arith.muli %scan3A_406, %mul3A_544 : i32
      %add3A_546 = arith.constant 96 : i32
      %add3A_547 = arith.addi %mul3A_545, %add3A_546 : i32
      %get3A_548 = arith.index_cast %add3A_547 : i32 to index
      %get3A_549 = tpu.vector_load %arg11[%get3A_548] {strides = array<i32>} : memref<8192xi32, #tpu.memory_space<vmem>>, vector<16xi32>,
      %mul3A_550 = arith.constant 2048 : i32
      %mul3A_551 = vector.broadcast %mul3A_550 : i32 to vector<16xi32>
      %mul3A_552 = arith.muli %get3A_549, %mul3A_551 : vector<16xi32>
      %get3A_553 = arith.index_cast %add3A_547 : i32 to index
      %get3A_554 = tpu.vector_load %arg10[%get3A_553] {strides = array<i32>} : memref<8192xi32, #tpu.memory_space<vmem>>, vector<16xi32>,
      %add3A_555 = arith.addi %mul3A_552, %get3A_554 : vector<16xi32>
      %ge3A_556 = vector.broadcast %mul3A_109 : i32 to vector<16xi32>
      %ge3A_557 = arith.cmpi sge, %add3A_555, %ge3A_556 : vector<16xi32>
      %add3A_558 = arith.constant 65536 : i32
      %add3A_559 = arith.addi %mul3A_109, %add3A_558 : i32
      %lt3A_560 = vector.broadcast %add3A_559 : i32 to vector<16xi32>
      %lt3A_561 = arith.cmpi slt, %add3A_555, %lt3A_560 : vector<16xi32>
      %and3A_562 = arith.andi %ge3A_557, %lt3A_561 : vector<16xi1>
      %sub3A_563 = vector.broadcast %mul3A_109 : i32 to vector<16xi32>
      %sub3A_564 = arith.subi %add3A_555, %sub3A_563 : vector<16xi32>
      %jit3A_565 = arith.constant 0 : i32
      %broadcast_in_dim3A_566 = vector.broadcast %jit3A_565 : i32 to vector<16xi32>
      %select_n3A_567 = arith.select %and3A_562, %sub3A_564, %broadcast_in_dim3A_566 : vector<16xi1>, vector<16xi32>
      tpu.vector_store_idx %arg12[%select_n3A_567], %broadcast_in_dim3A_5 masked %and3A_562 {add = true} : memref<65536xf32, #tpu.memory_space<vmem>>[vector<16xi32>], vector<16xf32>, vector<16xi1>
      %mul3A_568 = arith.constant 128 : i32
      %mul3A_569 = arith.muli %scan3A_406, %mul3A_568 : i32
      %add3A_570 = arith.constant 112 : i32
      %add3A_571 = arith.addi %mul3A_569, %add3A_570 : i32
      %get3A_572 = arith.index_cast %add3A_571 : i32 to index
      %get3A_573 = tpu.vector_load %arg11[%get3A_572] {strides = array<i32>} : memref<8192xi32, #tpu.memory_space<vmem>>, vector<16xi32>,
      %mul3A_574 = arith.constant 2048 : i32
      %mul3A_575 = vector.broadcast %mul3A_574 : i32 to vector<16xi32>
      %mul3A_576 = arith.muli %get3A_573, %mul3A_575 : vector<16xi32>
      %get3A_577 = arith.index_cast %add3A_571 : i32 to index
      %get3A_578 = tpu.vector_load %arg10[%get3A_577] {strides = array<i32>} : memref<8192xi32, #tpu.memory_space<vmem>>, vector<16xi32>,
      %add3A_579 = arith.addi %mul3A_576, %get3A_578 : vector<16xi32>
      %ge3A_580 = vector.broadcast %mul3A_109 : i32 to vector<16xi32>
      %ge3A_581 = arith.cmpi sge, %add3A_579, %ge3A_580 : vector<16xi32>
      %add3A_582 = arith.constant 65536 : i32
      %add3A_583 = arith.addi %mul3A_109, %add3A_582 : i32
      %lt3A_584 = vector.broadcast %add3A_583 : i32 to vector<16xi32>
      %lt3A_585 = arith.cmpi slt, %add3A_579, %lt3A_584 : vector<16xi32>
      %and3A_586 = arith.andi %ge3A_581, %lt3A_585 : vector<16xi1>
      %sub3A_587 = vector.broadcast %mul3A_109 : i32 to vector<16xi32>
      %sub3A_588 = arith.subi %add3A_579, %sub3A_587 : vector<16xi32>
      %jit3A_589 = arith.constant 0 : i32
      %broadcast_in_dim3A_590 = vector.broadcast %jit3A_589 : i32 to vector<16xi32>
      %select_n3A_591 = arith.select %and3A_586, %sub3A_588, %broadcast_in_dim3A_590 : vector<16xi1>, vector<16xi32>
      tpu.vector_store_idx %arg12[%select_n3A_591], %broadcast_in_dim3A_5 masked %and3A_586 {add = true} : memref<65536xf32, #tpu.memory_space<vmem>>[vector<16xi32>], vector<16xf32>, vector<16xi1>
    }
    %scan3A_203 = arith.constant 64 : i32
    "tpu.region"() ({
      %run_scoped3A = tpu.sem_alloc : memref<!tpu.dma_semaphore, #tpu.memory_space<semaphore_mem>>
      %dma_start3A_406 = tpu.memref_slice %arg6[%mul3A_109] : memref<4194304xf32, #tpu.memory_space<hbm>> -> memref<65536xf32, #tpu.memory_space<hbm>>
      %dma_start3A_407 = tpu.memref_slice %arg6[%mul3A_109] : memref<4194304xf32, #tpu.memory_space<hbm>> -> memref<65536xf32, #tpu.memory_space<hbm>>
      tpu.enqueue_dma source(%arg12 : memref<65536xf32, #tpu.memory_space<vmem>>) target(%dma_start3A_407 : memref<65536xf32, #tpu.memory_space<hbm>>) target_semaphore(%run_scoped3A : memref<!tpu.dma_semaphore, #tpu.memory_space<semaphore_mem>>)
      %dma_wait3A_408 = tpu.memref_slice %arg6[%mul3A_109] : memref<4194304xf32, #tpu.memory_space<hbm>> -> memref<65536xf32, #tpu.memory_space<hbm>>
      %dma_wait3A_409 = tpu.memref_slice %arg6[%mul3A_109] : memref<4194304xf32, #tpu.memory_space<hbm>> -> memref<65536xf32, #tpu.memory_space<hbm>>
      tpu.wait_dma2 semaphore(%run_scoped3A : memref<!tpu.dma_semaphore, #tpu.memory_space<semaphore_mem>>) src(%arg12 : memref<65536xf32, #tpu.memory_space<vmem>>) dst(%dma_wait3A_409 : memref<65536xf32, #tpu.memory_space<hbm>>)
      tpu.yield
    }) : () -> ()
    %barrier3A_204 = arith.constant 0 : index
    tpu.barrier barrier_id(%barrier3A_204)
    "tpu.region"() ({
      %run_scoped3A = tpu.sem_alloc : memref<!tpu.dma_semaphore, #tpu.memory_space<semaphore_mem>>
      %dma_start3A_406 = arith.constant 0 : i32
      %dma_start3A_407 = tpu.memref_slice %arg8[%dma_start3A_406] : memref<8192xi32, #tpu.memory_space<vmem>> -> memref<2048xi32, #tpu.memory_space<vmem>>
      %dma_start3A_408 = tpu.memref_slice %arg4[%mul3A_2] : memref<32768xi32, #tpu.memory_space<hbm>> -> memref<2048xi32, #tpu.memory_space<hbm>>
      %dma_start3A_409 = arith.constant 0 : i32
      %dma_start3A_410 = tpu.memref_slice %arg8[%dma_start3A_409] : memref<8192xi32, #tpu.memory_space<vmem>> -> memref<2048xi32, #tpu.memory_space<vmem>>
      %dma_start3A_411 = tpu.memref_slice %arg4[%mul3A_2] : memref<32768xi32, #tpu.memory_space<hbm>> -> memref<2048xi32, #tpu.memory_space<hbm>>
      tpu.enqueue_dma source(%dma_start3A_411 : memref<2048xi32, #tpu.memory_space<hbm>>) target(%dma_start3A_410 : memref<2048xi32, #tpu.memory_space<vmem>>) target_semaphore(%run_scoped3A : memref<!tpu.dma_semaphore, #tpu.memory_space<semaphore_mem>>)
      %dma_wait3A_412 = arith.constant 0 : i32
      %dma_wait3A_413 = tpu.memref_slice %arg8[%dma_wait3A_412] : memref<8192xi32, #tpu.memory_space<vmem>> -> memref<2048xi32, #tpu.memory_space<vmem>>
      %dma_wait3A_414 = tpu.memref_slice %arg4[%mul3A_2] : memref<32768xi32, #tpu.memory_space<hbm>> -> memref<2048xi32, #tpu.memory_space<hbm>>
      %dma_wait3A_415 = arith.constant 0 : i32
      %dma_wait3A_416 = tpu.memref_slice %arg8[%dma_wait3A_415] : memref<8192xi32, #tpu.memory_space<vmem>> -> memref<2048xi32, #tpu.memory_space<vmem>>
      %dma_wait3A_417 = tpu.memref_slice %arg4[%mul3A_2] : memref<32768xi32, #tpu.memory_space<hbm>> -> memref<2048xi32, #tpu.memory_space<hbm>>
      tpu.wait_dma2 semaphore(%run_scoped3A : memref<!tpu.dma_semaphore, #tpu.memory_space<semaphore_mem>>) src(%dma_wait3A_417 : memref<2048xi32, #tpu.memory_space<hbm>>) dst(%dma_wait3A_416 : memref<2048xi32, #tpu.memory_space<vmem>>)
      tpu.yield
    }) : () -> ()
    "tpu.region"() ({
      %run_scoped3A = tpu.sem_alloc : memref<!tpu.dma_semaphore, #tpu.memory_space<semaphore_mem>>
      %dma_start3A_406 = arith.constant 0 : i32
      %dma_start3A_407 = tpu.memref_slice %arg9[%dma_start3A_406] : memref<8192xi32, #tpu.memory_space<vmem>> -> memref<2048xi32, #tpu.memory_space<vmem>>
      %dma_start3A_408 = tpu.memref_slice %arg5[%mul3A_2] : memref<32768xi32, #tpu.memory_space<hbm>> -> memref<2048xi32, #tpu.memory_space<hbm>>
      %dma_start3A_409 = arith.constant 0 : i32
      %dma_start3A_410 = tpu.memref_slice %arg9[%dma_start3A_409] : memref<8192xi32, #tpu.memory_space<vmem>> -> memref<2048xi32, #tpu.memory_space<vmem>>
      %dma_start3A_411 = tpu.memref_slice %arg5[%mul3A_2] : memref<32768xi32, #tpu.memory_space<hbm>> -> memref<2048xi32, #tpu.memory_space<hbm>>
      tpu.enqueue_dma source(%dma_start3A_411 : memref<2048xi32, #tpu.memory_space<hbm>>) target(%dma_start3A_410 : memref<2048xi32, #tpu.memory_space<vmem>>) target_semaphore(%run_scoped3A : memref<!tpu.dma_semaphore, #tpu.memory_space<semaphore_mem>>)
      %dma_wait3A_412 = arith.constant 0 : i32
      %dma_wait3A_413 = tpu.memref_slice %arg9[%dma_wait3A_412] : memref<8192xi32, #tpu.memory_space<vmem>> -> memref<2048xi32, #tpu.memory_space<vmem>>
      %dma_wait3A_414 = tpu.memref_slice %arg5[%mul3A_2] : memref<32768xi32, #tpu.memory_space<hbm>> -> memref<2048xi32, #tpu.memory_space<hbm>>
      %dma_wait3A_415 = arith.constant 0 : i32
      %dma_wait3A_416 = tpu.memref_slice %arg9[%dma_wait3A_415] : memref<8192xi32, #tpu.memory_space<vmem>> -> memref<2048xi32, #tpu.memory_space<vmem>>
      %dma_wait3A_417 = tpu.memref_slice %arg5[%mul3A_2] : memref<32768xi32, #tpu.memory_space<hbm>> -> memref<2048xi32, #tpu.memory_space<hbm>>
      tpu.wait_dma2 semaphore(%run_scoped3A : memref<!tpu.dma_semaphore, #tpu.memory_space<semaphore_mem>>) src(%dma_wait3A_417 : memref<2048xi32, #tpu.memory_space<hbm>>) dst(%dma_wait3A_416 : memref<2048xi32, #tpu.memory_space<vmem>>)
      tpu.yield
    }) : () -> ()
    "tpu.region"() ({
      %run_scoped3A = tpu.sem_alloc : memref<!tpu.dma_semaphore, #tpu.memory_space<semaphore_mem>>
      %dma_start3A_406 = arith.constant 0 : i32
      %dma_start3A_407 = tpu.memref_slice %arg8[%dma_start3A_406] : memref<8192xi32, #tpu.memory_space<vmem>> -> memref<2048xi32, #tpu.memory_space<vmem>>
      %dma_start3A_408 = tpu.memref_slice %arg13[%mul3A_2] : memref<32768xi32, #tpu.memory_space<vmem_shared>> -> memref<2048xi32, #tpu.memory_space<vmem_shared>>
      %dma_start3A_409 = tpu.memref_slice %arg13[%mul3A_2] : memref<32768xi32, #tpu.memory_space<vmem_shared>> -> memref<2048xi32, #tpu.memory_space<vmem_shared>>
      %dma_start3A_410 = arith.constant 0 : i32
      %dma_start3A_411 = tpu.memref_slice %arg8[%dma_start3A_410] : memref<8192xi32, #tpu.memory_space<vmem>> -> memref<2048xi32, #tpu.memory_space<vmem>>
      tpu.enqueue_dma source(%dma_start3A_411 : memref<2048xi32, #tpu.memory_space<vmem>>) target(%dma_start3A_409 : memref<2048xi32, #tpu.memory_space<vmem_shared>>) target_semaphore(%run_scoped3A : memref<!tpu.dma_semaphore, #tpu.memory_space<semaphore_mem>>)
      %dma_wait3A_412 = arith.constant 0 : i32
      %dma_wait3A_413 = tpu.memref_slice %arg8[%dma_wait3A_412] : memref<8192xi32, #tpu.memory_space<vmem>> -> memref<2048xi32, #tpu.memory_space<vmem>>
      %dma_wait3A_414 = tpu.memref_slice %arg13[%mul3A_2] : memref<32768xi32, #tpu.memory_space<vmem_shared>> -> memref<2048xi32, #tpu.memory_space<vmem_shared>>
      %dma_wait3A_415 = tpu.memref_slice %arg13[%mul3A_2] : memref<32768xi32, #tpu.memory_space<vmem_shared>> -> memref<2048xi32, #tpu.memory_space<vmem_shared>>
      %dma_wait3A_416 = arith.constant 0 : i32
      %dma_wait3A_417 = tpu.memref_slice %arg8[%dma_wait3A_416] : memref<8192xi32, #tpu.memory_space<vmem>> -> memref<2048xi32, #tpu.memory_space<vmem>>
      tpu.wait_dma2 semaphore(%run_scoped3A : memref<!tpu.dma_semaphore, #tpu.memory_space<semaphore_mem>>) src(%dma_wait3A_417 : memref<2048xi32, #tpu.memory_space<vmem>>) dst(%dma_wait3A_415 : memref<2048xi32, #tpu.memory_space<vmem_shared>>)
      tpu.yield
    }) : () -> ()
    "tpu.region"() ({
      %run_scoped3A = tpu.sem_alloc : memref<!tpu.dma_semaphore, #tpu.memory_space<semaphore_mem>>
      %dma_start3A_406 = arith.constant 0 : i32
      %dma_start3A_407 = tpu.memref_slice %arg9[%dma_start3A_406] : memref<8192xi32, #tpu.memory_space<vmem>> -> memref<2048xi32, #tpu.memory_space<vmem>>
      %dma_start3A_408 = tpu.memref_slice %arg14[%mul3A_2] : memref<32768xi32, #tpu.memory_space<vmem_shared>> -> memref<2048xi32, #tpu.memory_space<vmem_shared>>
      %dma_start3A_409 = tpu.memref_slice %arg14[%mul3A_2] : memref<32768xi32, #tpu.memory_space<vmem_shared>> -> memref<2048xi32, #tpu.memory_space<vmem_shared>>
      %dma_start3A_410 = arith.constant 0 : i32
      %dma_start3A_411 = tpu.memref_slice %arg9[%dma_start3A_410] : memref<8192xi32, #tpu.memory_space<vmem>> -> memref<2048xi32, #tpu.memory_space<vmem>>
      tpu.enqueue_dma source(%dma_start3A_411 : memref<2048xi32, #tpu.memory_space<vmem>>) target(%dma_start3A_409 : memref<2048xi32, #tpu.memory_space<vmem_shared>>) target_semaphore(%run_scoped3A : memref<!tpu.dma_semaphore, #tpu.memory_space<semaphore_mem>>)
      %dma_wait3A_412 = arith.constant 0 : i32
      %dma_wait3A_413 = tpu.memref_slice %arg9[%dma_wait3A_412] : memref<8192xi32, #tpu.memory_space<vmem>> -> memref<2048xi32, #tpu.memory_space<vmem>>
      %dma_wait3A_414 = tpu.memref_slice %arg14[%mul3A_2] : memref<32768xi32, #tpu.memory_space<vmem_shared>> -> memref<2048xi32, #tpu.memory_space<vmem_shared>>
      %dma_wait3A_415 = tpu.memref_slice %arg14[%mul3A_2] : memref<32768xi32, #tpu.memory_space<vmem_shared>> -> memref<2048xi32, #tpu.memory_space<vmem_shared>>
      %dma_wait3A_416 = arith.constant 0 : i32
      %dma_wait3A_417 = tpu.memref_slice %arg9[%dma_wait3A_416] : memref<8192xi32, #tpu.memory_space<vmem>> -> memref<2048xi32, #tpu.memory_space<vmem>>
      tpu.wait_dma2 semaphore(%run_scoped3A : memref<!tpu.dma_semaphore, #tpu.memory_space<semaphore_mem>>) src(%dma_wait3A_417 : memref<2048xi32, #tpu.memory_space<vmem>>) dst(%dma_wait3A_415 : memref<2048xi32, #tpu.memory_space<vmem_shared>>)
      tpu.yield
    }) : () -> ()
    %barrier3A_205 = arith.constant 0 : index
    tpu.barrier barrier_id(%barrier3A_205)
    %mul3A_206 = arith.constant 2 : i32
    %mul3A_207 = arith.muli %mul3A_206, %add3A : i32
    %add3A_208 = arith.constant 0 : i32
    %add3A_209 = arith.addi %mul3A_207, %add3A_208 : i32
    %mul3A_210 = arith.constant 65536 : i32
    %mul3A_211 = arith.muli %add3A_209, %mul3A_210 : i32
    %scan3A_212 = arith.constant 0 : i32
    %scan3A_213 = arith.constant 0 : i32
    %scan3A_214 = arith.constant 512 : i32
    %scan3A_215 = arith.addi %scan3A_213, %scan3A_214 : i32
    %scan3A_216 = arith.constant 1 : i32
    scf.for %scan3A_406 = %scan3A_213 to %scan3A_215 step %scan3A_216  : i32 {
      %mul3A_407 = arith.constant 128 : i32
      %mul3A_408 = arith.muli %scan3A_406, %mul3A_407 : i32
      %add3A_409 = arith.constant 0 : i32
      %add3A_410 = arith.addi %mul3A_408, %add3A_409 : i32
      %swap3A = arith.index_cast %add3A_410 : i32 to index
      %swap3A_411 = tpu.vector_load %arg12[%swap3A] {strides = array<i32>} : memref<65536xf32, #tpu.memory_space<vmem>>, vector<16xf32>,
      tpu.vector_store %arg12[%swap3A], %broadcast_in_dim3A_3 {strides = array<i32>} : memref<65536xf32, #tpu.memory_space<vmem>>, vector<16xf32>,
      %mul3A_412 = arith.constant 128 : i32
      %mul3A_413 = arith.muli %scan3A_406, %mul3A_412 : i32
      %add3A_414 = arith.constant 16 : i32
      %add3A_415 = arith.addi %mul3A_413, %add3A_414 : i32
      %swap3A_416 = arith.index_cast %add3A_415 : i32 to index
      %swap3A_417 = tpu.vector_load %arg12[%swap3A_416] {strides = array<i32>} : memref<65536xf32, #tpu.memory_space<vmem>>, vector<16xf32>,
      tpu.vector_store %arg12[%swap3A_416], %broadcast_in_dim3A_3 {strides = array<i32>} : memref<65536xf32, #tpu.memory_space<vmem>>, vector<16xf32>,
      %mul3A_418 = arith.constant 128 : i32
      %mul3A_419 = arith.muli %scan3A_406, %mul3A_418 : i32
      %add3A_420 = arith.constant 32 : i32
      %add3A_421 = arith.addi %mul3A_419, %add3A_420 : i32
      %swap3A_422 = arith.index_cast %add3A_421 : i32 to index
      %swap3A_423 = tpu.vector_load %arg12[%swap3A_422] {strides = array<i32>} : memref<65536xf32, #tpu.memory_space<vmem>>, vector<16xf32>,
      tpu.vector_store %arg12[%swap3A_422], %broadcast_in_dim3A_3 {strides = array<i32>} : memref<65536xf32, #tpu.memory_space<vmem>>, vector<16xf32>,
      %mul3A_424 = arith.constant 128 : i32
      %mul3A_425 = arith.muli %scan3A_406, %mul3A_424 : i32
      %add3A_426 = arith.constant 48 : i32
      %add3A_427 = arith.addi %mul3A_425, %add3A_426 : i32
      %swap3A_428 = arith.index_cast %add3A_427 : i32 to index
      %swap3A_429 = tpu.vector_load %arg12[%swap3A_428] {strides = array<i32>} : memref<65536xf32, #tpu.memory_space<vmem>>, vector<16xf32>,
      tpu.vector_store %arg12[%swap3A_428], %broadcast_in_dim3A_3 {strides = array<i32>} : memref<65536xf32, #tpu.memory_space<vmem>>, vector<16xf32>,
      %mul3A_430 = arith.constant 128 : i32
      %mul3A_431 = arith.muli %scan3A_406, %mul3A_430 : i32
      %add3A_432 = arith.constant 64 : i32
      %add3A_433 = arith.addi %mul3A_431, %add3A_432 : i32
      %swap3A_434 = arith.index_cast %add3A_433 : i32 to index
      %swap3A_435 = tpu.vector_load %arg12[%swap3A_434] {strides = array<i32>} : memref<65536xf32, #tpu.memory_space<vmem>>, vector<16xf32>,
      tpu.vector_store %arg12[%swap3A_434], %broadcast_in_dim3A_3 {strides = array<i32>} : memref<65536xf32, #tpu.memory_space<vmem>>, vector<16xf32>,
      %mul3A_436 = arith.constant 128 : i32
      %mul3A_437 = arith.muli %scan3A_406, %mul3A_436 : i32
      %add3A_438 = arith.constant 80 : i32
      %add3A_439 = arith.addi %mul3A_437, %add3A_438 : i32
      %swap3A_440 = arith.index_cast %add3A_439 : i32 to index
      %swap3A_441 = tpu.vector_load %arg12[%swap3A_440] {strides = array<i32>} : memref<65536xf32, #tpu.memory_space<vmem>>, vector<16xf32>,
      tpu.vector_store %arg12[%swap3A_440], %broadcast_in_dim3A_3 {strides = array<i32>} : memref<65536xf32, #tpu.memory_space<vmem>>, vector<16xf32>,
      %mul3A_442 = arith.constant 128 : i32
      %mul3A_443 = arith.muli %scan3A_406, %mul3A_442 : i32
      %add3A_444 = arith.constant 96 : i32
      %add3A_445 = arith.addi %mul3A_443, %add3A_444 : i32
      %swap3A_446 = arith.index_cast %add3A_445 : i32 to index
      %swap3A_447 = tpu.vector_load %arg12[%swap3A_446] {strides = array<i32>} : memref<65536xf32, #tpu.memory_space<vmem>>, vector<16xf32>,
      tpu.vector_store %arg12[%swap3A_446], %broadcast_in_dim3A_3 {strides = array<i32>} : memref<65536xf32, #tpu.memory_space<vmem>>, vector<16xf32>,
      %mul3A_448 = arith.constant 128 : i32
      %mul3A_449 = arith.muli %scan3A_406, %mul3A_448 : i32
      %add3A_450 = arith.constant 112 : i32
      %add3A_451 = arith.addi %mul3A_449, %add3A_450 : i32
      %swap3A_452 = arith.index_cast %add3A_451 : i32 to index
      %swap3A_453 = tpu.vector_load %arg12[%swap3A_452] {strides = array<i32>} : memref<65536xf32, #tpu.memory_space<vmem>>, vector<16xf32>,
      tpu.vector_store %arg12[%swap3A_452], %broadcast_in_dim3A_3 {strides = array<i32>} : memref<65536xf32, #tpu.memory_space<vmem>>, vector<16xf32>,
    }
    %scan3A_217 = arith.constant 512 : i32
    %dma_start3A_218 = arith.constant 0 : i32
    %dma_start3A_219 = tpu.memref_slice %arg13[%dma_start3A_218] : memref<32768xi32, #tpu.memory_space<vmem_shared>> -> memref<8192xi32, #tpu.memory_space<vmem_shared>>
    %dma_start3A_220 = arith.constant 0 : i32
    %dma_start3A_221 = tpu.memref_slice %arg13[%dma_start3A_220] : memref<32768xi32, #tpu.memory_space<vmem_shared>> -> memref<8192xi32, #tpu.memory_space<vmem_shared>>
    tpu.enqueue_dma source(%dma_start3A_221 : memref<8192xi32, #tpu.memory_space<vmem_shared>>) target(%arg8 : memref<8192xi32, #tpu.memory_space<vmem>>) target_semaphore(%arg15 : memref<!tpu.dma_semaphore, #tpu.memory_space<semaphore_mem>>)
    %dma_start3A_222 = arith.constant 0 : i32
    %dma_start3A_223 = tpu.memref_slice %arg14[%dma_start3A_222] : memref<32768xi32, #tpu.memory_space<vmem_shared>> -> memref<8192xi32, #tpu.memory_space<vmem_shared>>
    %dma_start3A_224 = arith.constant 0 : i32
    %dma_start3A_225 = tpu.memref_slice %arg14[%dma_start3A_224] : memref<32768xi32, #tpu.memory_space<vmem_shared>> -> memref<8192xi32, #tpu.memory_space<vmem_shared>>
    tpu.enqueue_dma source(%dma_start3A_225 : memref<8192xi32, #tpu.memory_space<vmem_shared>>) target(%arg9 : memref<8192xi32, #tpu.memory_space<vmem>>) target_semaphore(%arg16 : memref<!tpu.dma_semaphore, #tpu.memory_space<semaphore_mem>>)
    %dma_wait3A_226 = arith.constant 0 : i32
    %dma_wait3A_227 = tpu.memref_slice %arg13[%dma_wait3A_226] : memref<32768xi32, #tpu.memory_space<vmem_shared>> -> memref<8192xi32, #tpu.memory_space<vmem_shared>>
    %dma_wait3A_228 = arith.constant 0 : i32
    %dma_wait3A_229 = tpu.memref_slice %arg13[%dma_wait3A_228] : memref<32768xi32, #tpu.memory_space<vmem_shared>> -> memref<8192xi32, #tpu.memory_space<vmem_shared>>
    tpu.wait_dma2 semaphore(%arg15 : memref<!tpu.dma_semaphore, #tpu.memory_space<semaphore_mem>>) src(%dma_wait3A_229 : memref<8192xi32, #tpu.memory_space<vmem_shared>>) dst(%arg8 : memref<8192xi32, #tpu.memory_space<vmem>>)
    %dma_wait3A_230 = arith.constant 0 : i32
    %dma_wait3A_231 = tpu.memref_slice %arg14[%dma_wait3A_230] : memref<32768xi32, #tpu.memory_space<vmem_shared>> -> memref<8192xi32, #tpu.memory_space<vmem_shared>>
    %dma_wait3A_232 = arith.constant 0 : i32
    %dma_wait3A_233 = tpu.memref_slice %arg14[%dma_wait3A_232] : memref<32768xi32, #tpu.memory_space<vmem_shared>> -> memref<8192xi32, #tpu.memory_space<vmem_shared>>
    tpu.wait_dma2 semaphore(%arg16 : memref<!tpu.dma_semaphore, #tpu.memory_space<semaphore_mem>>) src(%dma_wait3A_233 : memref<8192xi32, #tpu.memory_space<vmem_shared>>) dst(%arg9 : memref<8192xi32, #tpu.memory_space<vmem>>)
    %dma_start3A_234 = arith.constant 8192 : i32
    %dma_start3A_235 = tpu.memref_slice %arg13[%dma_start3A_234] : memref<32768xi32, #tpu.memory_space<vmem_shared>> -> memref<8192xi32, #tpu.memory_space<vmem_shared>>
    %dma_start3A_236 = arith.constant 8192 : i32
    %dma_start3A_237 = tpu.memref_slice %arg13[%dma_start3A_236] : memref<32768xi32, #tpu.memory_space<vmem_shared>> -> memref<8192xi32, #tpu.memory_space<vmem_shared>>
    tpu.enqueue_dma source(%dma_start3A_237 : memref<8192xi32, #tpu.memory_space<vmem_shared>>) target(%arg10 : memref<8192xi32, #tpu.memory_space<vmem>>) target_semaphore(%arg17 : memref<!tpu.dma_semaphore, #tpu.memory_space<semaphore_mem>>)
    %dma_start3A_238 = arith.constant 8192 : i32
    %dma_start3A_239 = tpu.memref_slice %arg14[%dma_start3A_238] : memref<32768xi32, #tpu.memory_space<vmem_shared>> -> memref<8192xi32, #tpu.memory_space<vmem_shared>>
    %dma_start3A_240 = arith.constant 8192 : i32
    %dma_start3A_241 = tpu.memref_slice %arg14[%dma_start3A_240] : memref<32768xi32, #tpu.memory_space<vmem_shared>> -> memref<8192xi32, #tpu.memory_space<vmem_shared>>
    tpu.enqueue_dma source(%dma_start3A_241 : memref<8192xi32, #tpu.memory_space<vmem_shared>>) target(%arg11 : memref<8192xi32, #tpu.memory_space<vmem>>) target_semaphore(%arg18 : memref<!tpu.dma_semaphore, #tpu.memory_space<semaphore_mem>>)
    %scan3A_242 = arith.constant 0 : i32
    %scan3A_243 = arith.constant 0 : i32
    %scan3A_244 = arith.constant 64 : i32
    %scan3A_245 = arith.addi %scan3A_243, %scan3A_244 : i32
    %scan3A_246 = arith.constant 1 : i32
    scf.for %scan3A_406 = %scan3A_243 to %scan3A_245 step %scan3A_246  : i32 {
      %mul3A_407 = arith.constant 128 : i32
      %mul3A_408 = arith.muli %scan3A_406, %mul3A_407 : i32
      %add3A_409 = arith.constant 0 : i32
      %add3A_410 = arith.addi %mul3A_408, %add3A_409 : i32
      %get3A = arith.index_cast %add3A_410 : i32 to index
      %get3A_411 = tpu.vector_load %arg9[%get3A] {strides = array<i32>} : memref<8192xi32, #tpu.memory_space<vmem>>, vector<16xi32>,
      %mul3A_412 = arith.constant 2048 : i32
      %mul3A_413 = vector.broadcast %mul3A_412 : i32 to vector<16xi32>
      %mul3A_414 = arith.muli %get3A_411, %mul3A_413 : vector<16xi32>
      %get3A_415 = arith.index_cast %add3A_410 : i32 to index
      %get3A_416 = tpu.vector_load %arg8[%get3A_415] {strides = array<i32>} : memref<8192xi32, #tpu.memory_space<vmem>>, vector<16xi32>,
      %add3A_417 = arith.addi %mul3A_414, %get3A_416 : vector<16xi32>
      %ge3A = vector.broadcast %mul3A_211 : i32 to vector<16xi32>
      %ge3A_418 = arith.cmpi sge, %add3A_417, %ge3A : vector<16xi32>
      %add3A_419 = arith.constant 65536 : i32
      %add3A_420 = arith.addi %mul3A_211, %add3A_419 : i32
      %lt3A = vector.broadcast %add3A_420 : i32 to vector<16xi32>
      %lt3A_421 = arith.cmpi slt, %add3A_417, %lt3A : vector<16xi32>
      %and3A = arith.andi %ge3A_418, %lt3A_421 : vector<16xi1>
      %sub3A = vector.broadcast %mul3A_211 : i32 to vector<16xi32>
      %sub3A_422 = arith.subi %add3A_417, %sub3A : vector<16xi32>
      %jit3A = arith.constant 0 : i32
      %broadcast_in_dim3A_423 = vector.broadcast %jit3A : i32 to vector<16xi32>
      %select_n3A = arith.select %and3A, %sub3A_422, %broadcast_in_dim3A_423 : vector<16xi1>, vector<16xi32>
      tpu.vector_store_idx %arg12[%select_n3A], %broadcast_in_dim3A_5 masked %and3A {add = true} : memref<65536xf32, #tpu.memory_space<vmem>>[vector<16xi32>], vector<16xf32>, vector<16xi1>
      %mul3A_424 = arith.constant 128 : i32
      %mul3A_425 = arith.muli %scan3A_406, %mul3A_424 : i32
      %add3A_426 = arith.constant 16 : i32
      %add3A_427 = arith.addi %mul3A_425, %add3A_426 : i32
      %get3A_428 = arith.index_cast %add3A_427 : i32 to index
      %get3A_429 = tpu.vector_load %arg9[%get3A_428] {strides = array<i32>} : memref<8192xi32, #tpu.memory_space<vmem>>, vector<16xi32>,
      %mul3A_430 = arith.constant 2048 : i32
      %mul3A_431 = vector.broadcast %mul3A_430 : i32 to vector<16xi32>
      %mul3A_432 = arith.muli %get3A_429, %mul3A_431 : vector<16xi32>
      %get3A_433 = arith.index_cast %add3A_427 : i32 to index
      %get3A_434 = tpu.vector_load %arg8[%get3A_433] {strides = array<i32>} : memref<8192xi32, #tpu.memory_space<vmem>>, vector<16xi32>,
      %add3A_435 = arith.addi %mul3A_432, %get3A_434 : vector<16xi32>
      %ge3A_436 = vector.broadcast %mul3A_211 : i32 to vector<16xi32>
      %ge3A_437 = arith.cmpi sge, %add3A_435, %ge3A_436 : vector<16xi32>
      %add3A_438 = arith.constant 65536 : i32
      %add3A_439 = arith.addi %mul3A_211, %add3A_438 : i32
      %lt3A_440 = vector.broadcast %add3A_439 : i32 to vector<16xi32>
      %lt3A_441 = arith.cmpi slt, %add3A_435, %lt3A_440 : vector<16xi32>
      %and3A_442 = arith.andi %ge3A_437, %lt3A_441 : vector<16xi1>
      %sub3A_443 = vector.broadcast %mul3A_211 : i32 to vector<16xi32>
      %sub3A_444 = arith.subi %add3A_435, %sub3A_443 : vector<16xi32>
      %jit3A_445 = arith.constant 0 : i32
      %broadcast_in_dim3A_446 = vector.broadcast %jit3A_445 : i32 to vector<16xi32>
      %select_n3A_447 = arith.select %and3A_442, %sub3A_444, %broadcast_in_dim3A_446 : vector<16xi1>, vector<16xi32>
      tpu.vector_store_idx %arg12[%select_n3A_447], %broadcast_in_dim3A_5 masked %and3A_442 {add = true} : memref<65536xf32, #tpu.memory_space<vmem>>[vector<16xi32>], vector<16xf32>, vector<16xi1>
      %mul3A_448 = arith.constant 128 : i32
      %mul3A_449 = arith.muli %scan3A_406, %mul3A_448 : i32
      %add3A_450 = arith.constant 32 : i32
      %add3A_451 = arith.addi %mul3A_449, %add3A_450 : i32
      %get3A_452 = arith.index_cast %add3A_451 : i32 to index
      %get3A_453 = tpu.vector_load %arg9[%get3A_452] {strides = array<i32>} : memref<8192xi32, #tpu.memory_space<vmem>>, vector<16xi32>,
      %mul3A_454 = arith.constant 2048 : i32
      %mul3A_455 = vector.broadcast %mul3A_454 : i32 to vector<16xi32>
      %mul3A_456 = arith.muli %get3A_453, %mul3A_455 : vector<16xi32>
      %get3A_457 = arith.index_cast %add3A_451 : i32 to index
      %get3A_458 = tpu.vector_load %arg8[%get3A_457] {strides = array<i32>} : memref<8192xi32, #tpu.memory_space<vmem>>, vector<16xi32>,
      %add3A_459 = arith.addi %mul3A_456, %get3A_458 : vector<16xi32>
      %ge3A_460 = vector.broadcast %mul3A_211 : i32 to vector<16xi32>
      %ge3A_461 = arith.cmpi sge, %add3A_459, %ge3A_460 : vector<16xi32>
      %add3A_462 = arith.constant 65536 : i32
      %add3A_463 = arith.addi %mul3A_211, %add3A_462 : i32
      %lt3A_464 = vector.broadcast %add3A_463 : i32 to vector<16xi32>
      %lt3A_465 = arith.cmpi slt, %add3A_459, %lt3A_464 : vector<16xi32>
      %and3A_466 = arith.andi %ge3A_461, %lt3A_465 : vector<16xi1>
      %sub3A_467 = vector.broadcast %mul3A_211 : i32 to vector<16xi32>
      %sub3A_468 = arith.subi %add3A_459, %sub3A_467 : vector<16xi32>
      %jit3A_469 = arith.constant 0 : i32
      %broadcast_in_dim3A_470 = vector.broadcast %jit3A_469 : i32 to vector<16xi32>
      %select_n3A_471 = arith.select %and3A_466, %sub3A_468, %broadcast_in_dim3A_470 : vector<16xi1>, vector<16xi32>
      tpu.vector_store_idx %arg12[%select_n3A_471], %broadcast_in_dim3A_5 masked %and3A_466 {add = true} : memref<65536xf32, #tpu.memory_space<vmem>>[vector<16xi32>], vector<16xf32>, vector<16xi1>
      %mul3A_472 = arith.constant 128 : i32
      %mul3A_473 = arith.muli %scan3A_406, %mul3A_472 : i32
      %add3A_474 = arith.constant 48 : i32
      %add3A_475 = arith.addi %mul3A_473, %add3A_474 : i32
      %get3A_476 = arith.index_cast %add3A_475 : i32 to index
      %get3A_477 = tpu.vector_load %arg9[%get3A_476] {strides = array<i32>} : memref<8192xi32, #tpu.memory_space<vmem>>, vector<16xi32>,
      %mul3A_478 = arith.constant 2048 : i32
      %mul3A_479 = vector.broadcast %mul3A_478 : i32 to vector<16xi32>
      %mul3A_480 = arith.muli %get3A_477, %mul3A_479 : vector<16xi32>
      %get3A_481 = arith.index_cast %add3A_475 : i32 to index
      %get3A_482 = tpu.vector_load %arg8[%get3A_481] {strides = array<i32>} : memref<8192xi32, #tpu.memory_space<vmem>>, vector<16xi32>,
      %add3A_483 = arith.addi %mul3A_480, %get3A_482 : vector<16xi32>
      %ge3A_484 = vector.broadcast %mul3A_211 : i32 to vector<16xi32>
      %ge3A_485 = arith.cmpi sge, %add3A_483, %ge3A_484 : vector<16xi32>
      %add3A_486 = arith.constant 65536 : i32
      %add3A_487 = arith.addi %mul3A_211, %add3A_486 : i32
      %lt3A_488 = vector.broadcast %add3A_487 : i32 to vector<16xi32>
      %lt3A_489 = arith.cmpi slt, %add3A_483, %lt3A_488 : vector<16xi32>
      %and3A_490 = arith.andi %ge3A_485, %lt3A_489 : vector<16xi1>
      %sub3A_491 = vector.broadcast %mul3A_211 : i32 to vector<16xi32>
      %sub3A_492 = arith.subi %add3A_483, %sub3A_491 : vector<16xi32>
      %jit3A_493 = arith.constant 0 : i32
      %broadcast_in_dim3A_494 = vector.broadcast %jit3A_493 : i32 to vector<16xi32>
      %select_n3A_495 = arith.select %and3A_490, %sub3A_492, %broadcast_in_dim3A_494 : vector<16xi1>, vector<16xi32>
      tpu.vector_store_idx %arg12[%select_n3A_495], %broadcast_in_dim3A_5 masked %and3A_490 {add = true} : memref<65536xf32, #tpu.memory_space<vmem>>[vector<16xi32>], vector<16xf32>, vector<16xi1>
      %mul3A_496 = arith.constant 128 : i32
      %mul3A_497 = arith.muli %scan3A_406, %mul3A_496 : i32
      %add3A_498 = arith.constant 64 : i32
      %add3A_499 = arith.addi %mul3A_497, %add3A_498 : i32
      %get3A_500 = arith.index_cast %add3A_499 : i32 to index
      %get3A_501 = tpu.vector_load %arg9[%get3A_500] {strides = array<i32>} : memref<8192xi32, #tpu.memory_space<vmem>>, vector<16xi32>,
      %mul3A_502 = arith.constant 2048 : i32
      %mul3A_503 = vector.broadcast %mul3A_502 : i32 to vector<16xi32>
      %mul3A_504 = arith.muli %get3A_501, %mul3A_503 : vector<16xi32>
      %get3A_505 = arith.index_cast %add3A_499 : i32 to index
      %get3A_506 = tpu.vector_load %arg8[%get3A_505] {strides = array<i32>} : memref<8192xi32, #tpu.memory_space<vmem>>, vector<16xi32>,
      %add3A_507 = arith.addi %mul3A_504, %get3A_506 : vector<16xi32>
      %ge3A_508 = vector.broadcast %mul3A_211 : i32 to vector<16xi32>
      %ge3A_509 = arith.cmpi sge, %add3A_507, %ge3A_508 : vector<16xi32>
      %add3A_510 = arith.constant 65536 : i32
      %add3A_511 = arith.addi %mul3A_211, %add3A_510 : i32
      %lt3A_512 = vector.broadcast %add3A_511 : i32 to vector<16xi32>
      %lt3A_513 = arith.cmpi slt, %add3A_507, %lt3A_512 : vector<16xi32>
      %and3A_514 = arith.andi %ge3A_509, %lt3A_513 : vector<16xi1>
      %sub3A_515 = vector.broadcast %mul3A_211 : i32 to vector<16xi32>
      %sub3A_516 = arith.subi %add3A_507, %sub3A_515 : vector<16xi32>
      %jit3A_517 = arith.constant 0 : i32
      %broadcast_in_dim3A_518 = vector.broadcast %jit3A_517 : i32 to vector<16xi32>
      %select_n3A_519 = arith.select %and3A_514, %sub3A_516, %broadcast_in_dim3A_518 : vector<16xi1>, vector<16xi32>
      tpu.vector_store_idx %arg12[%select_n3A_519], %broadcast_in_dim3A_5 masked %and3A_514 {add = true} : memref<65536xf32, #tpu.memory_space<vmem>>[vector<16xi32>], vector<16xf32>, vector<16xi1>
      %mul3A_520 = arith.constant 128 : i32
      %mul3A_521 = arith.muli %scan3A_406, %mul3A_520 : i32
      %add3A_522 = arith.constant 80 : i32
      %add3A_523 = arith.addi %mul3A_521, %add3A_522 : i32
      %get3A_524 = arith.index_cast %add3A_523 : i32 to index
      %get3A_525 = tpu.vector_load %arg9[%get3A_524] {strides = array<i32>} : memref<8192xi32, #tpu.memory_space<vmem>>, vector<16xi32>,
      %mul3A_526 = arith.constant 2048 : i32
      %mul3A_527 = vector.broadcast %mul3A_526 : i32 to vector<16xi32>
      %mul3A_528 = arith.muli %get3A_525, %mul3A_527 : vector<16xi32>
      %get3A_529 = arith.index_cast %add3A_523 : i32 to index
      %get3A_530 = tpu.vector_load %arg8[%get3A_529] {strides = array<i32>} : memref<8192xi32, #tpu.memory_space<vmem>>, vector<16xi32>,
      %add3A_531 = arith.addi %mul3A_528, %get3A_530 : vector<16xi32>
      %ge3A_532 = vector.broadcast %mul3A_211 : i32 to vector<16xi32>
      %ge3A_533 = arith.cmpi sge, %add3A_531, %ge3A_532 : vector<16xi32>
      %add3A_534 = arith.constant 65536 : i32
      %add3A_535 = arith.addi %mul3A_211, %add3A_534 : i32
      %lt3A_536 = vector.broadcast %add3A_535 : i32 to vector<16xi32>
      %lt3A_537 = arith.cmpi slt, %add3A_531, %lt3A_536 : vector<16xi32>
      %and3A_538 = arith.andi %ge3A_533, %lt3A_537 : vector<16xi1>
      %sub3A_539 = vector.broadcast %mul3A_211 : i32 to vector<16xi32>
      %sub3A_540 = arith.subi %add3A_531, %sub3A_539 : vector<16xi32>
      %jit3A_541 = arith.constant 0 : i32
      %broadcast_in_dim3A_542 = vector.broadcast %jit3A_541 : i32 to vector<16xi32>
      %select_n3A_543 = arith.select %and3A_538, %sub3A_540, %broadcast_in_dim3A_542 : vector<16xi1>, vector<16xi32>
      tpu.vector_store_idx %arg12[%select_n3A_543], %broadcast_in_dim3A_5 masked %and3A_538 {add = true} : memref<65536xf32, #tpu.memory_space<vmem>>[vector<16xi32>], vector<16xf32>, vector<16xi1>
      %mul3A_544 = arith.constant 128 : i32
      %mul3A_545 = arith.muli %scan3A_406, %mul3A_544 : i32
      %add3A_546 = arith.constant 96 : i32
      %add3A_547 = arith.addi %mul3A_545, %add3A_546 : i32
      %get3A_548 = arith.index_cast %add3A_547 : i32 to index
      %get3A_549 = tpu.vector_load %arg9[%get3A_548] {strides = array<i32>} : memref<8192xi32, #tpu.memory_space<vmem>>, vector<16xi32>,
      %mul3A_550 = arith.constant 2048 : i32
      %mul3A_551 = vector.broadcast %mul3A_550 : i32 to vector<16xi32>
      %mul3A_552 = arith.muli %get3A_549, %mul3A_551 : vector<16xi32>
      %get3A_553 = arith.index_cast %add3A_547 : i32 to index
      %get3A_554 = tpu.vector_load %arg8[%get3A_553] {strides = array<i32>} : memref<8192xi32, #tpu.memory_space<vmem>>, vector<16xi32>,
      %add3A_555 = arith.addi %mul3A_552, %get3A_554 : vector<16xi32>
      %ge3A_556 = vector.broadcast %mul3A_211 : i32 to vector<16xi32>
      %ge3A_557 = arith.cmpi sge, %add3A_555, %ge3A_556 : vector<16xi32>
      %add3A_558 = arith.constant 65536 : i32
      %add3A_559 = arith.addi %mul3A_211, %add3A_558 : i32
      %lt3A_560 = vector.broadcast %add3A_559 : i32 to vector<16xi32>
      %lt3A_561 = arith.cmpi slt, %add3A_555, %lt3A_560 : vector<16xi32>
      %and3A_562 = arith.andi %ge3A_557, %lt3A_561 : vector<16xi1>
      %sub3A_563 = vector.broadcast %mul3A_211 : i32 to vector<16xi32>
      %sub3A_564 = arith.subi %add3A_555, %sub3A_563 : vector<16xi32>
      %jit3A_565 = arith.constant 0 : i32
      %broadcast_in_dim3A_566 = vector.broadcast %jit3A_565 : i32 to vector<16xi32>
      %select_n3A_567 = arith.select %and3A_562, %sub3A_564, %broadcast_in_dim3A_566 : vector<16xi1>, vector<16xi32>
      tpu.vector_store_idx %arg12[%select_n3A_567], %broadcast_in_dim3A_5 masked %and3A_562 {add = true} : memref<65536xf32, #tpu.memory_space<vmem>>[vector<16xi32>], vector<16xf32>, vector<16xi1>
      %mul3A_568 = arith.constant 128 : i32
      %mul3A_569 = arith.muli %scan3A_406, %mul3A_568 : i32
      %add3A_570 = arith.constant 112 : i32
      %add3A_571 = arith.addi %mul3A_569, %add3A_570 : i32
      %get3A_572 = arith.index_cast %add3A_571 : i32 to index
      %get3A_573 = tpu.vector_load %arg9[%get3A_572] {strides = array<i32>} : memref<8192xi32, #tpu.memory_space<vmem>>, vector<16xi32>,
      %mul3A_574 = arith.constant 2048 : i32
      %mul3A_575 = vector.broadcast %mul3A_574 : i32 to vector<16xi32>
      %mul3A_576 = arith.muli %get3A_573, %mul3A_575 : vector<16xi32>
      %get3A_577 = arith.index_cast %add3A_571 : i32 to index
      %get3A_578 = tpu.vector_load %arg8[%get3A_577] {strides = array<i32>} : memref<8192xi32, #tpu.memory_space<vmem>>, vector<16xi32>,
      %add3A_579 = arith.addi %mul3A_576, %get3A_578 : vector<16xi32>
      %ge3A_580 = vector.broadcast %mul3A_211 : i32 to vector<16xi32>
      %ge3A_581 = arith.cmpi sge, %add3A_579, %ge3A_580 : vector<16xi32>
      %add3A_582 = arith.constant 65536 : i32
      %add3A_583 = arith.addi %mul3A_211, %add3A_582 : i32
      %lt3A_584 = vector.broadcast %add3A_583 : i32 to vector<16xi32>
      %lt3A_585 = arith.cmpi slt, %add3A_579, %lt3A_584 : vector<16xi32>
      %and3A_586 = arith.andi %ge3A_581, %lt3A_585 : vector<16xi1>
      %sub3A_587 = vector.broadcast %mul3A_211 : i32 to vector<16xi32>
      %sub3A_588 = arith.subi %add3A_579, %sub3A_587 : vector<16xi32>
      %jit3A_589 = arith.constant 0 : i32
      %broadcast_in_dim3A_590 = vector.broadcast %jit3A_589 : i32 to vector<16xi32>
      %select_n3A_591 = arith.select %and3A_586, %sub3A_588, %broadcast_in_dim3A_590 : vector<16xi1>, vector<16xi32>
      tpu.vector_store_idx %arg12[%select_n3A_591], %broadcast_in_dim3A_5 masked %and3A_586 {add = true} : memref<65536xf32, #tpu.memory_space<vmem>>[vector<16xi32>], vector<16xf32>, vector<16xi1>
    }
    %scan3A_247 = arith.constant 64 : i32
    %dma_wait3A_248 = arith.constant 8192 : i32
    %dma_wait3A_249 = tpu.memref_slice %arg13[%dma_wait3A_248] : memref<32768xi32, #tpu.memory_space<vmem_shared>> -> memref<8192xi32, #tpu.memory_space<vmem_shared>>
    %dma_wait3A_250 = arith.constant 8192 : i32
    %dma_wait3A_251 = tpu.memref_slice %arg13[%dma_wait3A_250] : memref<32768xi32, #tpu.memory_space<vmem_shared>> -> memref<8192xi32, #tpu.memory_space<vmem_shared>>
    tpu.wait_dma2 semaphore(%arg17 : memref<!tpu.dma_semaphore, #tpu.memory_space<semaphore_mem>>) src(%dma_wait3A_251 : memref<8192xi32, #tpu.memory_space<vmem_shared>>) dst(%arg10 : memref<8192xi32, #tpu.memory_space<vmem>>)
    %dma_wait3A_252 = arith.constant 8192 : i32
    %dma_wait3A_253 = tpu.memref_slice %arg14[%dma_wait3A_252] : memref<32768xi32, #tpu.memory_space<vmem_shared>> -> memref<8192xi32, #tpu.memory_space<vmem_shared>>
    %dma_wait3A_254 = arith.constant 8192 : i32
    %dma_wait3A_255 = tpu.memref_slice %arg14[%dma_wait3A_254] : memref<32768xi32, #tpu.memory_space<vmem_shared>> -> memref<8192xi32, #tpu.memory_space<vmem_shared>>
    tpu.wait_dma2 semaphore(%arg18 : memref<!tpu.dma_semaphore, #tpu.memory_space<semaphore_mem>>) src(%dma_wait3A_255 : memref<8192xi32, #tpu.memory_space<vmem_shared>>) dst(%arg11 : memref<8192xi32, #tpu.memory_space<vmem>>)
    %dma_start3A_256 = arith.constant 16384 : i32
    %dma_start3A_257 = tpu.memref_slice %arg13[%dma_start3A_256] : memref<32768xi32, #tpu.memory_space<vmem_shared>> -> memref<8192xi32, #tpu.memory_space<vmem_shared>>
    %dma_start3A_258 = arith.constant 16384 : i32
    %dma_start3A_259 = tpu.memref_slice %arg13[%dma_start3A_258] : memref<32768xi32, #tpu.memory_space<vmem_shared>> -> memref<8192xi32, #tpu.memory_space<vmem_shared>>
    tpu.enqueue_dma source(%dma_start3A_259 : memref<8192xi32, #tpu.memory_space<vmem_shared>>) target(%arg8 : memref<8192xi32, #tpu.memory_space<vmem>>) target_semaphore(%arg15 : memref<!tpu.dma_semaphore, #tpu.memory_space<semaphore_mem>>)
    %dma_start3A_260 = arith.constant 16384 : i32
    %dma_start3A_261 = tpu.memref_slice %arg14[%dma_start3A_260] : memref<32768xi32, #tpu.memory_space<vmem_shared>> -> memref<8192xi32, #tpu.memory_space<vmem_shared>>
    %dma_start3A_262 = arith.constant 16384 : i32
    %dma_start3A_263 = tpu.memref_slice %arg14[%dma_start3A_262] : memref<32768xi32, #tpu.memory_space<vmem_shared>> -> memref<8192xi32, #tpu.memory_space<vmem_shared>>
    tpu.enqueue_dma source(%dma_start3A_263 : memref<8192xi32, #tpu.memory_space<vmem_shared>>) target(%arg9 : memref<8192xi32, #tpu.memory_space<vmem>>) target_semaphore(%arg16 : memref<!tpu.dma_semaphore, #tpu.memory_space<semaphore_mem>>)
    %scan3A_264 = arith.constant 0 : i32
    %scan3A_265 = arith.constant 0 : i32
    %scan3A_266 = arith.constant 64 : i32
    %scan3A_267 = arith.addi %scan3A_265, %scan3A_266 : i32
    %scan3A_268 = arith.constant 1 : i32
    scf.for %scan3A_406 = %scan3A_265 to %scan3A_267 step %scan3A_268  : i32 {
      %mul3A_407 = arith.constant 128 : i32
      %mul3A_408 = arith.muli %scan3A_406, %mul3A_407 : i32
      %add3A_409 = arith.constant 0 : i32
      %add3A_410 = arith.addi %mul3A_408, %add3A_409 : i32
      %get3A = arith.index_cast %add3A_410 : i32 to index
      %get3A_411 = tpu.vector_load %arg11[%get3A] {strides = array<i32>} : memref<8192xi32, #tpu.memory_space<vmem>>, vector<16xi32>,
      %mul3A_412 = arith.constant 2048 : i32
      %mul3A_413 = vector.broadcast %mul3A_412 : i32 to vector<16xi32>
      %mul3A_414 = arith.muli %get3A_411, %mul3A_413 : vector<16xi32>
      %get3A_415 = arith.index_cast %add3A_410 : i32 to index
      %get3A_416 = tpu.vector_load %arg10[%get3A_415] {strides = array<i32>} : memref<8192xi32, #tpu.memory_space<vmem>>, vector<16xi32>,
      %add3A_417 = arith.addi %mul3A_414, %get3A_416 : vector<16xi32>
      %ge3A = vector.broadcast %mul3A_211 : i32 to vector<16xi32>
      %ge3A_418 = arith.cmpi sge, %add3A_417, %ge3A : vector<16xi32>
      %add3A_419 = arith.constant 65536 : i32
      %add3A_420 = arith.addi %mul3A_211, %add3A_419 : i32
      %lt3A = vector.broadcast %add3A_420 : i32 to vector<16xi32>
      %lt3A_421 = arith.cmpi slt, %add3A_417, %lt3A : vector<16xi32>
      %and3A = arith.andi %ge3A_418, %lt3A_421 : vector<16xi1>
      %sub3A = vector.broadcast %mul3A_211 : i32 to vector<16xi32>
      %sub3A_422 = arith.subi %add3A_417, %sub3A : vector<16xi32>
      %jit3A = arith.constant 0 : i32
      %broadcast_in_dim3A_423 = vector.broadcast %jit3A : i32 to vector<16xi32>
      %select_n3A = arith.select %and3A, %sub3A_422, %broadcast_in_dim3A_423 : vector<16xi1>, vector<16xi32>
      tpu.vector_store_idx %arg12[%select_n3A], %broadcast_in_dim3A_5 masked %and3A {add = true} : memref<65536xf32, #tpu.memory_space<vmem>>[vector<16xi32>], vector<16xf32>, vector<16xi1>
      %mul3A_424 = arith.constant 128 : i32
      %mul3A_425 = arith.muli %scan3A_406, %mul3A_424 : i32
      %add3A_426 = arith.constant 16 : i32
      %add3A_427 = arith.addi %mul3A_425, %add3A_426 : i32
      %get3A_428 = arith.index_cast %add3A_427 : i32 to index
      %get3A_429 = tpu.vector_load %arg11[%get3A_428] {strides = array<i32>} : memref<8192xi32, #tpu.memory_space<vmem>>, vector<16xi32>,
      %mul3A_430 = arith.constant 2048 : i32
      %mul3A_431 = vector.broadcast %mul3A_430 : i32 to vector<16xi32>
      %mul3A_432 = arith.muli %get3A_429, %mul3A_431 : vector<16xi32>
      %get3A_433 = arith.index_cast %add3A_427 : i32 to index
      %get3A_434 = tpu.vector_load %arg10[%get3A_433] {strides = array<i32>} : memref<8192xi32, #tpu.memory_space<vmem>>, vector<16xi32>,
      %add3A_435 = arith.addi %mul3A_432, %get3A_434 : vector<16xi32>
      %ge3A_436 = vector.broadcast %mul3A_211 : i32 to vector<16xi32>
      %ge3A_437 = arith.cmpi sge, %add3A_435, %ge3A_436 : vector<16xi32>
      %add3A_438 = arith.constant 65536 : i32
      %add3A_439 = arith.addi %mul3A_211, %add3A_438 : i32
      %lt3A_440 = vector.broadcast %add3A_439 : i32 to vector<16xi32>
      %lt3A_441 = arith.cmpi slt, %add3A_435, %lt3A_440 : vector<16xi32>
      %and3A_442 = arith.andi %ge3A_437, %lt3A_441 : vector<16xi1>
      %sub3A_443 = vector.broadcast %mul3A_211 : i32 to vector<16xi32>
      %sub3A_444 = arith.subi %add3A_435, %sub3A_443 : vector<16xi32>
      %jit3A_445 = arith.constant 0 : i32
      %broadcast_in_dim3A_446 = vector.broadcast %jit3A_445 : i32 to vector<16xi32>
      %select_n3A_447 = arith.select %and3A_442, %sub3A_444, %broadcast_in_dim3A_446 : vector<16xi1>, vector<16xi32>
      tpu.vector_store_idx %arg12[%select_n3A_447], %broadcast_in_dim3A_5 masked %and3A_442 {add = true} : memref<65536xf32, #tpu.memory_space<vmem>>[vector<16xi32>], vector<16xf32>, vector<16xi1>
      %mul3A_448 = arith.constant 128 : i32
      %mul3A_449 = arith.muli %scan3A_406, %mul3A_448 : i32
      %add3A_450 = arith.constant 32 : i32
      %add3A_451 = arith.addi %mul3A_449, %add3A_450 : i32
      %get3A_452 = arith.index_cast %add3A_451 : i32 to index
      %get3A_453 = tpu.vector_load %arg11[%get3A_452] {strides = array<i32>} : memref<8192xi32, #tpu.memory_space<vmem>>, vector<16xi32>,
      %mul3A_454 = arith.constant 2048 : i32
      %mul3A_455 = vector.broadcast %mul3A_454 : i32 to vector<16xi32>
      %mul3A_456 = arith.muli %get3A_453, %mul3A_455 : vector<16xi32>
      %get3A_457 = arith.index_cast %add3A_451 : i32 to index
      %get3A_458 = tpu.vector_load %arg10[%get3A_457] {strides = array<i32>} : memref<8192xi32, #tpu.memory_space<vmem>>, vector<16xi32>,
      %add3A_459 = arith.addi %mul3A_456, %get3A_458 : vector<16xi32>
      %ge3A_460 = vector.broadcast %mul3A_211 : i32 to vector<16xi32>
      %ge3A_461 = arith.cmpi sge, %add3A_459, %ge3A_460 : vector<16xi32>
      %add3A_462 = arith.constant 65536 : i32
      %add3A_463 = arith.addi %mul3A_211, %add3A_462 : i32
      %lt3A_464 = vector.broadcast %add3A_463 : i32 to vector<16xi32>
      %lt3A_465 = arith.cmpi slt, %add3A_459, %lt3A_464 : vector<16xi32>
      %and3A_466 = arith.andi %ge3A_461, %lt3A_465 : vector<16xi1>
      %sub3A_467 = vector.broadcast %mul3A_211 : i32 to vector<16xi32>
      %sub3A_468 = arith.subi %add3A_459, %sub3A_467 : vector<16xi32>
      %jit3A_469 = arith.constant 0 : i32
      %broadcast_in_dim3A_470 = vector.broadcast %jit3A_469 : i32 to vector<16xi32>
      %select_n3A_471 = arith.select %and3A_466, %sub3A_468, %broadcast_in_dim3A_470 : vector<16xi1>, vector<16xi32>
      tpu.vector_store_idx %arg12[%select_n3A_471], %broadcast_in_dim3A_5 masked %and3A_466 {add = true} : memref<65536xf32, #tpu.memory_space<vmem>>[vector<16xi32>], vector<16xf32>, vector<16xi1>
      %mul3A_472 = arith.constant 128 : i32
      %mul3A_473 = arith.muli %scan3A_406, %mul3A_472 : i32
      %add3A_474 = arith.constant 48 : i32
      %add3A_475 = arith.addi %mul3A_473, %add3A_474 : i32
      %get3A_476 = arith.index_cast %add3A_475 : i32 to index
      %get3A_477 = tpu.vector_load %arg11[%get3A_476] {strides = array<i32>} : memref<8192xi32, #tpu.memory_space<vmem>>, vector<16xi32>,
      %mul3A_478 = arith.constant 2048 : i32
      %mul3A_479 = vector.broadcast %mul3A_478 : i32 to vector<16xi32>
      %mul3A_480 = arith.muli %get3A_477, %mul3A_479 : vector<16xi32>
      %get3A_481 = arith.index_cast %add3A_475 : i32 to index
      %get3A_482 = tpu.vector_load %arg10[%get3A_481] {strides = array<i32>} : memref<8192xi32, #tpu.memory_space<vmem>>, vector<16xi32>,
      %add3A_483 = arith.addi %mul3A_480, %get3A_482 : vector<16xi32>
      %ge3A_484 = vector.broadcast %mul3A_211 : i32 to vector<16xi32>
      %ge3A_485 = arith.cmpi sge, %add3A_483, %ge3A_484 : vector<16xi32>
      %add3A_486 = arith.constant 65536 : i32
      %add3A_487 = arith.addi %mul3A_211, %add3A_486 : i32
      %lt3A_488 = vector.broadcast %add3A_487 : i32 to vector<16xi32>
      %lt3A_489 = arith.cmpi slt, %add3A_483, %lt3A_488 : vector<16xi32>
      %and3A_490 = arith.andi %ge3A_485, %lt3A_489 : vector<16xi1>
      %sub3A_491 = vector.broadcast %mul3A_211 : i32 to vector<16xi32>
      %sub3A_492 = arith.subi %add3A_483, %sub3A_491 : vector<16xi32>
      %jit3A_493 = arith.constant 0 : i32
      %broadcast_in_dim3A_494 = vector.broadcast %jit3A_493 : i32 to vector<16xi32>
      %select_n3A_495 = arith.select %and3A_490, %sub3A_492, %broadcast_in_dim3A_494 : vector<16xi1>, vector<16xi32>
      tpu.vector_store_idx %arg12[%select_n3A_495], %broadcast_in_dim3A_5 masked %and3A_490 {add = true} : memref<65536xf32, #tpu.memory_space<vmem>>[vector<16xi32>], vector<16xf32>, vector<16xi1>
      %mul3A_496 = arith.constant 128 : i32
      %mul3A_497 = arith.muli %scan3A_406, %mul3A_496 : i32
      %add3A_498 = arith.constant 64 : i32
      %add3A_499 = arith.addi %mul3A_497, %add3A_498 : i32
      %get3A_500 = arith.index_cast %add3A_499 : i32 to index
      %get3A_501 = tpu.vector_load %arg11[%get3A_500] {strides = array<i32>} : memref<8192xi32, #tpu.memory_space<vmem>>, vector<16xi32>,
      %mul3A_502 = arith.constant 2048 : i32
      %mul3A_503 = vector.broadcast %mul3A_502 : i32 to vector<16xi32>
      %mul3A_504 = arith.muli %get3A_501, %mul3A_503 : vector<16xi32>
      %get3A_505 = arith.index_cast %add3A_499 : i32 to index
      %get3A_506 = tpu.vector_load %arg10[%get3A_505] {strides = array<i32>} : memref<8192xi32, #tpu.memory_space<vmem>>, vector<16xi32>,
      %add3A_507 = arith.addi %mul3A_504, %get3A_506 : vector<16xi32>
      %ge3A_508 = vector.broadcast %mul3A_211 : i32 to vector<16xi32>
      %ge3A_509 = arith.cmpi sge, %add3A_507, %ge3A_508 : vector<16xi32>
      %add3A_510 = arith.constant 65536 : i32
      %add3A_511 = arith.addi %mul3A_211, %add3A_510 : i32
      %lt3A_512 = vector.broadcast %add3A_511 : i32 to vector<16xi32>
      %lt3A_513 = arith.cmpi slt, %add3A_507, %lt3A_512 : vector<16xi32>
      %and3A_514 = arith.andi %ge3A_509, %lt3A_513 : vector<16xi1>
      %sub3A_515 = vector.broadcast %mul3A_211 : i32 to vector<16xi32>
      %sub3A_516 = arith.subi %add3A_507, %sub3A_515 : vector<16xi32>
      %jit3A_517 = arith.constant 0 : i32
      %broadcast_in_dim3A_518 = vector.broadcast %jit3A_517 : i32 to vector<16xi32>
      %select_n3A_519 = arith.select %and3A_514, %sub3A_516, %broadcast_in_dim3A_518 : vector<16xi1>, vector<16xi32>
      tpu.vector_store_idx %arg12[%select_n3A_519], %broadcast_in_dim3A_5 masked %and3A_514 {add = true} : memref<65536xf32, #tpu.memory_space<vmem>>[vector<16xi32>], vector<16xf32>, vector<16xi1>
      %mul3A_520 = arith.constant 128 : i32
      %mul3A_521 = arith.muli %scan3A_406, %mul3A_520 : i32
      %add3A_522 = arith.constant 80 : i32
      %add3A_523 = arith.addi %mul3A_521, %add3A_522 : i32
      %get3A_524 = arith.index_cast %add3A_523 : i32 to index
      %get3A_525 = tpu.vector_load %arg11[%get3A_524] {strides = array<i32>} : memref<8192xi32, #tpu.memory_space<vmem>>, vector<16xi32>,
      %mul3A_526 = arith.constant 2048 : i32
      %mul3A_527 = vector.broadcast %mul3A_526 : i32 to vector<16xi32>
      %mul3A_528 = arith.muli %get3A_525, %mul3A_527 : vector<16xi32>
      %get3A_529 = arith.index_cast %add3A_523 : i32 to index
      %get3A_530 = tpu.vector_load %arg10[%get3A_529] {strides = array<i32>} : memref<8192xi32, #tpu.memory_space<vmem>>, vector<16xi32>,
      %add3A_531 = arith.addi %mul3A_528, %get3A_530 : vector<16xi32>
      %ge3A_532 = vector.broadcast %mul3A_211 : i32 to vector<16xi32>
      %ge3A_533 = arith.cmpi sge, %add3A_531, %ge3A_532 : vector<16xi32>
      %add3A_534 = arith.constant 65536 : i32
      %add3A_535 = arith.addi %mul3A_211, %add3A_534 : i32
      %lt3A_536 = vector.broadcast %add3A_535 : i32 to vector<16xi32>
      %lt3A_537 = arith.cmpi slt, %add3A_531, %lt3A_536 : vector<16xi32>
      %and3A_538 = arith.andi %ge3A_533, %lt3A_537 : vector<16xi1>
      %sub3A_539 = vector.broadcast %mul3A_211 : i32 to vector<16xi32>
      %sub3A_540 = arith.subi %add3A_531, %sub3A_539 : vector<16xi32>
      %jit3A_541 = arith.constant 0 : i32
      %broadcast_in_dim3A_542 = vector.broadcast %jit3A_541 : i32 to vector<16xi32>
      %select_n3A_543 = arith.select %and3A_538, %sub3A_540, %broadcast_in_dim3A_542 : vector<16xi1>, vector<16xi32>
      tpu.vector_store_idx %arg12[%select_n3A_543], %broadcast_in_dim3A_5 masked %and3A_538 {add = true} : memref<65536xf32, #tpu.memory_space<vmem>>[vector<16xi32>], vector<16xf32>, vector<16xi1>
      %mul3A_544 = arith.constant 128 : i32
      %mul3A_545 = arith.muli %scan3A_406, %mul3A_544 : i32
      %add3A_546 = arith.constant 96 : i32
      %add3A_547 = arith.addi %mul3A_545, %add3A_546 : i32
      %get3A_548 = arith.index_cast %add3A_547 : i32 to index
      %get3A_549 = tpu.vector_load %arg11[%get3A_548] {strides = array<i32>} : memref<8192xi32, #tpu.memory_space<vmem>>, vector<16xi32>,
      %mul3A_550 = arith.constant 2048 : i32
      %mul3A_551 = vector.broadcast %mul3A_550 : i32 to vector<16xi32>
      %mul3A_552 = arith.muli %get3A_549, %mul3A_551 : vector<16xi32>
      %get3A_553 = arith.index_cast %add3A_547 : i32 to index
      %get3A_554 = tpu.vector_load %arg10[%get3A_553] {strides = array<i32>} : memref<8192xi32, #tpu.memory_space<vmem>>, vector<16xi32>,
      %add3A_555 = arith.addi %mul3A_552, %get3A_554 : vector<16xi32>
      %ge3A_556 = vector.broadcast %mul3A_211 : i32 to vector<16xi32>
      %ge3A_557 = arith.cmpi sge, %add3A_555, %ge3A_556 : vector<16xi32>
      %add3A_558 = arith.constant 65536 : i32
      %add3A_559 = arith.addi %mul3A_211, %add3A_558 : i32
      %lt3A_560 = vector.broadcast %add3A_559 : i32 to vector<16xi32>
      %lt3A_561 = arith.cmpi slt, %add3A_555, %lt3A_560 : vector<16xi32>
      %and3A_562 = arith.andi %ge3A_557, %lt3A_561 : vector<16xi1>
      %sub3A_563 = vector.broadcast %mul3A_211 : i32 to vector<16xi32>
      %sub3A_564 = arith.subi %add3A_555, %sub3A_563 : vector<16xi32>
      %jit3A_565 = arith.constant 0 : i32
      %broadcast_in_dim3A_566 = vector.broadcast %jit3A_565 : i32 to vector<16xi32>
      %select_n3A_567 = arith.select %and3A_562, %sub3A_564, %broadcast_in_dim3A_566 : vector<16xi1>, vector<16xi32>
      tpu.vector_store_idx %arg12[%select_n3A_567], %broadcast_in_dim3A_5 masked %and3A_562 {add = true} : memref<65536xf32, #tpu.memory_space<vmem>>[vector<16xi32>], vector<16xf32>, vector<16xi1>
      %mul3A_568 = arith.constant 128 : i32
      %mul3A_569 = arith.muli %scan3A_406, %mul3A_568 : i32
      %add3A_570 = arith.constant 112 : i32
      %add3A_571 = arith.addi %mul3A_569, %add3A_570 : i32
      %get3A_572 = arith.index_cast %add3A_571 : i32 to index
      %get3A_573 = tpu.vector_load %arg11[%get3A_572] {strides = array<i32>} : memref<8192xi32, #tpu.memory_space<vmem>>, vector<16xi32>,
      %mul3A_574 = arith.constant 2048 : i32
      %mul3A_575 = vector.broadcast %mul3A_574 : i32 to vector<16xi32>
      %mul3A_576 = arith.muli %get3A_573, %mul3A_575 : vector<16xi32>
      %get3A_577 = arith.index_cast %add3A_571 : i32 to index
      %get3A_578 = tpu.vector_load %arg10[%get3A_577] {strides = array<i32>} : memref<8192xi32, #tpu.memory_space<vmem>>, vector<16xi32>,
      %add3A_579 = arith.addi %mul3A_576, %get3A_578 : vector<16xi32>
      %ge3A_580 = vector.broadcast %mul3A_211 : i32 to vector<16xi32>
      %ge3A_581 = arith.cmpi sge, %add3A_579, %ge3A_580 : vector<16xi32>
      %add3A_582 = arith.constant 65536 : i32
      %add3A_583 = arith.addi %mul3A_211, %add3A_582 : i32
      %lt3A_584 = vector.broadcast %add3A_583 : i32 to vector<16xi32>
      %lt3A_585 = arith.cmpi slt, %add3A_579, %lt3A_584 : vector<16xi32>
      %and3A_586 = arith.andi %ge3A_581, %lt3A_585 : vector<16xi1>
      %sub3A_587 = vector.broadcast %mul3A_211 : i32 to vector<16xi32>
      %sub3A_588 = arith.subi %add3A_579, %sub3A_587 : vector<16xi32>
      %jit3A_589 = arith.constant 0 : i32
      %broadcast_in_dim3A_590 = vector.broadcast %jit3A_589 : i32 to vector<16xi32>
      %select_n3A_591 = arith.select %and3A_586, %sub3A_588, %broadcast_in_dim3A_590 : vector<16xi1>, vector<16xi32>
      tpu.vector_store_idx %arg12[%select_n3A_591], %broadcast_in_dim3A_5 masked %and3A_586 {add = true} : memref<65536xf32, #tpu.memory_space<vmem>>[vector<16xi32>], vector<16xf32>, vector<16xi1>
    }
    %scan3A_269 = arith.constant 64 : i32
    %dma_wait3A_270 = arith.constant 16384 : i32
    %dma_wait3A_271 = tpu.memref_slice %arg13[%dma_wait3A_270] : memref<32768xi32, #tpu.memory_space<vmem_shared>> -> memref<8192xi32, #tpu.memory_space<vmem_shared>>
    %dma_wait3A_272 = arith.constant 16384 : i32
    %dma_wait3A_273 = tpu.memref_slice %arg13[%dma_wait3A_272] : memref<32768xi32, #tpu.memory_space<vmem_shared>> -> memref<8192xi32, #tpu.memory_space<vmem_shared>>
    tpu.wait_dma2 semaphore(%arg15 : memref<!tpu.dma_semaphore, #tpu.memory_space<semaphore_mem>>) src(%dma_wait3A_273 : memref<8192xi32, #tpu.memory_space<vmem_shared>>) dst(%arg8 : memref<8192xi32, #tpu.memory_space<vmem>>)
    %dma_wait3A_274 = arith.constant 16384 : i32
    %dma_wait3A_275 = tpu.memref_slice %arg14[%dma_wait3A_274] : memref<32768xi32, #tpu.memory_space<vmem_shared>> -> memref<8192xi32, #tpu.memory_space<vmem_shared>>
    %dma_wait3A_276 = arith.constant 16384 : i32
    %dma_wait3A_277 = tpu.memref_slice %arg14[%dma_wait3A_276] : memref<32768xi32, #tpu.memory_space<vmem_shared>> -> memref<8192xi32, #tpu.memory_space<vmem_shared>>
    tpu.wait_dma2 semaphore(%arg16 : memref<!tpu.dma_semaphore, #tpu.memory_space<semaphore_mem>>) src(%dma_wait3A_277 : memref<8192xi32, #tpu.memory_space<vmem_shared>>) dst(%arg9 : memref<8192xi32, #tpu.memory_space<vmem>>)
    %dma_start3A_278 = arith.constant 24576 : i32
    %dma_start3A_279 = tpu.memref_slice %arg13[%dma_start3A_278] : memref<32768xi32, #tpu.memory_space<vmem_shared>> -> memref<8192xi32, #tpu.memory_space<vmem_shared>>
    %dma_start3A_280 = arith.constant 24576 : i32
    %dma_start3A_281 = tpu.memref_slice %arg13[%dma_start3A_280] : memref<32768xi32, #tpu.memory_space<vmem_shared>> -> memref<8192xi32, #tpu.memory_space<vmem_shared>>
    tpu.enqueue_dma source(%dma_start3A_281 : memref<8192xi32, #tpu.memory_space<vmem_shared>>) target(%arg10 : memref<8192xi32, #tpu.memory_space<vmem>>) target_semaphore(%arg17 : memref<!tpu.dma_semaphore, #tpu.memory_space<semaphore_mem>>)
    %dma_start3A_282 = arith.constant 24576 : i32
    %dma_start3A_283 = tpu.memref_slice %arg14[%dma_start3A_282] : memref<32768xi32, #tpu.memory_space<vmem_shared>> -> memref<8192xi32, #tpu.memory_space<vmem_shared>>
    %dma_start3A_284 = arith.constant 24576 : i32
    %dma_start3A_285 = tpu.memref_slice %arg14[%dma_start3A_284] : memref<32768xi32, #tpu.memory_space<vmem_shared>> -> memref<8192xi32, #tpu.memory_space<vmem_shared>>
    tpu.enqueue_dma source(%dma_start3A_285 : memref<8192xi32, #tpu.memory_space<vmem_shared>>) target(%arg11 : memref<8192xi32, #tpu.memory_space<vmem>>) target_semaphore(%arg18 : memref<!tpu.dma_semaphore, #tpu.memory_space<semaphore_mem>>)
    %scan3A_286 = arith.constant 0 : i32
    %scan3A_287 = arith.constant 0 : i32
    %scan3A_288 = arith.constant 64 : i32
    %scan3A_289 = arith.addi %scan3A_287, %scan3A_288 : i32
    %scan3A_290 = arith.constant 1 : i32
    scf.for %scan3A_406 = %scan3A_287 to %scan3A_289 step %scan3A_290  : i32 {
      %mul3A_407 = arith.constant 128 : i32
      %mul3A_408 = arith.muli %scan3A_406, %mul3A_407 : i32
      %add3A_409 = arith.constant 0 : i32
      %add3A_410 = arith.addi %mul3A_408, %add3A_409 : i32
      %get3A = arith.index_cast %add3A_410 : i32 to index
      %get3A_411 = tpu.vector_load %arg9[%get3A] {strides = array<i32>} : memref<8192xi32, #tpu.memory_space<vmem>>, vector<16xi32>,
      %mul3A_412 = arith.constant 2048 : i32
      %mul3A_413 = vector.broadcast %mul3A_412 : i32 to vector<16xi32>
      %mul3A_414 = arith.muli %get3A_411, %mul3A_413 : vector<16xi32>
      %get3A_415 = arith.index_cast %add3A_410 : i32 to index
      %get3A_416 = tpu.vector_load %arg8[%get3A_415] {strides = array<i32>} : memref<8192xi32, #tpu.memory_space<vmem>>, vector<16xi32>,
      %add3A_417 = arith.addi %mul3A_414, %get3A_416 : vector<16xi32>
      %ge3A = vector.broadcast %mul3A_211 : i32 to vector<16xi32>
      %ge3A_418 = arith.cmpi sge, %add3A_417, %ge3A : vector<16xi32>
      %add3A_419 = arith.constant 65536 : i32
      %add3A_420 = arith.addi %mul3A_211, %add3A_419 : i32
      %lt3A = vector.broadcast %add3A_420 : i32 to vector<16xi32>
      %lt3A_421 = arith.cmpi slt, %add3A_417, %lt3A : vector<16xi32>
      %and3A = arith.andi %ge3A_418, %lt3A_421 : vector<16xi1>
      %sub3A = vector.broadcast %mul3A_211 : i32 to vector<16xi32>
      %sub3A_422 = arith.subi %add3A_417, %sub3A : vector<16xi32>
      %jit3A = arith.constant 0 : i32
      %broadcast_in_dim3A_423 = vector.broadcast %jit3A : i32 to vector<16xi32>
      %select_n3A = arith.select %and3A, %sub3A_422, %broadcast_in_dim3A_423 : vector<16xi1>, vector<16xi32>
      tpu.vector_store_idx %arg12[%select_n3A], %broadcast_in_dim3A_5 masked %and3A {add = true} : memref<65536xf32, #tpu.memory_space<vmem>>[vector<16xi32>], vector<16xf32>, vector<16xi1>
      %mul3A_424 = arith.constant 128 : i32
      %mul3A_425 = arith.muli %scan3A_406, %mul3A_424 : i32
      %add3A_426 = arith.constant 16 : i32
      %add3A_427 = arith.addi %mul3A_425, %add3A_426 : i32
      %get3A_428 = arith.index_cast %add3A_427 : i32 to index
      %get3A_429 = tpu.vector_load %arg9[%get3A_428] {strides = array<i32>} : memref<8192xi32, #tpu.memory_space<vmem>>, vector<16xi32>,
      %mul3A_430 = arith.constant 2048 : i32
      %mul3A_431 = vector.broadcast %mul3A_430 : i32 to vector<16xi32>
      %mul3A_432 = arith.muli %get3A_429, %mul3A_431 : vector<16xi32>
      %get3A_433 = arith.index_cast %add3A_427 : i32 to index
      %get3A_434 = tpu.vector_load %arg8[%get3A_433] {strides = array<i32>} : memref<8192xi32, #tpu.memory_space<vmem>>, vector<16xi32>,
      %add3A_435 = arith.addi %mul3A_432, %get3A_434 : vector<16xi32>
      %ge3A_436 = vector.broadcast %mul3A_211 : i32 to vector<16xi32>
      %ge3A_437 = arith.cmpi sge, %add3A_435, %ge3A_436 : vector<16xi32>
      %add3A_438 = arith.constant 65536 : i32
      %add3A_439 = arith.addi %mul3A_211, %add3A_438 : i32
      %lt3A_440 = vector.broadcast %add3A_439 : i32 to vector<16xi32>
      %lt3A_441 = arith.cmpi slt, %add3A_435, %lt3A_440 : vector<16xi32>
      %and3A_442 = arith.andi %ge3A_437, %lt3A_441 : vector<16xi1>
      %sub3A_443 = vector.broadcast %mul3A_211 : i32 to vector<16xi32>
      %sub3A_444 = arith.subi %add3A_435, %sub3A_443 : vector<16xi32>
      %jit3A_445 = arith.constant 0 : i32
      %broadcast_in_dim3A_446 = vector.broadcast %jit3A_445 : i32 to vector<16xi32>
      %select_n3A_447 = arith.select %and3A_442, %sub3A_444, %broadcast_in_dim3A_446 : vector<16xi1>, vector<16xi32>
      tpu.vector_store_idx %arg12[%select_n3A_447], %broadcast_in_dim3A_5 masked %and3A_442 {add = true} : memref<65536xf32, #tpu.memory_space<vmem>>[vector<16xi32>], vector<16xf32>, vector<16xi1>
      %mul3A_448 = arith.constant 128 : i32
      %mul3A_449 = arith.muli %scan3A_406, %mul3A_448 : i32
      %add3A_450 = arith.constant 32 : i32
      %add3A_451 = arith.addi %mul3A_449, %add3A_450 : i32
      %get3A_452 = arith.index_cast %add3A_451 : i32 to index
      %get3A_453 = tpu.vector_load %arg9[%get3A_452] {strides = array<i32>} : memref<8192xi32, #tpu.memory_space<vmem>>, vector<16xi32>,
      %mul3A_454 = arith.constant 2048 : i32
      %mul3A_455 = vector.broadcast %mul3A_454 : i32 to vector<16xi32>
      %mul3A_456 = arith.muli %get3A_453, %mul3A_455 : vector<16xi32>
      %get3A_457 = arith.index_cast %add3A_451 : i32 to index
      %get3A_458 = tpu.vector_load %arg8[%get3A_457] {strides = array<i32>} : memref<8192xi32, #tpu.memory_space<vmem>>, vector<16xi32>,
      %add3A_459 = arith.addi %mul3A_456, %get3A_458 : vector<16xi32>
      %ge3A_460 = vector.broadcast %mul3A_211 : i32 to vector<16xi32>
      %ge3A_461 = arith.cmpi sge, %add3A_459, %ge3A_460 : vector<16xi32>
      %add3A_462 = arith.constant 65536 : i32
      %add3A_463 = arith.addi %mul3A_211, %add3A_462 : i32
      %lt3A_464 = vector.broadcast %add3A_463 : i32 to vector<16xi32>
      %lt3A_465 = arith.cmpi slt, %add3A_459, %lt3A_464 : vector<16xi32>
      %and3A_466 = arith.andi %ge3A_461, %lt3A_465 : vector<16xi1>
      %sub3A_467 = vector.broadcast %mul3A_211 : i32 to vector<16xi32>
      %sub3A_468 = arith.subi %add3A_459, %sub3A_467 : vector<16xi32>
      %jit3A_469 = arith.constant 0 : i32
      %broadcast_in_dim3A_470 = vector.broadcast %jit3A_469 : i32 to vector<16xi32>
      %select_n3A_471 = arith.select %and3A_466, %sub3A_468, %broadcast_in_dim3A_470 : vector<16xi1>, vector<16xi32>
      tpu.vector_store_idx %arg12[%select_n3A_471], %broadcast_in_dim3A_5 masked %and3A_466 {add = true} : memref<65536xf32, #tpu.memory_space<vmem>>[vector<16xi32>], vector<16xf32>, vector<16xi1>
      %mul3A_472 = arith.constant 128 : i32
      %mul3A_473 = arith.muli %scan3A_406, %mul3A_472 : i32
      %add3A_474 = arith.constant 48 : i32
      %add3A_475 = arith.addi %mul3A_473, %add3A_474 : i32
      %get3A_476 = arith.index_cast %add3A_475 : i32 to index
      %get3A_477 = tpu.vector_load %arg9[%get3A_476] {strides = array<i32>} : memref<8192xi32, #tpu.memory_space<vmem>>, vector<16xi32>,
      %mul3A_478 = arith.constant 2048 : i32
      %mul3A_479 = vector.broadcast %mul3A_478 : i32 to vector<16xi32>
      %mul3A_480 = arith.muli %get3A_477, %mul3A_479 : vector<16xi32>
      %get3A_481 = arith.index_cast %add3A_475 : i32 to index
      %get3A_482 = tpu.vector_load %arg8[%get3A_481] {strides = array<i32>} : memref<8192xi32, #tpu.memory_space<vmem>>, vector<16xi32>,
      %add3A_483 = arith.addi %mul3A_480, %get3A_482 : vector<16xi32>
      %ge3A_484 = vector.broadcast %mul3A_211 : i32 to vector<16xi32>
      %ge3A_485 = arith.cmpi sge, %add3A_483, %ge3A_484 : vector<16xi32>
      %add3A_486 = arith.constant 65536 : i32
      %add3A_487 = arith.addi %mul3A_211, %add3A_486 : i32
      %lt3A_488 = vector.broadcast %add3A_487 : i32 to vector<16xi32>
      %lt3A_489 = arith.cmpi slt, %add3A_483, %lt3A_488 : vector<16xi32>
      %and3A_490 = arith.andi %ge3A_485, %lt3A_489 : vector<16xi1>
      %sub3A_491 = vector.broadcast %mul3A_211 : i32 to vector<16xi32>
      %sub3A_492 = arith.subi %add3A_483, %sub3A_491 : vector<16xi32>
      %jit3A_493 = arith.constant 0 : i32
      %broadcast_in_dim3A_494 = vector.broadcast %jit3A_493 : i32 to vector<16xi32>
      %select_n3A_495 = arith.select %and3A_490, %sub3A_492, %broadcast_in_dim3A_494 : vector<16xi1>, vector<16xi32>
      tpu.vector_store_idx %arg12[%select_n3A_495], %broadcast_in_dim3A_5 masked %and3A_490 {add = true} : memref<65536xf32, #tpu.memory_space<vmem>>[vector<16xi32>], vector<16xf32>, vector<16xi1>
      %mul3A_496 = arith.constant 128 : i32
      %mul3A_497 = arith.muli %scan3A_406, %mul3A_496 : i32
      %add3A_498 = arith.constant 64 : i32
      %add3A_499 = arith.addi %mul3A_497, %add3A_498 : i32
      %get3A_500 = arith.index_cast %add3A_499 : i32 to index
      %get3A_501 = tpu.vector_load %arg9[%get3A_500] {strides = array<i32>} : memref<8192xi32, #tpu.memory_space<vmem>>, vector<16xi32>,
      %mul3A_502 = arith.constant 2048 : i32
      %mul3A_503 = vector.broadcast %mul3A_502 : i32 to vector<16xi32>
      %mul3A_504 = arith.muli %get3A_501, %mul3A_503 : vector<16xi32>
      %get3A_505 = arith.index_cast %add3A_499 : i32 to index
      %get3A_506 = tpu.vector_load %arg8[%get3A_505] {strides = array<i32>} : memref<8192xi32, #tpu.memory_space<vmem>>, vector<16xi32>,
      %add3A_507 = arith.addi %mul3A_504, %get3A_506 : vector<16xi32>
      %ge3A_508 = vector.broadcast %mul3A_211 : i32 to vector<16xi32>
      %ge3A_509 = arith.cmpi sge, %add3A_507, %ge3A_508 : vector<16xi32>
      %add3A_510 = arith.constant 65536 : i32
      %add3A_511 = arith.addi %mul3A_211, %add3A_510 : i32
      %lt3A_512 = vector.broadcast %add3A_511 : i32 to vector<16xi32>
      %lt3A_513 = arith.cmpi slt, %add3A_507, %lt3A_512 : vector<16xi32>
      %and3A_514 = arith.andi %ge3A_509, %lt3A_513 : vector<16xi1>
      %sub3A_515 = vector.broadcast %mul3A_211 : i32 to vector<16xi32>
      %sub3A_516 = arith.subi %add3A_507, %sub3A_515 : vector<16xi32>
      %jit3A_517 = arith.constant 0 : i32
      %broadcast_in_dim3A_518 = vector.broadcast %jit3A_517 : i32 to vector<16xi32>
      %select_n3A_519 = arith.select %and3A_514, %sub3A_516, %broadcast_in_dim3A_518 : vector<16xi1>, vector<16xi32>
      tpu.vector_store_idx %arg12[%select_n3A_519], %broadcast_in_dim3A_5 masked %and3A_514 {add = true} : memref<65536xf32, #tpu.memory_space<vmem>>[vector<16xi32>], vector<16xf32>, vector<16xi1>
      %mul3A_520 = arith.constant 128 : i32
      %mul3A_521 = arith.muli %scan3A_406, %mul3A_520 : i32
      %add3A_522 = arith.constant 80 : i32
      %add3A_523 = arith.addi %mul3A_521, %add3A_522 : i32
      %get3A_524 = arith.index_cast %add3A_523 : i32 to index
      %get3A_525 = tpu.vector_load %arg9[%get3A_524] {strides = array<i32>} : memref<8192xi32, #tpu.memory_space<vmem>>, vector<16xi32>,
      %mul3A_526 = arith.constant 2048 : i32
      %mul3A_527 = vector.broadcast %mul3A_526 : i32 to vector<16xi32>
      %mul3A_528 = arith.muli %get3A_525, %mul3A_527 : vector<16xi32>
      %get3A_529 = arith.index_cast %add3A_523 : i32 to index
      %get3A_530 = tpu.vector_load %arg8[%get3A_529] {strides = array<i32>} : memref<8192xi32, #tpu.memory_space<vmem>>, vector<16xi32>,
      %add3A_531 = arith.addi %mul3A_528, %get3A_530 : vector<16xi32>
      %ge3A_532 = vector.broadcast %mul3A_211 : i32 to vector<16xi32>
      %ge3A_533 = arith.cmpi sge, %add3A_531, %ge3A_532 : vector<16xi32>
      %add3A_534 = arith.constant 65536 : i32
      %add3A_535 = arith.addi %mul3A_211, %add3A_534 : i32
      %lt3A_536 = vector.broadcast %add3A_535 : i32 to vector<16xi32>
      %lt3A_537 = arith.cmpi slt, %add3A_531, %lt3A_536 : vector<16xi32>
      %and3A_538 = arith.andi %ge3A_533, %lt3A_537 : vector<16xi1>
      %sub3A_539 = vector.broadcast %mul3A_211 : i32 to vector<16xi32>
      %sub3A_540 = arith.subi %add3A_531, %sub3A_539 : vector<16xi32>
      %jit3A_541 = arith.constant 0 : i32
      %broadcast_in_dim3A_542 = vector.broadcast %jit3A_541 : i32 to vector<16xi32>
      %select_n3A_543 = arith.select %and3A_538, %sub3A_540, %broadcast_in_dim3A_542 : vector<16xi1>, vector<16xi32>
      tpu.vector_store_idx %arg12[%select_n3A_543], %broadcast_in_dim3A_5 masked %and3A_538 {add = true} : memref<65536xf32, #tpu.memory_space<vmem>>[vector<16xi32>], vector<16xf32>, vector<16xi1>
      %mul3A_544 = arith.constant 128 : i32
      %mul3A_545 = arith.muli %scan3A_406, %mul3A_544 : i32
      %add3A_546 = arith.constant 96 : i32
      %add3A_547 = arith.addi %mul3A_545, %add3A_546 : i32
      %get3A_548 = arith.index_cast %add3A_547 : i32 to index
      %get3A_549 = tpu.vector_load %arg9[%get3A_548] {strides = array<i32>} : memref<8192xi32, #tpu.memory_space<vmem>>, vector<16xi32>,
      %mul3A_550 = arith.constant 2048 : i32
      %mul3A_551 = vector.broadcast %mul3A_550 : i32 to vector<16xi32>
      %mul3A_552 = arith.muli %get3A_549, %mul3A_551 : vector<16xi32>
      %get3A_553 = arith.index_cast %add3A_547 : i32 to index
      %get3A_554 = tpu.vector_load %arg8[%get3A_553] {strides = array<i32>} : memref<8192xi32, #tpu.memory_space<vmem>>, vector<16xi32>,
      %add3A_555 = arith.addi %mul3A_552, %get3A_554 : vector<16xi32>
      %ge3A_556 = vector.broadcast %mul3A_211 : i32 to vector<16xi32>
      %ge3A_557 = arith.cmpi sge, %add3A_555, %ge3A_556 : vector<16xi32>
      %add3A_558 = arith.constant 65536 : i32
      %add3A_559 = arith.addi %mul3A_211, %add3A_558 : i32
      %lt3A_560 = vector.broadcast %add3A_559 : i32 to vector<16xi32>
      %lt3A_561 = arith.cmpi slt, %add3A_555, %lt3A_560 : vector<16xi32>
      %and3A_562 = arith.andi %ge3A_557, %lt3A_561 : vector<16xi1>
      %sub3A_563 = vector.broadcast %mul3A_211 : i32 to vector<16xi32>
      %sub3A_564 = arith.subi %add3A_555, %sub3A_563 : vector<16xi32>
      %jit3A_565 = arith.constant 0 : i32
      %broadcast_in_dim3A_566 = vector.broadcast %jit3A_565 : i32 to vector<16xi32>
      %select_n3A_567 = arith.select %and3A_562, %sub3A_564, %broadcast_in_dim3A_566 : vector<16xi1>, vector<16xi32>
      tpu.vector_store_idx %arg12[%select_n3A_567], %broadcast_in_dim3A_5 masked %and3A_562 {add = true} : memref<65536xf32, #tpu.memory_space<vmem>>[vector<16xi32>], vector<16xf32>, vector<16xi1>
      %mul3A_568 = arith.constant 128 : i32
      %mul3A_569 = arith.muli %scan3A_406, %mul3A_568 : i32
      %add3A_570 = arith.constant 112 : i32
      %add3A_571 = arith.addi %mul3A_569, %add3A_570 : i32
      %get3A_572 = arith.index_cast %add3A_571 : i32 to index
      %get3A_573 = tpu.vector_load %arg9[%get3A_572] {strides = array<i32>} : memref<8192xi32, #tpu.memory_space<vmem>>, vector<16xi32>,
      %mul3A_574 = arith.constant 2048 : i32
      %mul3A_575 = vector.broadcast %mul3A_574 : i32 to vector<16xi32>
      %mul3A_576 = arith.muli %get3A_573, %mul3A_575 : vector<16xi32>
      %get3A_577 = arith.index_cast %add3A_571 : i32 to index
      %get3A_578 = tpu.vector_load %arg8[%get3A_577] {strides = array<i32>} : memref<8192xi32, #tpu.memory_space<vmem>>, vector<16xi32>,
      %add3A_579 = arith.addi %mul3A_576, %get3A_578 : vector<16xi32>
      %ge3A_580 = vector.broadcast %mul3A_211 : i32 to vector<16xi32>
      %ge3A_581 = arith.cmpi sge, %add3A_579, %ge3A_580 : vector<16xi32>
      %add3A_582 = arith.constant 65536 : i32
      %add3A_583 = arith.addi %mul3A_211, %add3A_582 : i32
      %lt3A_584 = vector.broadcast %add3A_583 : i32 to vector<16xi32>
      %lt3A_585 = arith.cmpi slt, %add3A_579, %lt3A_584 : vector<16xi32>
      %and3A_586 = arith.andi %ge3A_581, %lt3A_585 : vector<16xi1>
      %sub3A_587 = vector.broadcast %mul3A_211 : i32 to vector<16xi32>
      %sub3A_588 = arith.subi %add3A_579, %sub3A_587 : vector<16xi32>
      %jit3A_589 = arith.constant 0 : i32
      %broadcast_in_dim3A_590 = vector.broadcast %jit3A_589 : i32 to vector<16xi32>
      %select_n3A_591 = arith.select %and3A_586, %sub3A_588, %broadcast_in_dim3A_590 : vector<16xi1>, vector<16xi32>
      tpu.vector_store_idx %arg12[%select_n3A_591], %broadcast_in_dim3A_5 masked %and3A_586 {add = true} : memref<65536xf32, #tpu.memory_space<vmem>>[vector<16xi32>], vector<16xf32>, vector<16xi1>
    }
    %scan3A_291 = arith.constant 64 : i32
    %dma_wait3A_292 = arith.constant 24576 : i32
    %dma_wait3A_293 = tpu.memref_slice %arg13[%dma_wait3A_292] : memref<32768xi32, #tpu.memory_space<vmem_shared>> -> memref<8192xi32, #tpu.memory_space<vmem_shared>>
    %dma_wait3A_294 = arith.constant 24576 : i32
    %dma_wait3A_295 = tpu.memref_slice %arg13[%dma_wait3A_294] : memref<32768xi32, #tpu.memory_space<vmem_shared>> -> memref<8192xi32, #tpu.memory_space<vmem_shared>>
    tpu.wait_dma2 semaphore(%arg17 : memref<!tpu.dma_semaphore, #tpu.memory_space<semaphore_mem>>) src(%dma_wait3A_295 : memref<8192xi32, #tpu.memory_space<vmem_shared>>) dst(%arg10 : memref<8192xi32, #tpu.memory_space<vmem>>)
    %dma_wait3A_296 = arith.constant 24576 : i32
    %dma_wait3A_297 = tpu.memref_slice %arg14[%dma_wait3A_296] : memref<32768xi32, #tpu.memory_space<vmem_shared>> -> memref<8192xi32, #tpu.memory_space<vmem_shared>>
    %dma_wait3A_298 = arith.constant 24576 : i32
    %dma_wait3A_299 = tpu.memref_slice %arg14[%dma_wait3A_298] : memref<32768xi32, #tpu.memory_space<vmem_shared>> -> memref<8192xi32, #tpu.memory_space<vmem_shared>>
    tpu.wait_dma2 semaphore(%arg18 : memref<!tpu.dma_semaphore, #tpu.memory_space<semaphore_mem>>) src(%dma_wait3A_299 : memref<8192xi32, #tpu.memory_space<vmem_shared>>) dst(%arg11 : memref<8192xi32, #tpu.memory_space<vmem>>)
    %scan3A_300 = arith.constant 0 : i32
    %scan3A_301 = arith.constant 0 : i32
    %scan3A_302 = arith.constant 64 : i32
    %scan3A_303 = arith.addi %scan3A_301, %scan3A_302 : i32
    %scan3A_304 = arith.constant 1 : i32
    scf.for %scan3A_406 = %scan3A_301 to %scan3A_303 step %scan3A_304  : i32 {
      %mul3A_407 = arith.constant 128 : i32
      %mul3A_408 = arith.muli %scan3A_406, %mul3A_407 : i32
      %add3A_409 = arith.constant 0 : i32
      %add3A_410 = arith.addi %mul3A_408, %add3A_409 : i32
      %get3A = arith.index_cast %add3A_410 : i32 to index
      %get3A_411 = tpu.vector_load %arg11[%get3A] {strides = array<i32>} : memref<8192xi32, #tpu.memory_space<vmem>>, vector<16xi32>,
      %mul3A_412 = arith.constant 2048 : i32
      %mul3A_413 = vector.broadcast %mul3A_412 : i32 to vector<16xi32>
      %mul3A_414 = arith.muli %get3A_411, %mul3A_413 : vector<16xi32>
      %get3A_415 = arith.index_cast %add3A_410 : i32 to index
      %get3A_416 = tpu.vector_load %arg10[%get3A_415] {strides = array<i32>} : memref<8192xi32, #tpu.memory_space<vmem>>, vector<16xi32>,
      %add3A_417 = arith.addi %mul3A_414, %get3A_416 : vector<16xi32>
      %ge3A = vector.broadcast %mul3A_211 : i32 to vector<16xi32>
      %ge3A_418 = arith.cmpi sge, %add3A_417, %ge3A : vector<16xi32>
      %add3A_419 = arith.constant 65536 : i32
      %add3A_420 = arith.addi %mul3A_211, %add3A_419 : i32
      %lt3A = vector.broadcast %add3A_420 : i32 to vector<16xi32>
      %lt3A_421 = arith.cmpi slt, %add3A_417, %lt3A : vector<16xi32>
      %and3A = arith.andi %ge3A_418, %lt3A_421 : vector<16xi1>
      %sub3A = vector.broadcast %mul3A_211 : i32 to vector<16xi32>
      %sub3A_422 = arith.subi %add3A_417, %sub3A : vector<16xi32>
      %jit3A = arith.constant 0 : i32
      %broadcast_in_dim3A_423 = vector.broadcast %jit3A : i32 to vector<16xi32>
      %select_n3A = arith.select %and3A, %sub3A_422, %broadcast_in_dim3A_423 : vector<16xi1>, vector<16xi32>
      tpu.vector_store_idx %arg12[%select_n3A], %broadcast_in_dim3A_5 masked %and3A {add = true} : memref<65536xf32, #tpu.memory_space<vmem>>[vector<16xi32>], vector<16xf32>, vector<16xi1>
      %mul3A_424 = arith.constant 128 : i32
      %mul3A_425 = arith.muli %scan3A_406, %mul3A_424 : i32
      %add3A_426 = arith.constant 16 : i32
      %add3A_427 = arith.addi %mul3A_425, %add3A_426 : i32
      %get3A_428 = arith.index_cast %add3A_427 : i32 to index
      %get3A_429 = tpu.vector_load %arg11[%get3A_428] {strides = array<i32>} : memref<8192xi32, #tpu.memory_space<vmem>>, vector<16xi32>,
      %mul3A_430 = arith.constant 2048 : i32
      %mul3A_431 = vector.broadcast %mul3A_430 : i32 to vector<16xi32>
      %mul3A_432 = arith.muli %get3A_429, %mul3A_431 : vector<16xi32>
      %get3A_433 = arith.index_cast %add3A_427 : i32 to index
      %get3A_434 = tpu.vector_load %arg10[%get3A_433] {strides = array<i32>} : memref<8192xi32, #tpu.memory_space<vmem>>, vector<16xi32>,
      %add3A_435 = arith.addi %mul3A_432, %get3A_434 : vector<16xi32>
      %ge3A_436 = vector.broadcast %mul3A_211 : i32 to vector<16xi32>
      %ge3A_437 = arith.cmpi sge, %add3A_435, %ge3A_436 : vector<16xi32>
      %add3A_438 = arith.constant 65536 : i32
      %add3A_439 = arith.addi %mul3A_211, %add3A_438 : i32
      %lt3A_440 = vector.broadcast %add3A_439 : i32 to vector<16xi32>
      %lt3A_441 = arith.cmpi slt, %add3A_435, %lt3A_440 : vector<16xi32>
      %and3A_442 = arith.andi %ge3A_437, %lt3A_441 : vector<16xi1>
      %sub3A_443 = vector.broadcast %mul3A_211 : i32 to vector<16xi32>
      %sub3A_444 = arith.subi %add3A_435, %sub3A_443 : vector<16xi32>
      %jit3A_445 = arith.constant 0 : i32
      %broadcast_in_dim3A_446 = vector.broadcast %jit3A_445 : i32 to vector<16xi32>
      %select_n3A_447 = arith.select %and3A_442, %sub3A_444, %broadcast_in_dim3A_446 : vector<16xi1>, vector<16xi32>
      tpu.vector_store_idx %arg12[%select_n3A_447], %broadcast_in_dim3A_5 masked %and3A_442 {add = true} : memref<65536xf32, #tpu.memory_space<vmem>>[vector<16xi32>], vector<16xf32>, vector<16xi1>
      %mul3A_448 = arith.constant 128 : i32
      %mul3A_449 = arith.muli %scan3A_406, %mul3A_448 : i32
      %add3A_450 = arith.constant 32 : i32
      %add3A_451 = arith.addi %mul3A_449, %add3A_450 : i32
      %get3A_452 = arith.index_cast %add3A_451 : i32 to index
      %get3A_453 = tpu.vector_load %arg11[%get3A_452] {strides = array<i32>} : memref<8192xi32, #tpu.memory_space<vmem>>, vector<16xi32>,
      %mul3A_454 = arith.constant 2048 : i32
      %mul3A_455 = vector.broadcast %mul3A_454 : i32 to vector<16xi32>
      %mul3A_456 = arith.muli %get3A_453, %mul3A_455 : vector<16xi32>
      %get3A_457 = arith.index_cast %add3A_451 : i32 to index
      %get3A_458 = tpu.vector_load %arg10[%get3A_457] {strides = array<i32>} : memref<8192xi32, #tpu.memory_space<vmem>>, vector<16xi32>,
      %add3A_459 = arith.addi %mul3A_456, %get3A_458 : vector<16xi32>
      %ge3A_460 = vector.broadcast %mul3A_211 : i32 to vector<16xi32>
      %ge3A_461 = arith.cmpi sge, %add3A_459, %ge3A_460 : vector<16xi32>
      %add3A_462 = arith.constant 65536 : i32
      %add3A_463 = arith.addi %mul3A_211, %add3A_462 : i32
      %lt3A_464 = vector.broadcast %add3A_463 : i32 to vector<16xi32>
      %lt3A_465 = arith.cmpi slt, %add3A_459, %lt3A_464 : vector<16xi32>
      %and3A_466 = arith.andi %ge3A_461, %lt3A_465 : vector<16xi1>
      %sub3A_467 = vector.broadcast %mul3A_211 : i32 to vector<16xi32>
      %sub3A_468 = arith.subi %add3A_459, %sub3A_467 : vector<16xi32>
      %jit3A_469 = arith.constant 0 : i32
      %broadcast_in_dim3A_470 = vector.broadcast %jit3A_469 : i32 to vector<16xi32>
      %select_n3A_471 = arith.select %and3A_466, %sub3A_468, %broadcast_in_dim3A_470 : vector<16xi1>, vector<16xi32>
      tpu.vector_store_idx %arg12[%select_n3A_471], %broadcast_in_dim3A_5 masked %and3A_466 {add = true} : memref<65536xf32, #tpu.memory_space<vmem>>[vector<16xi32>], vector<16xf32>, vector<16xi1>
      %mul3A_472 = arith.constant 128 : i32
      %mul3A_473 = arith.muli %scan3A_406, %mul3A_472 : i32
      %add3A_474 = arith.constant 48 : i32
      %add3A_475 = arith.addi %mul3A_473, %add3A_474 : i32
      %get3A_476 = arith.index_cast %add3A_475 : i32 to index
      %get3A_477 = tpu.vector_load %arg11[%get3A_476] {strides = array<i32>} : memref<8192xi32, #tpu.memory_space<vmem>>, vector<16xi32>,
      %mul3A_478 = arith.constant 2048 : i32
      %mul3A_479 = vector.broadcast %mul3A_478 : i32 to vector<16xi32>
      %mul3A_480 = arith.muli %get3A_477, %mul3A_479 : vector<16xi32>
      %get3A_481 = arith.index_cast %add3A_475 : i32 to index
      %get3A_482 = tpu.vector_load %arg10[%get3A_481] {strides = array<i32>} : memref<8192xi32, #tpu.memory_space<vmem>>, vector<16xi32>,
      %add3A_483 = arith.addi %mul3A_480, %get3A_482 : vector<16xi32>
      %ge3A_484 = vector.broadcast %mul3A_211 : i32 to vector<16xi32>
      %ge3A_485 = arith.cmpi sge, %add3A_483, %ge3A_484 : vector<16xi32>
      %add3A_486 = arith.constant 65536 : i32
      %add3A_487 = arith.addi %mul3A_211, %add3A_486 : i32
      %lt3A_488 = vector.broadcast %add3A_487 : i32 to vector<16xi32>
      %lt3A_489 = arith.cmpi slt, %add3A_483, %lt3A_488 : vector<16xi32>
      %and3A_490 = arith.andi %ge3A_485, %lt3A_489 : vector<16xi1>
      %sub3A_491 = vector.broadcast %mul3A_211 : i32 to vector<16xi32>
      %sub3A_492 = arith.subi %add3A_483, %sub3A_491 : vector<16xi32>
      %jit3A_493 = arith.constant 0 : i32
      %broadcast_in_dim3A_494 = vector.broadcast %jit3A_493 : i32 to vector<16xi32>
      %select_n3A_495 = arith.select %and3A_490, %sub3A_492, %broadcast_in_dim3A_494 : vector<16xi1>, vector<16xi32>
      tpu.vector_store_idx %arg12[%select_n3A_495], %broadcast_in_dim3A_5 masked %and3A_490 {add = true} : memref<65536xf32, #tpu.memory_space<vmem>>[vector<16xi32>], vector<16xf32>, vector<16xi1>
      %mul3A_496 = arith.constant 128 : i32
      %mul3A_497 = arith.muli %scan3A_406, %mul3A_496 : i32
      %add3A_498 = arith.constant 64 : i32
      %add3A_499 = arith.addi %mul3A_497, %add3A_498 : i32
      %get3A_500 = arith.index_cast %add3A_499 : i32 to index
      %get3A_501 = tpu.vector_load %arg11[%get3A_500] {strides = array<i32>} : memref<8192xi32, #tpu.memory_space<vmem>>, vector<16xi32>,
      %mul3A_502 = arith.constant 2048 : i32
      %mul3A_503 = vector.broadcast %mul3A_502 : i32 to vector<16xi32>
      %mul3A_504 = arith.muli %get3A_501, %mul3A_503 : vector<16xi32>
      %get3A_505 = arith.index_cast %add3A_499 : i32 to index
      %get3A_506 = tpu.vector_load %arg10[%get3A_505] {strides = array<i32>} : memref<8192xi32, #tpu.memory_space<vmem>>, vector<16xi32>,
      %add3A_507 = arith.addi %mul3A_504, %get3A_506 : vector<16xi32>
      %ge3A_508 = vector.broadcast %mul3A_211 : i32 to vector<16xi32>
      %ge3A_509 = arith.cmpi sge, %add3A_507, %ge3A_508 : vector<16xi32>
      %add3A_510 = arith.constant 65536 : i32
      %add3A_511 = arith.addi %mul3A_211, %add3A_510 : i32
      %lt3A_512 = vector.broadcast %add3A_511 : i32 to vector<16xi32>
      %lt3A_513 = arith.cmpi slt, %add3A_507, %lt3A_512 : vector<16xi32>
      %and3A_514 = arith.andi %ge3A_509, %lt3A_513 : vector<16xi1>
      %sub3A_515 = vector.broadcast %mul3A_211 : i32 to vector<16xi32>
      %sub3A_516 = arith.subi %add3A_507, %sub3A_515 : vector<16xi32>
      %jit3A_517 = arith.constant 0 : i32
      %broadcast_in_dim3A_518 = vector.broadcast %jit3A_517 : i32 to vector<16xi32>
      %select_n3A_519 = arith.select %and3A_514, %sub3A_516, %broadcast_in_dim3A_518 : vector<16xi1>, vector<16xi32>
      tpu.vector_store_idx %arg12[%select_n3A_519], %broadcast_in_dim3A_5 masked %and3A_514 {add = true} : memref<65536xf32, #tpu.memory_space<vmem>>[vector<16xi32>], vector<16xf32>, vector<16xi1>
      %mul3A_520 = arith.constant 128 : i32
      %mul3A_521 = arith.muli %scan3A_406, %mul3A_520 : i32
      %add3A_522 = arith.constant 80 : i32
      %add3A_523 = arith.addi %mul3A_521, %add3A_522 : i32
      %get3A_524 = arith.index_cast %add3A_523 : i32 to index
      %get3A_525 = tpu.vector_load %arg11[%get3A_524] {strides = array<i32>} : memref<8192xi32, #tpu.memory_space<vmem>>, vector<16xi32>,
      %mul3A_526 = arith.constant 2048 : i32
      %mul3A_527 = vector.broadcast %mul3A_526 : i32 to vector<16xi32>
      %mul3A_528 = arith.muli %get3A_525, %mul3A_527 : vector<16xi32>
      %get3A_529 = arith.index_cast %add3A_523 : i32 to index
      %get3A_530 = tpu.vector_load %arg10[%get3A_529] {strides = array<i32>} : memref<8192xi32, #tpu.memory_space<vmem>>, vector<16xi32>,
      %add3A_531 = arith.addi %mul3A_528, %get3A_530 : vector<16xi32>
      %ge3A_532 = vector.broadcast %mul3A_211 : i32 to vector<16xi32>
      %ge3A_533 = arith.cmpi sge, %add3A_531, %ge3A_532 : vector<16xi32>
      %add3A_534 = arith.constant 65536 : i32
      %add3A_535 = arith.addi %mul3A_211, %add3A_534 : i32
      %lt3A_536 = vector.broadcast %add3A_535 : i32 to vector<16xi32>
      %lt3A_537 = arith.cmpi slt, %add3A_531, %lt3A_536 : vector<16xi32>
      %and3A_538 = arith.andi %ge3A_533, %lt3A_537 : vector<16xi1>
      %sub3A_539 = vector.broadcast %mul3A_211 : i32 to vector<16xi32>
      %sub3A_540 = arith.subi %add3A_531, %sub3A_539 : vector<16xi32>
      %jit3A_541 = arith.constant 0 : i32
      %broadcast_in_dim3A_542 = vector.broadcast %jit3A_541 : i32 to vector<16xi32>
      %select_n3A_543 = arith.select %and3A_538, %sub3A_540, %broadcast_in_dim3A_542 : vector<16xi1>, vector<16xi32>
      tpu.vector_store_idx %arg12[%select_n3A_543], %broadcast_in_dim3A_5 masked %and3A_538 {add = true} : memref<65536xf32, #tpu.memory_space<vmem>>[vector<16xi32>], vector<16xf32>, vector<16xi1>
      %mul3A_544 = arith.constant 128 : i32
      %mul3A_545 = arith.muli %scan3A_406, %mul3A_544 : i32
      %add3A_546 = arith.constant 96 : i32
      %add3A_547 = arith.addi %mul3A_545, %add3A_546 : i32
      %get3A_548 = arith.index_cast %add3A_547 : i32 to index
      %get3A_549 = tpu.vector_load %arg11[%get3A_548] {strides = array<i32>} : memref<8192xi32, #tpu.memory_space<vmem>>, vector<16xi32>,
      %mul3A_550 = arith.constant 2048 : i32
      %mul3A_551 = vector.broadcast %mul3A_550 : i32 to vector<16xi32>
      %mul3A_552 = arith.muli %get3A_549, %mul3A_551 : vector<16xi32>
      %get3A_553 = arith.index_cast %add3A_547 : i32 to index
      %get3A_554 = tpu.vector_load %arg10[%get3A_553] {strides = array<i32>} : memref<8192xi32, #tpu.memory_space<vmem>>, vector<16xi32>,
      %add3A_555 = arith.addi %mul3A_552, %get3A_554 : vector<16xi32>
      %ge3A_556 = vector.broadcast %mul3A_211 : i32 to vector<16xi32>
      %ge3A_557 = arith.cmpi sge, %add3A_555, %ge3A_556 : vector<16xi32>
      %add3A_558 = arith.constant 65536 : i32
      %add3A_559 = arith.addi %mul3A_211, %add3A_558 : i32
      %lt3A_560 = vector.broadcast %add3A_559 : i32 to vector<16xi32>
      %lt3A_561 = arith.cmpi slt, %add3A_555, %lt3A_560 : vector<16xi32>
      %and3A_562 = arith.andi %ge3A_557, %lt3A_561 : vector<16xi1>
      %sub3A_563 = vector.broadcast %mul3A_211 : i32 to vector<16xi32>
      %sub3A_564 = arith.subi %add3A_555, %sub3A_563 : vector<16xi32>
      %jit3A_565 = arith.constant 0 : i32
      %broadcast_in_dim3A_566 = vector.broadcast %jit3A_565 : i32 to vector<16xi32>
      %select_n3A_567 = arith.select %and3A_562, %sub3A_564, %broadcast_in_dim3A_566 : vector<16xi1>, vector<16xi32>
      tpu.vector_store_idx %arg12[%select_n3A_567], %broadcast_in_dim3A_5 masked %and3A_562 {add = true} : memref<65536xf32, #tpu.memory_space<vmem>>[vector<16xi32>], vector<16xf32>, vector<16xi1>
      %mul3A_568 = arith.constant 128 : i32
      %mul3A_569 = arith.muli %scan3A_406, %mul3A_568 : i32
      %add3A_570 = arith.constant 112 : i32
      %add3A_571 = arith.addi %mul3A_569, %add3A_570 : i32
      %get3A_572 = arith.index_cast %add3A_571 : i32 to index
      %get3A_573 = tpu.vector_load %arg11[%get3A_572] {strides = array<i32>} : memref<8192xi32, #tpu.memory_space<vmem>>, vector<16xi32>,
      %mul3A_574 = arith.constant 2048 : i32
      %mul3A_575 = vector.broadcast %mul3A_574 : i32 to vector<16xi32>
      %mul3A_576 = arith.muli %get3A_573, %mul3A_575 : vector<16xi32>
      %get3A_577 = arith.index_cast %add3A_571 : i32 to index
      %get3A_578 = tpu.vector_load %arg10[%get3A_577] {strides = array<i32>} : memref<8192xi32, #tpu.memory_space<vmem>>, vector<16xi32>,
      %add3A_579 = arith.addi %mul3A_576, %get3A_578 : vector<16xi32>
      %ge3A_580 = vector.broadcast %mul3A_211 : i32 to vector<16xi32>
      %ge3A_581 = arith.cmpi sge, %add3A_579, %ge3A_580 : vector<16xi32>
      %add3A_582 = arith.constant 65536 : i32
      %add3A_583 = arith.addi %mul3A_211, %add3A_582 : i32
      %lt3A_584 = vector.broadcast %add3A_583 : i32 to vector<16xi32>
      %lt3A_585 = arith.cmpi slt, %add3A_579, %lt3A_584 : vector<16xi32>
      %and3A_586 = arith.andi %ge3A_581, %lt3A_585 : vector<16xi1>
      %sub3A_587 = vector.broadcast %mul3A_211 : i32 to vector<16xi32>
      %sub3A_588 = arith.subi %add3A_579, %sub3A_587 : vector<16xi32>
      %jit3A_589 = arith.constant 0 : i32
      %broadcast_in_dim3A_590 = vector.broadcast %jit3A_589 : i32 to vector<16xi32>
      %select_n3A_591 = arith.select %and3A_586, %sub3A_588, %broadcast_in_dim3A_590 : vector<16xi1>, vector<16xi32>
      tpu.vector_store_idx %arg12[%select_n3A_591], %broadcast_in_dim3A_5 masked %and3A_586 {add = true} : memref<65536xf32, #tpu.memory_space<vmem>>[vector<16xi32>], vector<16xf32>, vector<16xi1>
    }
    %scan3A_305 = arith.constant 64 : i32
    "tpu.region"() ({
      %run_scoped3A = tpu.sem_alloc : memref<!tpu.dma_semaphore, #tpu.memory_space<semaphore_mem>>
      %dma_start3A_406 = tpu.memref_slice %arg7[%mul3A_211] : memref<4194304xf32, #tpu.memory_space<hbm>> -> memref<65536xf32, #tpu.memory_space<hbm>>
      %dma_start3A_407 = tpu.memref_slice %arg7[%mul3A_211] : memref<4194304xf32, #tpu.memory_space<hbm>> -> memref<65536xf32, #tpu.memory_space<hbm>>
      tpu.enqueue_dma source(%arg12 : memref<65536xf32, #tpu.memory_space<vmem>>) target(%dma_start3A_407 : memref<65536xf32, #tpu.memory_space<hbm>>) target_semaphore(%run_scoped3A : memref<!tpu.dma_semaphore, #tpu.memory_space<semaphore_mem>>)
      %dma_wait3A_408 = tpu.memref_slice %arg7[%mul3A_211] : memref<4194304xf32, #tpu.memory_space<hbm>> -> memref<65536xf32, #tpu.memory_space<hbm>>
      %dma_wait3A_409 = tpu.memref_slice %arg7[%mul3A_211] : memref<4194304xf32, #tpu.memory_space<hbm>> -> memref<65536xf32, #tpu.memory_space<hbm>>
      tpu.wait_dma2 semaphore(%run_scoped3A : memref<!tpu.dma_semaphore, #tpu.memory_space<semaphore_mem>>) src(%arg12 : memref<65536xf32, #tpu.memory_space<vmem>>) dst(%dma_wait3A_409 : memref<65536xf32, #tpu.memory_space<hbm>>)
      tpu.yield
    }) : () -> ()
    %mul3A_306 = arith.constant 2 : i32
    %mul3A_307 = arith.muli %mul3A_306, %add3A : i32
    %add3A_308 = arith.constant 1 : i32
    %add3A_309 = arith.addi %mul3A_307, %add3A_308 : i32
    %mul3A_310 = arith.constant 65536 : i32
    %mul3A_311 = arith.muli %add3A_309, %mul3A_310 : i32
    %scan3A_312 = arith.constant 0 : i32
    %scan3A_313 = arith.constant 0 : i32
    %scan3A_314 = arith.constant 512 : i32
    %scan3A_315 = arith.addi %scan3A_313, %scan3A_314 : i32
    %scan3A_316 = arith.constant 1 : i32
    scf.for %scan3A_406 = %scan3A_313 to %scan3A_315 step %scan3A_316  : i32 {
      %mul3A_407 = arith.constant 128 : i32
      %mul3A_408 = arith.muli %scan3A_406, %mul3A_407 : i32
      %add3A_409 = arith.constant 0 : i32
      %add3A_410 = arith.addi %mul3A_408, %add3A_409 : i32
      %swap3A = arith.index_cast %add3A_410 : i32 to index
      %swap3A_411 = tpu.vector_load %arg12[%swap3A] {strides = array<i32>} : memref<65536xf32, #tpu.memory_space<vmem>>, vector<16xf32>,
      tpu.vector_store %arg12[%swap3A], %broadcast_in_dim3A_3 {strides = array<i32>} : memref<65536xf32, #tpu.memory_space<vmem>>, vector<16xf32>,
      %mul3A_412 = arith.constant 128 : i32
      %mul3A_413 = arith.muli %scan3A_406, %mul3A_412 : i32
      %add3A_414 = arith.constant 16 : i32
      %add3A_415 = arith.addi %mul3A_413, %add3A_414 : i32
      %swap3A_416 = arith.index_cast %add3A_415 : i32 to index
      %swap3A_417 = tpu.vector_load %arg12[%swap3A_416] {strides = array<i32>} : memref<65536xf32, #tpu.memory_space<vmem>>, vector<16xf32>,
      tpu.vector_store %arg12[%swap3A_416], %broadcast_in_dim3A_3 {strides = array<i32>} : memref<65536xf32, #tpu.memory_space<vmem>>, vector<16xf32>,
      %mul3A_418 = arith.constant 128 : i32
      %mul3A_419 = arith.muli %scan3A_406, %mul3A_418 : i32
      %add3A_420 = arith.constant 32 : i32
      %add3A_421 = arith.addi %mul3A_419, %add3A_420 : i32
      %swap3A_422 = arith.index_cast %add3A_421 : i32 to index
      %swap3A_423 = tpu.vector_load %arg12[%swap3A_422] {strides = array<i32>} : memref<65536xf32, #tpu.memory_space<vmem>>, vector<16xf32>,
      tpu.vector_store %arg12[%swap3A_422], %broadcast_in_dim3A_3 {strides = array<i32>} : memref<65536xf32, #tpu.memory_space<vmem>>, vector<16xf32>,
      %mul3A_424 = arith.constant 128 : i32
      %mul3A_425 = arith.muli %scan3A_406, %mul3A_424 : i32
      %add3A_426 = arith.constant 48 : i32
      %add3A_427 = arith.addi %mul3A_425, %add3A_426 : i32
      %swap3A_428 = arith.index_cast %add3A_427 : i32 to index
      %swap3A_429 = tpu.vector_load %arg12[%swap3A_428] {strides = array<i32>} : memref<65536xf32, #tpu.memory_space<vmem>>, vector<16xf32>,
      tpu.vector_store %arg12[%swap3A_428], %broadcast_in_dim3A_3 {strides = array<i32>} : memref<65536xf32, #tpu.memory_space<vmem>>, vector<16xf32>,
      %mul3A_430 = arith.constant 128 : i32
      %mul3A_431 = arith.muli %scan3A_406, %mul3A_430 : i32
      %add3A_432 = arith.constant 64 : i32
      %add3A_433 = arith.addi %mul3A_431, %add3A_432 : i32
      %swap3A_434 = arith.index_cast %add3A_433 : i32 to index
      %swap3A_435 = tpu.vector_load %arg12[%swap3A_434] {strides = array<i32>} : memref<65536xf32, #tpu.memory_space<vmem>>, vector<16xf32>,
      tpu.vector_store %arg12[%swap3A_434], %broadcast_in_dim3A_3 {strides = array<i32>} : memref<65536xf32, #tpu.memory_space<vmem>>, vector<16xf32>,
      %mul3A_436 = arith.constant 128 : i32
      %mul3A_437 = arith.muli %scan3A_406, %mul3A_436 : i32
      %add3A_438 = arith.constant 80 : i32
      %add3A_439 = arith.addi %mul3A_437, %add3A_438 : i32
      %swap3A_440 = arith.index_cast %add3A_439 : i32 to index
      %swap3A_441 = tpu.vector_load %arg12[%swap3A_440] {strides = array<i32>} : memref<65536xf32, #tpu.memory_space<vmem>>, vector<16xf32>,
      tpu.vector_store %arg12[%swap3A_440], %broadcast_in_dim3A_3 {strides = array<i32>} : memref<65536xf32, #tpu.memory_space<vmem>>, vector<16xf32>,
      %mul3A_442 = arith.constant 128 : i32
      %mul3A_443 = arith.muli %scan3A_406, %mul3A_442 : i32
      %add3A_444 = arith.constant 96 : i32
      %add3A_445 = arith.addi %mul3A_443, %add3A_444 : i32
      %swap3A_446 = arith.index_cast %add3A_445 : i32 to index
      %swap3A_447 = tpu.vector_load %arg12[%swap3A_446] {strides = array<i32>} : memref<65536xf32, #tpu.memory_space<vmem>>, vector<16xf32>,
      tpu.vector_store %arg12[%swap3A_446], %broadcast_in_dim3A_3 {strides = array<i32>} : memref<65536xf32, #tpu.memory_space<vmem>>, vector<16xf32>,
      %mul3A_448 = arith.constant 128 : i32
      %mul3A_449 = arith.muli %scan3A_406, %mul3A_448 : i32
      %add3A_450 = arith.constant 112 : i32
      %add3A_451 = arith.addi %mul3A_449, %add3A_450 : i32
      %swap3A_452 = arith.index_cast %add3A_451 : i32 to index
      %swap3A_453 = tpu.vector_load %arg12[%swap3A_452] {strides = array<i32>} : memref<65536xf32, #tpu.memory_space<vmem>>, vector<16xf32>,
      tpu.vector_store %arg12[%swap3A_452], %broadcast_in_dim3A_3 {strides = array<i32>} : memref<65536xf32, #tpu.memory_space<vmem>>, vector<16xf32>,
    }
    %scan3A_317 = arith.constant 512 : i32
    %dma_start3A_318 = arith.constant 0 : i32
    %dma_start3A_319 = tpu.memref_slice %arg13[%dma_start3A_318] : memref<32768xi32, #tpu.memory_space<vmem_shared>> -> memref<8192xi32, #tpu.memory_space<vmem_shared>>
    %dma_start3A_320 = arith.constant 0 : i32
    %dma_start3A_321 = tpu.memref_slice %arg13[%dma_start3A_320] : memref<32768xi32, #tpu.memory_space<vmem_shared>> -> memref<8192xi32, #tpu.memory_space<vmem_shared>>
    tpu.enqueue_dma source(%dma_start3A_321 : memref<8192xi32, #tpu.memory_space<vmem_shared>>) target(%arg8 : memref<8192xi32, #tpu.memory_space<vmem>>) target_semaphore(%arg15 : memref<!tpu.dma_semaphore, #tpu.memory_space<semaphore_mem>>)
    %dma_start3A_322 = arith.constant 0 : i32
    %dma_start3A_323 = tpu.memref_slice %arg14[%dma_start3A_322] : memref<32768xi32, #tpu.memory_space<vmem_shared>> -> memref<8192xi32, #tpu.memory_space<vmem_shared>>
    %dma_start3A_324 = arith.constant 0 : i32
    %dma_start3A_325 = tpu.memref_slice %arg14[%dma_start3A_324] : memref<32768xi32, #tpu.memory_space<vmem_shared>> -> memref<8192xi32, #tpu.memory_space<vmem_shared>>
    tpu.enqueue_dma source(%dma_start3A_325 : memref<8192xi32, #tpu.memory_space<vmem_shared>>) target(%arg9 : memref<8192xi32, #tpu.memory_space<vmem>>) target_semaphore(%arg16 : memref<!tpu.dma_semaphore, #tpu.memory_space<semaphore_mem>>)
    %dma_wait3A_326 = arith.constant 0 : i32
    %dma_wait3A_327 = tpu.memref_slice %arg13[%dma_wait3A_326] : memref<32768xi32, #tpu.memory_space<vmem_shared>> -> memref<8192xi32, #tpu.memory_space<vmem_shared>>
    %dma_wait3A_328 = arith.constant 0 : i32
    %dma_wait3A_329 = tpu.memref_slice %arg13[%dma_wait3A_328] : memref<32768xi32, #tpu.memory_space<vmem_shared>> -> memref<8192xi32, #tpu.memory_space<vmem_shared>>
    tpu.wait_dma2 semaphore(%arg15 : memref<!tpu.dma_semaphore, #tpu.memory_space<semaphore_mem>>) src(%dma_wait3A_329 : memref<8192xi32, #tpu.memory_space<vmem_shared>>) dst(%arg8 : memref<8192xi32, #tpu.memory_space<vmem>>)
    %dma_wait3A_330 = arith.constant 0 : i32
    %dma_wait3A_331 = tpu.memref_slice %arg14[%dma_wait3A_330] : memref<32768xi32, #tpu.memory_space<vmem_shared>> -> memref<8192xi32, #tpu.memory_space<vmem_shared>>
    %dma_wait3A_332 = arith.constant 0 : i32
    %dma_wait3A_333 = tpu.memref_slice %arg14[%dma_wait3A_332] : memref<32768xi32, #tpu.memory_space<vmem_shared>> -> memref<8192xi32, #tpu.memory_space<vmem_shared>>
    tpu.wait_dma2 semaphore(%arg16 : memref<!tpu.dma_semaphore, #tpu.memory_space<semaphore_mem>>) src(%dma_wait3A_333 : memref<8192xi32, #tpu.memory_space<vmem_shared>>) dst(%arg9 : memref<8192xi32, #tpu.memory_space<vmem>>)
    %dma_start3A_334 = arith.constant 8192 : i32
    %dma_start3A_335 = tpu.memref_slice %arg13[%dma_start3A_334] : memref<32768xi32, #tpu.memory_space<vmem_shared>> -> memref<8192xi32, #tpu.memory_space<vmem_shared>>
    %dma_start3A_336 = arith.constant 8192 : i32
    %dma_start3A_337 = tpu.memref_slice %arg13[%dma_start3A_336] : memref<32768xi32, #tpu.memory_space<vmem_shared>> -> memref<8192xi32, #tpu.memory_space<vmem_shared>>
    tpu.enqueue_dma source(%dma_start3A_337 : memref<8192xi32, #tpu.memory_space<vmem_shared>>) target(%arg10 : memref<8192xi32, #tpu.memory_space<vmem>>) target_semaphore(%arg17 : memref<!tpu.dma_semaphore, #tpu.memory_space<semaphore_mem>>)
    %dma_start3A_338 = arith.constant 8192 : i32
    %dma_start3A_339 = tpu.memref_slice %arg14[%dma_start3A_338] : memref<32768xi32, #tpu.memory_space<vmem_shared>> -> memref<8192xi32, #tpu.memory_space<vmem_shared>>
    %dma_start3A_340 = arith.constant 8192 : i32
    %dma_start3A_341 = tpu.memref_slice %arg14[%dma_start3A_340] : memref<32768xi32, #tpu.memory_space<vmem_shared>> -> memref<8192xi32, #tpu.memory_space<vmem_shared>>
    tpu.enqueue_dma source(%dma_start3A_341 : memref<8192xi32, #tpu.memory_space<vmem_shared>>) target(%arg11 : memref<8192xi32, #tpu.memory_space<vmem>>) target_semaphore(%arg18 : memref<!tpu.dma_semaphore, #tpu.memory_space<semaphore_mem>>)
    %scan3A_342 = arith.constant 0 : i32
    %scan3A_343 = arith.constant 0 : i32
    %scan3A_344 = arith.constant 64 : i32
    %scan3A_345 = arith.addi %scan3A_343, %scan3A_344 : i32
    %scan3A_346 = arith.constant 1 : i32
    scf.for %scan3A_406 = %scan3A_343 to %scan3A_345 step %scan3A_346  : i32 {
      %mul3A_407 = arith.constant 128 : i32
      %mul3A_408 = arith.muli %scan3A_406, %mul3A_407 : i32
      %add3A_409 = arith.constant 0 : i32
      %add3A_410 = arith.addi %mul3A_408, %add3A_409 : i32
      %get3A = arith.index_cast %add3A_410 : i32 to index
      %get3A_411 = tpu.vector_load %arg9[%get3A] {strides = array<i32>} : memref<8192xi32, #tpu.memory_space<vmem>>, vector<16xi32>,
      %mul3A_412 = arith.constant 2048 : i32
      %mul3A_413 = vector.broadcast %mul3A_412 : i32 to vector<16xi32>
      %mul3A_414 = arith.muli %get3A_411, %mul3A_413 : vector<16xi32>
      %get3A_415 = arith.index_cast %add3A_410 : i32 to index
      %get3A_416 = tpu.vector_load %arg8[%get3A_415] {strides = array<i32>} : memref<8192xi32, #tpu.memory_space<vmem>>, vector<16xi32>,
      %add3A_417 = arith.addi %mul3A_414, %get3A_416 : vector<16xi32>
      %ge3A = vector.broadcast %mul3A_311 : i32 to vector<16xi32>
      %ge3A_418 = arith.cmpi sge, %add3A_417, %ge3A : vector<16xi32>
      %add3A_419 = arith.constant 65536 : i32
      %add3A_420 = arith.addi %mul3A_311, %add3A_419 : i32
      %lt3A = vector.broadcast %add3A_420 : i32 to vector<16xi32>
      %lt3A_421 = arith.cmpi slt, %add3A_417, %lt3A : vector<16xi32>
      %and3A = arith.andi %ge3A_418, %lt3A_421 : vector<16xi1>
      %sub3A = vector.broadcast %mul3A_311 : i32 to vector<16xi32>
      %sub3A_422 = arith.subi %add3A_417, %sub3A : vector<16xi32>
      %jit3A = arith.constant 0 : i32
      %broadcast_in_dim3A_423 = vector.broadcast %jit3A : i32 to vector<16xi32>
      %select_n3A = arith.select %and3A, %sub3A_422, %broadcast_in_dim3A_423 : vector<16xi1>, vector<16xi32>
      tpu.vector_store_idx %arg12[%select_n3A], %broadcast_in_dim3A_5 masked %and3A {add = true} : memref<65536xf32, #tpu.memory_space<vmem>>[vector<16xi32>], vector<16xf32>, vector<16xi1>
      %mul3A_424 = arith.constant 128 : i32
      %mul3A_425 = arith.muli %scan3A_406, %mul3A_424 : i32
      %add3A_426 = arith.constant 16 : i32
      %add3A_427 = arith.addi %mul3A_425, %add3A_426 : i32
      %get3A_428 = arith.index_cast %add3A_427 : i32 to index
      %get3A_429 = tpu.vector_load %arg9[%get3A_428] {strides = array<i32>} : memref<8192xi32, #tpu.memory_space<vmem>>, vector<16xi32>,
      %mul3A_430 = arith.constant 2048 : i32
      %mul3A_431 = vector.broadcast %mul3A_430 : i32 to vector<16xi32>
      %mul3A_432 = arith.muli %get3A_429, %mul3A_431 : vector<16xi32>
      %get3A_433 = arith.index_cast %add3A_427 : i32 to index
      %get3A_434 = tpu.vector_load %arg8[%get3A_433] {strides = array<i32>} : memref<8192xi32, #tpu.memory_space<vmem>>, vector<16xi32>,
      %add3A_435 = arith.addi %mul3A_432, %get3A_434 : vector<16xi32>
      %ge3A_436 = vector.broadcast %mul3A_311 : i32 to vector<16xi32>
      %ge3A_437 = arith.cmpi sge, %add3A_435, %ge3A_436 : vector<16xi32>
      %add3A_438 = arith.constant 65536 : i32
      %add3A_439 = arith.addi %mul3A_311, %add3A_438 : i32
      %lt3A_440 = vector.broadcast %add3A_439 : i32 to vector<16xi32>
      %lt3A_441 = arith.cmpi slt, %add3A_435, %lt3A_440 : vector<16xi32>
      %and3A_442 = arith.andi %ge3A_437, %lt3A_441 : vector<16xi1>
      %sub3A_443 = vector.broadcast %mul3A_311 : i32 to vector<16xi32>
      %sub3A_444 = arith.subi %add3A_435, %sub3A_443 : vector<16xi32>
      %jit3A_445 = arith.constant 0 : i32
      %broadcast_in_dim3A_446 = vector.broadcast %jit3A_445 : i32 to vector<16xi32>
      %select_n3A_447 = arith.select %and3A_442, %sub3A_444, %broadcast_in_dim3A_446 : vector<16xi1>, vector<16xi32>
      tpu.vector_store_idx %arg12[%select_n3A_447], %broadcast_in_dim3A_5 masked %and3A_442 {add = true} : memref<65536xf32, #tpu.memory_space<vmem>>[vector<16xi32>], vector<16xf32>, vector<16xi1>
      %mul3A_448 = arith.constant 128 : i32
      %mul3A_449 = arith.muli %scan3A_406, %mul3A_448 : i32
      %add3A_450 = arith.constant 32 : i32
      %add3A_451 = arith.addi %mul3A_449, %add3A_450 : i32
      %get3A_452 = arith.index_cast %add3A_451 : i32 to index
      %get3A_453 = tpu.vector_load %arg9[%get3A_452] {strides = array<i32>} : memref<8192xi32, #tpu.memory_space<vmem>>, vector<16xi32>,
      %mul3A_454 = arith.constant 2048 : i32
      %mul3A_455 = vector.broadcast %mul3A_454 : i32 to vector<16xi32>
      %mul3A_456 = arith.muli %get3A_453, %mul3A_455 : vector<16xi32>
      %get3A_457 = arith.index_cast %add3A_451 : i32 to index
      %get3A_458 = tpu.vector_load %arg8[%get3A_457] {strides = array<i32>} : memref<8192xi32, #tpu.memory_space<vmem>>, vector<16xi32>,
      %add3A_459 = arith.addi %mul3A_456, %get3A_458 : vector<16xi32>
      %ge3A_460 = vector.broadcast %mul3A_311 : i32 to vector<16xi32>
      %ge3A_461 = arith.cmpi sge, %add3A_459, %ge3A_460 : vector<16xi32>
      %add3A_462 = arith.constant 65536 : i32
      %add3A_463 = arith.addi %mul3A_311, %add3A_462 : i32
      %lt3A_464 = vector.broadcast %add3A_463 : i32 to vector<16xi32>
      %lt3A_465 = arith.cmpi slt, %add3A_459, %lt3A_464 : vector<16xi32>
      %and3A_466 = arith.andi %ge3A_461, %lt3A_465 : vector<16xi1>
      %sub3A_467 = vector.broadcast %mul3A_311 : i32 to vector<16xi32>
      %sub3A_468 = arith.subi %add3A_459, %sub3A_467 : vector<16xi32>
      %jit3A_469 = arith.constant 0 : i32
      %broadcast_in_dim3A_470 = vector.broadcast %jit3A_469 : i32 to vector<16xi32>
      %select_n3A_471 = arith.select %and3A_466, %sub3A_468, %broadcast_in_dim3A_470 : vector<16xi1>, vector<16xi32>
      tpu.vector_store_idx %arg12[%select_n3A_471], %broadcast_in_dim3A_5 masked %and3A_466 {add = true} : memref<65536xf32, #tpu.memory_space<vmem>>[vector<16xi32>], vector<16xf32>, vector<16xi1>
      %mul3A_472 = arith.constant 128 : i32
      %mul3A_473 = arith.muli %scan3A_406, %mul3A_472 : i32
      %add3A_474 = arith.constant 48 : i32
      %add3A_475 = arith.addi %mul3A_473, %add3A_474 : i32
      %get3A_476 = arith.index_cast %add3A_475 : i32 to index
      %get3A_477 = tpu.vector_load %arg9[%get3A_476] {strides = array<i32>} : memref<8192xi32, #tpu.memory_space<vmem>>, vector<16xi32>,
      %mul3A_478 = arith.constant 2048 : i32
      %mul3A_479 = vector.broadcast %mul3A_478 : i32 to vector<16xi32>
      %mul3A_480 = arith.muli %get3A_477, %mul3A_479 : vector<16xi32>
      %get3A_481 = arith.index_cast %add3A_475 : i32 to index
      %get3A_482 = tpu.vector_load %arg8[%get3A_481] {strides = array<i32>} : memref<8192xi32, #tpu.memory_space<vmem>>, vector<16xi32>,
      %add3A_483 = arith.addi %mul3A_480, %get3A_482 : vector<16xi32>
      %ge3A_484 = vector.broadcast %mul3A_311 : i32 to vector<16xi32>
      %ge3A_485 = arith.cmpi sge, %add3A_483, %ge3A_484 : vector<16xi32>
      %add3A_486 = arith.constant 65536 : i32
      %add3A_487 = arith.addi %mul3A_311, %add3A_486 : i32
      %lt3A_488 = vector.broadcast %add3A_487 : i32 to vector<16xi32>
      %lt3A_489 = arith.cmpi slt, %add3A_483, %lt3A_488 : vector<16xi32>
      %and3A_490 = arith.andi %ge3A_485, %lt3A_489 : vector<16xi1>
      %sub3A_491 = vector.broadcast %mul3A_311 : i32 to vector<16xi32>
      %sub3A_492 = arith.subi %add3A_483, %sub3A_491 : vector<16xi32>
      %jit3A_493 = arith.constant 0 : i32
      %broadcast_in_dim3A_494 = vector.broadcast %jit3A_493 : i32 to vector<16xi32>
      %select_n3A_495 = arith.select %and3A_490, %sub3A_492, %broadcast_in_dim3A_494 : vector<16xi1>, vector<16xi32>
      tpu.vector_store_idx %arg12[%select_n3A_495], %broadcast_in_dim3A_5 masked %and3A_490 {add = true} : memref<65536xf32, #tpu.memory_space<vmem>>[vector<16xi32>], vector<16xf32>, vector<16xi1>
      %mul3A_496 = arith.constant 128 : i32
      %mul3A_497 = arith.muli %scan3A_406, %mul3A_496 : i32
      %add3A_498 = arith.constant 64 : i32
      %add3A_499 = arith.addi %mul3A_497, %add3A_498 : i32
      %get3A_500 = arith.index_cast %add3A_499 : i32 to index
      %get3A_501 = tpu.vector_load %arg9[%get3A_500] {strides = array<i32>} : memref<8192xi32, #tpu.memory_space<vmem>>, vector<16xi32>,
      %mul3A_502 = arith.constant 2048 : i32
      %mul3A_503 = vector.broadcast %mul3A_502 : i32 to vector<16xi32>
      %mul3A_504 = arith.muli %get3A_501, %mul3A_503 : vector<16xi32>
      %get3A_505 = arith.index_cast %add3A_499 : i32 to index
      %get3A_506 = tpu.vector_load %arg8[%get3A_505] {strides = array<i32>} : memref<8192xi32, #tpu.memory_space<vmem>>, vector<16xi32>,
      %add3A_507 = arith.addi %mul3A_504, %get3A_506 : vector<16xi32>
      %ge3A_508 = vector.broadcast %mul3A_311 : i32 to vector<16xi32>
      %ge3A_509 = arith.cmpi sge, %add3A_507, %ge3A_508 : vector<16xi32>
      %add3A_510 = arith.constant 65536 : i32
      %add3A_511 = arith.addi %mul3A_311, %add3A_510 : i32
      %lt3A_512 = vector.broadcast %add3A_511 : i32 to vector<16xi32>
      %lt3A_513 = arith.cmpi slt, %add3A_507, %lt3A_512 : vector<16xi32>
      %and3A_514 = arith.andi %ge3A_509, %lt3A_513 : vector<16xi1>
      %sub3A_515 = vector.broadcast %mul3A_311 : i32 to vector<16xi32>
      %sub3A_516 = arith.subi %add3A_507, %sub3A_515 : vector<16xi32>
      %jit3A_517 = arith.constant 0 : i32
      %broadcast_in_dim3A_518 = vector.broadcast %jit3A_517 : i32 to vector<16xi32>
      %select_n3A_519 = arith.select %and3A_514, %sub3A_516, %broadcast_in_dim3A_518 : vector<16xi1>, vector<16xi32>
      tpu.vector_store_idx %arg12[%select_n3A_519], %broadcast_in_dim3A_5 masked %and3A_514 {add = true} : memref<65536xf32, #tpu.memory_space<vmem>>[vector<16xi32>], vector<16xf32>, vector<16xi1>
      %mul3A_520 = arith.constant 128 : i32
      %mul3A_521 = arith.muli %scan3A_406, %mul3A_520 : i32
      %add3A_522 = arith.constant 80 : i32
      %add3A_523 = arith.addi %mul3A_521, %add3A_522 : i32
      %get3A_524 = arith.index_cast %add3A_523 : i32 to index
      %get3A_525 = tpu.vector_load %arg9[%get3A_524] {strides = array<i32>} : memref<8192xi32, #tpu.memory_space<vmem>>, vector<16xi32>,
      %mul3A_526 = arith.constant 2048 : i32
      %mul3A_527 = vector.broadcast %mul3A_526 : i32 to vector<16xi32>
      %mul3A_528 = arith.muli %get3A_525, %mul3A_527 : vector<16xi32>
      %get3A_529 = arith.index_cast %add3A_523 : i32 to index
      %get3A_530 = tpu.vector_load %arg8[%get3A_529] {strides = array<i32>} : memref<8192xi32, #tpu.memory_space<vmem>>, vector<16xi32>,
      %add3A_531 = arith.addi %mul3A_528, %get3A_530 : vector<16xi32>
      %ge3A_532 = vector.broadcast %mul3A_311 : i32 to vector<16xi32>
      %ge3A_533 = arith.cmpi sge, %add3A_531, %ge3A_532 : vector<16xi32>
      %add3A_534 = arith.constant 65536 : i32
      %add3A_535 = arith.addi %mul3A_311, %add3A_534 : i32
      %lt3A_536 = vector.broadcast %add3A_535 : i32 to vector<16xi32>
      %lt3A_537 = arith.cmpi slt, %add3A_531, %lt3A_536 : vector<16xi32>
      %and3A_538 = arith.andi %ge3A_533, %lt3A_537 : vector<16xi1>
      %sub3A_539 = vector.broadcast %mul3A_311 : i32 to vector<16xi32>
      %sub3A_540 = arith.subi %add3A_531, %sub3A_539 : vector<16xi32>
      %jit3A_541 = arith.constant 0 : i32
      %broadcast_in_dim3A_542 = vector.broadcast %jit3A_541 : i32 to vector<16xi32>
      %select_n3A_543 = arith.select %and3A_538, %sub3A_540, %broadcast_in_dim3A_542 : vector<16xi1>, vector<16xi32>
      tpu.vector_store_idx %arg12[%select_n3A_543], %broadcast_in_dim3A_5 masked %and3A_538 {add = true} : memref<65536xf32, #tpu.memory_space<vmem>>[vector<16xi32>], vector<16xf32>, vector<16xi1>
      %mul3A_544 = arith.constant 128 : i32
      %mul3A_545 = arith.muli %scan3A_406, %mul3A_544 : i32
      %add3A_546 = arith.constant 96 : i32
      %add3A_547 = arith.addi %mul3A_545, %add3A_546 : i32
      %get3A_548 = arith.index_cast %add3A_547 : i32 to index
      %get3A_549 = tpu.vector_load %arg9[%get3A_548] {strides = array<i32>} : memref<8192xi32, #tpu.memory_space<vmem>>, vector<16xi32>,
      %mul3A_550 = arith.constant 2048 : i32
      %mul3A_551 = vector.broadcast %mul3A_550 : i32 to vector<16xi32>
      %mul3A_552 = arith.muli %get3A_549, %mul3A_551 : vector<16xi32>
      %get3A_553 = arith.index_cast %add3A_547 : i32 to index
      %get3A_554 = tpu.vector_load %arg8[%get3A_553] {strides = array<i32>} : memref<8192xi32, #tpu.memory_space<vmem>>, vector<16xi32>,
      %add3A_555 = arith.addi %mul3A_552, %get3A_554 : vector<16xi32>
      %ge3A_556 = vector.broadcast %mul3A_311 : i32 to vector<16xi32>
      %ge3A_557 = arith.cmpi sge, %add3A_555, %ge3A_556 : vector<16xi32>
      %add3A_558 = arith.constant 65536 : i32
      %add3A_559 = arith.addi %mul3A_311, %add3A_558 : i32
      %lt3A_560 = vector.broadcast %add3A_559 : i32 to vector<16xi32>
      %lt3A_561 = arith.cmpi slt, %add3A_555, %lt3A_560 : vector<16xi32>
      %and3A_562 = arith.andi %ge3A_557, %lt3A_561 : vector<16xi1>
      %sub3A_563 = vector.broadcast %mul3A_311 : i32 to vector<16xi32>
      %sub3A_564 = arith.subi %add3A_555, %sub3A_563 : vector<16xi32>
      %jit3A_565 = arith.constant 0 : i32
      %broadcast_in_dim3A_566 = vector.broadcast %jit3A_565 : i32 to vector<16xi32>
      %select_n3A_567 = arith.select %and3A_562, %sub3A_564, %broadcast_in_dim3A_566 : vector<16xi1>, vector<16xi32>
      tpu.vector_store_idx %arg12[%select_n3A_567], %broadcast_in_dim3A_5 masked %and3A_562 {add = true} : memref<65536xf32, #tpu.memory_space<vmem>>[vector<16xi32>], vector<16xf32>, vector<16xi1>
      %mul3A_568 = arith.constant 128 : i32
      %mul3A_569 = arith.muli %scan3A_406, %mul3A_568 : i32
      %add3A_570 = arith.constant 112 : i32
      %add3A_571 = arith.addi %mul3A_569, %add3A_570 : i32
      %get3A_572 = arith.index_cast %add3A_571 : i32 to index
      %get3A_573 = tpu.vector_load %arg9[%get3A_572] {strides = array<i32>} : memref<8192xi32, #tpu.memory_space<vmem>>, vector<16xi32>,
      %mul3A_574 = arith.constant 2048 : i32
      %mul3A_575 = vector.broadcast %mul3A_574 : i32 to vector<16xi32>
      %mul3A_576 = arith.muli %get3A_573, %mul3A_575 : vector<16xi32>
      %get3A_577 = arith.index_cast %add3A_571 : i32 to index
      %get3A_578 = tpu.vector_load %arg8[%get3A_577] {strides = array<i32>} : memref<8192xi32, #tpu.memory_space<vmem>>, vector<16xi32>,
      %add3A_579 = arith.addi %mul3A_576, %get3A_578 : vector<16xi32>
      %ge3A_580 = vector.broadcast %mul3A_311 : i32 to vector<16xi32>
      %ge3A_581 = arith.cmpi sge, %add3A_579, %ge3A_580 : vector<16xi32>
      %add3A_582 = arith.constant 65536 : i32
      %add3A_583 = arith.addi %mul3A_311, %add3A_582 : i32
      %lt3A_584 = vector.broadcast %add3A_583 : i32 to vector<16xi32>
      %lt3A_585 = arith.cmpi slt, %add3A_579, %lt3A_584 : vector<16xi32>
      %and3A_586 = arith.andi %ge3A_581, %lt3A_585 : vector<16xi1>
      %sub3A_587 = vector.broadcast %mul3A_311 : i32 to vector<16xi32>
      %sub3A_588 = arith.subi %add3A_579, %sub3A_587 : vector<16xi32>
      %jit3A_589 = arith.constant 0 : i32
      %broadcast_in_dim3A_590 = vector.broadcast %jit3A_589 : i32 to vector<16xi32>
      %select_n3A_591 = arith.select %and3A_586, %sub3A_588, %broadcast_in_dim3A_590 : vector<16xi1>, vector<16xi32>
      tpu.vector_store_idx %arg12[%select_n3A_591], %broadcast_in_dim3A_5 masked %and3A_586 {add = true} : memref<65536xf32, #tpu.memory_space<vmem>>[vector<16xi32>], vector<16xf32>, vector<16xi1>
    }
    %scan3A_347 = arith.constant 64 : i32
    %dma_wait3A_348 = arith.constant 8192 : i32
    %dma_wait3A_349 = tpu.memref_slice %arg13[%dma_wait3A_348] : memref<32768xi32, #tpu.memory_space<vmem_shared>> -> memref<8192xi32, #tpu.memory_space<vmem_shared>>
    %dma_wait3A_350 = arith.constant 8192 : i32
    %dma_wait3A_351 = tpu.memref_slice %arg13[%dma_wait3A_350] : memref<32768xi32, #tpu.memory_space<vmem_shared>> -> memref<8192xi32, #tpu.memory_space<vmem_shared>>
    tpu.wait_dma2 semaphore(%arg17 : memref<!tpu.dma_semaphore, #tpu.memory_space<semaphore_mem>>) src(%dma_wait3A_351 : memref<8192xi32, #tpu.memory_space<vmem_shared>>) dst(%arg10 : memref<8192xi32, #tpu.memory_space<vmem>>)
    %dma_wait3A_352 = arith.constant 8192 : i32
    %dma_wait3A_353 = tpu.memref_slice %arg14[%dma_wait3A_352] : memref<32768xi32, #tpu.memory_space<vmem_shared>> -> memref<8192xi32, #tpu.memory_space<vmem_shared>>
    %dma_wait3A_354 = arith.constant 8192 : i32
    %dma_wait3A_355 = tpu.memref_slice %arg14[%dma_wait3A_354] : memref<32768xi32, #tpu.memory_space<vmem_shared>> -> memref<8192xi32, #tpu.memory_space<vmem_shared>>
    tpu.wait_dma2 semaphore(%arg18 : memref<!tpu.dma_semaphore, #tpu.memory_space<semaphore_mem>>) src(%dma_wait3A_355 : memref<8192xi32, #tpu.memory_space<vmem_shared>>) dst(%arg11 : memref<8192xi32, #tpu.memory_space<vmem>>)
    %dma_start3A_356 = arith.constant 16384 : i32
    %dma_start3A_357 = tpu.memref_slice %arg13[%dma_start3A_356] : memref<32768xi32, #tpu.memory_space<vmem_shared>> -> memref<8192xi32, #tpu.memory_space<vmem_shared>>
    %dma_start3A_358 = arith.constant 16384 : i32
    %dma_start3A_359 = tpu.memref_slice %arg13[%dma_start3A_358] : memref<32768xi32, #tpu.memory_space<vmem_shared>> -> memref<8192xi32, #tpu.memory_space<vmem_shared>>
    tpu.enqueue_dma source(%dma_start3A_359 : memref<8192xi32, #tpu.memory_space<vmem_shared>>) target(%arg8 : memref<8192xi32, #tpu.memory_space<vmem>>) target_semaphore(%arg15 : memref<!tpu.dma_semaphore, #tpu.memory_space<semaphore_mem>>)
    %dma_start3A_360 = arith.constant 16384 : i32
    %dma_start3A_361 = tpu.memref_slice %arg14[%dma_start3A_360] : memref<32768xi32, #tpu.memory_space<vmem_shared>> -> memref<8192xi32, #tpu.memory_space<vmem_shared>>
    %dma_start3A_362 = arith.constant 16384 : i32
    %dma_start3A_363 = tpu.memref_slice %arg14[%dma_start3A_362] : memref<32768xi32, #tpu.memory_space<vmem_shared>> -> memref<8192xi32, #tpu.memory_space<vmem_shared>>
    tpu.enqueue_dma source(%dma_start3A_363 : memref<8192xi32, #tpu.memory_space<vmem_shared>>) target(%arg9 : memref<8192xi32, #tpu.memory_space<vmem>>) target_semaphore(%arg16 : memref<!tpu.dma_semaphore, #tpu.memory_space<semaphore_mem>>)
    %scan3A_364 = arith.constant 0 : i32
    %scan3A_365 = arith.constant 0 : i32
    %scan3A_366 = arith.constant 64 : i32
    %scan3A_367 = arith.addi %scan3A_365, %scan3A_366 : i32
    %scan3A_368 = arith.constant 1 : i32
    scf.for %scan3A_406 = %scan3A_365 to %scan3A_367 step %scan3A_368  : i32 {
      %mul3A_407 = arith.constant 128 : i32
      %mul3A_408 = arith.muli %scan3A_406, %mul3A_407 : i32
      %add3A_409 = arith.constant 0 : i32
      %add3A_410 = arith.addi %mul3A_408, %add3A_409 : i32
      %get3A = arith.index_cast %add3A_410 : i32 to index
      %get3A_411 = tpu.vector_load %arg11[%get3A] {strides = array<i32>} : memref<8192xi32, #tpu.memory_space<vmem>>, vector<16xi32>,
      %mul3A_412 = arith.constant 2048 : i32
      %mul3A_413 = vector.broadcast %mul3A_412 : i32 to vector<16xi32>
      %mul3A_414 = arith.muli %get3A_411, %mul3A_413 : vector<16xi32>
      %get3A_415 = arith.index_cast %add3A_410 : i32 to index
      %get3A_416 = tpu.vector_load %arg10[%get3A_415] {strides = array<i32>} : memref<8192xi32, #tpu.memory_space<vmem>>, vector<16xi32>,
      %add3A_417 = arith.addi %mul3A_414, %get3A_416 : vector<16xi32>
      %ge3A = vector.broadcast %mul3A_311 : i32 to vector<16xi32>
      %ge3A_418 = arith.cmpi sge, %add3A_417, %ge3A : vector<16xi32>
      %add3A_419 = arith.constant 65536 : i32
      %add3A_420 = arith.addi %mul3A_311, %add3A_419 : i32
      %lt3A = vector.broadcast %add3A_420 : i32 to vector<16xi32>
      %lt3A_421 = arith.cmpi slt, %add3A_417, %lt3A : vector<16xi32>
      %and3A = arith.andi %ge3A_418, %lt3A_421 : vector<16xi1>
      %sub3A = vector.broadcast %mul3A_311 : i32 to vector<16xi32>
      %sub3A_422 = arith.subi %add3A_417, %sub3A : vector<16xi32>
      %jit3A = arith.constant 0 : i32
      %broadcast_in_dim3A_423 = vector.broadcast %jit3A : i32 to vector<16xi32>
      %select_n3A = arith.select %and3A, %sub3A_422, %broadcast_in_dim3A_423 : vector<16xi1>, vector<16xi32>
      tpu.vector_store_idx %arg12[%select_n3A], %broadcast_in_dim3A_5 masked %and3A {add = true} : memref<65536xf32, #tpu.memory_space<vmem>>[vector<16xi32>], vector<16xf32>, vector<16xi1>
      %mul3A_424 = arith.constant 128 : i32
      %mul3A_425 = arith.muli %scan3A_406, %mul3A_424 : i32
      %add3A_426 = arith.constant 16 : i32
      %add3A_427 = arith.addi %mul3A_425, %add3A_426 : i32
      %get3A_428 = arith.index_cast %add3A_427 : i32 to index
      %get3A_429 = tpu.vector_load %arg11[%get3A_428] {strides = array<i32>} : memref<8192xi32, #tpu.memory_space<vmem>>, vector<16xi32>,
      %mul3A_430 = arith.constant 2048 : i32
      %mul3A_431 = vector.broadcast %mul3A_430 : i32 to vector<16xi32>
      %mul3A_432 = arith.muli %get3A_429, %mul3A_431 : vector<16xi32>
      %get3A_433 = arith.index_cast %add3A_427 : i32 to index
      %get3A_434 = tpu.vector_load %arg10[%get3A_433] {strides = array<i32>} : memref<8192xi32, #tpu.memory_space<vmem>>, vector<16xi32>,
      %add3A_435 = arith.addi %mul3A_432, %get3A_434 : vector<16xi32>
      %ge3A_436 = vector.broadcast %mul3A_311 : i32 to vector<16xi32>
      %ge3A_437 = arith.cmpi sge, %add3A_435, %ge3A_436 : vector<16xi32>
      %add3A_438 = arith.constant 65536 : i32
      %add3A_439 = arith.addi %mul3A_311, %add3A_438 : i32
      %lt3A_440 = vector.broadcast %add3A_439 : i32 to vector<16xi32>
      %lt3A_441 = arith.cmpi slt, %add3A_435, %lt3A_440 : vector<16xi32>
      %and3A_442 = arith.andi %ge3A_437, %lt3A_441 : vector<16xi1>
      %sub3A_443 = vector.broadcast %mul3A_311 : i32 to vector<16xi32>
      %sub3A_444 = arith.subi %add3A_435, %sub3A_443 : vector<16xi32>
      %jit3A_445 = arith.constant 0 : i32
      %broadcast_in_dim3A_446 = vector.broadcast %jit3A_445 : i32 to vector<16xi32>
      %select_n3A_447 = arith.select %and3A_442, %sub3A_444, %broadcast_in_dim3A_446 : vector<16xi1>, vector<16xi32>
      tpu.vector_store_idx %arg12[%select_n3A_447], %broadcast_in_dim3A_5 masked %and3A_442 {add = true} : memref<65536xf32, #tpu.memory_space<vmem>>[vector<16xi32>], vector<16xf32>, vector<16xi1>
      %mul3A_448 = arith.constant 128 : i32
      %mul3A_449 = arith.muli %scan3A_406, %mul3A_448 : i32
      %add3A_450 = arith.constant 32 : i32
      %add3A_451 = arith.addi %mul3A_449, %add3A_450 : i32
      %get3A_452 = arith.index_cast %add3A_451 : i32 to index
      %get3A_453 = tpu.vector_load %arg11[%get3A_452] {strides = array<i32>} : memref<8192xi32, #tpu.memory_space<vmem>>, vector<16xi32>,
      %mul3A_454 = arith.constant 2048 : i32
      %mul3A_455 = vector.broadcast %mul3A_454 : i32 to vector<16xi32>
      %mul3A_456 = arith.muli %get3A_453, %mul3A_455 : vector<16xi32>
      %get3A_457 = arith.index_cast %add3A_451 : i32 to index
      %get3A_458 = tpu.vector_load %arg10[%get3A_457] {strides = array<i32>} : memref<8192xi32, #tpu.memory_space<vmem>>, vector<16xi32>,
      %add3A_459 = arith.addi %mul3A_456, %get3A_458 : vector<16xi32>
      %ge3A_460 = vector.broadcast %mul3A_311 : i32 to vector<16xi32>
      %ge3A_461 = arith.cmpi sge, %add3A_459, %ge3A_460 : vector<16xi32>
      %add3A_462 = arith.constant 65536 : i32
      %add3A_463 = arith.addi %mul3A_311, %add3A_462 : i32
      %lt3A_464 = vector.broadcast %add3A_463 : i32 to vector<16xi32>
      %lt3A_465 = arith.cmpi slt, %add3A_459, %lt3A_464 : vector<16xi32>
      %and3A_466 = arith.andi %ge3A_461, %lt3A_465 : vector<16xi1>
      %sub3A_467 = vector.broadcast %mul3A_311 : i32 to vector<16xi32>
      %sub3A_468 = arith.subi %add3A_459, %sub3A_467 : vector<16xi32>
      %jit3A_469 = arith.constant 0 : i32
      %broadcast_in_dim3A_470 = vector.broadcast %jit3A_469 : i32 to vector<16xi32>
      %select_n3A_471 = arith.select %and3A_466, %sub3A_468, %broadcast_in_dim3A_470 : vector<16xi1>, vector<16xi32>
      tpu.vector_store_idx %arg12[%select_n3A_471], %broadcast_in_dim3A_5 masked %and3A_466 {add = true} : memref<65536xf32, #tpu.memory_space<vmem>>[vector<16xi32>], vector<16xf32>, vector<16xi1>
      %mul3A_472 = arith.constant 128 : i32
      %mul3A_473 = arith.muli %scan3A_406, %mul3A_472 : i32
      %add3A_474 = arith.constant 48 : i32
      %add3A_475 = arith.addi %mul3A_473, %add3A_474 : i32
      %get3A_476 = arith.index_cast %add3A_475 : i32 to index
      %get3A_477 = tpu.vector_load %arg11[%get3A_476] {strides = array<i32>} : memref<8192xi32, #tpu.memory_space<vmem>>, vector<16xi32>,
      %mul3A_478 = arith.constant 2048 : i32
      %mul3A_479 = vector.broadcast %mul3A_478 : i32 to vector<16xi32>
      %mul3A_480 = arith.muli %get3A_477, %mul3A_479 : vector<16xi32>
      %get3A_481 = arith.index_cast %add3A_475 : i32 to index
      %get3A_482 = tpu.vector_load %arg10[%get3A_481] {strides = array<i32>} : memref<8192xi32, #tpu.memory_space<vmem>>, vector<16xi32>,
      %add3A_483 = arith.addi %mul3A_480, %get3A_482 : vector<16xi32>
      %ge3A_484 = vector.broadcast %mul3A_311 : i32 to vector<16xi32>
      %ge3A_485 = arith.cmpi sge, %add3A_483, %ge3A_484 : vector<16xi32>
      %add3A_486 = arith.constant 65536 : i32
      %add3A_487 = arith.addi %mul3A_311, %add3A_486 : i32
      %lt3A_488 = vector.broadcast %add3A_487 : i32 to vector<16xi32>
      %lt3A_489 = arith.cmpi slt, %add3A_483, %lt3A_488 : vector<16xi32>
      %and3A_490 = arith.andi %ge3A_485, %lt3A_489 : vector<16xi1>
      %sub3A_491 = vector.broadcast %mul3A_311 : i32 to vector<16xi32>
      %sub3A_492 = arith.subi %add3A_483, %sub3A_491 : vector<16xi32>
      %jit3A_493 = arith.constant 0 : i32
      %broadcast_in_dim3A_494 = vector.broadcast %jit3A_493 : i32 to vector<16xi32>
      %select_n3A_495 = arith.select %and3A_490, %sub3A_492, %broadcast_in_dim3A_494 : vector<16xi1>, vector<16xi32>
      tpu.vector_store_idx %arg12[%select_n3A_495], %broadcast_in_dim3A_5 masked %and3A_490 {add = true} : memref<65536xf32, #tpu.memory_space<vmem>>[vector<16xi32>], vector<16xf32>, vector<16xi1>
      %mul3A_496 = arith.constant 128 : i32
      %mul3A_497 = arith.muli %scan3A_406, %mul3A_496 : i32
      %add3A_498 = arith.constant 64 : i32
      %add3A_499 = arith.addi %mul3A_497, %add3A_498 : i32
      %get3A_500 = arith.index_cast %add3A_499 : i32 to index
      %get3A_501 = tpu.vector_load %arg11[%get3A_500] {strides = array<i32>} : memref<8192xi32, #tpu.memory_space<vmem>>, vector<16xi32>,
      %mul3A_502 = arith.constant 2048 : i32
      %mul3A_503 = vector.broadcast %mul3A_502 : i32 to vector<16xi32>
      %mul3A_504 = arith.muli %get3A_501, %mul3A_503 : vector<16xi32>
      %get3A_505 = arith.index_cast %add3A_499 : i32 to index
      %get3A_506 = tpu.vector_load %arg10[%get3A_505] {strides = array<i32>} : memref<8192xi32, #tpu.memory_space<vmem>>, vector<16xi32>,
      %add3A_507 = arith.addi %mul3A_504, %get3A_506 : vector<16xi32>
      %ge3A_508 = vector.broadcast %mul3A_311 : i32 to vector<16xi32>
      %ge3A_509 = arith.cmpi sge, %add3A_507, %ge3A_508 : vector<16xi32>
      %add3A_510 = arith.constant 65536 : i32
      %add3A_511 = arith.addi %mul3A_311, %add3A_510 : i32
      %lt3A_512 = vector.broadcast %add3A_511 : i32 to vector<16xi32>
      %lt3A_513 = arith.cmpi slt, %add3A_507, %lt3A_512 : vector<16xi32>
      %and3A_514 = arith.andi %ge3A_509, %lt3A_513 : vector<16xi1>
      %sub3A_515 = vector.broadcast %mul3A_311 : i32 to vector<16xi32>
      %sub3A_516 = arith.subi %add3A_507, %sub3A_515 : vector<16xi32>
      %jit3A_517 = arith.constant 0 : i32
      %broadcast_in_dim3A_518 = vector.broadcast %jit3A_517 : i32 to vector<16xi32>
      %select_n3A_519 = arith.select %and3A_514, %sub3A_516, %broadcast_in_dim3A_518 : vector<16xi1>, vector<16xi32>
      tpu.vector_store_idx %arg12[%select_n3A_519], %broadcast_in_dim3A_5 masked %and3A_514 {add = true} : memref<65536xf32, #tpu.memory_space<vmem>>[vector<16xi32>], vector<16xf32>, vector<16xi1>
      %mul3A_520 = arith.constant 128 : i32
      %mul3A_521 = arith.muli %scan3A_406, %mul3A_520 : i32
      %add3A_522 = arith.constant 80 : i32
      %add3A_523 = arith.addi %mul3A_521, %add3A_522 : i32
      %get3A_524 = arith.index_cast %add3A_523 : i32 to index
      %get3A_525 = tpu.vector_load %arg11[%get3A_524] {strides = array<i32>} : memref<8192xi32, #tpu.memory_space<vmem>>, vector<16xi32>,
      %mul3A_526 = arith.constant 2048 : i32
      %mul3A_527 = vector.broadcast %mul3A_526 : i32 to vector<16xi32>
      %mul3A_528 = arith.muli %get3A_525, %mul3A_527 : vector<16xi32>
      %get3A_529 = arith.index_cast %add3A_523 : i32 to index
      %get3A_530 = tpu.vector_load %arg10[%get3A_529] {strides = array<i32>} : memref<8192xi32, #tpu.memory_space<vmem>>, vector<16xi32>,
      %add3A_531 = arith.addi %mul3A_528, %get3A_530 : vector<16xi32>
      %ge3A_532 = vector.broadcast %mul3A_311 : i32 to vector<16xi32>
      %ge3A_533 = arith.cmpi sge, %add3A_531, %ge3A_532 : vector<16xi32>
      %add3A_534 = arith.constant 65536 : i32
      %add3A_535 = arith.addi %mul3A_311, %add3A_534 : i32
      %lt3A_536 = vector.broadcast %add3A_535 : i32 to vector<16xi32>
      %lt3A_537 = arith.cmpi slt, %add3A_531, %lt3A_536 : vector<16xi32>
      %and3A_538 = arith.andi %ge3A_533, %lt3A_537 : vector<16xi1>
      %sub3A_539 = vector.broadcast %mul3A_311 : i32 to vector<16xi32>
      %sub3A_540 = arith.subi %add3A_531, %sub3A_539 : vector<16xi32>
      %jit3A_541 = arith.constant 0 : i32
      %broadcast_in_dim3A_542 = vector.broadcast %jit3A_541 : i32 to vector<16xi32>
      %select_n3A_543 = arith.select %and3A_538, %sub3A_540, %broadcast_in_dim3A_542 : vector<16xi1>, vector<16xi32>
      tpu.vector_store_idx %arg12[%select_n3A_543], %broadcast_in_dim3A_5 masked %and3A_538 {add = true} : memref<65536xf32, #tpu.memory_space<vmem>>[vector<16xi32>], vector<16xf32>, vector<16xi1>
      %mul3A_544 = arith.constant 128 : i32
      %mul3A_545 = arith.muli %scan3A_406, %mul3A_544 : i32
      %add3A_546 = arith.constant 96 : i32
      %add3A_547 = arith.addi %mul3A_545, %add3A_546 : i32
      %get3A_548 = arith.index_cast %add3A_547 : i32 to index
      %get3A_549 = tpu.vector_load %arg11[%get3A_548] {strides = array<i32>} : memref<8192xi32, #tpu.memory_space<vmem>>, vector<16xi32>,
      %mul3A_550 = arith.constant 2048 : i32
      %mul3A_551 = vector.broadcast %mul3A_550 : i32 to vector<16xi32>
      %mul3A_552 = arith.muli %get3A_549, %mul3A_551 : vector<16xi32>
      %get3A_553 = arith.index_cast %add3A_547 : i32 to index
      %get3A_554 = tpu.vector_load %arg10[%get3A_553] {strides = array<i32>} : memref<8192xi32, #tpu.memory_space<vmem>>, vector<16xi32>,
      %add3A_555 = arith.addi %mul3A_552, %get3A_554 : vector<16xi32>
      %ge3A_556 = vector.broadcast %mul3A_311 : i32 to vector<16xi32>
      %ge3A_557 = arith.cmpi sge, %add3A_555, %ge3A_556 : vector<16xi32>
      %add3A_558 = arith.constant 65536 : i32
      %add3A_559 = arith.addi %mul3A_311, %add3A_558 : i32
      %lt3A_560 = vector.broadcast %add3A_559 : i32 to vector<16xi32>
      %lt3A_561 = arith.cmpi slt, %add3A_555, %lt3A_560 : vector<16xi32>
      %and3A_562 = arith.andi %ge3A_557, %lt3A_561 : vector<16xi1>
      %sub3A_563 = vector.broadcast %mul3A_311 : i32 to vector<16xi32>
      %sub3A_564 = arith.subi %add3A_555, %sub3A_563 : vector<16xi32>
      %jit3A_565 = arith.constant 0 : i32
      %broadcast_in_dim3A_566 = vector.broadcast %jit3A_565 : i32 to vector<16xi32>
      %select_n3A_567 = arith.select %and3A_562, %sub3A_564, %broadcast_in_dim3A_566 : vector<16xi1>, vector<16xi32>
      tpu.vector_store_idx %arg12[%select_n3A_567], %broadcast_in_dim3A_5 masked %and3A_562 {add = true} : memref<65536xf32, #tpu.memory_space<vmem>>[vector<16xi32>], vector<16xf32>, vector<16xi1>
      %mul3A_568 = arith.constant 128 : i32
      %mul3A_569 = arith.muli %scan3A_406, %mul3A_568 : i32
      %add3A_570 = arith.constant 112 : i32
      %add3A_571 = arith.addi %mul3A_569, %add3A_570 : i32
      %get3A_572 = arith.index_cast %add3A_571 : i32 to index
      %get3A_573 = tpu.vector_load %arg11[%get3A_572] {strides = array<i32>} : memref<8192xi32, #tpu.memory_space<vmem>>, vector<16xi32>,
      %mul3A_574 = arith.constant 2048 : i32
      %mul3A_575 = vector.broadcast %mul3A_574 : i32 to vector<16xi32>
      %mul3A_576 = arith.muli %get3A_573, %mul3A_575 : vector<16xi32>
      %get3A_577 = arith.index_cast %add3A_571 : i32 to index
      %get3A_578 = tpu.vector_load %arg10[%get3A_577] {strides = array<i32>} : memref<8192xi32, #tpu.memory_space<vmem>>, vector<16xi32>,
      %add3A_579 = arith.addi %mul3A_576, %get3A_578 : vector<16xi32>
      %ge3A_580 = vector.broadcast %mul3A_311 : i32 to vector<16xi32>
      %ge3A_581 = arith.cmpi sge, %add3A_579, %ge3A_580 : vector<16xi32>
      %add3A_582 = arith.constant 65536 : i32
      %add3A_583 = arith.addi %mul3A_311, %add3A_582 : i32
      %lt3A_584 = vector.broadcast %add3A_583 : i32 to vector<16xi32>
      %lt3A_585 = arith.cmpi slt, %add3A_579, %lt3A_584 : vector<16xi32>
      %and3A_586 = arith.andi %ge3A_581, %lt3A_585 : vector<16xi1>
      %sub3A_587 = vector.broadcast %mul3A_311 : i32 to vector<16xi32>
      %sub3A_588 = arith.subi %add3A_579, %sub3A_587 : vector<16xi32>
      %jit3A_589 = arith.constant 0 : i32
      %broadcast_in_dim3A_590 = vector.broadcast %jit3A_589 : i32 to vector<16xi32>
      %select_n3A_591 = arith.select %and3A_586, %sub3A_588, %broadcast_in_dim3A_590 : vector<16xi1>, vector<16xi32>
      tpu.vector_store_idx %arg12[%select_n3A_591], %broadcast_in_dim3A_5 masked %and3A_586 {add = true} : memref<65536xf32, #tpu.memory_space<vmem>>[vector<16xi32>], vector<16xf32>, vector<16xi1>
    }
    %scan3A_369 = arith.constant 64 : i32
    %dma_wait3A_370 = arith.constant 16384 : i32
    %dma_wait3A_371 = tpu.memref_slice %arg13[%dma_wait3A_370] : memref<32768xi32, #tpu.memory_space<vmem_shared>> -> memref<8192xi32, #tpu.memory_space<vmem_shared>>
    %dma_wait3A_372 = arith.constant 16384 : i32
    %dma_wait3A_373 = tpu.memref_slice %arg13[%dma_wait3A_372] : memref<32768xi32, #tpu.memory_space<vmem_shared>> -> memref<8192xi32, #tpu.memory_space<vmem_shared>>
    tpu.wait_dma2 semaphore(%arg15 : memref<!tpu.dma_semaphore, #tpu.memory_space<semaphore_mem>>) src(%dma_wait3A_373 : memref<8192xi32, #tpu.memory_space<vmem_shared>>) dst(%arg8 : memref<8192xi32, #tpu.memory_space<vmem>>)
    %dma_wait3A_374 = arith.constant 16384 : i32
    %dma_wait3A_375 = tpu.memref_slice %arg14[%dma_wait3A_374] : memref<32768xi32, #tpu.memory_space<vmem_shared>> -> memref<8192xi32, #tpu.memory_space<vmem_shared>>
    %dma_wait3A_376 = arith.constant 16384 : i32
    %dma_wait3A_377 = tpu.memref_slice %arg14[%dma_wait3A_376] : memref<32768xi32, #tpu.memory_space<vmem_shared>> -> memref<8192xi32, #tpu.memory_space<vmem_shared>>
    tpu.wait_dma2 semaphore(%arg16 : memref<!tpu.dma_semaphore, #tpu.memory_space<semaphore_mem>>) src(%dma_wait3A_377 : memref<8192xi32, #tpu.memory_space<vmem_shared>>) dst(%arg9 : memref<8192xi32, #tpu.memory_space<vmem>>)
    %dma_start3A_378 = arith.constant 24576 : i32
    %dma_start3A_379 = tpu.memref_slice %arg13[%dma_start3A_378] : memref<32768xi32, #tpu.memory_space<vmem_shared>> -> memref<8192xi32, #tpu.memory_space<vmem_shared>>
    %dma_start3A_380 = arith.constant 24576 : i32
    %dma_start3A_381 = tpu.memref_slice %arg13[%dma_start3A_380] : memref<32768xi32, #tpu.memory_space<vmem_shared>> -> memref<8192xi32, #tpu.memory_space<vmem_shared>>
    tpu.enqueue_dma source(%dma_start3A_381 : memref<8192xi32, #tpu.memory_space<vmem_shared>>) target(%arg10 : memref<8192xi32, #tpu.memory_space<vmem>>) target_semaphore(%arg17 : memref<!tpu.dma_semaphore, #tpu.memory_space<semaphore_mem>>)
    %dma_start3A_382 = arith.constant 24576 : i32
    %dma_start3A_383 = tpu.memref_slice %arg14[%dma_start3A_382] : memref<32768xi32, #tpu.memory_space<vmem_shared>> -> memref<8192xi32, #tpu.memory_space<vmem_shared>>
    %dma_start3A_384 = arith.constant 24576 : i32
    %dma_start3A_385 = tpu.memref_slice %arg14[%dma_start3A_384] : memref<32768xi32, #tpu.memory_space<vmem_shared>> -> memref<8192xi32, #tpu.memory_space<vmem_shared>>
    tpu.enqueue_dma source(%dma_start3A_385 : memref<8192xi32, #tpu.memory_space<vmem_shared>>) target(%arg11 : memref<8192xi32, #tpu.memory_space<vmem>>) target_semaphore(%arg18 : memref<!tpu.dma_semaphore, #tpu.memory_space<semaphore_mem>>)
    %scan3A_386 = arith.constant 0 : i32
    %scan3A_387 = arith.constant 0 : i32
    %scan3A_388 = arith.constant 64 : i32
    %scan3A_389 = arith.addi %scan3A_387, %scan3A_388 : i32
    %scan3A_390 = arith.constant 1 : i32
    scf.for %scan3A_406 = %scan3A_387 to %scan3A_389 step %scan3A_390  : i32 {
      %mul3A_407 = arith.constant 128 : i32
      %mul3A_408 = arith.muli %scan3A_406, %mul3A_407 : i32
      %add3A_409 = arith.constant 0 : i32
      %add3A_410 = arith.addi %mul3A_408, %add3A_409 : i32
      %get3A = arith.index_cast %add3A_410 : i32 to index
      %get3A_411 = tpu.vector_load %arg9[%get3A] {strides = array<i32>} : memref<8192xi32, #tpu.memory_space<vmem>>, vector<16xi32>,
      %mul3A_412 = arith.constant 2048 : i32
      %mul3A_413 = vector.broadcast %mul3A_412 : i32 to vector<16xi32>
      %mul3A_414 = arith.muli %get3A_411, %mul3A_413 : vector<16xi32>
      %get3A_415 = arith.index_cast %add3A_410 : i32 to index
      %get3A_416 = tpu.vector_load %arg8[%get3A_415] {strides = array<i32>} : memref<8192xi32, #tpu.memory_space<vmem>>, vector<16xi32>,
      %add3A_417 = arith.addi %mul3A_414, %get3A_416 : vector<16xi32>
      %ge3A = vector.broadcast %mul3A_311 : i32 to vector<16xi32>
      %ge3A_418 = arith.cmpi sge, %add3A_417, %ge3A : vector<16xi32>
      %add3A_419 = arith.constant 65536 : i32
      %add3A_420 = arith.addi %mul3A_311, %add3A_419 : i32
      %lt3A = vector.broadcast %add3A_420 : i32 to vector<16xi32>
      %lt3A_421 = arith.cmpi slt, %add3A_417, %lt3A : vector<16xi32>
      %and3A = arith.andi %ge3A_418, %lt3A_421 : vector<16xi1>
      %sub3A = vector.broadcast %mul3A_311 : i32 to vector<16xi32>
      %sub3A_422 = arith.subi %add3A_417, %sub3A : vector<16xi32>
      %jit3A = arith.constant 0 : i32
      %broadcast_in_dim3A_423 = vector.broadcast %jit3A : i32 to vector<16xi32>
      %select_n3A = arith.select %and3A, %sub3A_422, %broadcast_in_dim3A_423 : vector<16xi1>, vector<16xi32>
      tpu.vector_store_idx %arg12[%select_n3A], %broadcast_in_dim3A_5 masked %and3A {add = true} : memref<65536xf32, #tpu.memory_space<vmem>>[vector<16xi32>], vector<16xf32>, vector<16xi1>
      %mul3A_424 = arith.constant 128 : i32
      %mul3A_425 = arith.muli %scan3A_406, %mul3A_424 : i32
      %add3A_426 = arith.constant 16 : i32
      %add3A_427 = arith.addi %mul3A_425, %add3A_426 : i32
      %get3A_428 = arith.index_cast %add3A_427 : i32 to index
      %get3A_429 = tpu.vector_load %arg9[%get3A_428] {strides = array<i32>} : memref<8192xi32, #tpu.memory_space<vmem>>, vector<16xi32>,
      %mul3A_430 = arith.constant 2048 : i32
      %mul3A_431 = vector.broadcast %mul3A_430 : i32 to vector<16xi32>
      %mul3A_432 = arith.muli %get3A_429, %mul3A_431 : vector<16xi32>
      %get3A_433 = arith.index_cast %add3A_427 : i32 to index
      %get3A_434 = tpu.vector_load %arg8[%get3A_433] {strides = array<i32>} : memref<8192xi32, #tpu.memory_space<vmem>>, vector<16xi32>,
      %add3A_435 = arith.addi %mul3A_432, %get3A_434 : vector<16xi32>
      %ge3A_436 = vector.broadcast %mul3A_311 : i32 to vector<16xi32>
      %ge3A_437 = arith.cmpi sge, %add3A_435, %ge3A_436 : vector<16xi32>
      %add3A_438 = arith.constant 65536 : i32
      %add3A_439 = arith.addi %mul3A_311, %add3A_438 : i32
      %lt3A_440 = vector.broadcast %add3A_439 : i32 to vector<16xi32>
      %lt3A_441 = arith.cmpi slt, %add3A_435, %lt3A_440 : vector<16xi32>
      %and3A_442 = arith.andi %ge3A_437, %lt3A_441 : vector<16xi1>
      %sub3A_443 = vector.broadcast %mul3A_311 : i32 to vector<16xi32>
      %sub3A_444 = arith.subi %add3A_435, %sub3A_443 : vector<16xi32>
      %jit3A_445 = arith.constant 0 : i32
      %broadcast_in_dim3A_446 = vector.broadcast %jit3A_445 : i32 to vector<16xi32>
      %select_n3A_447 = arith.select %and3A_442, %sub3A_444, %broadcast_in_dim3A_446 : vector<16xi1>, vector<16xi32>
      tpu.vector_store_idx %arg12[%select_n3A_447], %broadcast_in_dim3A_5 masked %and3A_442 {add = true} : memref<65536xf32, #tpu.memory_space<vmem>>[vector<16xi32>], vector<16xf32>, vector<16xi1>
      %mul3A_448 = arith.constant 128 : i32
      %mul3A_449 = arith.muli %scan3A_406, %mul3A_448 : i32
      %add3A_450 = arith.constant 32 : i32
      %add3A_451 = arith.addi %mul3A_449, %add3A_450 : i32
      %get3A_452 = arith.index_cast %add3A_451 : i32 to index
      %get3A_453 = tpu.vector_load %arg9[%get3A_452] {strides = array<i32>} : memref<8192xi32, #tpu.memory_space<vmem>>, vector<16xi32>,
      %mul3A_454 = arith.constant 2048 : i32
      %mul3A_455 = vector.broadcast %mul3A_454 : i32 to vector<16xi32>
      %mul3A_456 = arith.muli %get3A_453, %mul3A_455 : vector<16xi32>
      %get3A_457 = arith.index_cast %add3A_451 : i32 to index
      %get3A_458 = tpu.vector_load %arg8[%get3A_457] {strides = array<i32>} : memref<8192xi32, #tpu.memory_space<vmem>>, vector<16xi32>,
      %add3A_459 = arith.addi %mul3A_456, %get3A_458 : vector<16xi32>
      %ge3A_460 = vector.broadcast %mul3A_311 : i32 to vector<16xi32>
      %ge3A_461 = arith.cmpi sge, %add3A_459, %ge3A_460 : vector<16xi32>
      %add3A_462 = arith.constant 65536 : i32
      %add3A_463 = arith.addi %mul3A_311, %add3A_462 : i32
      %lt3A_464 = vector.broadcast %add3A_463 : i32 to vector<16xi32>
      %lt3A_465 = arith.cmpi slt, %add3A_459, %lt3A_464 : vector<16xi32>
      %and3A_466 = arith.andi %ge3A_461, %lt3A_465 : vector<16xi1>
      %sub3A_467 = vector.broadcast %mul3A_311 : i32 to vector<16xi32>
      %sub3A_468 = arith.subi %add3A_459, %sub3A_467 : vector<16xi32>
      %jit3A_469 = arith.constant 0 : i32
      %broadcast_in_dim3A_470 = vector.broadcast %jit3A_469 : i32 to vector<16xi32>
      %select_n3A_471 = arith.select %and3A_466, %sub3A_468, %broadcast_in_dim3A_470 : vector<16xi1>, vector<16xi32>
      tpu.vector_store_idx %arg12[%select_n3A_471], %broadcast_in_dim3A_5 masked %and3A_466 {add = true} : memref<65536xf32, #tpu.memory_space<vmem>>[vector<16xi32>], vector<16xf32>, vector<16xi1>
      %mul3A_472 = arith.constant 128 : i32
      %mul3A_473 = arith.muli %scan3A_406, %mul3A_472 : i32
      %add3A_474 = arith.constant 48 : i32
      %add3A_475 = arith.addi %mul3A_473, %add3A_474 : i32
      %get3A_476 = arith.index_cast %add3A_475 : i32 to index
      %get3A_477 = tpu.vector_load %arg9[%get3A_476] {strides = array<i32>} : memref<8192xi32, #tpu.memory_space<vmem>>, vector<16xi32>,
      %mul3A_478 = arith.constant 2048 : i32
      %mul3A_479 = vector.broadcast %mul3A_478 : i32 to vector<16xi32>
      %mul3A_480 = arith.muli %get3A_477, %mul3A_479 : vector<16xi32>
      %get3A_481 = arith.index_cast %add3A_475 : i32 to index
      %get3A_482 = tpu.vector_load %arg8[%get3A_481] {strides = array<i32>} : memref<8192xi32, #tpu.memory_space<vmem>>, vector<16xi32>,
      %add3A_483 = arith.addi %mul3A_480, %get3A_482 : vector<16xi32>
      %ge3A_484 = vector.broadcast %mul3A_311 : i32 to vector<16xi32>
      %ge3A_485 = arith.cmpi sge, %add3A_483, %ge3A_484 : vector<16xi32>
      %add3A_486 = arith.constant 65536 : i32
      %add3A_487 = arith.addi %mul3A_311, %add3A_486 : i32
      %lt3A_488 = vector.broadcast %add3A_487 : i32 to vector<16xi32>
      %lt3A_489 = arith.cmpi slt, %add3A_483, %lt3A_488 : vector<16xi32>
      %and3A_490 = arith.andi %ge3A_485, %lt3A_489 : vector<16xi1>
      %sub3A_491 = vector.broadcast %mul3A_311 : i32 to vector<16xi32>
      %sub3A_492 = arith.subi %add3A_483, %sub3A_491 : vector<16xi32>
      %jit3A_493 = arith.constant 0 : i32
      %broadcast_in_dim3A_494 = vector.broadcast %jit3A_493 : i32 to vector<16xi32>
      %select_n3A_495 = arith.select %and3A_490, %sub3A_492, %broadcast_in_dim3A_494 : vector<16xi1>, vector<16xi32>
      tpu.vector_store_idx %arg12[%select_n3A_495], %broadcast_in_dim3A_5 masked %and3A_490 {add = true} : memref<65536xf32, #tpu.memory_space<vmem>>[vector<16xi32>], vector<16xf32>, vector<16xi1>
      %mul3A_496 = arith.constant 128 : i32
      %mul3A_497 = arith.muli %scan3A_406, %mul3A_496 : i32
      %add3A_498 = arith.constant 64 : i32
      %add3A_499 = arith.addi %mul3A_497, %add3A_498 : i32
      %get3A_500 = arith.index_cast %add3A_499 : i32 to index
      %get3A_501 = tpu.vector_load %arg9[%get3A_500] {strides = array<i32>} : memref<8192xi32, #tpu.memory_space<vmem>>, vector<16xi32>,
      %mul3A_502 = arith.constant 2048 : i32
      %mul3A_503 = vector.broadcast %mul3A_502 : i32 to vector<16xi32>
      %mul3A_504 = arith.muli %get3A_501, %mul3A_503 : vector<16xi32>
      %get3A_505 = arith.index_cast %add3A_499 : i32 to index
      %get3A_506 = tpu.vector_load %arg8[%get3A_505] {strides = array<i32>} : memref<8192xi32, #tpu.memory_space<vmem>>, vector<16xi32>,
      %add3A_507 = arith.addi %mul3A_504, %get3A_506 : vector<16xi32>
      %ge3A_508 = vector.broadcast %mul3A_311 : i32 to vector<16xi32>
      %ge3A_509 = arith.cmpi sge, %add3A_507, %ge3A_508 : vector<16xi32>
      %add3A_510 = arith.constant 65536 : i32
      %add3A_511 = arith.addi %mul3A_311, %add3A_510 : i32
      %lt3A_512 = vector.broadcast %add3A_511 : i32 to vector<16xi32>
      %lt3A_513 = arith.cmpi slt, %add3A_507, %lt3A_512 : vector<16xi32>
      %and3A_514 = arith.andi %ge3A_509, %lt3A_513 : vector<16xi1>
      %sub3A_515 = vector.broadcast %mul3A_311 : i32 to vector<16xi32>
      %sub3A_516 = arith.subi %add3A_507, %sub3A_515 : vector<16xi32>
      %jit3A_517 = arith.constant 0 : i32
      %broadcast_in_dim3A_518 = vector.broadcast %jit3A_517 : i32 to vector<16xi32>
      %select_n3A_519 = arith.select %and3A_514, %sub3A_516, %broadcast_in_dim3A_518 : vector<16xi1>, vector<16xi32>
      tpu.vector_store_idx %arg12[%select_n3A_519], %broadcast_in_dim3A_5 masked %and3A_514 {add = true} : memref<65536xf32, #tpu.memory_space<vmem>>[vector<16xi32>], vector<16xf32>, vector<16xi1>
      %mul3A_520 = arith.constant 128 : i32
      %mul3A_521 = arith.muli %scan3A_406, %mul3A_520 : i32
      %add3A_522 = arith.constant 80 : i32
      %add3A_523 = arith.addi %mul3A_521, %add3A_522 : i32
      %get3A_524 = arith.index_cast %add3A_523 : i32 to index
      %get3A_525 = tpu.vector_load %arg9[%get3A_524] {strides = array<i32>} : memref<8192xi32, #tpu.memory_space<vmem>>, vector<16xi32>,
      %mul3A_526 = arith.constant 2048 : i32
      %mul3A_527 = vector.broadcast %mul3A_526 : i32 to vector<16xi32>
      %mul3A_528 = arith.muli %get3A_525, %mul3A_527 : vector<16xi32>
      %get3A_529 = arith.index_cast %add3A_523 : i32 to index
      %get3A_530 = tpu.vector_load %arg8[%get3A_529] {strides = array<i32>} : memref<8192xi32, #tpu.memory_space<vmem>>, vector<16xi32>,
      %add3A_531 = arith.addi %mul3A_528, %get3A_530 : vector<16xi32>
      %ge3A_532 = vector.broadcast %mul3A_311 : i32 to vector<16xi32>
      %ge3A_533 = arith.cmpi sge, %add3A_531, %ge3A_532 : vector<16xi32>
      %add3A_534 = arith.constant 65536 : i32
      %add3A_535 = arith.addi %mul3A_311, %add3A_534 : i32
      %lt3A_536 = vector.broadcast %add3A_535 : i32 to vector<16xi32>
      %lt3A_537 = arith.cmpi slt, %add3A_531, %lt3A_536 : vector<16xi32>
      %and3A_538 = arith.andi %ge3A_533, %lt3A_537 : vector<16xi1>
      %sub3A_539 = vector.broadcast %mul3A_311 : i32 to vector<16xi32>
      %sub3A_540 = arith.subi %add3A_531, %sub3A_539 : vector<16xi32>
      %jit3A_541 = arith.constant 0 : i32
      %broadcast_in_dim3A_542 = vector.broadcast %jit3A_541 : i32 to vector<16xi32>
      %select_n3A_543 = arith.select %and3A_538, %sub3A_540, %broadcast_in_dim3A_542 : vector<16xi1>, vector<16xi32>
      tpu.vector_store_idx %arg12[%select_n3A_543], %broadcast_in_dim3A_5 masked %and3A_538 {add = true} : memref<65536xf32, #tpu.memory_space<vmem>>[vector<16xi32>], vector<16xf32>, vector<16xi1>
      %mul3A_544 = arith.constant 128 : i32
      %mul3A_545 = arith.muli %scan3A_406, %mul3A_544 : i32
      %add3A_546 = arith.constant 96 : i32
      %add3A_547 = arith.addi %mul3A_545, %add3A_546 : i32
      %get3A_548 = arith.index_cast %add3A_547 : i32 to index
      %get3A_549 = tpu.vector_load %arg9[%get3A_548] {strides = array<i32>} : memref<8192xi32, #tpu.memory_space<vmem>>, vector<16xi32>,
      %mul3A_550 = arith.constant 2048 : i32
      %mul3A_551 = vector.broadcast %mul3A_550 : i32 to vector<16xi32>
      %mul3A_552 = arith.muli %get3A_549, %mul3A_551 : vector<16xi32>
      %get3A_553 = arith.index_cast %add3A_547 : i32 to index
      %get3A_554 = tpu.vector_load %arg8[%get3A_553] {strides = array<i32>} : memref<8192xi32, #tpu.memory_space<vmem>>, vector<16xi32>,
      %add3A_555 = arith.addi %mul3A_552, %get3A_554 : vector<16xi32>
      %ge3A_556 = vector.broadcast %mul3A_311 : i32 to vector<16xi32>
      %ge3A_557 = arith.cmpi sge, %add3A_555, %ge3A_556 : vector<16xi32>
      %add3A_558 = arith.constant 65536 : i32
      %add3A_559 = arith.addi %mul3A_311, %add3A_558 : i32
      %lt3A_560 = vector.broadcast %add3A_559 : i32 to vector<16xi32>
      %lt3A_561 = arith.cmpi slt, %add3A_555, %lt3A_560 : vector<16xi32>
      %and3A_562 = arith.andi %ge3A_557, %lt3A_561 : vector<16xi1>
      %sub3A_563 = vector.broadcast %mul3A_311 : i32 to vector<16xi32>
      %sub3A_564 = arith.subi %add3A_555, %sub3A_563 : vector<16xi32>
      %jit3A_565 = arith.constant 0 : i32
      %broadcast_in_dim3A_566 = vector.broadcast %jit3A_565 : i32 to vector<16xi32>
      %select_n3A_567 = arith.select %and3A_562, %sub3A_564, %broadcast_in_dim3A_566 : vector<16xi1>, vector<16xi32>
      tpu.vector_store_idx %arg12[%select_n3A_567], %broadcast_in_dim3A_5 masked %and3A_562 {add = true} : memref<65536xf32, #tpu.memory_space<vmem>>[vector<16xi32>], vector<16xf32>, vector<16xi1>
      %mul3A_568 = arith.constant 128 : i32
      %mul3A_569 = arith.muli %scan3A_406, %mul3A_568 : i32
      %add3A_570 = arith.constant 112 : i32
      %add3A_571 = arith.addi %mul3A_569, %add3A_570 : i32
      %get3A_572 = arith.index_cast %add3A_571 : i32 to index
      %get3A_573 = tpu.vector_load %arg9[%get3A_572] {strides = array<i32>} : memref<8192xi32, #tpu.memory_space<vmem>>, vector<16xi32>,
      %mul3A_574 = arith.constant 2048 : i32
      %mul3A_575 = vector.broadcast %mul3A_574 : i32 to vector<16xi32>
      %mul3A_576 = arith.muli %get3A_573, %mul3A_575 : vector<16xi32>
      %get3A_577 = arith.index_cast %add3A_571 : i32 to index
      %get3A_578 = tpu.vector_load %arg8[%get3A_577] {strides = array<i32>} : memref<8192xi32, #tpu.memory_space<vmem>>, vector<16xi32>,
      %add3A_579 = arith.addi %mul3A_576, %get3A_578 : vector<16xi32>
      %ge3A_580 = vector.broadcast %mul3A_311 : i32 to vector<16xi32>
      %ge3A_581 = arith.cmpi sge, %add3A_579, %ge3A_580 : vector<16xi32>
      %add3A_582 = arith.constant 65536 : i32
      %add3A_583 = arith.addi %mul3A_311, %add3A_582 : i32
      %lt3A_584 = vector.broadcast %add3A_583 : i32 to vector<16xi32>
      %lt3A_585 = arith.cmpi slt, %add3A_579, %lt3A_584 : vector<16xi32>
      %and3A_586 = arith.andi %ge3A_581, %lt3A_585 : vector<16xi1>
      %sub3A_587 = vector.broadcast %mul3A_311 : i32 to vector<16xi32>
      %sub3A_588 = arith.subi %add3A_579, %sub3A_587 : vector<16xi32>
      %jit3A_589 = arith.constant 0 : i32
      %broadcast_in_dim3A_590 = vector.broadcast %jit3A_589 : i32 to vector<16xi32>
      %select_n3A_591 = arith.select %and3A_586, %sub3A_588, %broadcast_in_dim3A_590 : vector<16xi1>, vector<16xi32>
      tpu.vector_store_idx %arg12[%select_n3A_591], %broadcast_in_dim3A_5 masked %and3A_586 {add = true} : memref<65536xf32, #tpu.memory_space<vmem>>[vector<16xi32>], vector<16xf32>, vector<16xi1>
    }
    %scan3A_391 = arith.constant 64 : i32
    %dma_wait3A_392 = arith.constant 24576 : i32
    %dma_wait3A_393 = tpu.memref_slice %arg13[%dma_wait3A_392] : memref<32768xi32, #tpu.memory_space<vmem_shared>> -> memref<8192xi32, #tpu.memory_space<vmem_shared>>
    %dma_wait3A_394 = arith.constant 24576 : i32
    %dma_wait3A_395 = tpu.memref_slice %arg13[%dma_wait3A_394] : memref<32768xi32, #tpu.memory_space<vmem_shared>> -> memref<8192xi32, #tpu.memory_space<vmem_shared>>
    tpu.wait_dma2 semaphore(%arg17 : memref<!tpu.dma_semaphore, #tpu.memory_space<semaphore_mem>>) src(%dma_wait3A_395 : memref<8192xi32, #tpu.memory_space<vmem_shared>>) dst(%arg10 : memref<8192xi32, #tpu.memory_space<vmem>>)
    %dma_wait3A_396 = arith.constant 24576 : i32
    %dma_wait3A_397 = tpu.memref_slice %arg14[%dma_wait3A_396] : memref<32768xi32, #tpu.memory_space<vmem_shared>> -> memref<8192xi32, #tpu.memory_space<vmem_shared>>
    %dma_wait3A_398 = arith.constant 24576 : i32
    %dma_wait3A_399 = tpu.memref_slice %arg14[%dma_wait3A_398] : memref<32768xi32, #tpu.memory_space<vmem_shared>> -> memref<8192xi32, #tpu.memory_space<vmem_shared>>
    tpu.wait_dma2 semaphore(%arg18 : memref<!tpu.dma_semaphore, #tpu.memory_space<semaphore_mem>>) src(%dma_wait3A_399 : memref<8192xi32, #tpu.memory_space<vmem_shared>>) dst(%arg11 : memref<8192xi32, #tpu.memory_space<vmem>>)
    %scan3A_400 = arith.constant 0 : i32
    %scan3A_401 = arith.constant 0 : i32
    %scan3A_402 = arith.constant 64 : i32
    %scan3A_403 = arith.addi %scan3A_401, %scan3A_402 : i32
    %scan3A_404 = arith.constant 1 : i32
    scf.for %scan3A_406 = %scan3A_401 to %scan3A_403 step %scan3A_404  : i32 {
      %mul3A_407 = arith.constant 128 : i32
      %mul3A_408 = arith.muli %scan3A_406, %mul3A_407 : i32
      %add3A_409 = arith.constant 0 : i32
      %add3A_410 = arith.addi %mul3A_408, %add3A_409 : i32
      %get3A = arith.index_cast %add3A_410 : i32 to index
      %get3A_411 = tpu.vector_load %arg11[%get3A] {strides = array<i32>} : memref<8192xi32, #tpu.memory_space<vmem>>, vector<16xi32>,
      %mul3A_412 = arith.constant 2048 : i32
      %mul3A_413 = vector.broadcast %mul3A_412 : i32 to vector<16xi32>
      %mul3A_414 = arith.muli %get3A_411, %mul3A_413 : vector<16xi32>
      %get3A_415 = arith.index_cast %add3A_410 : i32 to index
      %get3A_416 = tpu.vector_load %arg10[%get3A_415] {strides = array<i32>} : memref<8192xi32, #tpu.memory_space<vmem>>, vector<16xi32>,
      %add3A_417 = arith.addi %mul3A_414, %get3A_416 : vector<16xi32>
      %ge3A = vector.broadcast %mul3A_311 : i32 to vector<16xi32>
      %ge3A_418 = arith.cmpi sge, %add3A_417, %ge3A : vector<16xi32>
      %add3A_419 = arith.constant 65536 : i32
      %add3A_420 = arith.addi %mul3A_311, %add3A_419 : i32
      %lt3A = vector.broadcast %add3A_420 : i32 to vector<16xi32>
      %lt3A_421 = arith.cmpi slt, %add3A_417, %lt3A : vector<16xi32>
      %and3A = arith.andi %ge3A_418, %lt3A_421 : vector<16xi1>
      %sub3A = vector.broadcast %mul3A_311 : i32 to vector<16xi32>
      %sub3A_422 = arith.subi %add3A_417, %sub3A : vector<16xi32>
      %jit3A = arith.constant 0 : i32
      %broadcast_in_dim3A_423 = vector.broadcast %jit3A : i32 to vector<16xi32>
      %select_n3A = arith.select %and3A, %sub3A_422, %broadcast_in_dim3A_423 : vector<16xi1>, vector<16xi32>
      tpu.vector_store_idx %arg12[%select_n3A], %broadcast_in_dim3A_5 masked %and3A {add = true} : memref<65536xf32, #tpu.memory_space<vmem>>[vector<16xi32>], vector<16xf32>, vector<16xi1>
      %mul3A_424 = arith.constant 128 : i32
      %mul3A_425 = arith.muli %scan3A_406, %mul3A_424 : i32
      %add3A_426 = arith.constant 16 : i32
      %add3A_427 = arith.addi %mul3A_425, %add3A_426 : i32
      %get3A_428 = arith.index_cast %add3A_427 : i32 to index
      %get3A_429 = tpu.vector_load %arg11[%get3A_428] {strides = array<i32>} : memref<8192xi32, #tpu.memory_space<vmem>>, vector<16xi32>,
      %mul3A_430 = arith.constant 2048 : i32
      %mul3A_431 = vector.broadcast %mul3A_430 : i32 to vector<16xi32>
      %mul3A_432 = arith.muli %get3A_429, %mul3A_431 : vector<16xi32>
      %get3A_433 = arith.index_cast %add3A_427 : i32 to index
      %get3A_434 = tpu.vector_load %arg10[%get3A_433] {strides = array<i32>} : memref<8192xi32, #tpu.memory_space<vmem>>, vector<16xi32>,
      %add3A_435 = arith.addi %mul3A_432, %get3A_434 : vector<16xi32>
      %ge3A_436 = vector.broadcast %mul3A_311 : i32 to vector<16xi32>
      %ge3A_437 = arith.cmpi sge, %add3A_435, %ge3A_436 : vector<16xi32>
      %add3A_438 = arith.constant 65536 : i32
      %add3A_439 = arith.addi %mul3A_311, %add3A_438 : i32
      %lt3A_440 = vector.broadcast %add3A_439 : i32 to vector<16xi32>
      %lt3A_441 = arith.cmpi slt, %add3A_435, %lt3A_440 : vector<16xi32>
      %and3A_442 = arith.andi %ge3A_437, %lt3A_441 : vector<16xi1>
      %sub3A_443 = vector.broadcast %mul3A_311 : i32 to vector<16xi32>
      %sub3A_444 = arith.subi %add3A_435, %sub3A_443 : vector<16xi32>
      %jit3A_445 = arith.constant 0 : i32
      %broadcast_in_dim3A_446 = vector.broadcast %jit3A_445 : i32 to vector<16xi32>
      %select_n3A_447 = arith.select %and3A_442, %sub3A_444, %broadcast_in_dim3A_446 : vector<16xi1>, vector<16xi32>
      tpu.vector_store_idx %arg12[%select_n3A_447], %broadcast_in_dim3A_5 masked %and3A_442 {add = true} : memref<65536xf32, #tpu.memory_space<vmem>>[vector<16xi32>], vector<16xf32>, vector<16xi1>
      %mul3A_448 = arith.constant 128 : i32
      %mul3A_449 = arith.muli %scan3A_406, %mul3A_448 : i32
      %add3A_450 = arith.constant 32 : i32
      %add3A_451 = arith.addi %mul3A_449, %add3A_450 : i32
      %get3A_452 = arith.index_cast %add3A_451 : i32 to index
      %get3A_453 = tpu.vector_load %arg11[%get3A_452] {strides = array<i32>} : memref<8192xi32, #tpu.memory_space<vmem>>, vector<16xi32>,
      %mul3A_454 = arith.constant 2048 : i32
      %mul3A_455 = vector.broadcast %mul3A_454 : i32 to vector<16xi32>
      %mul3A_456 = arith.muli %get3A_453, %mul3A_455 : vector<16xi32>
      %get3A_457 = arith.index_cast %add3A_451 : i32 to index
      %get3A_458 = tpu.vector_load %arg10[%get3A_457] {strides = array<i32>} : memref<8192xi32, #tpu.memory_space<vmem>>, vector<16xi32>,
      %add3A_459 = arith.addi %mul3A_456, %get3A_458 : vector<16xi32>
      %ge3A_460 = vector.broadcast %mul3A_311 : i32 to vector<16xi32>
      %ge3A_461 = arith.cmpi sge, %add3A_459, %ge3A_460 : vector<16xi32>
      %add3A_462 = arith.constant 65536 : i32
      %add3A_463 = arith.addi %mul3A_311, %add3A_462 : i32
      %lt3A_464 = vector.broadcast %add3A_463 : i32 to vector<16xi32>
      %lt3A_465 = arith.cmpi slt, %add3A_459, %lt3A_464 : vector<16xi32>
      %and3A_466 = arith.andi %ge3A_461, %lt3A_465 : vector<16xi1>
      %sub3A_467 = vector.broadcast %mul3A_311 : i32 to vector<16xi32>
      %sub3A_468 = arith.subi %add3A_459, %sub3A_467 : vector<16xi32>
      %jit3A_469 = arith.constant 0 : i32
      %broadcast_in_dim3A_470 = vector.broadcast %jit3A_469 : i32 to vector<16xi32>
      %select_n3A_471 = arith.select %and3A_466, %sub3A_468, %broadcast_in_dim3A_470 : vector<16xi1>, vector<16xi32>
      tpu.vector_store_idx %arg12[%select_n3A_471], %broadcast_in_dim3A_5 masked %and3A_466 {add = true} : memref<65536xf32, #tpu.memory_space<vmem>>[vector<16xi32>], vector<16xf32>, vector<16xi1>
      %mul3A_472 = arith.constant 128 : i32
      %mul3A_473 = arith.muli %scan3A_406, %mul3A_472 : i32
      %add3A_474 = arith.constant 48 : i32
      %add3A_475 = arith.addi %mul3A_473, %add3A_474 : i32
      %get3A_476 = arith.index_cast %add3A_475 : i32 to index
      %get3A_477 = tpu.vector_load %arg11[%get3A_476] {strides = array<i32>} : memref<8192xi32, #tpu.memory_space<vmem>>, vector<16xi32>,
      %mul3A_478 = arith.constant 2048 : i32
      %mul3A_479 = vector.broadcast %mul3A_478 : i32 to vector<16xi32>
      %mul3A_480 = arith.muli %get3A_477, %mul3A_479 : vector<16xi32>
      %get3A_481 = arith.index_cast %add3A_475 : i32 to index
      %get3A_482 = tpu.vector_load %arg10[%get3A_481] {strides = array<i32>} : memref<8192xi32, #tpu.memory_space<vmem>>, vector<16xi32>,
      %add3A_483 = arith.addi %mul3A_480, %get3A_482 : vector<16xi32>
      %ge3A_484 = vector.broadcast %mul3A_311 : i32 to vector<16xi32>
      %ge3A_485 = arith.cmpi sge, %add3A_483, %ge3A_484 : vector<16xi32>
      %add3A_486 = arith.constant 65536 : i32
      %add3A_487 = arith.addi %mul3A_311, %add3A_486 : i32
      %lt3A_488 = vector.broadcast %add3A_487 : i32 to vector<16xi32>
      %lt3A_489 = arith.cmpi slt, %add3A_483, %lt3A_488 : vector<16xi32>
      %and3A_490 = arith.andi %ge3A_485, %lt3A_489 : vector<16xi1>
      %sub3A_491 = vector.broadcast %mul3A_311 : i32 to vector<16xi32>
      %sub3A_492 = arith.subi %add3A_483, %sub3A_491 : vector<16xi32>
      %jit3A_493 = arith.constant 0 : i32
      %broadcast_in_dim3A_494 = vector.broadcast %jit3A_493 : i32 to vector<16xi32>
      %select_n3A_495 = arith.select %and3A_490, %sub3A_492, %broadcast_in_dim3A_494 : vector<16xi1>, vector<16xi32>
      tpu.vector_store_idx %arg12[%select_n3A_495], %broadcast_in_dim3A_5 masked %and3A_490 {add = true} : memref<65536xf32, #tpu.memory_space<vmem>>[vector<16xi32>], vector<16xf32>, vector<16xi1>
      %mul3A_496 = arith.constant 128 : i32
      %mul3A_497 = arith.muli %scan3A_406, %mul3A_496 : i32
      %add3A_498 = arith.constant 64 : i32
      %add3A_499 = arith.addi %mul3A_497, %add3A_498 : i32
      %get3A_500 = arith.index_cast %add3A_499 : i32 to index
      %get3A_501 = tpu.vector_load %arg11[%get3A_500] {strides = array<i32>} : memref<8192xi32, #tpu.memory_space<vmem>>, vector<16xi32>,
      %mul3A_502 = arith.constant 2048 : i32
      %mul3A_503 = vector.broadcast %mul3A_502 : i32 to vector<16xi32>
      %mul3A_504 = arith.muli %get3A_501, %mul3A_503 : vector<16xi32>
      %get3A_505 = arith.index_cast %add3A_499 : i32 to index
      %get3A_506 = tpu.vector_load %arg10[%get3A_505] {strides = array<i32>} : memref<8192xi32, #tpu.memory_space<vmem>>, vector<16xi32>,
      %add3A_507 = arith.addi %mul3A_504, %get3A_506 : vector<16xi32>
      %ge3A_508 = vector.broadcast %mul3A_311 : i32 to vector<16xi32>
      %ge3A_509 = arith.cmpi sge, %add3A_507, %ge3A_508 : vector<16xi32>
      %add3A_510 = arith.constant 65536 : i32
      %add3A_511 = arith.addi %mul3A_311, %add3A_510 : i32
      %lt3A_512 = vector.broadcast %add3A_511 : i32 to vector<16xi32>
      %lt3A_513 = arith.cmpi slt, %add3A_507, %lt3A_512 : vector<16xi32>
      %and3A_514 = arith.andi %ge3A_509, %lt3A_513 : vector<16xi1>
      %sub3A_515 = vector.broadcast %mul3A_311 : i32 to vector<16xi32>
      %sub3A_516 = arith.subi %add3A_507, %sub3A_515 : vector<16xi32>
      %jit3A_517 = arith.constant 0 : i32
      %broadcast_in_dim3A_518 = vector.broadcast %jit3A_517 : i32 to vector<16xi32>
      %select_n3A_519 = arith.select %and3A_514, %sub3A_516, %broadcast_in_dim3A_518 : vector<16xi1>, vector<16xi32>
      tpu.vector_store_idx %arg12[%select_n3A_519], %broadcast_in_dim3A_5 masked %and3A_514 {add = true} : memref<65536xf32, #tpu.memory_space<vmem>>[vector<16xi32>], vector<16xf32>, vector<16xi1>
      %mul3A_520 = arith.constant 128 : i32
      %mul3A_521 = arith.muli %scan3A_406, %mul3A_520 : i32
      %add3A_522 = arith.constant 80 : i32
      %add3A_523 = arith.addi %mul3A_521, %add3A_522 : i32
      %get3A_524 = arith.index_cast %add3A_523 : i32 to index
      %get3A_525 = tpu.vector_load %arg11[%get3A_524] {strides = array<i32>} : memref<8192xi32, #tpu.memory_space<vmem>>, vector<16xi32>,
      %mul3A_526 = arith.constant 2048 : i32
      %mul3A_527 = vector.broadcast %mul3A_526 : i32 to vector<16xi32>
      %mul3A_528 = arith.muli %get3A_525, %mul3A_527 : vector<16xi32>
      %get3A_529 = arith.index_cast %add3A_523 : i32 to index
      %get3A_530 = tpu.vector_load %arg10[%get3A_529] {strides = array<i32>} : memref<8192xi32, #tpu.memory_space<vmem>>, vector<16xi32>,
      %add3A_531 = arith.addi %mul3A_528, %get3A_530 : vector<16xi32>
      %ge3A_532 = vector.broadcast %mul3A_311 : i32 to vector<16xi32>
      %ge3A_533 = arith.cmpi sge, %add3A_531, %ge3A_532 : vector<16xi32>
      %add3A_534 = arith.constant 65536 : i32
      %add3A_535 = arith.addi %mul3A_311, %add3A_534 : i32
      %lt3A_536 = vector.broadcast %add3A_535 : i32 to vector<16xi32>
      %lt3A_537 = arith.cmpi slt, %add3A_531, %lt3A_536 : vector<16xi32>
      %and3A_538 = arith.andi %ge3A_533, %lt3A_537 : vector<16xi1>
      %sub3A_539 = vector.broadcast %mul3A_311 : i32 to vector<16xi32>
      %sub3A_540 = arith.subi %add3A_531, %sub3A_539 : vector<16xi32>
      %jit3A_541 = arith.constant 0 : i32
      %broadcast_in_dim3A_542 = vector.broadcast %jit3A_541 : i32 to vector<16xi32>
      %select_n3A_543 = arith.select %and3A_538, %sub3A_540, %broadcast_in_dim3A_542 : vector<16xi1>, vector<16xi32>
      tpu.vector_store_idx %arg12[%select_n3A_543], %broadcast_in_dim3A_5 masked %and3A_538 {add = true} : memref<65536xf32, #tpu.memory_space<vmem>>[vector<16xi32>], vector<16xf32>, vector<16xi1>
      %mul3A_544 = arith.constant 128 : i32
      %mul3A_545 = arith.muli %scan3A_406, %mul3A_544 : i32
      %add3A_546 = arith.constant 96 : i32
      %add3A_547 = arith.addi %mul3A_545, %add3A_546 : i32
      %get3A_548 = arith.index_cast %add3A_547 : i32 to index
      %get3A_549 = tpu.vector_load %arg11[%get3A_548] {strides = array<i32>} : memref<8192xi32, #tpu.memory_space<vmem>>, vector<16xi32>,
      %mul3A_550 = arith.constant 2048 : i32
      %mul3A_551 = vector.broadcast %mul3A_550 : i32 to vector<16xi32>
      %mul3A_552 = arith.muli %get3A_549, %mul3A_551 : vector<16xi32>
      %get3A_553 = arith.index_cast %add3A_547 : i32 to index
      %get3A_554 = tpu.vector_load %arg10[%get3A_553] {strides = array<i32>} : memref<8192xi32, #tpu.memory_space<vmem>>, vector<16xi32>,
      %add3A_555 = arith.addi %mul3A_552, %get3A_554 : vector<16xi32>
      %ge3A_556 = vector.broadcast %mul3A_311 : i32 to vector<16xi32>
      %ge3A_557 = arith.cmpi sge, %add3A_555, %ge3A_556 : vector<16xi32>
      %add3A_558 = arith.constant 65536 : i32
      %add3A_559 = arith.addi %mul3A_311, %add3A_558 : i32
      %lt3A_560 = vector.broadcast %add3A_559 : i32 to vector<16xi32>
      %lt3A_561 = arith.cmpi slt, %add3A_555, %lt3A_560 : vector<16xi32>
      %and3A_562 = arith.andi %ge3A_557, %lt3A_561 : vector<16xi1>
      %sub3A_563 = vector.broadcast %mul3A_311 : i32 to vector<16xi32>
      %sub3A_564 = arith.subi %add3A_555, %sub3A_563 : vector<16xi32>
      %jit3A_565 = arith.constant 0 : i32
      %broadcast_in_dim3A_566 = vector.broadcast %jit3A_565 : i32 to vector<16xi32>
      %select_n3A_567 = arith.select %and3A_562, %sub3A_564, %broadcast_in_dim3A_566 : vector<16xi1>, vector<16xi32>
      tpu.vector_store_idx %arg12[%select_n3A_567], %broadcast_in_dim3A_5 masked %and3A_562 {add = true} : memref<65536xf32, #tpu.memory_space<vmem>>[vector<16xi32>], vector<16xf32>, vector<16xi1>
      %mul3A_568 = arith.constant 128 : i32
      %mul3A_569 = arith.muli %scan3A_406, %mul3A_568 : i32
      %add3A_570 = arith.constant 112 : i32
      %add3A_571 = arith.addi %mul3A_569, %add3A_570 : i32
      %get3A_572 = arith.index_cast %add3A_571 : i32 to index
      %get3A_573 = tpu.vector_load %arg11[%get3A_572] {strides = array<i32>} : memref<8192xi32, #tpu.memory_space<vmem>>, vector<16xi32>,
      %mul3A_574 = arith.constant 2048 : i32
      %mul3A_575 = vector.broadcast %mul3A_574 : i32 to vector<16xi32>
      %mul3A_576 = arith.muli %get3A_573, %mul3A_575 : vector<16xi32>
      %get3A_577 = arith.index_cast %add3A_571 : i32 to index
      %get3A_578 = tpu.vector_load %arg10[%get3A_577] {strides = array<i32>} : memref<8192xi32, #tpu.memory_space<vmem>>, vector<16xi32>,
      %add3A_579 = arith.addi %mul3A_576, %get3A_578 : vector<16xi32>
      %ge3A_580 = vector.broadcast %mul3A_311 : i32 to vector<16xi32>
      %ge3A_581 = arith.cmpi sge, %add3A_579, %ge3A_580 : vector<16xi32>
      %add3A_582 = arith.constant 65536 : i32
      %add3A_583 = arith.addi %mul3A_311, %add3A_582 : i32
      %lt3A_584 = vector.broadcast %add3A_583 : i32 to vector<16xi32>
      %lt3A_585 = arith.cmpi slt, %add3A_579, %lt3A_584 : vector<16xi32>
      %and3A_586 = arith.andi %ge3A_581, %lt3A_585 : vector<16xi1>
      %sub3A_587 = vector.broadcast %mul3A_311 : i32 to vector<16xi32>
      %sub3A_588 = arith.subi %add3A_579, %sub3A_587 : vector<16xi32>
      %jit3A_589 = arith.constant 0 : i32
      %broadcast_in_dim3A_590 = vector.broadcast %jit3A_589 : i32 to vector<16xi32>
      %select_n3A_591 = arith.select %and3A_586, %sub3A_588, %broadcast_in_dim3A_590 : vector<16xi1>, vector<16xi32>
      tpu.vector_store_idx %arg12[%select_n3A_591], %broadcast_in_dim3A_5 masked %and3A_586 {add = true} : memref<65536xf32, #tpu.memory_space<vmem>>[vector<16xi32>], vector<16xf32>, vector<16xi1>
    }
    %scan3A_405 = arith.constant 64 : i32
    "tpu.region"() ({
      %run_scoped3A = tpu.sem_alloc : memref<!tpu.dma_semaphore, #tpu.memory_space<semaphore_mem>>
      %dma_start3A_406 = tpu.memref_slice %arg7[%mul3A_311] : memref<4194304xf32, #tpu.memory_space<hbm>> -> memref<65536xf32, #tpu.memory_space<hbm>>
      %dma_start3A_407 = tpu.memref_slice %arg7[%mul3A_311] : memref<4194304xf32, #tpu.memory_space<hbm>> -> memref<65536xf32, #tpu.memory_space<hbm>>
      tpu.enqueue_dma source(%arg12 : memref<65536xf32, #tpu.memory_space<vmem>>) target(%dma_start3A_407 : memref<65536xf32, #tpu.memory_space<hbm>>) target_semaphore(%run_scoped3A : memref<!tpu.dma_semaphore, #tpu.memory_space<semaphore_mem>>)
      %dma_wait3A_408 = tpu.memref_slice %arg7[%mul3A_311] : memref<4194304xf32, #tpu.memory_space<hbm>> -> memref<65536xf32, #tpu.memory_space<hbm>>
      %dma_wait3A_409 = tpu.memref_slice %arg7[%mul3A_311] : memref<4194304xf32, #tpu.memory_space<hbm>> -> memref<65536xf32, #tpu.memory_space<hbm>>
      tpu.wait_dma2 semaphore(%run_scoped3A : memref<!tpu.dma_semaphore, #tpu.memory_space<semaphore_mem>>) src(%arg12 : memref<65536xf32, #tpu.memory_space<vmem>>) dst(%dma_wait3A_409 : memref<65536xf32, #tpu.memory_space<hbm>>)
      tpu.yield
    }) : () -> ()
    return
  }
}

module attributes {stable_mosaic.version = 14 : i64} {
  func.func @body(%arg0: i32, %arg1: i32, %arg2: memref<1024x1024xbf16, #tpu.memory_space<vmem>>, %arg3: memref<1024x1024xbf16, #tpu.memory_space<vmem>>, %arg4: memref<1024x1024xbf16, #tpu.memory_space<vmem>>) attributes {dimension_semantics = [#tpu.dimension_semantics<parallel>, #tpu.dimension_semantics<parallel>], iteration_bounds = array<i64: 4, 3>, scalar_prefetch = 0 : i64, scratch_operands = 0 : i64, tpu.core_type = #tpu.core_type<tc>, window_params = [{transform_indices = @transform_0, window_bounds = array<i64: 1024, 1024>}, {transform_indices = @transform_1, window_bounds = array<i64: 1024, 1024>}, {transform_indices = @transform_2, window_bounds = array<i64: 1024, 1024>}]} {
    %get3A = arith.constant 0 : index
    %get3A_0 = arith.constant 0 : index
    %get3A_1 = vector.load %arg2[%get3A, %get3A_0] : memref<1024x1024xbf16, #tpu.memory_space<vmem>>, vector<1024x1024xbf16>
    %get3A_2 = arith.constant 0 : index
    %get3A_3 = arith.constant 0 : index
    %get3A_4 = vector.load %arg3[%get3A_2, %get3A_3] : memref<1024x1024xbf16, #tpu.memory_space<vmem>>, vector<1024x1024xbf16>
    %dot_general3A = arith.constant dense<0.000000e+00> : vector<1024x1024xf32>
    %dot_general3A_5 = tpu.matmul %get3A_1, %get3A_4, %dot_general3A {dimension_numbers = #tpu.dot_dimension_numbers<[1], [0], [0], [1], [0, 0, 1, 1], [], []>, transpose_lhs_hint = false} : vector<1024x1024xbf16>, vector<1024x1024xbf16>, vector<1024x1024xf32> -> vector<1024x1024xf32>
    %convert_element_type3A = arith.truncf %dot_general3A_5 : vector<1024x1024xf32> to vector<1024x1024xbf16>
    %swap3A = arith.constant 0 : index
    %swap3A_6 = arith.constant 0 : index
    %swap3A_7 = vector.load %arg4[%swap3A, %swap3A_6] : memref<1024x1024xbf16, #tpu.memory_space<vmem>>, vector<1024x1024xbf16>
    tpu.vector_store %arg4[%swap3A, %swap3A_6], %convert_element_type3A {strides = array<i32>} : memref<1024x1024xbf16, #tpu.memory_space<vmem>>, vector<1024x1024xbf16>,
    return
  }
  func.func @transform_0(%arg0: i32, %arg1: i32) -> (i32, i32) {
    %c0_i32 = arith.constant 0 : i32
    %c0_i32_0 = arith.constant 0 : i32
    return %arg0, %c0_i32 : i32, i32
  }
  func.func @transform_1(%arg0: i32, %arg1: i32) -> (i32, i32) {
    %c0_i32 = arith.constant 0 : i32
    %c0_i32_0 = arith.constant 0 : i32
    return %c0_i32, %arg1 : i32, i32
  }
  func.func @transform_2(%arg0: i32, %arg1: i32) -> (i32, i32) {
    %c0_i32 = arith.constant 0 : i32
    return %arg0, %arg1 : i32, i32
  }
}

module attributes {stable_mosaic.version = 14 : i64} {
  func.func @body(%arg0: i32, %arg1: i32, %arg2: memref<1024x1024xbf16, #tpu.memory_space<vmem>>, %arg3: memref<1024x1024xbf16, #tpu.memory_space<vmem>>, %arg4: memref<1024x1024xbf16, #tpu.memory_space<vmem>>, %arg5: memref<1024x1024xbf16, #tpu.memory_space<vmem>>, %arg6: memref<1024x1024xbf16, #tpu.memory_space<vmem>>) attributes {dimension_semantics = [#tpu.dimension_semantics<parallel>, #tpu.dimension_semantics<parallel>], iteration_bounds = array<i64: 2, 2>, scalar_prefetch = 0 : i64, scratch_operands = 0 : i64, tpu.core_type = #tpu.core_type<tc>, window_params = [{transform_indices = @transform_0, window_bounds = array<i64: 1024, 1024>}, {transform_indices = @transform_1, window_bounds = array<i64: 1024, 1024>}, {transform_indices = @transform_2, window_bounds = array<i64: 1024, 1024>}, {transform_indices = @transform_3, window_bounds = array<i64: 1024, 1024>}, {transform_indices = @transform_4, window_bounds = array<i64: 1024, 1024>}]} {
    %get3A = arith.constant 0 : index
    %get3A_0 = arith.constant 0 : index
    %get3A_1 = vector.load %arg2[%get3A, %get3A_0] : memref<1024x1024xbf16, #tpu.memory_space<vmem>>, vector<1024x1024xbf16>
    %get3A_2 = arith.constant 0 : index
    %get3A_3 = arith.constant 0 : index
    %get3A_4 = vector.load %arg3[%get3A_2, %get3A_3] : memref<1024x1024xbf16, #tpu.memory_space<vmem>>, vector<1024x1024xbf16>
    %dot_general3A = arith.constant dense<0.000000e+00> : vector<1024x1024xf32>
    %dot_general3A_5 = tpu.matmul %get3A_1, %get3A_4, %dot_general3A {dimension_numbers = #tpu.dot_dimension_numbers<[1], [1], [0], [0], [0, 0, 1, 0], [], []>, transpose_lhs_hint = false} : vector<1024x1024xbf16>, vector<1024x1024xbf16>, vector<1024x1024xf32> -> vector<1024x1024xf32>
    %mul3A = arith.constant 3.125000e-02 : f32
    %mul3A_6 = vector.broadcast %mul3A : f32 to vector<1024x1024xf32>
    %mul3A_7 = arith.mulf %dot_general3A_5, %mul3A_6 : vector<1024x1024xf32>
    %logistic3A = arith.negf %mul3A_7 : vector<1024x1024xf32>
    %logistic3A_8 = math.exp %logistic3A : vector<1024x1024xf32>
    %logistic3A_9 = arith.constant 1.000000e+00 : f32
    %logistic3A_10 = vector.broadcast %logistic3A_9 : f32 to vector<1024x1024xf32>
    %logistic3A_11 = arith.addf %logistic3A_10, %logistic3A_8 : vector<1024x1024xf32>
    %logistic3A_12 = arith.divf %logistic3A_10, %logistic3A_11 : vector<1024x1024xf32>
    %get3A_13 = arith.constant 0 : index
    %get3A_14 = arith.constant 0 : index
    %get3A_15 = vector.load %arg4[%get3A_13, %get3A_14] : memref<1024x1024xbf16, #tpu.memory_space<vmem>>, vector<1024x1024xbf16>
    %get3A_16 = arith.constant 0 : index
    %get3A_17 = arith.constant 0 : index
    %get3A_18 = vector.load %arg5[%get3A_16, %get3A_17] : memref<1024x1024xbf16, #tpu.memory_space<vmem>>, vector<1024x1024xbf16>
    %mul3A_19 = arith.mulf %get3A_15, %get3A_18 : vector<1024x1024xbf16>
    %convert_element_type3A = arith.extf %mul3A_19 : vector<1024x1024xbf16> to vector<1024x1024xf32>
    %mul3A_20 = arith.mulf %convert_element_type3A, %logistic3A_12 : vector<1024x1024xf32>
    %convert_element_type3A_21 = arith.truncf %mul3A_20 : vector<1024x1024xf32> to vector<1024x1024xbf16>
    %swap3A = arith.constant 0 : index
    %swap3A_22 = arith.constant 0 : index
    %swap3A_23 = vector.load %arg6[%swap3A, %swap3A_22] : memref<1024x1024xbf16, #tpu.memory_space<vmem>>, vector<1024x1024xbf16>
    tpu.vector_store %arg6[%swap3A, %swap3A_22], %convert_element_type3A_21 {strides = array<i32>} : memref<1024x1024xbf16, #tpu.memory_space<vmem>>, vector<1024x1024xbf16>,
    return
  }
  func.func @transform_0(%arg0: i32, %arg1: i32) -> (i32, i32) {
    %c0_i32 = arith.constant 0 : i32
    %c0_i32_0 = arith.constant 0 : i32
    return %arg0, %c0_i32 : i32, i32
  }
  func.func @transform_1(%arg0: i32, %arg1: i32) -> (i32, i32) {
    %c0_i32 = arith.constant 0 : i32
    %c0_i32_0 = arith.constant 0 : i32
    return %arg1, %c0_i32 : i32, i32
  }
  func.func @transform_2(%arg0: i32, %arg1: i32) -> (i32, i32) {
    %c0_i32 = arith.constant 0 : i32
    return %arg0, %arg1 : i32, i32
  }
  func.func @transform_3(%arg0: i32, %arg1: i32) -> (i32, i32) {
    %c0_i32 = arith.constant 0 : i32
    return %arg0, %arg1 : i32, i32
  }
  func.func @transform_4(%arg0: i32, %arg1: i32) -> (i32, i32) {
    %c0_i32 = arith.constant 0 : i32
    return %arg0, %arg1 : i32, i32
  }
}

module attributes {stable_mosaic.version = 14 : i64} {
  func.func @body(%arg0: i32, %arg1: i32, %arg2: memref<1024x2048xbf16, #tpu.memory_space<vmem>>, %arg3: memref<2048x1024xbf16, #tpu.memory_space<vmem>>, %arg4: memref<1x1024xf32, #tpu.memory_space<vmem>>, %arg5: memref<1024x1024xbf16, #tpu.memory_space<vmem>>) attributes {dimension_semantics = [#tpu.dimension_semantics<parallel>, #tpu.dimension_semantics<parallel>], iteration_bounds = array<i64: 2, 1>, scalar_prefetch = 0 : i64, scratch_operands = 0 : i64, tpu.core_type = #tpu.core_type<tc>, window_params = [{transform_indices = @transform_0, window_bounds = array<i64: 1024, 2048>}, {transform_indices = @transform_1, window_bounds = array<i64: 2048, 1024>}, {transform_indices = @transform_2, window_bounds = array<i64: 1, 1024>}, {transform_indices = @transform_3, window_bounds = array<i64: 1024, 1024>}]} {
    %get3A = arith.constant 0 : index
    %get3A_0 = arith.constant 0 : index
    %get3A_1 = vector.load %arg2[%get3A, %get3A_0] : memref<1024x2048xbf16, #tpu.memory_space<vmem>>, vector<1024x2048xbf16>
    %get3A_2 = arith.constant 0 : index
    %get3A_3 = arith.constant 0 : index
    %get3A_4 = vector.load %arg3[%get3A_2, %get3A_3] : memref<2048x1024xbf16, #tpu.memory_space<vmem>>, vector<2048x1024xbf16>
    %dot_general3A = arith.constant dense<0.000000e+00> : vector<1024x1024xf32>
    %dot_general3A_5 = tpu.matmul %get3A_1, %get3A_4, %dot_general3A {dimension_numbers = #tpu.dot_dimension_numbers<[1], [0], [0], [1], [0, 0, 1, 1], [], []>, transpose_lhs_hint = false} : vector<1024x2048xbf16>, vector<2048x1024xbf16>, vector<1024x1024xf32> -> vector<1024x1024xf32>
    %get3A_6 = arith.constant 0 : index
    %get3A_7 = arith.constant 0 : index
    %get3A_8 = vector.load %arg4[%get3A_6, %get3A_7] : memref<1x1024xf32, #tpu.memory_space<vmem>>, vector<1x1024xf32>
    %add3A = vector.broadcast %get3A_8 : vector<1x1024xf32> to vector<1024x1024xf32>
    %add3A_9 = arith.addf %dot_general3A_5, %add3A : vector<1024x1024xf32>
    %max3A = arith.constant 0.000000e+00 : f32
    %max3A_10 = vector.broadcast %max3A : f32 to vector<1024x1024xf32>
    %max3A_11 = arith.maximumf %add3A_9, %max3A_10 : vector<1024x1024xf32>
    %convert_element_type3A = arith.truncf %max3A_11 : vector<1024x1024xf32> to vector<1024x1024xbf16>
    %swap3A = arith.constant 0 : index
    %swap3A_12 = arith.constant 0 : index
    %swap3A_13 = vector.load %arg5[%swap3A, %swap3A_12] : memref<1024x1024xbf16, #tpu.memory_space<vmem>>, vector<1024x1024xbf16>
    tpu.vector_store %arg5[%swap3A, %swap3A_12], %convert_element_type3A {strides = array<i32>} : memref<1024x1024xbf16, #tpu.memory_space<vmem>>, vector<1024x1024xbf16>,
    return
  }
  func.func @transform_0(%arg0: i32, %arg1: i32) -> (i32, i32) {
    %c0_i32 = arith.constant 0 : i32
    %c0_i32_0 = arith.constant 0 : i32
    return %arg0, %c0_i32 : i32, i32
  }
  func.func @transform_1(%arg0: i32, %arg1: i32) -> (i32, i32) {
    %c0_i32 = arith.constant 0 : i32
    %c0_i32_0 = arith.constant 0 : i32
    return %c0_i32, %arg1 : i32, i32
  }
  func.func @transform_2(%arg0: i32, %arg1: i32) -> (i32, i32) {
    %c0_i32 = arith.constant 0 : i32
    %c0_i32_0 = arith.constant 0 : i32
    return %c0_i32, %arg1 : i32, i32
  }
  func.func @transform_3(%arg0: i32, %arg1: i32) -> (i32, i32) {
    %c0_i32 = arith.constant 0 : i32
    return %arg0, %arg1 : i32, i32
  }
}

module attributes {stable_mosaic.version = 14 : i64} {
  func.func @body(%arg0: i32, %arg1: i32, %arg2: memref<1024x1024xbf16, #tpu.memory_space<vmem>>, %arg3: memref<1024x1024xbf16, #tpu.memory_space<vmem>>, %arg4: memref<1024x1024xbf16, #tpu.memory_space<vmem>>) attributes {dimension_semantics = [#tpu.dimension_semantics<parallel>, #tpu.dimension_semantics<parallel>], iteration_bounds = array<i64: 2, 1>, scalar_prefetch = 0 : i64, scratch_operands = 0 : i64, tpu.core_type = #tpu.core_type<tc>, window_params = [{transform_indices = @transform_0, window_bounds = array<i64: 1024, 1024>}, {transform_indices = @transform_1, window_bounds = array<i64: 1024, 1024>}, {transform_indices = @transform_2, window_bounds = array<i64: 1024, 1024>}]} {
    %get3A = arith.constant 0 : index
    %get3A_0 = arith.constant 0 : index
    %get3A_1 = vector.load %arg2[%get3A, %get3A_0] : memref<1024x1024xbf16, #tpu.memory_space<vmem>>, vector<1024x1024xbf16>
    %get3A_2 = arith.constant 0 : index
    %get3A_3 = arith.constant 0 : index
    %get3A_4 = vector.load %arg3[%get3A_2, %get3A_3] : memref<1024x1024xbf16, #tpu.memory_space<vmem>>, vector<1024x1024xbf16>
    %dot_general3A = arith.constant dense<0.000000e+00> : vector<1024x1024xf32>
    %dot_general3A_5 = tpu.matmul %get3A_1, %get3A_4, %dot_general3A {dimension_numbers = #tpu.dot_dimension_numbers<[1], [0], [0], [1], [0, 0, 1, 1], [], []>, transpose_lhs_hint = false} : vector<1024x1024xbf16>, vector<1024x1024xbf16>, vector<1024x1024xf32> -> vector<1024x1024xf32>
    %convert_element_type3A = arith.truncf %dot_general3A_5 : vector<1024x1024xf32> to vector<1024x1024xbf16>
    %swap3A = arith.constant 0 : index
    %swap3A_6 = arith.constant 0 : index
    %swap3A_7 = vector.load %arg4[%swap3A, %swap3A_6] : memref<1024x1024xbf16, #tpu.memory_space<vmem>>, vector<1024x1024xbf16>
    tpu.vector_store %arg4[%swap3A, %swap3A_6], %convert_element_type3A {strides = array<i32>} : memref<1024x1024xbf16, #tpu.memory_space<vmem>>, vector<1024x1024xbf16>,
    return
  }
  func.func @transform_0(%arg0: i32, %arg1: i32) -> (i32, i32) {
    %c0_i32 = arith.constant 0 : i32
    %c0_i32_0 = arith.constant 0 : i32
    return %arg0, %c0_i32 : i32, i32
  }
  func.func @transform_1(%arg0: i32, %arg1: i32) -> (i32, i32) {
    %c0_i32 = arith.constant 0 : i32
    %c0_i32_0 = arith.constant 0 : i32
    return %c0_i32, %arg1 : i32, i32
  }
  func.func @transform_2(%arg0: i32, %arg1: i32) -> (i32, i32) {
    %c0_i32 = arith.constant 0 : i32
    return %arg0, %arg1 : i32, i32
  }
}

module attributes {stable_mosaic.version = 14 : i64} {
  func.func @body(%arg0: i32, %arg1: i32, %arg2: memref<1024x1024xbf16, #tpu.memory_space<vmem>>, %arg3: memref<1024x1024xbf16, #tpu.memory_space<vmem>>, %arg4: memref<1024x1024xbf16, #tpu.memory_space<vmem>>) attributes {dimension_semantics = [#tpu.dimension_semantics<parallel>, #tpu.dimension_semantics<parallel>], iteration_bounds = array<i64: 2, 2>, scalar_prefetch = 0 : i64, scratch_operands = 0 : i64, tpu.core_type = #tpu.core_type<tc>, window_params = [{transform_indices = @transform_0, window_bounds = array<i64: 1024, 1024>}, {transform_indices = @transform_1, window_bounds = array<i64: 1024, 1024>}, {transform_indices = @transform_2, window_bounds = array<i64: 1024, 1024>}]} {
    %get3A = arith.constant 0 : index
    %get3A_0 = arith.constant 0 : index
    %get3A_1 = vector.load %arg2[%get3A, %get3A_0] : memref<1024x1024xbf16, #tpu.memory_space<vmem>>, vector<1024x1024xbf16>
    %get3A_2 = arith.constant 0 : index
    %get3A_3 = arith.constant 0 : index
    %get3A_4 = vector.load %arg3[%get3A_2, %get3A_3] : memref<1024x1024xbf16, #tpu.memory_space<vmem>>, vector<1024x1024xbf16>
    %dot_general3A = arith.constant dense<0.000000e+00> : vector<1024x1024xf32>
    %dot_general3A_5 = tpu.matmul %get3A_1, %get3A_4, %dot_general3A {dimension_numbers = #tpu.dot_dimension_numbers<[1], [1], [0], [0], [0, 0, 1, 0], [], []>, transpose_lhs_hint = false} : vector<1024x1024xbf16>, vector<1024x1024xbf16>, vector<1024x1024xf32> -> vector<1024x1024xf32>
    %mul3A = arith.constant 3.125000e-02 : f32
    %mul3A_6 = vector.broadcast %mul3A : f32 to vector<1024x1024xf32>
    %mul3A_7 = arith.mulf %dot_general3A_5, %mul3A_6 : vector<1024x1024xf32>
    %convert_element_type3A = arith.truncf %mul3A_7 : vector<1024x1024xf32> to vector<1024x1024xbf16>
    %swap3A = arith.constant 0 : index
    %swap3A_8 = arith.constant 0 : index
    %swap3A_9 = vector.load %arg4[%swap3A, %swap3A_8] : memref<1024x1024xbf16, #tpu.memory_space<vmem>>, vector<1024x1024xbf16>
    tpu.vector_store %arg4[%swap3A, %swap3A_8], %convert_element_type3A {strides = array<i32>} : memref<1024x1024xbf16, #tpu.memory_space<vmem>>, vector<1024x1024xbf16>,
    return
  }
  func.func @transform_0(%arg0: i32, %arg1: i32) -> (i32, i32) {
    %c0_i32 = arith.constant 0 : i32
    %c0_i32_0 = arith.constant 0 : i32
    return %arg0, %c0_i32 : i32, i32
  }
  func.func @transform_1(%arg0: i32, %arg1: i32) -> (i32, i32) {
    %c0_i32 = arith.constant 0 : i32
    %c0_i32_0 = arith.constant 0 : i32
    return %arg1, %c0_i32 : i32, i32
  }
  func.func @transform_2(%arg0: i32, %arg1: i32) -> (i32, i32) {
    %c0_i32 = arith.constant 0 : i32
    return %arg0, %arg1 : i32, i32
  }
}

module attributes {stable_mosaic.version = 14 : i64} {
  func.func @body(%arg0: i32, %arg1: memref<512x2048xbf16, #tpu.memory_space<vmem>>, %arg2: memref<2048x1024xbf16, #tpu.memory_space<vmem>>, %arg3: memref<512x1024xbf16, #tpu.memory_space<vmem>>, %arg4: memref<512x1024xbf16, #tpu.memory_space<vmem>>) attributes {dimension_semantics = [#tpu.dimension_semantics<arbitrary>], iteration_bounds = array<i64: 4>, scalar_prefetch = 0 : i64, scratch_operands = 0 : i64, tpu.core_type = #tpu.core_type<tc>, window_params = [{transform_indices = @transform_0, window_bounds = array<i64: 512, 2048>}, {pipeline_mode = #tpu.pipeline_mode<synchronous>, transform_indices = @transform_1, window_bounds = array<i64: 2048, 1024>}, {transform_indices = @transform_2, window_bounds = array<i64: 512, 1024>}, {transform_indices = @transform_3, window_bounds = array<i64: 512, 1024>}]} {
    %get3A = arith.constant 0 : index
    %get3A_0 = arith.constant 0 : index
    %get3A_1 = vector.load %arg1[%get3A, %get3A_0] : memref<512x2048xbf16, #tpu.memory_space<vmem>>, vector<512x2048xbf16>
    %convert_element_type3A = arith.extf %get3A_1 : vector<512x2048xbf16> to vector<512x2048xf32>
    %reduce_max3A = arith.constant dense<0xFF800000> : vector<512xf32>
    %reduce_max3A_2 = vector.multi_reduction <maximumf>, %convert_element_type3A, %reduce_max3A [1] : vector<512x2048xf32> to vector<512xf32>
    %broadcast_in_dim3A = vector.shape_cast %reduce_max3A_2 : vector<512xf32> to vector<512x1xf32>
    %sub3A = vector.broadcast %broadcast_in_dim3A : vector<512x1xf32> to vector<512x2048xf32>
    %sub3A_3 = arith.subf %convert_element_type3A, %sub3A : vector<512x2048xf32>
    %exp3A = math.exp %sub3A_3 : vector<512x2048xf32>
    %reduce_sum3A = arith.constant dense<0.000000e+00> : vector<512xf32>
    %reduce_sum3A_4 = vector.multi_reduction <add>, %exp3A, %reduce_sum3A [1] : vector<512x2048xf32> to vector<512xf32>
    %broadcast_in_dim3A_5 = vector.shape_cast %reduce_sum3A_4 : vector<512xf32> to vector<512x1xf32>
    %div3A = vector.broadcast %broadcast_in_dim3A_5 : vector<512x1xf32> to vector<512x2048xf32>
    %div3A_6 = arith.divf %exp3A, %div3A : vector<512x2048xf32>
    %convert_element_type3A_7 = arith.truncf %div3A_6 : vector<512x2048xf32> to vector<512x2048xbf16>
    %get3A_8 = arith.constant 0 : index
    %get3A_9 = arith.constant 0 : index
    %get3A_10 = vector.load %arg3[%get3A_8, %get3A_9] : memref<512x1024xbf16, #tpu.memory_space<vmem>>, vector<512x1024xbf16>
    %convert_element_type3A_11 = arith.extf %get3A_10 : vector<512x1024xbf16> to vector<512x1024xf32>
    %get3A_12 = arith.constant 0 : index
    %get3A_13 = arith.constant 0 : index
    %get3A_14 = vector.load %arg2[%get3A_12, %get3A_13] : memref<2048x1024xbf16, #tpu.memory_space<vmem>>, vector<2048x1024xbf16>
    %dot_general3A = arith.constant dense<0.000000e+00> : vector<512x1024xf32>
    %dot_general3A_15 = tpu.matmul %convert_element_type3A_7, %get3A_14, %dot_general3A {dimension_numbers = #tpu.dot_dimension_numbers<[1], [0], [0], [1], [0, 0, 1, 1], [], []>, transpose_lhs_hint = false} : vector<512x2048xbf16>, vector<2048x1024xbf16>, vector<512x1024xf32> -> vector<512x1024xf32>
    %add3A = arith.addf %convert_element_type3A_11, %dot_general3A_15 : vector<512x1024xf32>
    %convert_element_type3A_16 = arith.truncf %add3A : vector<512x1024xf32> to vector<512x1024xbf16>
    %swap3A = arith.constant 0 : index
    %swap3A_17 = arith.constant 0 : index
    %swap3A_18 = vector.load %arg4[%swap3A, %swap3A_17] : memref<512x1024xbf16, #tpu.memory_space<vmem>>, vector<512x1024xbf16>
    tpu.vector_store %arg4[%swap3A, %swap3A_17], %convert_element_type3A_16 {strides = array<i32>} : memref<512x1024xbf16, #tpu.memory_space<vmem>>, vector<512x1024xbf16>,
    return
  }
  func.func @transform_0(%arg0: i32) -> (i32, i32) {
    %c0_i32 = arith.constant 0 : i32
    %c0_i32_0 = arith.constant 0 : i32
    return %arg0, %c0_i32 : i32, i32
  }
  func.func @transform_1(%arg0: i32) -> (i32, i32) {
    %c0_i32 = arith.constant 0 : i32
    %c0_i32_0 = arith.constant 0 : i32
    %c0_i32_1 = arith.constant 0 : i32
    return %c0_i32, %c0_i32_0 : i32, i32
  }
  func.func @transform_2(%arg0: i32) -> (i32, i32) {
    %c0_i32 = arith.constant 0 : i32
    %c0_i32_0 = arith.constant 0 : i32
    return %arg0, %c0_i32 : i32, i32
  }
  func.func @transform_3(%arg0: i32) -> (i32, i32) {
    %c0_i32 = arith.constant 0 : i32
    %c0_i32_0 = arith.constant 0 : i32
    return %arg0, %c0_i32 : i32, i32
  }
}

module attributes {stable_mosaic.version = 14 : i64} {
  func.func @body(%arg0: i32, %arg1: memref<2048x512xbf16, #tpu.memory_space<vmem>>, %arg2: memref<2048x1024xbf16, #tpu.memory_space<vmem>>, %arg3: memref<512x1024xbf16, #tpu.memory_space<vmem>>, %arg4: memref<512x1024xbf16, #tpu.memory_space<vmem>>) attributes {dimension_semantics = [#tpu.dimension_semantics<arbitrary>], iteration_bounds = array<i64: 4>, scalar_prefetch = 0 : i64, scratch_operands = 0 : i64, tpu.core_type = #tpu.core_type<tc>, window_params = [{transform_indices = @transform_0, window_bounds = array<i64: 2048, 512>}, {pipeline_mode = #tpu.pipeline_mode<synchronous>, transform_indices = @transform_1, window_bounds = array<i64: 2048, 1024>}, {transform_indices = @transform_2, window_bounds = array<i64: 512, 1024>}, {transform_indices = @transform_3, window_bounds = array<i64: 512, 1024>}]} {
    %get3A = arith.constant 0 : index
    %get3A_0 = arith.constant 0 : index
    %get3A_1 = vector.load %arg1[%get3A, %get3A_0] : memref<2048x512xbf16, #tpu.memory_space<vmem>>, vector<2048x512xbf16>
    %convert_element_type3A = arith.extf %get3A_1 : vector<2048x512xbf16> to vector<2048x512xf32>
    %reduce_max3A = arith.constant dense<0xFF800000> : vector<512xf32>
    %reduce_max3A_2 = vector.multi_reduction <maximumf>, %convert_element_type3A, %reduce_max3A [0] : vector<2048x512xf32> to vector<512xf32>
    %broadcast_in_dim3A = vector.shape_cast %reduce_max3A_2 : vector<512xf32> to vector<1x512xf32>
    %sub3A = vector.broadcast %broadcast_in_dim3A : vector<1x512xf32> to vector<2048x512xf32>
    %sub3A_3 = arith.subf %convert_element_type3A, %sub3A : vector<2048x512xf32>
    %exp3A = math.exp %sub3A_3 : vector<2048x512xf32>
    %reduce_sum3A = arith.constant dense<0.000000e+00> : vector<512xf32>
    %reduce_sum3A_4 = vector.multi_reduction <add>, %exp3A, %reduce_sum3A [0] : vector<2048x512xf32> to vector<512xf32>
    %broadcast_in_dim3A_5 = vector.shape_cast %reduce_sum3A_4 : vector<512xf32> to vector<1x512xf32>
    %div3A = vector.broadcast %broadcast_in_dim3A_5 : vector<1x512xf32> to vector<2048x512xf32>
    %div3A_6 = arith.divf %exp3A, %div3A : vector<2048x512xf32>
    %convert_element_type3A_7 = arith.truncf %div3A_6 : vector<2048x512xf32> to vector<2048x512xbf16>
    %get3A_8 = arith.constant 0 : index
    %get3A_9 = arith.constant 0 : index
    %get3A_10 = vector.load %arg3[%get3A_8, %get3A_9] : memref<512x1024xbf16, #tpu.memory_space<vmem>>, vector<512x1024xbf16>
    %convert_element_type3A_11 = arith.extf %get3A_10 : vector<512x1024xbf16> to vector<512x1024xf32>
    %get3A_12 = arith.constant 0 : index
    %get3A_13 = arith.constant 0 : index
    %get3A_14 = vector.load %arg2[%get3A_12, %get3A_13] : memref<2048x1024xbf16, #tpu.memory_space<vmem>>, vector<2048x1024xbf16>
    %dot_general3A = arith.constant dense<0.000000e+00> : vector<512x1024xf32>
    %dot_general3A_15 = tpu.matmul %convert_element_type3A_7, %get3A_14, %dot_general3A {dimension_numbers = #tpu.dot_dimension_numbers<[0], [0], [1], [1], [0, 1, 1, 1], [], []>, transpose_lhs_hint = false} : vector<2048x512xbf16>, vector<2048x1024xbf16>, vector<512x1024xf32> -> vector<512x1024xf32>
    %add3A = arith.addf %convert_element_type3A_11, %dot_general3A_15 : vector<512x1024xf32>
    %convert_element_type3A_16 = arith.truncf %add3A : vector<512x1024xf32> to vector<512x1024xbf16>
    %swap3A = arith.constant 0 : index
    %swap3A_17 = arith.constant 0 : index
    %swap3A_18 = vector.load %arg4[%swap3A, %swap3A_17] : memref<512x1024xbf16, #tpu.memory_space<vmem>>, vector<512x1024xbf16>
    tpu.vector_store %arg4[%swap3A, %swap3A_17], %convert_element_type3A_16 {strides = array<i32>} : memref<512x1024xbf16, #tpu.memory_space<vmem>>, vector<512x1024xbf16>,
    return
  }
  func.func @transform_0(%arg0: i32) -> (i32, i32) {
    %c0_i32 = arith.constant 0 : i32
    %c0_i32_0 = arith.constant 0 : i32
    return %c0_i32, %arg0 : i32, i32
  }
  func.func @transform_1(%arg0: i32) -> (i32, i32) {
    %c0_i32 = arith.constant 0 : i32
    %c0_i32_0 = arith.constant 0 : i32
    %c0_i32_1 = arith.constant 0 : i32
    return %c0_i32, %c0_i32_0 : i32, i32
  }
  func.func @transform_2(%arg0: i32) -> (i32, i32) {
    %c0_i32 = arith.constant 0 : i32
    %c0_i32_0 = arith.constant 0 : i32
    return %arg0, %c0_i32 : i32, i32
  }
  func.func @transform_3(%arg0: i32) -> (i32, i32) {
    %c0_i32 = arith.constant 0 : i32
    %c0_i32_0 = arith.constant 0 : i32
    return %arg0, %c0_i32 : i32, i32
  }
}

module attributes {stable_mosaic.version = 14 : i64} {
  func.func @body(%arg0: i32, %arg1: i32, %arg2: memref<1024x1024xbf16, #tpu.memory_space<vmem>>, %arg3: memref<1024x1024xbf16, #tpu.memory_space<vmem>>, %arg4: memref<1024x1024xbf16, #tpu.memory_space<vmem>>, %arg5: memref<1024x1024xf32, #tpu.memory_space<vmem>>, %arg6: memref<1024x1024xbf16, #tpu.memory_space<vmem>>) attributes {dimension_semantics = [#tpu.dimension_semantics<parallel>, #tpu.dimension_semantics<parallel>], iteration_bounds = array<i64: 2, 2>, scalar_prefetch = 0 : i64, scratch_operands = 0 : i64, tpu.core_type = #tpu.core_type<tc>, window_params = [{transform_indices = @transform_0, window_bounds = array<i64: 1024, 1024>}, {transform_indices = @transform_1, window_bounds = array<i64: 1024, 1024>}, {transform_indices = @transform_2, window_bounds = array<i64: 1024, 1024>}, {transform_indices = @transform_3, window_bounds = array<i64: 1024, 1024>}, {transform_indices = @transform_4, window_bounds = array<i64: 1024, 1024>}]} {
    %get3A = arith.constant 0 : index
    %get3A_0 = arith.constant 0 : index
    %get3A_1 = vector.load %arg2[%get3A, %get3A_0] : memref<1024x1024xbf16, #tpu.memory_space<vmem>>, vector<1024x1024xbf16>
    %get3A_2 = arith.constant 0 : index
    %get3A_3 = arith.constant 0 : index
    %get3A_4 = vector.load %arg3[%get3A_2, %get3A_3] : memref<1024x1024xbf16, #tpu.memory_space<vmem>>, vector<1024x1024xbf16>
    %dot_general3A = arith.constant dense<0.000000e+00> : vector<1024x1024xf32>
    %dot_general3A_5 = tpu.matmul %get3A_1, %get3A_4, %dot_general3A {dimension_numbers = #tpu.dot_dimension_numbers<[1], [1], [0], [0], [0, 0, 1, 0], [], []>, transpose_lhs_hint = false} : vector<1024x1024xbf16>, vector<1024x1024xbf16>, vector<1024x1024xf32> -> vector<1024x1024xf32>
    %mul3A = arith.constant 3.125000e-02 : f32
    %mul3A_6 = vector.broadcast %mul3A : f32 to vector<1024x1024xf32>
    %mul3A_7 = arith.mulf %dot_general3A_5, %mul3A_6 : vector<1024x1024xf32>
    %logistic3A = arith.negf %mul3A_7 : vector<1024x1024xf32>
    %logistic3A_8 = math.exp %logistic3A : vector<1024x1024xf32>
    %logistic3A_9 = arith.constant 1.000000e+00 : f32
    %logistic3A_10 = vector.broadcast %logistic3A_9 : f32 to vector<1024x1024xf32>
    %logistic3A_11 = arith.addf %logistic3A_10, %logistic3A_8 : vector<1024x1024xf32>
    %logistic3A_12 = arith.divf %logistic3A_10, %logistic3A_11 : vector<1024x1024xf32>
    %swap3A = arith.constant 0 : index
    %swap3A_13 = arith.constant 0 : index
    %swap3A_14 = vector.load %arg5[%swap3A, %swap3A_13] : memref<1024x1024xf32, #tpu.memory_space<vmem>>, vector<1024x1024xf32>
    tpu.vector_store %arg5[%swap3A, %swap3A_13], %logistic3A_12 {strides = array<i32>} : memref<1024x1024xf32, #tpu.memory_space<vmem>>, vector<1024x1024xf32>,
    %get3A_15 = arith.constant 0 : index
    %get3A_16 = arith.constant 0 : index
    %get3A_17 = vector.load %arg4[%get3A_15, %get3A_16] : memref<1024x1024xbf16, #tpu.memory_space<vmem>>, vector<1024x1024xbf16>
    %convert_element_type3A = arith.extf %get3A_17 : vector<1024x1024xbf16> to vector<1024x1024xf32>
    %mul3A_18 = arith.mulf %convert_element_type3A, %logistic3A_12 : vector<1024x1024xf32>
    %convert_element_type3A_19 = arith.truncf %mul3A_18 : vector<1024x1024xf32> to vector<1024x1024xbf16>
    %swap3A_20 = arith.constant 0 : index
    %swap3A_21 = arith.constant 0 : index
    %swap3A_22 = vector.load %arg6[%swap3A_20, %swap3A_21] : memref<1024x1024xbf16, #tpu.memory_space<vmem>>, vector<1024x1024xbf16>
    tpu.vector_store %arg6[%swap3A_20, %swap3A_21], %convert_element_type3A_19 {strides = array<i32>} : memref<1024x1024xbf16, #tpu.memory_space<vmem>>, vector<1024x1024xbf16>,
    return
  }
  func.func @transform_0(%arg0: i32, %arg1: i32) -> (i32, i32) {
    %c0_i32 = arith.constant 0 : i32
    %c0_i32_0 = arith.constant 0 : i32
    return %arg0, %c0_i32 : i32, i32
  }
  func.func @transform_1(%arg0: i32, %arg1: i32) -> (i32, i32) {
    %c0_i32 = arith.constant 0 : i32
    %c0_i32_0 = arith.constant 0 : i32
    return %arg1, %c0_i32 : i32, i32
  }
  func.func @transform_2(%arg0: i32, %arg1: i32) -> (i32, i32) {
    %c0_i32 = arith.constant 0 : i32
    return %arg0, %arg1 : i32, i32
  }
  func.func @transform_3(%arg0: i32, %arg1: i32) -> (i32, i32) {
    %c0_i32 = arith.constant 0 : i32
    return %arg0, %arg1 : i32, i32
  }
  func.func @transform_4(%arg0: i32, %arg1: i32) -> (i32, i32) {
    %c0_i32 = arith.constant 0 : i32
    return %arg0, %arg1 : i32, i32
  }
}

module attributes {stable_mosaic.version = 14 : i64} {
  func.func @body(%arg0: i32, %arg1: i32, %arg2: memref<1024x2048xbf16, #tpu.memory_space<vmem>>, %arg3: memref<2048x1024xbf16, #tpu.memory_space<vmem>>, %arg4: memref<1x1024xf32, #tpu.memory_space<vmem>>, %arg5: memref<1024x1024xf32, #tpu.memory_space<vmem>>) attributes {dimension_semantics = [#tpu.dimension_semantics<parallel>, #tpu.dimension_semantics<parallel>], iteration_bounds = array<i64: 2, 1>, scalar_prefetch = 0 : i64, scratch_operands = 0 : i64, tpu.core_type = #tpu.core_type<tc>, window_params = [{transform_indices = @transform_0, window_bounds = array<i64: 1024, 2048>}, {transform_indices = @transform_1, window_bounds = array<i64: 2048, 1024>}, {transform_indices = @transform_2, window_bounds = array<i64: 1, 1024>}, {transform_indices = @transform_3, window_bounds = array<i64: 1024, 1024>}]} {
    %get3A = arith.constant 0 : index
    %get3A_0 = arith.constant 0 : index
    %get3A_1 = vector.load %arg2[%get3A, %get3A_0] : memref<1024x2048xbf16, #tpu.memory_space<vmem>>, vector<1024x2048xbf16>
    %get3A_2 = arith.constant 0 : index
    %get3A_3 = arith.constant 0 : index
    %get3A_4 = vector.load %arg3[%get3A_2, %get3A_3] : memref<2048x1024xbf16, #tpu.memory_space<vmem>>, vector<2048x1024xbf16>
    %dot_general3A = arith.constant dense<0.000000e+00> : vector<1024x1024xf32>
    %dot_general3A_5 = tpu.matmul %get3A_1, %get3A_4, %dot_general3A {dimension_numbers = #tpu.dot_dimension_numbers<[1], [0], [0], [1], [0, 0, 1, 1], [], []>, transpose_lhs_hint = false} : vector<1024x2048xbf16>, vector<2048x1024xbf16>, vector<1024x1024xf32> -> vector<1024x1024xf32>
    %get3A_6 = arith.constant 0 : index
    %get3A_7 = arith.constant 0 : index
    %get3A_8 = vector.load %arg4[%get3A_6, %get3A_7] : memref<1x1024xf32, #tpu.memory_space<vmem>>, vector<1x1024xf32>
    %add3A = vector.broadcast %get3A_8 : vector<1x1024xf32> to vector<1024x1024xf32>
    %add3A_9 = arith.addf %dot_general3A_5, %add3A : vector<1024x1024xf32>
    %swap3A = arith.constant 0 : index
    %swap3A_10 = arith.constant 0 : index
    %swap3A_11 = vector.load %arg5[%swap3A, %swap3A_10] : memref<1024x1024xf32, #tpu.memory_space<vmem>>, vector<1024x1024xf32>
    tpu.vector_store %arg5[%swap3A, %swap3A_10], %add3A_9 {strides = array<i32>} : memref<1024x1024xf32, #tpu.memory_space<vmem>>, vector<1024x1024xf32>,
    return
  }
  func.func @transform_0(%arg0: i32, %arg1: i32) -> (i32, i32) {
    %c0_i32 = arith.constant 0 : i32
    %c0_i32_0 = arith.constant 0 : i32
    return %arg0, %c0_i32 : i32, i32
  }
  func.func @transform_1(%arg0: i32, %arg1: i32) -> (i32, i32) {
    %c0_i32 = arith.constant 0 : i32
    %c0_i32_0 = arith.constant 0 : i32
    return %c0_i32, %arg1 : i32, i32
  }
  func.func @transform_2(%arg0: i32, %arg1: i32) -> (i32, i32) {
    %c0_i32 = arith.constant 0 : i32
    %c0_i32_0 = arith.constant 0 : i32
    return %c0_i32, %arg1 : i32, i32
  }
  func.func @transform_3(%arg0: i32, %arg1: i32) -> (i32, i32) {
    %c0_i32 = arith.constant 0 : i32
    return %arg0, %arg1 : i32, i32
  }
}

</mosaic_0001>

<sc_bundles>
// kernel: kernel.18.cloned.1.call-start
scs
__scs_entry_jumppad:
0x0: {  	(pc) =	sbr.rel $0x88, $3  }
0x1: {  	(tag) =	ssettag $0x0;
	lr =	simm.s32 $0x1  }
0x2: {  	[smem:$0x3F95] =	sst lr;
	_ =	strace $0xD0000000  }
0x3: {  	_ = 	snop  }
0x4: {  	_ = 	snop  }
0x5: {  	_ = 	snop  }
0x6: {  	_ = 	snop  }
0x7: {  	_ = 	snop  }
__scs_overlays_trampoline_lowered:
0x8: {  	[smem:$0x3FA4] =	sst s0  }
0x9: {  	[smem:$0x3FA5] =	sst s1  }
0xa: {  	[smem:$0x3FA6] =	sst s2  }
0xb: {  	[smem:$0x3FA7] =	sst s3  }
0xc: {  	[smem:$0x3FA8] =	sst s4  }
0xd: {  	[smem:$0x3FA9] =	sst s5  }
0xe: {  	[smem:$0x3FAA] =	sst s6  }
0xf: {  	[smem:$0x3FAB] =	sst s7  }
0x10: {  	[smem:$0x3FAC] =	sst s8  }
0x11: {  	[smem:$0x3FAD] =	sst s9;
	s0 =	simm.s32 @!p0 $0x0  }
0x12: {  	s1 =	sld [smem:$0x3F93];
	s0 =	simm.s32 @p0 $0x1  }
0x13: {  	[smem:$0x3FAE] =	sst s0;
	s0 =	simm.s32 @!p1 $0x0  }
0x14: {  	s2 =	sld [smem:$0x3F92];
	s0 =	simm.s32 @p1 $0x1  }
0x15: {  	[smem:$0x3FAF] =	sst s0;
	s0 =	simm.s32 @!p2 $0x0  }
0x16: {  	s3 =	sld [smem:$0x3FDB];
	s0 =	simm.s32 @p2 $0x1  }
0x17: {  	s4 =	simm.s32 $0x1BF5;
	[smem:$0x3FB1] =	sst s0  }
0x18: {  	s0 =	sld [smem:$0x3F94];
	_ =	swait.ge [sflag:s4], $0x0  }
0x19: {  	s7 =	sld [smem:$0x3F95]  }
0x1a: {  	s8 =	sadd.s32 $0xFFFFE003, lr  }
0x1b: {  	s9 =	sadd.s32 $0xFFFFFEF7, lr;
	s5 =	simm.s32 $0xFFFFFFFF;
	p2 =	slt.u32 s8, $0xFFFFF086  }
0x1c: {  	p1 =	slt.u32 s9, $0xF7A;
	s5 =	simm.s32 @!p2 $0x0  }
0x1d: {  	s5 =	simm.s32 @p1 $0x1;
	p0 =	seq.s32 s7, s2  }
0x1e: {  	s7 =	smul.u32 @!p0 $0xF7A, s2;
	p2 =	seq.s32 @!p0 s5, $0x0  }
0x1f: {  	s9 =	smul.u32 $0xF7A, s1;
	s8 =	simm.s32 @!p0 $0x1BF5;
	p2 =	por !p2, p0  }
0x20: {  	[sflag:s8] =	ssyncset.s32 @!p0 $0xFFFFF086;
	s6 =	sadd.s32 @!p0 s3, s7;
	s7 =	simm.s32 @!p0 $0x108  }
0x21: {  	s3 =	sadd.s32 s3, s9;
	s6 =	sadd.s32 @!p0 $0x88, s6;
	s7 =	simm.s32 @p2 $0x1082  }
0x22: {  	[simem:s7], [sflag:s8] =	dma.local @!p0 [hbm:s6], $0xF7A  }
0x23: {  	s9 =	sor.u32 $0xD0000000, s2;
	s6 =	simm.s32 $0x108;
	_ =	swait.ge @!p0 [sflag:s8], $0x0  }
0x24: {  	s3 =	sadd.s32 $0x88, s3;
	s6 =	simm.s32 @!p1 $0x1082;
	[sflag:s4] =	ssyncset.s32 $0xFFFFF086  }
0x25: {  	[simem:s6], [sflag:s4] =	dma.local [hbm:s3], $0xF7A  }
0x26: {  	[smem:$0x3F95] =	sst s1;
	(tag) =	ssettag s2;
	_ =	strace s9  }
0x27: {  	s1 =	sld [smem:$0x3FA5]  }
0x28: {  	s2 =	sld [smem:$0x3FA6]  }
0x29: {  	s4 =	sld [smem:$0x3FA8]  }
0x2a: {  	p0 =	seq.s32 s5, $0x0;
	s5 =	sld [smem:$0x3FA9]  }
0x2b: {  	s6 =	sld [smem:$0x3FAA]  }
0x2c: {  	s7 =	sld [smem:$0x3FAB]  }
0x2d: {  	s3 =	simm.s32 $0x108;
	s8 =	sld [smem:$0x3FAC]  }
0x2e: {  	s3 =	simm.s32 @!p0 $0x1082;
	s9 =	sld [smem:$0x3FAD]  }
0x2f: {  	lr =	sadd.s32 s0, s3;
	s0 =	sld [smem:$0x3FA4]  }
0x30: {  	s3 =	sld [smem:$0x3FA7]  }
0x31: {  	[smem:$0x3FB0] =	sst s10  }
0x32: {  	s10 =	sld [smem:$0x3FAE];
	_ =	sdelay $0x3  }
0x33: {  	p0 =	seq.s32 s10, $0x1;
	s10 =	sld [smem:$0x3FB0];
	_ =	sdelay $0x3  }
0x34: {  	[smem:$0x3FB0] =	sst s10  }
0x35: {  	s10 =	sld [smem:$0x3FAF];
	_ =	sdelay $0x3  }
0x36: {  	p1 =	seq.s32 s10, $0x1;
	s10 =	sld [smem:$0x3FB0];
	_ =	sdelay $0x3  }
0x37: {  	[smem:$0x3FB0] =	sst s10  }
0x38: {  	s10 =	sld [smem:$0x3FB1]  }
0x39: {  	_ = 	snop;
	(pc) =	sbr.ind lr, $3  }
0x3a: {  	_ = 	snop  }
0x3b: {  	_ = 	snop  }
0x3c: {  	p2 =	seq.s32 s10, $0x1;
	s10 =	sld [smem:$0x3FB0]  }
0x3d: {  	_ =	shalt  }
0x3e: {  	_ =	shalt  }
0x3f: {  	_ =	shalt  }
0x40: {  	_ =	shalt  }
0x41: {  	_ =	shalt  }
0x42: {  	_ =	shalt  }
0x43: {  	_ =	shalt  }
0x44: {  	_ =	shalt  }
0x45: {  	_ =	shalt  }
0x46: {  	_ =	shalt  }
0x47: {  	_ =	shalt  }
0x48: {  	_ =	shalt  }
0x49: {  	_ =	shalt  }
0x4a: {  	_ =	shalt  }
0x4b: {  	_ =	shalt  }
0x4c: {  	_ =	shalt  }
0x4d: {  	_ =	shalt  }
0x4e: {  	_ =	shalt  }
0x4f: {  	_ =	shalt  }
0x50: {  	_ =	shalt  }
0x51: {  	_ =	shalt  }
0x52: {  	_ =	shalt  }
0x53: {  	_ =	shalt  }
0x54: {  	_ =	shalt  }
0x55: {  	_ =	shalt  }
0x56: {  	_ =	shalt  }
0x57: {  	_ =	shalt  }
0x58: {  	_ =	shalt  }
0x59: {  	_ =	shalt  }
0x5a: {  	_ =	shalt  }
0x5b: {  	_ =	shalt  }
0x5c: {  	_ =	shalt  }
0x5d: {  	_ =	shalt  }
0x5e: {  	_ =	shalt  }
0x5f: {  	_ =	shalt  }
0x60: {  	_ =	shalt  }
0x61: {  	_ =	shalt  }
0x62: {  	_ =	shalt  }
0x63: {  	_ =	shalt  }
0x64: {  	_ =	shalt  }
0x65: {  	_ =	shalt  }
0x66: {  	_ =	shalt  }
0x67: {  	_ =	shalt  }
0x68: {  	_ =	shalt  }
0x69: {  	_ =	shalt  }
0x6a: {  	_ =	shalt  }
0x6b: {  	_ =	shalt  }
0x6c: {  	_ =	shalt  }
0x6d: {  	_ =	shalt  }
0x6e: {  	_ =	shalt  }
0x6f: {  	_ =	shalt  }
0x70: {  	_ =	shalt  }
0x71: {  	_ =	shalt  }
0x72: {  	_ =	shalt  }
0x73: {  	_ =	shalt  }
0x74: {  	_ =	shalt  }
0x75: {  	_ =	shalt  }
0x76: {  	_ =	shalt  }
0x77: {  	_ =	shalt  }
0x78: {  	_ =	shalt  }
0x79: {  	_ =	shalt  }
0x7a: {  	_ =	shalt  }
0x7b: {  	_ =	shalt  }
0x7c: {  	_ =	shalt  }
0x7d: {  	_ =	shalt  }
0x7e: {  	_ =	shalt  }
0x7f: {  	_ =	shalt  }
0x80: {  	_ =	shalt  }
0x81: {  	_ =	shalt  }
0x82: {  	_ =	shalt  }
0x83: {  	_ =	shalt  }
0x84: {  	_ =	shalt  }
0x85: {  	_ =	shalt  }
0x86: {  	_ =	shalt  }
0x87: {  	_ =	shalt  }
.Lfunc_end0:
.L_simem_size_0:
called_computation_lowered:
.L_overlay_start_0:
0x88: {  	s2 =	sld [smem:$0x3FD9]  }
0x89: {  	s3 =	sld [smem:$0x3FFE];
	_ =	sdelay $0x1  }
0x8a: {  	s1 =	srdreg.scid  }
0x8b: {  	s0 =	sand.u32 $0x1, s1  }
0x8c: {  	s14 =	sshll.u32 s0, $0xA;
	s2 =	sadd.s32 s3, s2  }
0x8d: {  	s2 =	sadd.s32 s2, s14  }
0x8e: {  	[smem:$0x3FBC] =	sst s2  }
0x8f: {  	_ = 	snop  }
0x90: {  	s2 =	sld [smem:$0x3FD0];
	_ =	sdelay $0x2  }
0x91: {  	s15 =	simm.s32 $0xA;
	s4 =	simm.s32 $0x10  }
0x92: {  	[smem:s4], [sflag:s15] =	dma.local [hbm:s2], $0x1  }
0x93: {  	_ =	swait.eq [sflag:s15], $0x1  }
0x94: {  	s16 =	sld [smem:$0x11]  }
0x95: {  	s17 =	sld [smem:$0x12]  }
0x96: {  	s5 =	sld [smem:$0x13];
	[sflag:s15] =	ssyncset.done $0x0  }
0x97: {  	s6 =	sld [smem:$0x14];
	[sflag:s15] =	ssyncadd.s32 $0xFFFFFFFF  }
0x98: {  	s18 =	sld [smem:$0x15];
	(tm) =	ssettm $0x1  }
0x99: {  	s7 =	sld [smem:$0x3FFB];
	_ =	sdelay $0x3  }
0x9a: {  	_ =	strace s7  }
0x9b: {  	s7 =	sld [smem:$0x3FFC];
	_ =	sdelay $0x3  }
0x9c: {  	_ =	strace s7  }
0x9d: {  	s7 =	sld [smem:$0x3FFD];
	_ =	sdelay $0x3  }
0x9e: {  	_ =	strace s7  }
0x9f: {  	_ =	strace $0x8FFFFFFF  }
0xa0: {  	s19 =	sld [smem:$0x3FDB];
	_ =	sdelay $0x1  }
0xa1: {  	s8 =	simm.s32 $_scs_section_size  }
0xa2: {  	s9 =	simm.s32 $_size__tile_overlayer_lowered;
	s10 =	simm.s32 $_tile_overlayer_lowered  }
0xa3: {  	s22 =	simm.s32 $0x1BFF;
	s21 =	sshll.u32 s10, $0x1;
	s7 =	sadd.s32 s8, s19  }
0xa4: {  	s11 =	simm.s32 $0x0;
	s20 =	sshll.u32 s9, $0x1;
	s9 =	sadd.s32 s21, s7  }
0xa5: {  	[timem:s11], [sflag:s22] =	dma.local [hbm:s9], s20  }
0xa6: {  	_ =	swait.ge [sflag:s22], s20  }
0xa7: {  	s8 =	ssub.s32 $0x0, s20;
	[sflag:s22] =	ssyncset.done $0x0  }
0xa8: {  	[sflag:s22] =	ssyncadd.s32 s8;
	_ =	sdelay $0x1  }
0xa9: {  	s23 =	simm.s32 $0x1B8B  }
0xaa: {  	_ =	swait.ge [sflag:s23], $0x1  }
0xab: {  	[sflag:s23] =	ssyncset.done $0x0  }
0xac: {  	s25 =	simm.s32 $0x1B8E;
	s24 =	sld [smem:$0x3FFE];
	[sflag:s23] =	ssyncadd.s32 $0xFFFFFFFF  }
0xad: {  	s26 =	simm.s32 $execute0_lowered;
	[smem:$0x3FD2] =	sst s25  }
0xae: {  	s9 =	sshll.u32 s26, $0x1;
	_ =	strace $0x80000046;
	[dreg:$0x1] =	wrdreg $0xFFFFFFFF  }
0xaf: {  	s28 =	simm.s32 $_size_execute0_lowered;
	s7 =	sadd.s32 s7, s9;
	[dreg:$0x0] =	wrdreg $0x0  }
0xb0: {  	s9 =	sshll.u32 s28, $0x1;
	[dreg:$0x2] =	wrdreg s7  }
0xb1: {  	[dreg:$0x3] =	wrdreg s9  }
0xb2: {  	[dreg:$0x4] =	wrdreg $0xC0  }
0xb3: {  	_ =	task [dreg:s11], $0x5FFFF  }
0xb4: {  	[dreg:$0x1] =	wrdreg $0xFFFFFFFF  }
0xb5: {  	[dreg:$0x0] =	wrdreg $0x60  }
0xb6: {  	[dreg:$0x2] =	wrdreg s17  }
0xb7: {  	[dreg:$0x3] =	wrdreg s5  }
0xb8: {  	[dreg:$0x4] =	wrdreg s24  }
0xb9: {  	[dreg:$0x5] =	wrdreg s16  }
0xba: {  	[dreg:$0x6] =	wrdreg s18  }
0xbb: {  	[dreg:$0x7] =	wrdreg s6  }
0xbc: {  	[dreg:$0x8] =	wrdreg $0x180000  }
0xbd: {  	[dreg:$0x9] =	wrdreg $0x188000  }
0xbe: {  	[dreg:$0xa] =	wrdreg $0x9  }
0xbf: {  	_ =	task.clear_ibuf [dreg:s11], $0xBFFFF;
	_ =	strace $0x90000046  }
0xc0: {  	s29 =	simm.s32 $0x9;
	_ =	strace $0x80000048  }
0xc1: {  	_ =	swait.ge [sflag:s29], $0x1  }
0xc2: {  	[sflag:s29] =	ssyncadd.s32 $0xFFFFFFFF  }
0xc3: {  	_ =	strace $0x90000048  }
0xc4: {  	_ =	sfence  }
0xc5: {  	s30 =	sld [smem:$0x0];
	_ =	sdelay $0x2  }
0xc6: {  	s31 =	sshll.u32 s1, $0xD;
	s1 =	sshrl.u32 s1, $0x2  }
0xc7: {  	s3 =	sand.u32 $0x4000, s31;
	s1 =	sadd.s32 s1, s30  }
0xc8: {  	s0 =	sor.u32 s3, s0;
	s1 =	sshll.u32 s1, $0x11  }
0xc9: {  	s0 =	sor.u32 s1, s0  }
0xca: {  	s0 =	sadd.s32 $0x8F2B, s0  }
0xcb: {  	[sflag:s0] =	ssyncadd.remote.s32 $0x1  }
0xcc: {  	_ =	sfence.sel $0xFFFF  }
0xcd: {  	[dreg:$0x0] =	wrdreg $0xFFFFFFFF;
	(pc) =	sbr.abs _section_cstart, $3  }
0xce: {  	[dreg:$0x1] =	wrdreg $0xFFFFFFFF  }
0xcf: {  	_ =	task.clear_ibuf [dreg:s11], $0x2FFFF;
	_ =	strace $0x9FFFFFFF  }
0xd0: {  	(tm) =	ssettm $0x7FFFFFFF  }
0xd1: {  	_ =	shalt  }
tec
execute0_lowered:
.L_overlay_start_1:
0x0: {  	(tag) =	ssettag $0x1  }
0x1: {  	s0 =	rddreg [dreg:$0x0]  }
0x2: {  	s4 =	rddreg [dreg:$0x1]  }
0x3: {  	s5 =	rddreg [dreg:$0x2]  }
0x4: {  	s16 =	rddreg [dreg:$0x3]  }
0x5: {  	s17 =	rddreg [dreg:$0x4]  }
0x6: {  	s20 =	rddreg [dreg:$0x5]  }
0x7: {  	s1 =	rddreg [dreg:$0x6]  }
0x8: {  	s2 =	rddreg [dreg:$0x7];
	s3 =	simm.s32 $0x0;
	s6 =	srdreg.scid  }
0x9: {  	s9 =	stileid.u32;
	s23 =	simm.s32 $0x2000;
	s24 =	simm.s32 $0x1  }
0xa: {  	s25 =	simm.s32 $0x2;
	s28 =	simm.s32 $0x6000;
	s29 =	simm.s32 $0x8000  }
0xb: {  	s31 =	simm.s32 $0x4;
	[smem:$0x7FF] =	sst s3;
	s6 =	sand.u32 $0x1, s6  }
0xc: {  	s18 =	sshll.u32 s9, $0x8;
	s26 =	sshll.u32 s9, $0xB;
	s10 =	sadd.s32 $0x2000, s2  }
0xd: {  	s11 =	sadd.s32 $0x4000, s1;
	s12 =	sadd.s32 $0x4000, s2;
	s14 =	sadd.s32 $0x6000, s2  }
0xe: {  	_ =	strace $0x80000047;
	s7 =	ssub.s32 $0x2, s6;
	s6 =	sshll.u32 s6, $0x4  }
0xf: {  	s5 =	sadd.s32 s18, s5;
	s0 =	sadd.s32 s0, s18;
	s16 =	sadd.s32 s16, s18  }
0x10: {  	s8 =	sshrl.u32 s7, $0x1;
	s13 =	sor.u32 s9, s6;
	[dreg:$0x9] =	wrdreg s0  }
0x11: {  	s6 =	sadd.s32 s4, s18;
	s9 =	sadd.s32 $0x2000, s1;
	s18 =	sadd.s32 $0x6400, s5  }
0x12: {  	s0 =	simm.s32 $0x0;
	s21 =	ssub.s32 s7, s8;
	s7 =	sadd.s32 s26, s1  }
0x13: {  	s8 =	sadd.s32 s26, s2;
	s4 =	sshll.u32 s13, $0x11;
	s19 =	sshll.u32 s13, $0xE  }
0x14: {  	s13 =	sadd.s32 $0x6000, s1;
	s26 =	sor.u32 $0x10000, s4;
	s15 =	sadd.s32 s17, s19  }
0x15: {  	s30 =	sadd.s32 $0x20000, s4;
	s19 =	sadd.s32 s20, s19;
	s21 =	smax.u32 s21, $0x1  }
0x16: {  	s22 =	sshrl.u32 s26, $0x3;
	v1 =	vmov s26;
	s26 =	simm.s32 $0x4000;
	v2 =	vmov s30;
	s30 =	simm.s32 $0x3  }
0x17: {  	v3 =	vimm.f32 $0.0e+00;
	v4 =	vimm.f32 $1.000000000e+00;
	v0 =	vmov s4;
	s17 =	sadd.s32 s17, s22;
	s20 =	sadd.s32 s20, s22;
	s22 =	simm.s32 $0x5  }
.LBB2_1:
0x18: {  	[bflag:$0x0] =	sbarrier.arrive $0xFFFF  }
0x19: {  	s4 =	rddreg [dreg:$0x9]  }
0x1a: {  	[tilespmem:s3], [sflag:$0x5] =	stream.linear.gather [hbm4b:s4+s3], $0x800, $0x38;
	[tilespmem:$0x19000] =	vst v63  }
0x1b: {  	_ =	swait.ge [sflag:s22], $0x800  }
0x1c: {  	[sflag:s22] =	ssyncset.done $0x0  }
0x1d: {  	[sflag:s22] =	ssyncadd.s32 $0xFFFFF800  }
0x1e: {  	[tilespmem:s23], [sflag:$0x5] =	stream.linear.gather [hbm4b:s6+s3], $0x800, $0x38;
	[tilespmem:$0x19000] =	vst v63  }
0x1f: {  	_ =	swait.ge [sflag:s22], $0x800  }
0x20: {  	[sflag:s22] =	ssyncset.done $0x0  }
0x21: {  	[sflag:s22] =	ssyncadd.s32 $0xFFFFF800  }
0x22: {  	[spmem:s7] =	stream.linear.scatter [tilespmem:s3], [sflag:$0x5], $0x800, $0x38;
	[tilespmem:$0x19000] =	vst v63  }
0x23: {  	_ =	swait.ge [sflag:s22], $0x800  }
0x24: {  	[sflag:s22] =	ssyncset.done $0x0  }
0x25: {  	[sflag:s22] =	ssyncadd.s32 $0xFFFFF800  }
0x26: {  	[spmem:s8] =	stream.linear.scatter [tilespmem:s23], [sflag:$0x5], $0x800, $0x38;
	[tilespmem:$0x19000] =	vst v63  }
0x27: {  	_ =	swait.ge [sflag:s22], $0x800  }
0x28: {  	[sflag:s22] =	ssyncset.done $0x0  }
0x29: {  	[sflag:s22] =	ssyncadd.s32 $0xFFFFF800  }
0x2a: {  	s5 =	simm.s32 $0x200;
	s4 =	simm.s32 $0x0;
	[bflag:$0x0] =	sbarrier.arrive $0xFFFF  }
.LBB2_2:
0x2b: {  	p0 =	sne.s32 s5, $0x3FE00;
	[tilespmem:s4+$0x8070] =	vst v3  }
0x2c: {  	[tilespmem:s4+$0x8000] =	vst v3  }
0x2d: {  	[tilespmem:s4+$0x8010] =	vst v3  }
.Ltmp0:
0x2e: {  	[tilespmem:s4+$0x8020] =	vst v3;
	(pc) =	sbr.rel @p0 .LBB2_2-.Ltmp0, $4  }
0x2f: {  	[tilespmem:s4+$0x8030] =	vst v3  }
0x30: {  	[tilespmem:s4+$0x8040] =	vst v3  }
0x31: {  	[tilespmem:s4+$0x8050] =	vst v3  }
0x32: {  	[tilespmem:s4+$0x8060] =	vst v3;
	s4 =	sshra.s32 s5, $0x2;
	s5 =	sadd.s32 $0x200, s5  }
0x33: {  	[tilespmem:s4+$0x8070] =	vst v3  }
0x34: {  	[tilespmem:s4+$0x8000] =	vst v3  }
0x35: {  	[tilespmem:s4+$0x8010] =	vst v3  }
0x36: {  	[tilespmem:s4+$0x8020] =	vst v3  }
0x37: {  	[tilespmem:s4+$0x8030] =	vst v3  }
0x38: {  	[tilespmem:s4+$0x8040] =	vst v3  }
0x39: {  	[tilespmem:s4+$0x8050] =	vst v3  }
0x3a: {  	[tilespmem:s4+$0x8060] =	vst v3;
	s4 =	simm.s32 $0x0  }
0x3b: {  	[tilespmem:s4], [sflag:$0x1] =	stream.linear.gather [spmem:s1], $0x2000, $0x38;
	[tilespmem:$0x19000] =	vst v63  }
0x3c: {  	_ = 	snop  }
0x3d: {  	[tilespmem:s23], [sflag:$0x2] =	stream.linear.gather [spmem:s2], $0x2000, $0x38;
	[tilespmem:$0x19000] =	vst v63  }
0x3e: {  	_ =	swait.ge [sflag:s24], $0x2000  }
0x3f: {  	[sflag:s24] =	ssyncset.done $0x0  }
0x40: {  	[sflag:s24] =	ssyncadd.s32 $0xFFFFE000  }
0x41: {  	_ =	swait.ge [sflag:s25], $0x2000  }
0x42: {  	[sflag:s25] =	ssyncset.done $0x0  }
0x43: {  	[sflag:s25] =	ssyncadd.s32 $0xFFFFE000  }
0x44: {  	[tilespmem:s26], [sflag:$0x3] =	stream.linear.gather [spmem:s9], $0x2000, $0x38;
	[tilespmem:$0x19000] =	vst v63  }
0x45: {  	_ = 	snop  }
0x46: {  	[tilespmem:s28], [sflag:$0x4] =	stream.linear.gather [spmem:s10], $0x2000, $0x38;
	[tilespmem:$0x19000] =	vst v63  }
.LBB2_4:
0x47: {  	s5 =	sshra.s32 s4, $0x2  }
0x48: {  	v5 =	vld [tilespmem:s5+$0x2000]  }
0x49: {  	v6 =	vld [tilespmem:s5+$0x0];
	_ =	sdelay $0x3  }
0x4a: {  	v5 =	vshll.u32 v5, $0xB  }
0x4b: {  	v5 =	vadd.s32 v6, v5  }
0x4c: {  	vm0 =	vge.s32 v5, v0;
	vm1 =	vlt.s32 v5, v1  }
0x4d: {  	v5 =	vsub.s32 v5, v0;
	vm0 =	vmand vm0, vm1  }
0x4e: {  	v5 =	vnsel vm0, $0x0, v5;
	_ =	sdelay $0x4  }
0x4f: {  	[tilespmem:v5+s29+$0x0] =	vst.idx.add.f32.msk vm0, v4  }
0x50: {  	v5 =	vld [tilespmem:s5+$0x2010]  }
0x51: {  	v6 =	vld [tilespmem:s5+$0x10];
	_ =	sdelay $0x3  }
0x52: {  	v5 =	vshll.u32 v5, $0xB  }
0x53: {  	v5 =	vadd.s32 v6, v5  }
0x54: {  	vm14 =	vge.s32 v5, v0;
	vm15 =	vlt.s32 v5, v1  }
0x55: {  	v5 =	vsub.s32 v5, v0;
	vm0 =	vmand vm14, vm15  }
0x56: {  	v5 =	vnsel vm0, $0x0, v5;
	_ =	sdelay $0x4  }
0x57: {  	[tilespmem:v5+s29+$0x0] =	vst.idx.add.f32.msk vm0, v4  }
0x58: {  	v5 =	vld [tilespmem:s5+$0x2020]  }
0x59: {  	v6 =	vld [tilespmem:s5+$0x20];
	_ =	sdelay $0x3  }
0x5a: {  	v5 =	vshll.u32 v5, $0xB  }
0x5b: {  	v5 =	vadd.s32 v6, v5  }
0x5c: {  	vm4 =	vge.s32 v5, v0;
	vm5 =	vlt.s32 v5, v1  }
0x5d: {  	v5 =	vsub.s32 v5, v0;
	vm0 =	vmand vm4, vm5  }
0x5e: {  	v5 =	vnsel vm0, $0x0, v5;
	_ =	sdelay $0x4  }
0x5f: {  	[tilespmem:v5+s29+$0x0] =	vst.idx.add.f32.msk vm0, v4  }
0x60: {  	v5 =	vld [tilespmem:s5+$0x2030]  }
0x61: {  	v6 =	vld [tilespmem:s5+$0x30];
	_ =	sdelay $0x3  }
0x62: {  	v5 =	vshll.u32 v5, $0xB  }
0x63: {  	v5 =	vadd.s32 v6, v5  }
0x64: {  	vm6 =	vge.s32 v5, v0;
	vm7 =	vlt.s32 v5, v1  }
0x65: {  	v5 =	vsub.s32 v5, v0;
	vm0 =	vmand vm6, vm7  }
0x66: {  	v5 =	vnsel vm0, $0x0, v5;
	_ =	sdelay $0x4  }
0x67: {  	[tilespmem:v5+s29+$0x0] =	vst.idx.add.f32.msk vm0, v4  }
0x68: {  	v5 =	vld [tilespmem:s5+$0x2040]  }
0x69: {  	v6 =	vld [tilespmem:s5+$0x40];
	_ =	sdelay $0x3  }
0x6a: {  	v5 =	vshll.u32 v5, $0xB  }
0x6b: {  	v5 =	vadd.s32 v6, v5  }
0x6c: {  	vm8 =	vge.s32 v5, v0;
	vm9 =	vlt.s32 v5, v1  }
0x6d: {  	v5 =	vsub.s32 v5, v0;
	vm0 =	vmand vm8, vm9  }
0x6e: {  	v5 =	vnsel vm0, $0x0, v5;
	_ =	sdelay $0x4  }
0x6f: {  	[tilespmem:v5+s29+$0x0] =	vst.idx.add.f32.msk vm0, v4  }
0x70: {  	v5 =	vld [tilespmem:s5+$0x2050]  }
0x71: {  	v6 =	vld [tilespmem:s5+$0x50];
	_ =	sdelay $0x3  }
0x72: {  	v5 =	vshll.u32 v5, $0xB  }
0x73: {  	v5 =	vadd.s32 v6, v5  }
0x74: {  	vm10 =	vge.s32 v5, v0;
	vm11 =	vlt.s32 v5, v1  }
0x75: {  	v5 =	vsub.s32 v5, v0;
	vm0 =	vmand vm10, vm11  }
0x76: {  	v5 =	vnsel vm0, $0x0, v5;
	_ =	sdelay $0x4  }
0x77: {  	[tilespmem:v5+s29+$0x0] =	vst.idx.add.f32.msk vm0, v4  }
0x78: {  	v5 =	vld [tilespmem:s5+$0x2060]  }
0x79: {  	v6 =	vld [tilespmem:s5+$0x60];
	_ =	sdelay $0x3  }
0x7a: {  	v5 =	vshll.u32 v5, $0xB  }
0x7b: {  	v5 =	vadd.s32 v6, v5  }
0x7c: {  	vm12 =	vge.s32 v5, v0;
	vm13 =	vlt.s32 v5, v1  }
0x7d: {  	v5 =	vsub.s32 v5, v0;
	vm0 =	vmand vm12, vm13  }
0x7e: {  	v5 =	vnsel vm0, $0x0, v5;
	_ =	sdelay $0x4  }
0x7f: {  	[tilespmem:v5+s29+$0x0] =	vst.idx.add.f32.msk vm0, v4  }
0x80: {  	v5 =	vld [tilespmem:s5+$0x2070]  }
0x81: {  	v6 =	vld [tilespmem:s5+$0x70];
	_ =	sdelay $0x3  }
0x82: {  	v5 =	vshll.u32 v5, $0xB  }
0x83: {  	v5 =	vadd.s32 v6, v5  }
0x84: {  	vm14 =	vge.s32 v5, v0;
	vm15 =	vlt.s32 v5, v1  }
0x85: {  	v5 =	vsub.s32 v5, v0;
	vm0 =	vmand vm14, vm15  }
0x86: {  	p0 =	sne.s32 s4, $0x7E00;
	v5 =	vnsel vm0, $0x0, v5  }
.Ltmp1:
0x87: {  	_ = 	snop;
	(pc) =	sbr.rel @p0 .LBB2_4-.Ltmp1, $2  }
0x88: {  	_ =	sdelay $0x2  }
0x89: {  	s4 =	sadd.s32 $0x200, s4;
	[tilespmem:v5+s29+$0x0] =	vst.idx.add.f32.msk vm0, v4  }
0x8a: {  	_ =	swait.ge [sflag:s30], $0x2000  }
0x8b: {  	[sflag:s30] =	ssyncset.done $0x0  }
0x8c: {  	[sflag:s30] =	ssyncadd.s32 $0xFFFFE000  }
0x8d: {  	_ =	swait.ge [sflag:s31], $0x2000  }
0x8e: {  	[sflag:s31] =	ssyncset.done $0x0  }
0x8f: {  	s4 =	simm.s32 $0x0;
	[sflag:s31] =	ssyncadd.s32 $0xFFFFE000  }
0x90: {  	[tilespmem:s4], [sflag:$0x1] =	stream.linear.gather [spmem:s11], $0x2000, $0x38;
	[tilespmem:$0x19000] =	vst v63  }
0x91: {  	_ = 	snop  }
0x92: {  	[tilespmem:s23], [sflag:$0x2] =	stream.linear.gather [spmem:s12], $0x2000, $0x38;
	[tilespmem:$0x19000] =	vst v63  }
.LBB2_6:
0x93: {  	s5 =	sshra.s32 s4, $0x2  }
0x94: {  	v5 =	vld [tilespmem:s5+$0x6000]  }
0x95: {  	v6 =	vld [tilespmem:s5+$0x4000];
	_ =	sdelay $0x3  }
0x96: {  	v5 =	vshll.u32 v5, $0xB  }
0x97: {  	v5 =	vadd.s32 v6, v5  }
0x98: {  	vm0 =	vge.s32 v5, v0;
	vm1 =	vlt.s32 v5, v1  }
0x99: {  	v5 =	vsub.s32 v5, v0;
	vm0 =	vmand vm0, vm1  }
0x9a: {  	v5 =	vnsel vm0, $0x0, v5;
	_ =	sdelay $0x4  }
0x9b: {  	[tilespmem:v5+s29+$0x0] =	vst.idx.add.f32.msk vm0, v4  }
0x9c: {  	v5 =	vld [tilespmem:s5+$0x6010]  }
0x9d: {  	v6 =	vld [tilespmem:s5+$0x4010];
	_ =	sdelay $0x3  }
0x9e: {  	v5 =	vshll.u32 v5, $0xB  }
0x9f: {  	v5 =	vadd.s32 v6, v5  }
0xa0: {  	vm14 =	vge.s32 v5, v0;
	vm15 =	vlt.s32 v5, v1  }
0xa1: {  	v5 =	vsub.s32 v5, v0;
	vm0 =	vmand vm14, vm15  }
0xa2: {  	v5 =	vnsel vm0, $0x0, v5;
	_ =	sdelay $0x4  }
0xa3: {  	[tilespmem:v5+s29+$0x0] =	vst.idx.add.f32.msk vm0, v4  }
0xa4: {  	v5 =	vld [tilespmem:s5+$0x6020]  }
0xa5: {  	v6 =	vld [tilespmem:s5+$0x4020];
	_ =	sdelay $0x3  }
0xa6: {  	v5 =	vshll.u32 v5, $0xB  }
0xa7: {  	v5 =	vadd.s32 v6, v5  }
0xa8: {  	vm4 =	vge.s32 v5, v0;
	vm5 =	vlt.s32 v5, v1  }
0xa9: {  	v5 =	vsub.s32 v5, v0;
	vm0 =	vmand vm4, vm5  }
0xaa: {  	v5 =	vnsel vm0, $0x0, v5;
	_ =	sdelay $0x4  }
0xab: {  	[tilespmem:v5+s29+$0x0] =	vst.idx.add.f32.msk vm0, v4  }
0xac: {  	v5 =	vld [tilespmem:s5+$0x6030]  }
0xad: {  	v6 =	vld [tilespmem:s5+$0x4030];
	_ =	sdelay $0x3  }
0xae: {  	v5 =	vshll.u32 v5, $0xB  }
0xaf: {  	v5 =	vadd.s32 v6, v5  }
0xb0: {  	vm6 =	vge.s32 v5, v0;
	vm7 =	vlt.s32 v5, v1  }
0xb1: {  	v5 =	vsub.s32 v5, v0;
	vm0 =	vmand vm6, vm7  }
0xb2: {  	v5 =	vnsel vm0, $0x0, v5;
	_ =	sdelay $0x4  }
0xb3: {  	[tilespmem:v5+s29+$0x0] =	vst.idx.add.f32.msk vm0, v4  }
0xb4: {  	v5 =	vld [tilespmem:s5+$0x6040]  }
0xb5: {  	v6 =	vld [tilespmem:s5+$0x4040];
	_ =	sdelay $0x3  }
0xb6: {  	v5 =	vshll.u32 v5, $0xB  }
0xb7: {  	v5 =	vadd.s32 v6, v5  }
0xb8: {  	vm8 =	vge.s32 v5, v0;
	vm9 =	vlt.s32 v5, v1  }
0xb9: {  	v5 =	vsub.s32 v5, v0;
	vm0 =	vmand vm8, vm9  }
0xba: {  	v5 =	vnsel vm0, $0x0, v5;
	_ =	sdelay $0x4  }
0xbb: {  	[tilespmem:v5+s29+$0x0] =	vst.idx.add.f32.msk vm0, v4  }
0xbc: {  	v5 =	vld [tilespmem:s5+$0x6050]  }
0xbd: {  	v6 =	vld [tilespmem:s5+$0x4050];
	_ =	sdelay $0x3  }
0xbe: {  	v5 =	vshll.u32 v5, $0xB  }
0xbf: {  	v5 =	vadd.s32 v6, v5  }
0xc0: {  	vm10 =	vge.s32 v5, v0;
	vm11 =	vlt.s32 v5, v1  }
0xc1: {  	v5 =	vsub.s32 v5, v0;
	vm0 =	vmand vm10, vm11  }
0xc2: {  	v5 =	vnsel vm0, $0x0, v5;
	_ =	sdelay $0x4  }
0xc3: {  	[tilespmem:v5+s29+$0x0] =	vst.idx.add.f32.msk vm0, v4  }
0xc4: {  	v5 =	vld [tilespmem:s5+$0x6060]  }
0xc5: {  	v6 =	vld [tilespmem:s5+$0x4060];
	_ =	sdelay $0x3  }
0xc6: {  	v5 =	vshll.u32 v5, $0xB  }
0xc7: {  	v5 =	vadd.s32 v6, v5  }
0xc8: {  	vm12 =	vge.s32 v5, v0;
	vm13 =	vlt.s32 v5, v1  }
0xc9: {  	v5 =	vsub.s32 v5, v0;
	vm0 =	vmand vm12, vm13  }
0xca: {  	v5 =	vnsel vm0, $0x0, v5;
	_ =	sdelay $0x4  }
0xcb: {  	[tilespmem:v5+s29+$0x0] =	vst.idx.add.f32.msk vm0, v4  }
0xcc: {  	v5 =	vld [tilespmem:s5+$0x6070]  }
0xcd: {  	v6 =	vld [tilespmem:s5+$0x4070];
	_ =	sdelay $0x3  }
0xce: {  	v5 =	vshll.u32 v5, $0xB  }
0xcf: {  	v5 =	vadd.s32 v6, v5  }
0xd0: {  	vm14 =	vge.s32 v5, v0;
	vm15 =	vlt.s32 v5, v1  }
0xd1: {  	v5 =	vsub.s32 v5, v0;
	vm0 =	vmand vm14, vm15  }
0xd2: {  	p0 =	sne.s32 s4, $0x7E00;
	v5 =	vnsel vm0, $0x0, v5  }
.Ltmp2:
0xd3: {  	_ = 	snop;
	(pc) =	sbr.rel @p0 .LBB2_6-.Ltmp2, $2  }
0xd4: {  	_ =	sdelay $0x2  }
0xd5: {  	s4 =	sadd.s32 $0x200, s4;
	[tilespmem:v5+s29+$0x0] =	vst.idx.add.f32.msk vm0, v4  }
0xd6: {  	_ =	swait.ge [sflag:s24], $0x2000  }
0xd7: {  	[sflag:s24] =	ssyncset.done $0x0  }
0xd8: {  	[sflag:s24] =	ssyncadd.s32 $0xFFFFE000  }
0xd9: {  	_ =	swait.ge [sflag:s25], $0x2000  }
0xda: {  	[sflag:s25] =	ssyncset.done $0x0  }
0xdb: {  	[sflag:s25] =	ssyncadd.s32 $0xFFFFE000  }
0xdc: {  	[tilespmem:s26], [sflag:$0x3] =	stream.linear.gather [spmem:s13], $0x2000, $0x38;
	[tilespmem:$0x19000] =	vst v63  }
0xdd: {  	s4 =	simm.s32 $0x0  }
0xde: {  	[tilespmem:s28], [sflag:$0x4] =	stream.linear.gather [spmem:s14], $0x2000, $0x38;
	[tilespmem:$0x19000] =	vst v63  }
.LBB2_8:
0xdf: {  	s5 =	sshra.s32 s4, $0x2  }
0xe0: {  	v5 =	vld [tilespmem:s5+$0x2000]  }
0xe1: {  	v6 =	vld [tilespmem:s5+$0x0];
	_ =	sdelay $0x3  }
0xe2: {  	v5 =	vshll.u32 v5, $0xB  }
0xe3: {  	v5 =	vadd.s32 v6, v5  }
0xe4: {  	vm0 =	vge.s32 v5, v0;
	vm1 =	vlt.s32 v5, v1  }
0xe5: {  	v5 =	vsub.s32 v5, v0;
	vm0 =	vmand vm0, vm1  }
0xe6: {  	v5 =	vnsel vm0, $0x0, v5;
	_ =	sdelay $0x4  }
0xe7: {  	[tilespmem:v5+s29+$0x0] =	vst.idx.add.f32.msk vm0, v4  }
0xe8: {  	v5 =	vld [tilespmem:s5+$0x2010]  }
0xe9: {  	v6 =	vld [tilespmem:s5+$0x10];
	_ =	sdelay $0x3  }
0xea: {  	v5 =	vshll.u32 v5, $0xB  }
0xeb: {  	v5 =	vadd.s32 v6, v5  }
0xec: {  	vm14 =	vge.s32 v5, v0;
	vm15 =	vlt.s32 v5, v1  }
0xed: {  	v5 =	vsub.s32 v5, v0;
	vm0 =	vmand vm14, vm15  }
0xee: {  	v5 =	vnsel vm0, $0x0, v5;
	_ =	sdelay $0x4  }
0xef: {  	[tilespmem:v5+s29+$0x0] =	vst.idx.add.f32.msk vm0, v4  }
0xf0: {  	v5 =	vld [tilespmem:s5+$0x2020]  }
0xf1: {  	v6 =	vld [tilespmem:s5+$0x20];
	_ =	sdelay $0x3  }
0xf2: {  	v5 =	vshll.u32 v5, $0xB  }
0xf3: {  	v5 =	vadd.s32 v6, v5  }
0xf4: {  	vm4 =	vge.s32 v5, v0;
	vm5 =	vlt.s32 v5, v1  }
0xf5: {  	v5 =	vsub.s32 v5, v0;
	vm0 =	vmand vm4, vm5  }
0xf6: {  	v5 =	vnsel vm0, $0x0, v5;
	_ =	sdelay $0x4  }
0xf7: {  	[tilespmem:v5+s29+$0x0] =	vst.idx.add.f32.msk vm0, v4  }
0xf8: {  	v5 =	vld [tilespmem:s5+$0x2030]  }
0xf9: {  	v6 =	vld [tilespmem:s5+$0x30];
	_ =	sdelay $0x3  }
0xfa: {  	v5 =	vshll.u32 v5, $0xB  }
0xfb: {  	v5 =	vadd.s32 v6, v5  }
0xfc: {  	vm6 =	vge.s32 v5, v0;
	vm7 =	vlt.s32 v5, v1  }
0xfd: {  	v5 =	vsub.s32 v5, v0;
	vm0 =	vmand vm6, vm7  }
0xfe: {  	v5 =	vnsel vm0, $0x0, v5;
	_ =	sdelay $0x4  }
0xff: {  	[tilespmem:v5+s29+$0x0] =	vst.idx.add.f32.msk vm0, v4  }
0x100: {  	v5 =	vld [tilespmem:s5+$0x2040]  }
0x101: {  	v6 =	vld [tilespmem:s5+$0x40];
	_ =	sdelay $0x3  }
0x102: {  	v5 =	vshll.u32 v5, $0xB  }
0x103: {  	v5 =	vadd.s32 v6, v5  }
0x104: {  	vm8 =	vge.s32 v5, v0;
	vm9 =	vlt.s32 v5, v1  }
0x105: {  	v5 =	vsub.s32 v5, v0;
	vm0 =	vmand vm8, vm9  }
0x106: {  	v5 =	vnsel vm0, $0x0, v5;
	_ =	sdelay $0x4  }
0x107: {  	[tilespmem:v5+s29+$0x0] =	vst.idx.add.f32.msk vm0, v4  }
0x108: {  	v5 =	vld [tilespmem:s5+$0x2050]  }
0x109: {  	v6 =	vld [tilespmem:s5+$0x50];
	_ =	sdelay $0x3  }
0x10a: {  	v5 =	vshll.u32 v5, $0xB  }
0x10b: {  	v5 =	vadd.s32 v6, v5  }
0x10c: {  	vm10 =	vge.s32 v5, v0;
	vm11 =	vlt.s32 v5, v1  }
0x10d: {  	v5 =	vsub.s32 v5, v0;
	vm0 =	vmand vm10, vm11  }
0x10e: {  	v5 =	vnsel vm0, $0x0, v5;
	_ =	sdelay $0x4  }
0x10f: {  	[tilespmem:v5+s29+$0x0] =	vst.idx.add.f32.msk vm0, v4  }
0x110: {  	v5 =	vld [tilespmem:s5+$0x2060]  }
0x111: {  	v6 =	vld [tilespmem:s5+$0x60];
	_ =	sdelay $0x3  }
0x112: {  	v5 =	vshll.u32 v5, $0xB  }
0x113: {  	v5 =	vadd.s32 v6, v5  }
0x114: {  	vm12 =	vge.s32 v5, v0;
	vm13 =	vlt.s32 v5, v1  }
0x115: {  	v5 =	vsub.s32 v5, v0;
	vm0 =	vmand vm12, vm13  }
0x116: {  	v5 =	vnsel vm0, $0x0, v5;
	_ =	sdelay $0x4  }
0x117: {  	[tilespmem:v5+s29+$0x0] =	vst.idx.add.f32.msk vm0, v4  }
0x118: {  	v5 =	vld [tilespmem:s5+$0x2070]  }
0x119: {  	v6 =	vld [tilespmem:s5+$0x70];
	_ =	sdelay $0x3  }
0x11a: {  	v5 =	vshll.u32 v5, $0xB  }
0x11b: {  	v5 =	vadd.s32 v6, v5  }
0x11c: {  	vm14 =	vge.s32 v5, v0;
	vm15 =	vlt.s32 v5, v1  }
0x11d: {  	v5 =	vsub.s32 v5, v0;
	vm0 =	vmand vm14, vm15  }
0x11e: {  	p0 =	sne.s32 s4, $0x7E00;
	v5 =	vnsel vm0, $0x0, v5  }
.Ltmp3:
0x11f: {  	_ = 	snop;
	(pc) =	sbr.rel @p0 .LBB2_8-.Ltmp3, $2  }
0x120: {  	_ =	sdelay $0x2  }
0x121: {  	s4 =	sadd.s32 $0x200, s4;
	[tilespmem:v5+s29+$0x0] =	vst.idx.add.f32.msk vm0, v4  }
0x122: {  	_ =	swait.ge [sflag:s30], $0x2000  }
0x123: {  	[sflag:s30] =	ssyncset.done $0x0  }
0x124: {  	[sflag:s30] =	ssyncadd.s32 $0xFFFFE000  }
0x125: {  	_ =	swait.ge [sflag:s31], $0x2000  }
0x126: {  	[sflag:s31] =	ssyncset.done $0x0  }
0x127: {  	s4 =	simm.s32 $0x0;
	[sflag:s31] =	ssyncadd.s32 $0xFFFFE000  }
.LBB2_10:
0x128: {  	s5 =	sshra.s32 s4, $0x2  }
0x129: {  	v5 =	vld [tilespmem:s5+$0x6000]  }
0x12a: {  	v6 =	vld [tilespmem:s5+$0x4000];
	_ =	sdelay $0x3  }
0x12b: {  	v5 =	vshll.u32 v5, $0xB  }
0x12c: {  	v5 =	vadd.s32 v6, v5  }
0x12d: {  	vm0 =	vge.s32 v5, v0;
	vm1 =	vlt.s32 v5, v1  }
0x12e: {  	v5 =	vsub.s32 v5, v0;
	vm0 =	vmand vm0, vm1  }
0x12f: {  	v5 =	vnsel vm0, $0x0, v5;
	_ =	sdelay $0x4  }
0x130: {  	[tilespmem:v5+s29+$0x0] =	vst.idx.add.f32.msk vm0, v4  }
0x131: {  	v5 =	vld [tilespmem:s5+$0x6010]  }
0x132: {  	v6 =	vld [tilespmem:s5+$0x4010];
	_ =	sdelay $0x3  }
0x133: {  	v5 =	vshll.u32 v5, $0xB  }
0x134: {  	v5 =	vadd.s32 v6, v5  }
0x135: {  	vm14 =	vge.s32 v5, v0;
	vm15 =	vlt.s32 v5, v1  }
0x136: {  	v5 =	vsub.s32 v5, v0;
	vm0 =	vmand vm14, vm15  }
0x137: {  	v5 =	vnsel vm0, $0x0, v5;
	_ =	sdelay $0x4  }
0x138: {  	[tilespmem:v5+s29+$0x0] =	vst.idx.add.f32.msk vm0, v4  }
0x139: {  	v5 =	vld [tilespmem:s5+$0x6020]  }
0x13a: {  	v6 =	vld [tilespmem:s5+$0x4020];
	_ =	sdelay $0x3  }
0x13b: {  	v5 =	vshll.u32 v5, $0xB  }
0x13c: {  	v5 =	vadd.s32 v6, v5  }
0x13d: {  	vm4 =	vge.s32 v5, v0;
	vm5 =	vlt.s32 v5, v1  }
0x13e: {  	v5 =	vsub.s32 v5, v0;
	vm0 =	vmand vm4, vm5  }
0x13f: {  	v5 =	vnsel vm0, $0x0, v5;
	_ =	sdelay $0x4  }
0x140: {  	[tilespmem:v5+s29+$0x0] =	vst.idx.add.f32.msk vm0, v4  }
0x141: {  	v5 =	vld [tilespmem:s5+$0x6030]  }
0x142: {  	v6 =	vld [tilespmem:s5+$0x4030];
	_ =	sdelay $0x3  }
0x143: {  	v5 =	vshll.u32 v5, $0xB  }
0x144: {  	v5 =	vadd.s32 v6, v5  }
0x145: {  	vm6 =	vge.s32 v5, v0;
	vm7 =	vlt.s32 v5, v1  }
0x146: {  	v5 =	vsub.s32 v5, v0;
	vm0 =	vmand vm6, vm7  }
0x147: {  	v5 =	vnsel vm0, $0x0, v5;
	_ =	sdelay $0x4  }
0x148: {  	[tilespmem:v5+s29+$0x0] =	vst.idx.add.f32.msk vm0, v4  }
0x149: {  	v5 =	vld [tilespmem:s5+$0x6040]  }
0x14a: {  	v6 =	vld [tilespmem:s5+$0x4040];
	_ =	sdelay $0x3  }
0x14b: {  	v5 =	vshll.u32 v5, $0xB  }
0x14c: {  	v5 =	vadd.s32 v6, v5  }
0x14d: {  	vm8 =	vge.s32 v5, v0;
	vm9 =	vlt.s32 v5, v1  }
0x14e: {  	v5 =	vsub.s32 v5, v0;
	vm0 =	vmand vm8, vm9  }
0x14f: {  	v5 =	vnsel vm0, $0x0, v5;
	_ =	sdelay $0x4  }
0x150: {  	[tilespmem:v5+s29+$0x0] =	vst.idx.add.f32.msk vm0, v4  }
0x151: {  	v5 =	vld [tilespmem:s5+$0x6050]  }
0x152: {  	v6 =	vld [tilespmem:s5+$0x4050];
	_ =	sdelay $0x3  }
0x153: {  	v5 =	vshll.u32 v5, $0xB  }
0x154: {  	v5 =	vadd.s32 v6, v5  }
0x155: {  	vm10 =	vge.s32 v5, v0;
	vm11 =	vlt.s32 v5, v1  }
0x156: {  	v5 =	vsub.s32 v5, v0;
	vm0 =	vmand vm10, vm11  }
0x157: {  	v5 =	vnsel vm0, $0x0, v5;
	_ =	sdelay $0x4  }
0x158: {  	[tilespmem:v5+s29+$0x0] =	vst.idx.add.f32.msk vm0, v4  }
0x159: {  	v5 =	vld [tilespmem:s5+$0x6060]  }
0x15a: {  	v6 =	vld [tilespmem:s5+$0x4060];
	_ =	sdelay $0x3  }
0x15b: {  	v5 =	vshll.u32 v5, $0xB  }
0x15c: {  	v5 =	vadd.s32 v6, v5  }
0x15d: {  	vm12 =	vge.s32 v5, v0;
	vm13 =	vlt.s32 v5, v1  }
0x15e: {  	v5 =	vsub.s32 v5, v0;
	vm0 =	vmand vm12, vm13  }
0x15f: {  	v5 =	vnsel vm0, $0x0, v5;
	_ =	sdelay $0x4  }
0x160: {  	[tilespmem:v5+s29+$0x0] =	vst.idx.add.f32.msk vm0, v4  }
0x161: {  	v5 =	vld [tilespmem:s5+$0x6070]  }
0x162: {  	v6 =	vld [tilespmem:s5+$0x4070];
	_ =	sdelay $0x3  }
0x163: {  	v5 =	vshll.u32 v5, $0xB  }
0x164: {  	v5 =	vadd.s32 v6, v5  }
0x165: {  	vm14 =	vge.s32 v5, v0;
	vm15 =	vlt.s32 v5, v1  }
0x166: {  	v5 =	vsub.s32 v5, v0;
	vm0 =	vmand vm14, vm15  }
0x167: {  	p0 =	sne.s32 s4, $0x7E00;
	v5 =	vnsel vm0, $0x0, v5  }
.Ltmp4:
0x168: {  	_ = 	snop;
	(pc) =	sbr.rel @p0 .LBB2_10-.Ltmp4, $2  }
0x169: {  	_ =	sdelay $0x2  }
0x16a: {  	s4 =	sadd.s32 $0x200, s4;
	[tilespmem:v5+s29+$0x0] =	vst.idx.add.f32.msk vm0, v4  }
0x16b: {  	s4 =	simm.s32 $0x0  }
0x16c: {  	[hbm4b:s15+s4] =	stream.linear.scatter [tilespmem:s29], [sflag:$0x5], $0x10000, $0x38;
	[tilespmem:$0x19000] =	vst v63  }
0x16d: {  	_ =	swait.ge [sflag:s22], $0x10000  }
0x16e: {  	[sflag:s22] =	ssyncset.done $0x0  }
0x16f: {  	s5 =	simm.s32 $0x200;
	s4 =	simm.s32 $0x0;
	[sflag:s22] =	ssyncadd.s32 $0xFFFF0000  }
.LBB2_12:
0x170: {  	p0 =	sne.s32 s5, $0x3FE00;
	[tilespmem:s4+$0x8070] =	vst v3  }
0x171: {  	[tilespmem:s4+$0x8000] =	vst v3  }
0x172: {  	[tilespmem:s4+$0x8010] =	vst v3  }
.Ltmp5:
0x173: {  	[tilespmem:s4+$0x8020] =	vst v3;
	(pc) =	sbr.rel @p0 .LBB2_12-.Ltmp5, $4  }
0x174: {  	[tilespmem:s4+$0x8030] =	vst v3  }
0x175: {  	[tilespmem:s4+$0x8040] =	vst v3  }
0x176: {  	[tilespmem:s4+$0x8050] =	vst v3  }
0x177: {  	[tilespmem:s4+$0x8060] =	vst v3;
	s4 =	sshra.s32 s5, $0x2;
	s5 =	sadd.s32 $0x200, s5  }
0x178: {  	[tilespmem:s4+$0x8070] =	vst v3  }
0x179: {  	[tilespmem:s4+$0x8000] =	vst v3  }
0x17a: {  	[tilespmem:s4+$0x8010] =	vst v3  }
0x17b: {  	[tilespmem:s4+$0x8020] =	vst v3  }
0x17c: {  	[tilespmem:s4+$0x8030] =	vst v3  }
0x17d: {  	[tilespmem:s4+$0x8040] =	vst v3  }
0x17e: {  	[tilespmem:s4+$0x8050] =	vst v3  }
0x17f: {  	[tilespmem:s4+$0x8060] =	vst v3;
	s4 =	simm.s32 $0x0  }
0x180: {  	[tilespmem:s4], [sflag:$0x1] =	stream.linear.gather [spmem:s1], $0x2000, $0x38;
	[tilespmem:$0x19000] =	vst v63  }
0x181: {  	_ = 	snop  }
0x182: {  	[tilespmem:s23], [sflag:$0x2] =	stream.linear.gather [spmem:s2], $0x2000, $0x38;
	[tilespmem:$0x19000] =	vst v63  }
0x183: {  	_ =	swait.ge [sflag:s24], $0x2000  }
0x184: {  	[sflag:s24] =	ssyncset.done $0x0  }
0x185: {  	[sflag:s24] =	ssyncadd.s32 $0xFFFFE000  }
0x186: {  	_ =	swait.ge [sflag:s25], $0x2000  }
0x187: {  	[sflag:s25] =	ssyncset.done $0x0  }
0x188: {  	[sflag:s25] =	ssyncadd.s32 $0xFFFFE000  }
0x189: {  	[tilespmem:s26], [sflag:$0x3] =	stream.linear.gather [spmem:s9], $0x2000, $0x38;
	[tilespmem:$0x19000] =	vst v63  }
0x18a: {  	_ = 	snop  }
0x18b: {  	[tilespmem:s28], [sflag:$0x4] =	stream.linear.gather [spmem:s10], $0x2000, $0x38;
	[tilespmem:$0x19000] =	vst v63  }
.LBB2_14:
0x18c: {  	s5 =	sshra.s32 s4, $0x2  }
0x18d: {  	v5 =	vld [tilespmem:s5+$0x2000]  }
0x18e: {  	v6 =	vld [tilespmem:s5+$0x0];
	_ =	sdelay $0x3  }
0x18f: {  	v5 =	vshll.u32 v5, $0xB  }
0x190: {  	v5 =	vadd.s32 v6, v5  }
0x191: {  	vm0 =	vge.s32 v5, v1;
	vm1 =	vlt.s32 v5, v2  }
0x192: {  	v5 =	vsub.s32 v5, v1;
	vm0 =	vmand vm0, vm1  }
0x193: {  	v5 =	vnsel vm0, $0x0, v5;
	_ =	sdelay $0x4  }
0x194: {  	[tilespmem:v5+s29+$0x0] =	vst.idx.add.f32.msk vm0, v4  }
0x195: {  	v5 =	vld [tilespmem:s5+$0x2010]  }
0x196: {  	v6 =	vld [tilespmem:s5+$0x10];
	_ =	sdelay $0x3  }
0x197: {  	v5 =	vshll.u32 v5, $0xB  }
0x198: {  	v5 =	vadd.s32 v6, v5  }
0x199: {  	vm14 =	vge.s32 v5, v1;
	vm15 =	vlt.s32 v5, v2  }
0x19a: {  	v5 =	vsub.s32 v5, v1;
	vm0 =	vmand vm14, vm15  }
0x19b: {  	v5 =	vnsel vm0, $0x0, v5;
	_ =	sdelay $0x4  }
0x19c: {  	[tilespmem:v5+s29+$0x0] =	vst.idx.add.f32.msk vm0, v4  }
0x19d: {  	v5 =	vld [tilespmem:s5+$0x2020]  }
0x19e: {  	v6 =	vld [tilespmem:s5+$0x20];
	_ =	sdelay $0x3  }
0x19f: {  	v5 =	vshll.u32 v5, $0xB  }
0x1a0: {  	v5 =	vadd.s32 v6, v5  }
0x1a1: {  	vm4 =	vge.s32 v5, v1;
	vm5 =	vlt.s32 v5, v2  }
0x1a2: {  	v5 =	vsub.s32 v5, v1;
	vm0 =	vmand vm4, vm5  }
0x1a3: {  	v5 =	vnsel vm0, $0x0, v5;
	_ =	sdelay $0x4  }
0x1a4: {  	[tilespmem:v5+s29+$0x0] =	vst.idx.add.f32.msk vm0, v4  }
0x1a5: {  	v5 =	vld [tilespmem:s5+$0x2030]  }
0x1a6: {  	v6 =	vld [tilespmem:s5+$0x30];
	_ =	sdelay $0x3  }
0x1a7: {  	v5 =	vshll.u32 v5, $0xB  }
0x1a8: {  	v5 =	vadd.s32 v6, v5  }
0x1a9: {  	vm6 =	vge.s32 v5, v1;
	vm7 =	vlt.s32 v5, v2  }
0x1aa: {  	v5 =	vsub.s32 v5, v1;
	vm0 =	vmand vm6, vm7  }
0x1ab: {  	v5 =	vnsel vm0, $0x0, v5;
	_ =	sdelay $0x4  }
0x1ac: {  	[tilespmem:v5+s29+$0x0] =	vst.idx.add.f32.msk vm0, v4  }
0x1ad: {  	v5 =	vld [tilespmem:s5+$0x2040]  }
0x1ae: {  	v6 =	vld [tilespmem:s5+$0x40];
	_ =	sdelay $0x3  }
0x1af: {  	v5 =	vshll.u32 v5, $0xB  }
0x1b0: {  	v5 =	vadd.s32 v6, v5  }
0x1b1: {  	vm8 =	vge.s32 v5, v1;
	vm9 =	vlt.s32 v5, v2  }
0x1b2: {  	v5 =	vsub.s32 v5, v1;
	vm0 =	vmand vm8, vm9  }
0x1b3: {  	v5 =	vnsel vm0, $0x0, v5;
	_ =	sdelay $0x4  }
0x1b4: {  	[tilespmem:v5+s29+$0x0] =	vst.idx.add.f32.msk vm0, v4  }
0x1b5: {  	v5 =	vld [tilespmem:s5+$0x2050]  }
0x1b6: {  	v6 =	vld [tilespmem:s5+$0x50];
	_ =	sdelay $0x3  }
0x1b7: {  	v5 =	vshll.u32 v5, $0xB  }
0x1b8: {  	v5 =	vadd.s32 v6, v5  }
0x1b9: {  	vm10 =	vge.s32 v5, v1;
	vm11 =	vlt.s32 v5, v2  }
0x1ba: {  	v5 =	vsub.s32 v5, v1;
	vm0 =	vmand vm10, vm11  }
0x1bb: {  	v5 =	vnsel vm0, $0x0, v5;
	_ =	sdelay $0x4  }
0x1bc: {  	[tilespmem:v5+s29+$0x0] =	vst.idx.add.f32.msk vm0, v4  }
0x1bd: {  	v5 =	vld [tilespmem:s5+$0x2060]  }
0x1be: {  	v6 =	vld [tilespmem:s5+$0x60];
	_ =	sdelay $0x3  }
0x1bf: {  	v5 =	vshll.u32 v5, $0xB  }
0x1c0: {  	v5 =	vadd.s32 v6, v5  }
0x1c1: {  	vm12 =	vge.s32 v5, v1;
	vm13 =	vlt.s32 v5, v2  }
0x1c2: {  	v5 =	vsub.s32 v5, v1;
	vm0 =	vmand vm12, vm13  }
0x1c3: {  	v5 =	vnsel vm0, $0x0, v5;
	_ =	sdelay $0x4  }
0x1c4: {  	[tilespmem:v5+s29+$0x0] =	vst.idx.add.f32.msk vm0, v4  }
0x1c5: {  	v5 =	vld [tilespmem:s5+$0x2070]  }
0x1c6: {  	v6 =	vld [tilespmem:s5+$0x70];
	_ =	sdelay $0x3  }
0x1c7: {  	v5 =	vshll.u32 v5, $0xB  }
0x1c8: {  	v5 =	vadd.s32 v6, v5  }
0x1c9: {  	vm14 =	vge.s32 v5, v1;
	vm15 =	vlt.s32 v5, v2  }
0x1ca: {  	v5 =	vsub.s32 v5, v1;
	vm0 =	vmand vm14, vm15  }
0x1cb: {  	p0 =	sne.s32 s4, $0x7E00;
	v5 =	vnsel vm0, $0x0, v5  }
.Ltmp6:
0x1cc: {  	_ = 	snop;
	(pc) =	sbr.rel @p0 .LBB2_14-.Ltmp6, $2  }
0x1cd: {  	_ =	sdelay $0x2  }
0x1ce: {  	s4 =	sadd.s32 $0x200, s4;
	[tilespmem:v5+s29+$0x0] =	vst.idx.add.f32.msk vm0, v4  }
0x1cf: {  	_ =	swait.ge [sflag:s30], $0x2000  }
0x1d0: {  	[sflag:s30] =	ssyncset.done $0x0  }
0x1d1: {  	[sflag:s30] =	ssyncadd.s32 $0xFFFFE000  }
0x1d2: {  	_ =	swait.ge [sflag:s31], $0x2000  }
0x1d3: {  	[sflag:s31] =	ssyncset.done $0x0  }
0x1d4: {  	s4 =	simm.s32 $0x0;
	[sflag:s31] =	ssyncadd.s32 $0xFFFFE000  }
0x1d5: {  	[tilespmem:s4], [sflag:$0x1] =	stream.linear.gather [spmem:s11], $0x2000, $0x38;
	[tilespmem:$0x19000] =	vst v63  }
0x1d6: {  	_ = 	snop  }
0x1d7: {  	[tilespmem:s23], [sflag:$0x2] =	stream.linear.gather [spmem:s12], $0x2000, $0x38;
	[tilespmem:$0x19000] =	vst v63  }
.LBB2_16:
0x1d8: {  	s5 =	sshra.s32 s4, $0x2  }
0x1d9: {  	v5 =	vld [tilespmem:s5+$0x6000]  }
0x1da: {  	v6 =	vld [tilespmem:s5+$0x4000];
	_ =	sdelay $0x3  }
0x1db: {  	v5 =	vshll.u32 v5, $0xB  }
0x1dc: {  	v5 =	vadd.s32 v6, v5  }
0x1dd: {  	vm0 =	vge.s32 v5, v1;
	vm1 =	vlt.s32 v5, v2  }
0x1de: {  	v5 =	vsub.s32 v5, v1;
	vm0 =	vmand vm0, vm1  }
0x1df: {  	v5 =	vnsel vm0, $0x0, v5;
	_ =	sdelay $0x4  }
0x1e0: {  	[tilespmem:v5+s29+$0x0] =	vst.idx.add.f32.msk vm0, v4  }
0x1e1: {  	v5 =	vld [tilespmem:s5+$0x6010]  }
0x1e2: {  	v6 =	vld [tilespmem:s5+$0x4010];
	_ =	sdelay $0x3  }
0x1e3: {  	v5 =	vshll.u32 v5, $0xB  }
0x1e4: {  	v5 =	vadd.s32 v6, v5  }
0x1e5: {  	vm14 =	vge.s32 v5, v1;
	vm15 =	vlt.s32 v5, v2  }
0x1e6: {  	v5 =	vsub.s32 v5, v1;
	vm0 =	vmand vm14, vm15  }
0x1e7: {  	v5 =	vnsel vm0, $0x0, v5;
	_ =	sdelay $0x4  }
0x1e8: {  	[tilespmem:v5+s29+$0x0] =	vst.idx.add.f32.msk vm0, v4  }
0x1e9: {  	v5 =	vld [tilespmem:s5+$0x6020]  }
0x1ea: {  	v6 =	vld [tilespmem:s5+$0x4020];
	_ =	sdelay $0x3  }
0x1eb: {  	v5 =	vshll.u32 v5, $0xB  }
0x1ec: {  	v5 =	vadd.s32 v6, v5  }
0x1ed: {  	vm4 =	vge.s32 v5, v1;
	vm5 =	vlt.s32 v5, v2  }
0x1ee: {  	v5 =	vsub.s32 v5, v1;
	vm0 =	vmand vm4, vm5  }
0x1ef: {  	v5 =	vnsel vm0, $0x0, v5;
	_ =	sdelay $0x4  }
0x1f0: {  	[tilespmem:v5+s29+$0x0] =	vst.idx.add.f32.msk vm0, v4  }
0x1f1: {  	v5 =	vld [tilespmem:s5+$0x6030]  }
0x1f2: {  	v6 =	vld [tilespmem:s5+$0x4030];
	_ =	sdelay $0x3  }
0x1f3: {  	v5 =	vshll.u32 v5, $0xB  }
0x1f4: {  	v5 =	vadd.s32 v6, v5  }
0x1f5: {  	vm6 =	vge.s32 v5, v1;
	vm7 =	vlt.s32 v5, v2  }
0x1f6: {  	v5 =	vsub.s32 v5, v1;
	vm0 =	vmand vm6, vm7  }
0x1f7: {  	v5 =	vnsel vm0, $0x0, v5;
	_ =	sdelay $0x4  }
0x1f8: {  	[tilespmem:v5+s29+$0x0] =	vst.idx.add.f32.msk vm0, v4  }
0x1f9: {  	v5 =	vld [tilespmem:s5+$0x6040]  }
0x1fa: {  	v6 =	vld [tilespmem:s5+$0x4040];
	_ =	sdelay $0x3  }
0x1fb: {  	v5 =	vshll.u32 v5, $0xB  }
0x1fc: {  	v5 =	vadd.s32 v6, v5  }
0x1fd: {  	vm8 =	vge.s32 v5, v1;
	vm9 =	vlt.s32 v5, v2  }
0x1fe: {  	v5 =	vsub.s32 v5, v1;
	vm0 =	vmand vm8, vm9  }
0x1ff: {  	v5 =	vnsel vm0, $0x0, v5;
	_ =	sdelay $0x4  }
0x200: {  	[tilespmem:v5+s29+$0x0] =	vst.idx.add.f32.msk vm0, v4  }
0x201: {  	v5 =	vld [tilespmem:s5+$0x6050]  }
0x202: {  	v6 =	vld [tilespmem:s5+$0x4050];
	_ =	sdelay $0x3  }
0x203: {  	v5 =	vshll.u32 v5, $0xB  }
0x204: {  	v5 =	vadd.s32 v6, v5  }
0x205: {  	vm10 =	vge.s32 v5, v1;
	vm11 =	vlt.s32 v5, v2  }
0x206: {  	v5 =	vsub.s32 v5, v1;
	vm0 =	vmand vm10, vm11  }
0x207: {  	v5 =	vnsel vm0, $0x0, v5;
	_ =	sdelay $0x4  }
0x208: {  	[tilespmem:v5+s29+$0x0] =	vst.idx.add.f32.msk vm0, v4  }
0x209: {  	v5 =	vld [tilespmem:s5+$0x6060]  }
0x20a: {  	v6 =	vld [tilespmem:s5+$0x4060];
	_ =	sdelay $0x3  }
0x20b: {  	v5 =	vshll.u32 v5, $0xB  }
0x20c: {  	v5 =	vadd.s32 v6, v5  }
0x20d: {  	vm12 =	vge.s32 v5, v1;
	vm13 =	vlt.s32 v5, v2  }
0x20e: {  	v5 =	vsub.s32 v5, v1;
	vm0 =	vmand vm12, vm13  }
0x20f: {  	v5 =	vnsel vm0, $0x0, v5;
	_ =	sdelay $0x4  }
0x210: {  	[tilespmem:v5+s29+$0x0] =	vst.idx.add.f32.msk vm0, v4  }
0x211: {  	v5 =	vld [tilespmem:s5+$0x6070]  }
0x212: {  	v6 =	vld [tilespmem:s5+$0x4070];
	_ =	sdelay $0x3  }
0x213: {  	v5 =	vshll.u32 v5, $0xB  }
0x214: {  	v5 =	vadd.s32 v6, v5  }
0x215: {  	vm14 =	vge.s32 v5, v1;
	vm15 =	vlt.s32 v5, v2  }
0x216: {  	v5 =	vsub.s32 v5, v1;
	vm0 =	vmand vm14, vm15  }
0x217: {  	p0 =	sne.s32 s4, $0x7E00;
	v5 =	vnsel vm0, $0x0, v5  }
.Ltmp7:
0x218: {  	_ = 	snop;
	(pc) =	sbr.rel @p0 .LBB2_16-.Ltmp7, $2  }
0x219: {  	_ =	sdelay $0x2  }
0x21a: {  	s4 =	sadd.s32 $0x200, s4;
	[tilespmem:v5+s29+$0x0] =	vst.idx.add.f32.msk vm0, v4  }
0x21b: {  	_ =	swait.ge [sflag:s24], $0x2000  }
0x21c: {  	[sflag:s24] =	ssyncset.done $0x0  }
0x21d: {  	[sflag:s24] =	ssyncadd.s32 $0xFFFFE000  }
0x21e: {  	_ =	swait.ge [sflag:s25], $0x2000  }
0x21f: {  	[sflag:s25] =	ssyncset.done $0x0  }
0x220: {  	[sflag:s25] =	ssyncadd.s32 $0xFFFFE000  }
0x221: {  	[tilespmem:s26], [sflag:$0x3] =	stream.linear.gather [spmem:s13], $0x2000, $0x38;
	[tilespmem:$0x19000] =	vst v63  }
0x222: {  	s4 =	simm.s32 $0x0  }
0x223: {  	[tilespmem:s28], [sflag:$0x4] =	stream.linear.gather [spmem:s14], $0x2000, $0x38;
	[tilespmem:$0x19000] =	vst v63  }
.LBB2_18:
0x224: {  	s5 =	sshra.s32 s4, $0x2  }
0x225: {  	v5 =	vld [tilespmem:s5+$0x2000]  }
0x226: {  	v6 =	vld [tilespmem:s5+$0x0];
	_ =	sdelay $0x3  }
0x227: {  	v5 =	vshll.u32 v5, $0xB  }
0x228: {  	v5 =	vadd.s32 v6, v5  }
0x229: {  	vm0 =	vge.s32 v5, v1;
	vm1 =	vlt.s32 v5, v2  }
0x22a: {  	v5 =	vsub.s32 v5, v1;
	vm0 =	vmand vm0, vm1  }
0x22b: {  	v5 =	vnsel vm0, $0x0, v5;
	_ =	sdelay $0x4  }
0x22c: {  	[tilespmem:v5+s29+$0x0] =	vst.idx.add.f32.msk vm0, v4  }
0x22d: {  	v5 =	vld [tilespmem:s5+$0x2010]  }
0x22e: {  	v6 =	vld [tilespmem:s5+$0x10];
	_ =	sdelay $0x3  }
0x22f: {  	v5 =	vshll.u32 v5, $0xB  }
0x230: {  	v5 =	vadd.s32 v6, v5  }
0x231: {  	vm14 =	vge.s32 v5, v1;
	vm15 =	vlt.s32 v5, v2  }
0x232: {  	v5 =	vsub.s32 v5, v1;
	vm0 =	vmand vm14, vm15  }
0x233: {  	v5 =	vnsel vm0, $0x0, v5;
	_ =	sdelay $0x4  }
0x234: {  	[tilespmem:v5+s29+$0x0] =	vst.idx.add.f32.msk vm0, v4  }
0x235: {  	v5 =	vld [tilespmem:s5+$0x2020]  }
0x236: {  	v6 =	vld [tilespmem:s5+$0x20];
	_ =	sdelay $0x3  }
0x237: {  	v5 =	vshll.u32 v5, $0xB  }
0x238: {  	v5 =	vadd.s32 v6, v5  }
0x239: {  	vm4 =	vge.s32 v5, v1;
	vm5 =	vlt.s32 v5, v2  }
0x23a: {  	v5 =	vsub.s32 v5, v1;
	vm0 =	vmand vm4, vm5  }
0x23b: {  	v5 =	vnsel vm0, $0x0, v5;
	_ =	sdelay $0x4  }
0x23c: {  	[tilespmem:v5+s29+$0x0] =	vst.idx.add.f32.msk vm0, v4  }
0x23d: {  	v5 =	vld [tilespmem:s5+$0x2030]  }
0x23e: {  	v6 =	vld [tilespmem:s5+$0x30];
	_ =	sdelay $0x3  }
0x23f: {  	v5 =	vshll.u32 v5, $0xB  }
0x240: {  	v5 =	vadd.s32 v6, v5  }
0x241: {  	vm6 =	vge.s32 v5, v1;
	vm7 =	vlt.s32 v5, v2  }
0x242: {  	v5 =	vsub.s32 v5, v1;
	vm0 =	vmand vm6, vm7  }
0x243: {  	v5 =	vnsel vm0, $0x0, v5;
	_ =	sdelay $0x4  }
0x244: {  	[tilespmem:v5+s29+$0x0] =	vst.idx.add.f32.msk vm0, v4  }
0x245: {  	v5 =	vld [tilespmem:s5+$0x2040]  }
0x246: {  	v6 =	vld [tilespmem:s5+$0x40];
	_ =	sdelay $0x3  }
0x247: {  	v5 =	vshll.u32 v5, $0xB  }
0x248: {  	v5 =	vadd.s32 v6, v5  }
0x249: {  	vm8 =	vge.s32 v5, v1;
	vm9 =	vlt.s32 v5, v2  }
0x24a: {  	v5 =	vsub.s32 v5, v1;
	vm0 =	vmand vm8, vm9  }
0x24b: {  	v5 =	vnsel vm0, $0x0, v5;
	_ =	sdelay $0x4  }
0x24c: {  	[tilespmem:v5+s29+$0x0] =	vst.idx.add.f32.msk vm0, v4  }
0x24d: {  	v5 =	vld [tilespmem:s5+$0x2050]  }
0x24e: {  	v6 =	vld [tilespmem:s5+$0x50];
	_ =	sdelay $0x3  }
0x24f: {  	v5 =	vshll.u32 v5, $0xB  }
0x250: {  	v5 =	vadd.s32 v6, v5  }
0x251: {  	vm10 =	vge.s32 v5, v1;
	vm11 =	vlt.s32 v5, v2  }
0x252: {  	v5 =	vsub.s32 v5, v1;
	vm0 =	vmand vm10, vm11  }
0x253: {  	v5 =	vnsel vm0, $0x0, v5;
	_ =	sdelay $0x4  }
0x254: {  	[tilespmem:v5+s29+$0x0] =	vst.idx.add.f32.msk vm0, v4  }
0x255: {  	v5 =	vld [tilespmem:s5+$0x2060]  }
0x256: {  	v6 =	vld [tilespmem:s5+$0x60];
	_ =	sdelay $0x3  }
0x257: {  	v5 =	vshll.u32 v5, $0xB  }
0x258: {  	v5 =	vadd.s32 v6, v5  }
0x259: {  	vm12 =	vge.s32 v5, v1;
	vm13 =	vlt.s32 v5, v2  }
0x25a: {  	v5 =	vsub.s32 v5, v1;
	vm0 =	vmand vm12, vm13  }
0x25b: {  	v5 =	vnsel vm0, $0x0, v5;
	_ =	sdelay $0x4  }
0x25c: {  	[tilespmem:v5+s29+$0x0] =	vst.idx.add.f32.msk vm0, v4  }
0x25d: {  	v5 =	vld [tilespmem:s5+$0x2070]  }
0x25e: {  	v6 =	vld [tilespmem:s5+$0x70];
	_ =	sdelay $0x3  }
0x25f: {  	v5 =	vshll.u32 v5, $0xB  }
0x260: {  	v5 =	vadd.s32 v6, v5  }
0x261: {  	vm14 =	vge.s32 v5, v1;
	vm15 =	vlt.s32 v5, v2  }
0x262: {  	v5 =	vsub.s32 v5, v1;
	vm0 =	vmand vm14, vm15  }
0x263: {  	p0 =	sne.s32 s4, $0x7E00;
	v5 =	vnsel vm0, $0x0, v5  }
.Ltmp8:
0x264: {  	_ = 	snop;
	(pc) =	sbr.rel @p0 .LBB2_18-.Ltmp8, $2  }
0x265: {  	_ =	sdelay $0x2  }
0x266: {  	s4 =	sadd.s32 $0x200, s4;
	[tilespmem:v5+s29+$0x0] =	vst.idx.add.f32.msk vm0, v4  }
0x267: {  	_ =	swait.ge [sflag:s30], $0x2000  }
0x268: {  	[sflag:s30] =	ssyncset.done $0x0  }
0x269: {  	[sflag:s30] =	ssyncadd.s32 $0xFFFFE000  }
0x26a: {  	_ =	swait.ge [sflag:s31], $0x2000  }
0x26b: {  	[sflag:s31] =	ssyncset.done $0x0  }
0x26c: {  	s4 =	simm.s32 $0x0;
	[sflag:s31] =	ssyncadd.s32 $0xFFFFE000  }
.LBB2_20:
0x26d: {  	s5 =	sshra.s32 s4, $0x2  }
0x26e: {  	v5 =	vld [tilespmem:s5+$0x6000]  }
0x26f: {  	v6 =	vld [tilespmem:s5+$0x4000];
	_ =	sdelay $0x3  }
0x270: {  	v5 =	vshll.u32 v5, $0xB  }
0x271: {  	v5 =	vadd.s32 v6, v5  }
0x272: {  	vm0 =	vge.s32 v5, v1;
	vm1 =	vlt.s32 v5, v2  }
0x273: {  	v5 =	vsub.s32 v5, v1;
	vm0 =	vmand vm0, vm1  }
0x274: {  	v5 =	vnsel vm0, $0x0, v5;
	_ =	sdelay $0x4  }
0x275: {  	[tilespmem:v5+s29+$0x0] =	vst.idx.add.f32.msk vm0, v4  }
0x276: {  	v5 =	vld [tilespmem:s5+$0x6010]  }
0x277: {  	v6 =	vld [tilespmem:s5+$0x4010];
	_ =	sdelay $0x3  }
0x278: {  	v5 =	vshll.u32 v5, $0xB  }
0x279: {  	v5 =	vadd.s32 v6, v5  }
0x27a: {  	vm14 =	vge.s32 v5, v1;
	vm15 =	vlt.s32 v5, v2  }
0x27b: {  	v5 =	vsub.s32 v5, v1;
	vm0 =	vmand vm14, vm15  }
0x27c: {  	v5 =	vnsel vm0, $0x0, v5;
	_ =	sdelay $0x4  }
0x27d: {  	[tilespmem:v5+s29+$0x0] =	vst.idx.add.f32.msk vm0, v4  }
0x27e: {  	v5 =	vld [tilespmem:s5+$0x6020]  }
0x27f: {  	v6 =	vld [tilespmem:s5+$0x4020];
	_ =	sdelay $0x3  }
0x280: {  	v5 =	vshll.u32 v5, $0xB  }
0x281: {  	v5 =	vadd.s32 v6, v5  }
0x282: {  	vm4 =	vge.s32 v5, v1;
	vm5 =	vlt.s32 v5, v2  }
0x283: {  	v5 =	vsub.s32 v5, v1;
	vm0 =	vmand vm4, vm5  }
0x284: {  	v5 =	vnsel vm0, $0x0, v5;
	_ =	sdelay $0x4  }
0x285: {  	[tilespmem:v5+s29+$0x0] =	vst.idx.add.f32.msk vm0, v4  }
0x286: {  	v5 =	vld [tilespmem:s5+$0x6030]  }
0x287: {  	v6 =	vld [tilespmem:s5+$0x4030];
	_ =	sdelay $0x3  }
0x288: {  	v5 =	vshll.u32 v5, $0xB  }
0x289: {  	v5 =	vadd.s32 v6, v5  }
0x28a: {  	vm6 =	vge.s32 v5, v1;
	vm7 =	vlt.s32 v5, v2  }
0x28b: {  	v5 =	vsub.s32 v5, v1;
	vm0 =	vmand vm6, vm7  }
0x28c: {  	v5 =	vnsel vm0, $0x0, v5;
	_ =	sdelay $0x4  }
0x28d: {  	[tilespmem:v5+s29+$0x0] =	vst.idx.add.f32.msk vm0, v4  }
0x28e: {  	v5 =	vld [tilespmem:s5+$0x6040]  }
0x28f: {  	v6 =	vld [tilespmem:s5+$0x4040];
	_ =	sdelay $0x3  }
0x290: {  	v5 =	vshll.u32 v5, $0xB  }
0x291: {  	v5 =	vadd.s32 v6, v5  }
0x292: {  	vm8 =	vge.s32 v5, v1;
	vm9 =	vlt.s32 v5, v2  }
0x293: {  	v5 =	vsub.s32 v5, v1;
	vm0 =	vmand vm8, vm9  }
0x294: {  	v5 =	vnsel vm0, $0x0, v5;
	_ =	sdelay $0x4  }
0x295: {  	[tilespmem:v5+s29+$0x0] =	vst.idx.add.f32.msk vm0, v4  }
0x296: {  	v5 =	vld [tilespmem:s5+$0x6050]  }
0x297: {  	v6 =	vld [tilespmem:s5+$0x4050];
	_ =	sdelay $0x3  }
0x298: {  	v5 =	vshll.u32 v5, $0xB  }
0x299: {  	v5 =	vadd.s32 v6, v5  }
0x29a: {  	vm10 =	vge.s32 v5, v1;
	vm11 =	vlt.s32 v5, v2  }
0x29b: {  	v5 =	vsub.s32 v5, v1;
	vm0 =	vmand vm10, vm11  }
0x29c: {  	v5 =	vnsel vm0, $0x0, v5;
	_ =	sdelay $0x4  }
0x29d: {  	[tilespmem:v5+s29+$0x0] =	vst.idx.add.f32.msk vm0, v4  }
0x29e: {  	v5 =	vld [tilespmem:s5+$0x6060]  }
0x29f: {  	v6 =	vld [tilespmem:s5+$0x4060];
	_ =	sdelay $0x3  }
0x2a0: {  	v5 =	vshll.u32 v5, $0xB  }
0x2a1: {  	v5 =	vadd.s32 v6, v5  }
0x2a2: {  	vm12 =	vge.s32 v5, v1;
	vm13 =	vlt.s32 v5, v2  }
0x2a3: {  	v5 =	vsub.s32 v5, v1;
	vm0 =	vmand vm12, vm13  }
0x2a4: {  	v5 =	vnsel vm0, $0x0, v5;
	_ =	sdelay $0x4  }
0x2a5: {  	[tilespmem:v5+s29+$0x0] =	vst.idx.add.f32.msk vm0, v4  }
0x2a6: {  	v5 =	vld [tilespmem:s5+$0x6070]  }
0x2a7: {  	v6 =	vld [tilespmem:s5+$0x4070];
	_ =	sdelay $0x3  }
0x2a8: {  	v5 =	vshll.u32 v5, $0xB  }
0x2a9: {  	v5 =	vadd.s32 v6, v5  }
0x2aa: {  	vm14 =	vge.s32 v5, v1;
	vm15 =	vlt.s32 v5, v2  }
0x2ab: {  	v5 =	vsub.s32 v5, v1;
	vm0 =	vmand vm14, vm15  }
0x2ac: {  	p0 =	sne.s32 s4, $0x7E00;
	v5 =	vnsel vm0, $0x0, v5  }
.Ltmp9:
0x2ad: {  	_ = 	snop;
	(pc) =	sbr.rel @p0 .LBB2_20-.Ltmp9, $2  }
0x2ae: {  	_ =	sdelay $0x2  }
0x2af: {  	s4 =	sadd.s32 $0x200, s4;
	[tilespmem:v5+s29+$0x0] =	vst.idx.add.f32.msk vm0, v4  }
0x2b0: {  	s4 =	simm.s32 $0x0  }
0x2b1: {  	[hbm4b:s17+s4] =	stream.linear.scatter [tilespmem:s29], [sflag:$0x5], $0x10000, $0x38;
	[tilespmem:$0x19000] =	vst v63  }
0x2b2: {  	_ =	swait.ge [sflag:s22], $0x10000  }
0x2b3: {  	[sflag:s22] =	ssyncset.done $0x0  }
0x2b4: {  	[sflag:s22] =	ssyncadd.s32 $0xFFFF0000  }
0x2b5: {  	[bflag:$0x0] =	sbarrier.arrive $0xFFFF  }
0x2b6: {  	[tilespmem:s4], [sflag:$0x5] =	stream.linear.gather [hbm4b:s18+s4], $0x800, $0x38;
	[tilespmem:$0x19000] =	vst v63  }
0x2b7: {  	_ =	swait.ge [sflag:s22], $0x800  }
0x2b8: {  	[sflag:s22] =	ssyncset.done $0x0  }
0x2b9: {  	[sflag:s22] =	ssyncadd.s32 $0xFFFFF800  }
0x2ba: {  	[tilespmem:s23], [sflag:$0x5] =	stream.linear.gather [hbm4b:s16+s4], $0x800, $0x38;
	[tilespmem:$0x19000] =	vst v63  }
0x2bb: {  	_ =	swait.ge [sflag:s22], $0x800  }
0x2bc: {  	[sflag:s22] =	ssyncset.done $0x0  }
0x2bd: {  	[sflag:s22] =	ssyncadd.s32 $0xFFFFF800  }
0x2be: {  	[spmem:s7] =	stream.linear.scatter [tilespmem:s4], [sflag:$0x5], $0x800, $0x38;
	[tilespmem:$0x19000] =	vst v63  }
0x2bf: {  	_ =	swait.ge [sflag:s22], $0x800  }
0x2c0: {  	[sflag:s22] =	ssyncset.done $0x0  }
0x2c1: {  	[sflag:s22] =	ssyncadd.s32 $0xFFFFF800  }
0x2c2: {  	[spmem:s8] =	stream.linear.scatter [tilespmem:s23], [sflag:$0x5], $0x800, $0x38;
	[tilespmem:$0x19000] =	vst v63  }
0x2c3: {  	_ =	swait.ge [sflag:s22], $0x800  }
0x2c4: {  	[sflag:s22] =	ssyncset.done $0x0  }
0x2c5: {  	[sflag:s22] =	ssyncadd.s32 $0xFFFFF800  }
0x2c6: {  	s5 =	simm.s32 $0x200;
	s4 =	simm.s32 $0x0;
	[bflag:$0x0] =	sbarrier.arrive $0xFFFF  }
.LBB2_22:
0x2c7: {  	p0 =	sne.s32 s5, $0x3FE00;
	[tilespmem:s4+$0x8070] =	vst v3  }
0x2c8: {  	[tilespmem:s4+$0x8000] =	vst v3  }
0x2c9: {  	[tilespmem:s4+$0x8010] =	vst v3  }
.Ltmp10:
0x2ca: {  	[tilespmem:s4+$0x8020] =	vst v3;
	(pc) =	sbr.rel @p0 .LBB2_22-.Ltmp10, $4  }
0x2cb: {  	[tilespmem:s4+$0x8030] =	vst v3  }
0x2cc: {  	[tilespmem:s4+$0x8040] =	vst v3  }
0x2cd: {  	[tilespmem:s4+$0x8050] =	vst v3  }
0x2ce: {  	[tilespmem:s4+$0x8060] =	vst v3;
	s4 =	sshra.s32 s5, $0x2;
	s5 =	sadd.s32 $0x200, s5  }
0x2cf: {  	[tilespmem:s4+$0x8070] =	vst v3  }
0x2d0: {  	[tilespmem:s4+$0x8000] =	vst v3  }
0x2d1: {  	[tilespmem:s4+$0x8010] =	vst v3  }
0x2d2: {  	[tilespmem:s4+$0x8020] =	vst v3  }
0x2d3: {  	[tilespmem:s4+$0x8030] =	vst v3  }
0x2d4: {  	[tilespmem:s4+$0x8040] =	vst v3  }
0x2d5: {  	[tilespmem:s4+$0x8050] =	vst v3  }
0x2d6: {  	[tilespmem:s4+$0x8060] =	vst v3;
	s4 =	simm.s32 $0x0  }
0x2d7: {  	[tilespmem:s4], [sflag:$0x1] =	stream.linear.gather [spmem:s1], $0x2000, $0x38;
	[tilespmem:$0x19000] =	vst v63  }
0x2d8: {  	_ = 	snop  }
0x2d9: {  	[tilespmem:s23], [sflag:$0x2] =	stream.linear.gather [spmem:s2], $0x2000, $0x38;
	[tilespmem:$0x19000] =	vst v63  }
0x2da: {  	_ =	swait.ge [sflag:s24], $0x2000  }
0x2db: {  	[sflag:s24] =	ssyncset.done $0x0  }
0x2dc: {  	[sflag:s24] =	ssyncadd.s32 $0xFFFFE000  }
0x2dd: {  	_ =	swait.ge [sflag:s25], $0x2000  }
0x2de: {  	[sflag:s25] =	ssyncset.done $0x0  }
0x2df: {  	[sflag:s25] =	ssyncadd.s32 $0xFFFFE000  }
0x2e0: {  	[tilespmem:s26], [sflag:$0x3] =	stream.linear.gather [spmem:s9], $0x2000, $0x38;
	[tilespmem:$0x19000] =	vst v63  }
0x2e1: {  	_ = 	snop  }
0x2e2: {  	[tilespmem:s28], [sflag:$0x4] =	stream.linear.gather [spmem:s10], $0x2000, $0x38;
	[tilespmem:$0x19000] =	vst v63  }
.LBB2_24:
0x2e3: {  	s5 =	sshra.s32 s4, $0x2  }
0x2e4: {  	v5 =	vld [tilespmem:s5+$0x2000]  }
0x2e5: {  	v6 =	vld [tilespmem:s5+$0x0];
	_ =	sdelay $0x3  }
0x2e6: {  	v5 =	vshll.u32 v5, $0xB  }
0x2e7: {  	v5 =	vadd.s32 v6, v5  }
0x2e8: {  	vm0 =	vge.s32 v5, v0;
	vm1 =	vlt.s32 v5, v1  }
0x2e9: {  	v5 =	vsub.s32 v5, v0;
	vm0 =	vmand vm0, vm1  }
0x2ea: {  	v5 =	vnsel vm0, $0x0, v5;
	_ =	sdelay $0x4  }
0x2eb: {  	[tilespmem:v5+s29+$0x0] =	vst.idx.add.f32.msk vm0, v4  }
0x2ec: {  	v5 =	vld [tilespmem:s5+$0x2010]  }
0x2ed: {  	v6 =	vld [tilespmem:s5+$0x10];
	_ =	sdelay $0x3  }
0x2ee: {  	v5 =	vshll.u32 v5, $0xB  }
0x2ef: {  	v5 =	vadd.s32 v6, v5  }
0x2f0: {  	vm14 =	vge.s32 v5, v0;
	vm15 =	vlt.s32 v5, v1  }
0x2f1: {  	v5 =	vsub.s32 v5, v0;
	vm0 =	vmand vm14, vm15  }
0x2f2: {  	v5 =	vnsel vm0, $0x0, v5;
	_ =	sdelay $0x4  }
0x2f3: {  	[tilespmem:v5+s29+$0x0] =	vst.idx.add.f32.msk vm0, v4  }
0x2f4: {  	v5 =	vld [tilespmem:s5+$0x2020]  }
0x2f5: {  	v6 =	vld [tilespmem:s5+$0x20];
	_ =	sdelay $0x3  }
0x2f6: {  	v5 =	vshll.u32 v5, $0xB  }
0x2f7: {  	v5 =	vadd.s32 v6, v5  }
0x2f8: {  	vm4 =	vge.s32 v5, v0;
	vm5 =	vlt.s32 v5, v1  }
0x2f9: {  	v5 =	vsub.s32 v5, v0;
	vm0 =	vmand vm4, vm5  }
0x2fa: {  	v5 =	vnsel vm0, $0x0, v5;
	_ =	sdelay $0x4  }
0x2fb: {  	[tilespmem:v5+s29+$0x0] =	vst.idx.add.f32.msk vm0, v4  }
0x2fc: {  	v5 =	vld [tilespmem:s5+$0x2030]  }
0x2fd: {  	v6 =	vld [tilespmem:s5+$0x30];
	_ =	sdelay $0x3  }
0x2fe: {  	v5 =	vshll.u32 v5, $0xB  }
0x2ff: {  	v5 =	vadd.s32 v6, v5  }
0x300: {  	vm6 =	vge.s32 v5, v0;
	vm7 =	vlt.s32 v5, v1  }
0x301: {  	v5 =	vsub.s32 v5, v0;
	vm0 =	vmand vm6, vm7  }
0x302: {  	v5 =	vnsel vm0, $0x0, v5;
	_ =	sdelay $0x4  }
0x303: {  	[tilespmem:v5+s29+$0x0] =	vst.idx.add.f32.msk vm0, v4  }
0x304: {  	v5 =	vld [tilespmem:s5+$0x2040]  }
0x305: {  	v6 =	vld [tilespmem:s5+$0x40];
	_ =	sdelay $0x3  }
0x306: {  	v5 =	vshll.u32 v5, $0xB  }
0x307: {  	v5 =	vadd.s32 v6, v5  }
0x308: {  	vm8 =	vge.s32 v5, v0;
	vm9 =	vlt.s32 v5, v1  }
0x309: {  	v5 =	vsub.s32 v5, v0;
	vm0 =	vmand vm8, vm9  }
0x30a: {  	v5 =	vnsel vm0, $0x0, v5;
	_ =	sdelay $0x4  }
0x30b: {  	[tilespmem:v5+s29+$0x0] =	vst.idx.add.f32.msk vm0, v4  }
0x30c: {  	v5 =	vld [tilespmem:s5+$0x2050]  }
0x30d: {  	v6 =	vld [tilespmem:s5+$0x50];
	_ =	sdelay $0x3  }
0x30e: {  	v5 =	vshll.u32 v5, $0xB  }
0x30f: {  	v5 =	vadd.s32 v6, v5  }
0x310: {  	vm10 =	vge.s32 v5, v0;
	vm11 =	vlt.s32 v5, v1  }
0x311: {  	v5 =	vsub.s32 v5, v0;
	vm0 =	vmand vm10, vm11  }
0x312: {  	v5 =	vnsel vm0, $0x0, v5;
	_ =	sdelay $0x4  }
0x313: {  	[tilespmem:v5+s29+$0x0] =	vst.idx.add.f32.msk vm0, v4  }
0x314: {  	v5 =	vld [tilespmem:s5+$0x2060]  }
0x315: {  	v6 =	vld [tilespmem:s5+$0x60];
	_ =	sdelay $0x3  }
0x316: {  	v5 =	vshll.u32 v5, $0xB  }
0x317: {  	v5 =	vadd.s32 v6, v5  }
0x318: {  	vm12 =	vge.s32 v5, v0;
	vm13 =	vlt.s32 v5, v1  }
0x319: {  	v5 =	vsub.s32 v5, v0;
	vm0 =	vmand vm12, vm13  }
0x31a: {  	v5 =	vnsel vm0, $0x0, v5;
	_ =	sdelay $0x4  }
0x31b: {  	[tilespmem:v5+s29+$0x0] =	vst.idx.add.f32.msk vm0, v4  }
0x31c: {  	v5 =	vld [tilespmem:s5+$0x2070]  }
0x31d: {  	v6 =	vld [tilespmem:s5+$0x70];
	_ =	sdelay $0x3  }
0x31e: {  	v5 =	vshll.u32 v5, $0xB  }
0x31f: {  	v5 =	vadd.s32 v6, v5  }
0x320: {  	vm14 =	vge.s32 v5, v0;
	vm15 =	vlt.s32 v5, v1  }
0x321: {  	v5 =	vsub.s32 v5, v0;
	vm0 =	vmand vm14, vm15  }
0x322: {  	p0 =	sne.s32 s4, $0x7E00;
	v5 =	vnsel vm0, $0x0, v5  }
.Ltmp11:
0x323: {  	_ = 	snop;
	(pc) =	sbr.rel @p0 .LBB2_24-.Ltmp11, $2  }
0x324: {  	_ =	sdelay $0x2  }
0x325: {  	s4 =	sadd.s32 $0x200, s4;
	[tilespmem:v5+s29+$0x0] =	vst.idx.add.f32.msk vm0, v4  }
0x326: {  	_ =	swait.ge [sflag:s30], $0x2000  }
0x327: {  	[sflag:s30] =	ssyncset.done $0x0  }
0x328: {  	[sflag:s30] =	ssyncadd.s32 $0xFFFFE000  }
0x329: {  	_ =	swait.ge [sflag:s31], $0x2000  }
0x32a: {  	[sflag:s31] =	ssyncset.done $0x0  }
0x32b: {  	s4 =	simm.s32 $0x0;
	[sflag:s31] =	ssyncadd.s32 $0xFFFFE000  }
0x32c: {  	[tilespmem:s4], [sflag:$0x1] =	stream.linear.gather [spmem:s11], $0x2000, $0x38;
	[tilespmem:$0x19000] =	vst v63  }
0x32d: {  	_ = 	snop  }
0x32e: {  	[tilespmem:s23], [sflag:$0x2] =	stream.linear.gather [spmem:s12], $0x2000, $0x38;
	[tilespmem:$0x19000] =	vst v63  }
.LBB2_26:
0x32f: {  	s5 =	sshra.s32 s4, $0x2  }
0x330: {  	v5 =	vld [tilespmem:s5+$0x6000]  }
0x331: {  	v6 =	vld [tilespmem:s5+$0x4000];
	_ =	sdelay $0x3  }
0x332: {  	v5 =	vshll.u32 v5, $0xB  }
0x333: {  	v5 =	vadd.s32 v6, v5  }
0x334: {  	vm0 =	vge.s32 v5, v0;
	vm1 =	vlt.s32 v5, v1  }
0x335: {  	v5 =	vsub.s32 v5, v0;
	vm0 =	vmand vm0, vm1  }
0x336: {  	v5 =	vnsel vm0, $0x0, v5;
	_ =	sdelay $0x4  }
0x337: {  	[tilespmem:v5+s29+$0x0] =	vst.idx.add.f32.msk vm0, v4  }
0x338: {  	v5 =	vld [tilespmem:s5+$0x6010]  }
0x339: {  	v6 =	vld [tilespmem:s5+$0x4010];
	_ =	sdelay $0x3  }
0x33a: {  	v5 =	vshll.u32 v5, $0xB  }
0x33b: {  	v5 =	vadd.s32 v6, v5  }
0x33c: {  	vm14 =	vge.s32 v5, v0;
	vm15 =	vlt.s32 v5, v1  }
0x33d: {  	v5 =	vsub.s32 v5, v0;
	vm0 =	vmand vm14, vm15  }
0x33e: {  	v5 =	vnsel vm0, $0x0, v5;
	_ =	sdelay $0x4  }
0x33f: {  	[tilespmem:v5+s29+$0x0] =	vst.idx.add.f32.msk vm0, v4  }
0x340: {  	v5 =	vld [tilespmem:s5+$0x6020]  }
0x341: {  	v6 =	vld [tilespmem:s5+$0x4020];
	_ =	sdelay $0x3  }
0x342: {  	v5 =	vshll.u32 v5, $0xB  }
0x343: {  	v5 =	vadd.s32 v6, v5  }
0x344: {  	vm4 =	vge.s32 v5, v0;
	vm5 =	vlt.s32 v5, v1  }
0x345: {  	v5 =	vsub.s32 v5, v0;
	vm0 =	vmand vm4, vm5  }
0x346: {  	v5 =	vnsel vm0, $0x0, v5;
	_ =	sdelay $0x4  }
0x347: {  	[tilespmem:v5+s29+$0x0] =	vst.idx.add.f32.msk vm0, v4  }
0x348: {  	v5 =	vld [tilespmem:s5+$0x6030]  }
0x349: {  	v6 =	vld [tilespmem:s5+$0x4030];
	_ =	sdelay $0x3  }
0x34a: {  	v5 =	vshll.u32 v5, $0xB  }
0x34b: {  	v5 =	vadd.s32 v6, v5  }
0x34c: {  	vm6 =	vge.s32 v5, v0;
	vm7 =	vlt.s32 v5, v1  }
0x34d: {  	v5 =	vsub.s32 v5, v0;
	vm0 =	vmand vm6, vm7  }
0x34e: {  	v5 =	vnsel vm0, $0x0, v5;
	_ =	sdelay $0x4  }
0x34f: {  	[tilespmem:v5+s29+$0x0] =	vst.idx.add.f32.msk vm0, v4  }
0x350: {  	v5 =	vld [tilespmem:s5+$0x6040]  }
0x351: {  	v6 =	vld [tilespmem:s5+$0x4040];
	_ =	sdelay $0x3  }
0x352: {  	v5 =	vshll.u32 v5, $0xB  }
0x353: {  	v5 =	vadd.s32 v6, v5  }
0x354: {  	vm8 =	vge.s32 v5, v0;
	vm9 =	vlt.s32 v5, v1  }
0x355: {  	v5 =	vsub.s32 v5, v0;
	vm0 =	vmand vm8, vm9  }
0x356: {  	v5 =	vnsel vm0, $0x0, v5;
	_ =	sdelay $0x4  }
0x357: {  	[tilespmem:v5+s29+$0x0] =	vst.idx.add.f32.msk vm0, v4  }
0x358: {  	v5 =	vld [tilespmem:s5+$0x6050]  }
0x359: {  	v6 =	vld [tilespmem:s5+$0x4050];
	_ =	sdelay $0x3  }
0x35a: {  	v5 =	vshll.u32 v5, $0xB  }
0x35b: {  	v5 =	vadd.s32 v6, v5  }
0x35c: {  	vm10 =	vge.s32 v5, v0;
	vm11 =	vlt.s32 v5, v1  }
0x35d: {  	v5 =	vsub.s32 v5, v0;
	vm0 =	vmand vm10, vm11  }
0x35e: {  	v5 =	vnsel vm0, $0x0, v5;
	_ =	sdelay $0x4  }
0x35f: {  	[tilespmem:v5+s29+$0x0] =	vst.idx.add.f32.msk vm0, v4  }
0x360: {  	v5 =	vld [tilespmem:s5+$0x6060]  }
0x361: {  	v6 =	vld [tilespmem:s5+$0x4060];
	_ =	sdelay $0x3  }
0x362: {  	v5 =	vshll.u32 v5, $0xB  }
0x363: {  	v5 =	vadd.s32 v6, v5  }
0x364: {  	vm12 =	vge.s32 v5, v0;
	vm13 =	vlt.s32 v5, v1  }
0x365: {  	v5 =	vsub.s32 v5, v0;
	vm0 =	vmand vm12, vm13  }
0x366: {  	v5 =	vnsel vm0, $0x0, v5;
	_ =	sdelay $0x4  }
0x367: {  	[tilespmem:v5+s29+$0x0] =	vst.idx.add.f32.msk vm0, v4  }
0x368: {  	v5 =	vld [tilespmem:s5+$0x6070]  }
0x369: {  	v6 =	vld [tilespmem:s5+$0x4070];
	_ =	sdelay $0x3  }
0x36a: {  	v5 =	vshll.u32 v5, $0xB  }
0x36b: {  	v5 =	vadd.s32 v6, v5  }
0x36c: {  	vm14 =	vge.s32 v5, v0;
	vm15 =	vlt.s32 v5, v1  }
0x36d: {  	v5 =	vsub.s32 v5, v0;
	vm0 =	vmand vm14, vm15  }
0x36e: {  	p0 =	sne.s32 s4, $0x7E00;
	v5 =	vnsel vm0, $0x0, v5  }
.Ltmp12:
0x36f: {  	_ = 	snop;
	(pc) =	sbr.rel @p0 .LBB2_26-.Ltmp12, $2  }
0x370: {  	_ =	sdelay $0x2  }
0x371: {  	s4 =	sadd.s32 $0x200, s4;
	[tilespmem:v5+s29+$0x0] =	vst.idx.add.f32.msk vm0, v4  }
0x372: {  	_ =	swait.ge [sflag:s24], $0x2000  }
0x373: {  	[sflag:s24] =	ssyncset.done $0x0  }
0x374: {  	[sflag:s24] =	ssyncadd.s32 $0xFFFFE000  }
0x375: {  	_ =	swait.ge [sflag:s25], $0x2000  }
0x376: {  	[sflag:s25] =	ssyncset.done $0x0  }
0x377: {  	[sflag:s25] =	ssyncadd.s32 $0xFFFFE000  }
0x378: {  	[tilespmem:s26], [sflag:$0x3] =	stream.linear.gather [spmem:s13], $0x2000, $0x38;
	[tilespmem:$0x19000] =	vst v63  }
0x379: {  	s4 =	simm.s32 $0x0  }
0x37a: {  	[tilespmem:s28], [sflag:$0x4] =	stream.linear.gather [spmem:s14], $0x2000, $0x38;
	[tilespmem:$0x19000] =	vst v63  }
.LBB2_28:
0x37b: {  	s5 =	sshra.s32 s4, $0x2  }
0x37c: {  	v5 =	vld [tilespmem:s5+$0x2000]  }
0x37d: {  	v6 =	vld [tilespmem:s5+$0x0];
	_ =	sdelay $0x3  }
0x37e: {  	v5 =	vshll.u32 v5, $0xB  }
0x37f: {  	v5 =	vadd.s32 v6, v5  }
0x380: {  	vm0 =	vge.s32 v5, v0;
	vm1 =	vlt.s32 v5, v1  }
0x381: {  	v5 =	vsub.s32 v5, v0;
	vm0 =	vmand vm0, vm1  }
0x382: {  	v5 =	vnsel vm0, $0x0, v5;
	_ =	sdelay $0x4  }
0x383: {  	[tilespmem:v5+s29+$0x0] =	vst.idx.add.f32.msk vm0, v4  }
0x384: {  	v5 =	vld [tilespmem:s5+$0x2010]  }
0x385: {  	v6 =	vld [tilespmem:s5+$0x10];
	_ =	sdelay $0x3  }
0x386: {  	v5 =	vshll.u32 v5, $0xB  }
0x387: {  	v5 =	vadd.s32 v6, v5  }
0x388: {  	vm14 =	vge.s32 v5, v0;
	vm15 =	vlt.s32 v5, v1  }
0x389: {  	v5 =	vsub.s32 v5, v0;
	vm0 =	vmand vm14, vm15  }
0x38a: {  	v5 =	vnsel vm0, $0x0, v5;
	_ =	sdelay $0x4  }
0x38b: {  	[tilespmem:v5+s29+$0x0] =	vst.idx.add.f32.msk vm0, v4  }
0x38c: {  	v5 =	vld [tilespmem:s5+$0x2020]  }
0x38d: {  	v6 =	vld [tilespmem:s5+$0x20];
	_ =	sdelay $0x3  }
0x38e: {  	v5 =	vshll.u32 v5, $0xB  }
0x38f: {  	v5 =	vadd.s32 v6, v5  }
0x390: {  	vm4 =	vge.s32 v5, v0;
	vm5 =	vlt.s32 v5, v1  }
0x391: {  	v5 =	vsub.s32 v5, v0;
	vm0 =	vmand vm4, vm5  }
0x392: {  	v5 =	vnsel vm0, $0x0, v5;
	_ =	sdelay $0x4  }
0x393: {  	[tilespmem:v5+s29+$0x0] =	vst.idx.add.f32.msk vm0, v4  }
0x394: {  	v5 =	vld [tilespmem:s5+$0x2030]  }
0x395: {  	v6 =	vld [tilespmem:s5+$0x30];
	_ =	sdelay $0x3  }
0x396: {  	v5 =	vshll.u32 v5, $0xB  }
0x397: {  	v5 =	vadd.s32 v6, v5  }
0x398: {  	vm6 =	vge.s32 v5, v0;
	vm7 =	vlt.s32 v5, v1  }
0x399: {  	v5 =	vsub.s32 v5, v0;
	vm0 =	vmand vm6, vm7  }
0x39a: {  	v5 =	vnsel vm0, $0x0, v5;
	_ =	sdelay $0x4  }
0x39b: {  	[tilespmem:v5+s29+$0x0] =	vst.idx.add.f32.msk vm0, v4  }
0x39c: {  	v5 =	vld [tilespmem:s5+$0x2040]  }
0x39d: {  	v6 =	vld [tilespmem:s5+$0x40];
	_ =	sdelay $0x3  }
0x39e: {  	v5 =	vshll.u32 v5, $0xB  }
0x39f: {  	v5 =	vadd.s32 v6, v5  }
0x3a0: {  	vm8 =	vge.s32 v5, v0;
	vm9 =	vlt.s32 v5, v1  }
0x3a1: {  	v5 =	vsub.s32 v5, v0;
	vm0 =	vmand vm8, vm9  }
0x3a2: {  	v5 =	vnsel vm0, $0x0, v5;
	_ =	sdelay $0x4  }
0x3a3: {  	[tilespmem:v5+s29+$0x0] =	vst.idx.add.f32.msk vm0, v4  }
0x3a4: {  	v5 =	vld [tilespmem:s5+$0x2050]  }
0x3a5: {  	v6 =	vld [tilespmem:s5+$0x50];
	_ =	sdelay $0x3  }
0x3a6: {  	v5 =	vshll.u32 v5, $0xB  }
0x3a7: {  	v5 =	vadd.s32 v6, v5  }
0x3a8: {  	vm10 =	vge.s32 v5, v0;
	vm11 =	vlt.s32 v5, v1  }
0x3a9: {  	v5 =	vsub.s32 v5, v0;
	vm0 =	vmand vm10, vm11  }
0x3aa: {  	v5 =	vnsel vm0, $0x0, v5;
	_ =	sdelay $0x4  }
0x3ab: {  	[tilespmem:v5+s29+$0x0] =	vst.idx.add.f32.msk vm0, v4  }
0x3ac: {  	v5 =	vld [tilespmem:s5+$0x2060]  }
0x3ad: {  	v6 =	vld [tilespmem:s5+$0x60];
	_ =	sdelay $0x3  }
0x3ae: {  	v5 =	vshll.u32 v5, $0xB  }
0x3af: {  	v5 =	vadd.s32 v6, v5  }
0x3b0: {  	vm12 =	vge.s32 v5, v0;
	vm13 =	vlt.s32 v5, v1  }
0x3b1: {  	v5 =	vsub.s32 v5, v0;
	vm0 =	vmand vm12, vm13  }
0x3b2: {  	v5 =	vnsel vm0, $0x0, v5;
	_ =	sdelay $0x4  }
0x3b3: {  	[tilespmem:v5+s29+$0x0] =	vst.idx.add.f32.msk vm0, v4  }
0x3b4: {  	v5 =	vld [tilespmem:s5+$0x2070]  }
0x3b5: {  	v6 =	vld [tilespmem:s5+$0x70];
	_ =	sdelay $0x3  }
0x3b6: {  	v5 =	vshll.u32 v5, $0xB  }
0x3b7: {  	v5 =	vadd.s32 v6, v5  }
0x3b8: {  	vm14 =	vge.s32 v5, v0;
	vm15 =	vlt.s32 v5, v1  }
0x3b9: {  	v5 =	vsub.s32 v5, v0;
	vm0 =	vmand vm14, vm15  }
0x3ba: {  	p0 =	sne.s32 s4, $0x7E00;
	v5 =	vnsel vm0, $0x0, v5  }
.Ltmp13:
0x3bb: {  	_ = 	snop;
	(pc) =	sbr.rel @p0 .LBB2_28-.Ltmp13, $2  }
0x3bc: {  	_ =	sdelay $0x2  }
0x3bd: {  	s4 =	sadd.s32 $0x200, s4;
	[tilespmem:v5+s29+$0x0] =	vst.idx.add.f32.msk vm0, v4  }
0x3be: {  	_ =	swait.ge [sflag:s30], $0x2000  }
0x3bf: {  	[sflag:s30] =	ssyncset.done $0x0  }
0x3c0: {  	[sflag:s30] =	ssyncadd.s32 $0xFFFFE000  }
0x3c1: {  	_ =	swait.ge [sflag:s31], $0x2000  }
0x3c2: {  	[sflag:s31] =	ssyncset.done $0x0  }
0x3c3: {  	s4 =	simm.s32 $0x0;
	[sflag:s31] =	ssyncadd.s32 $0xFFFFE000  }
.LBB2_30:
0x3c4: {  	s5 =	sshra.s32 s4, $0x2  }
0x3c5: {  	v5 =	vld [tilespmem:s5+$0x6000]  }
0x3c6: {  	v6 =	vld [tilespmem:s5+$0x4000];
	_ =	sdelay $0x3  }
0x3c7: {  	v5 =	vshll.u32 v5, $0xB  }
0x3c8: {  	v5 =	vadd.s32 v6, v5  }
0x3c9: {  	vm0 =	vge.s32 v5, v0;
	vm1 =	vlt.s32 v5, v1  }
0x3ca: {  	v5 =	vsub.s32 v5, v0;
	vm0 =	vmand vm0, vm1  }
0x3cb: {  	v5 =	vnsel vm0, $0x0, v5;
	_ =	sdelay $0x4  }
0x3cc: {  	[tilespmem:v5+s29+$0x0] =	vst.idx.add.f32.msk vm0, v4  }
0x3cd: {  	v5 =	vld [tilespmem:s5+$0x6010]  }
0x3ce: {  	v6 =	vld [tilespmem:s5+$0x4010];
	_ =	sdelay $0x3  }
0x3cf: {  	v5 =	vshll.u32 v5, $0xB  }
0x3d0: {  	v5 =	vadd.s32 v6, v5  }
0x3d1: {  	vm14 =	vge.s32 v5, v0;
	vm15 =	vlt.s32 v5, v1  }
0x3d2: {  	v5 =	vsub.s32 v5, v0;
	vm0 =	vmand vm14, vm15  }
0x3d3: {  	v5 =	vnsel vm0, $0x0, v5;
	_ =	sdelay $0x4  }
0x3d4: {  	[tilespmem:v5+s29+$0x0] =	vst.idx.add.f32.msk vm0, v4  }
0x3d5: {  	v5 =	vld [tilespmem:s5+$0x6020]  }
0x3d6: {  	v6 =	vld [tilespmem:s5+$0x4020];
	_ =	sdelay $0x3  }
0x3d7: {  	v5 =	vshll.u32 v5, $0xB  }
0x3d8: {  	v5 =	vadd.s32 v6, v5  }
0x3d9: {  	vm4 =	vge.s32 v5, v0;
	vm5 =	vlt.s32 v5, v1  }
0x3da: {  	v5 =	vsub.s32 v5, v0;
	vm0 =	vmand vm4, vm5  }
0x3db: {  	v5 =	vnsel vm0, $0x0, v5;
	_ =	sdelay $0x4  }
0x3dc: {  	[tilespmem:v5+s29+$0x0] =	vst.idx.add.f32.msk vm0, v4  }
0x3dd: {  	v5 =	vld [tilespmem:s5+$0x6030]  }
0x3de: {  	v6 =	vld [tilespmem:s5+$0x4030];
	_ =	sdelay $0x3  }
0x3df: {  	v5 =	vshll.u32 v5, $0xB  }
0x3e0: {  	v5 =	vadd.s32 v6, v5  }
0x3e1: {  	vm6 =	vge.s32 v5, v0;
	vm7 =	vlt.s32 v5, v1  }
0x3e2: {  	v5 =	vsub.s32 v5, v0;
	vm0 =	vmand vm6, vm7  }
0x3e3: {  	v5 =	vnsel vm0, $0x0, v5;
	_ =	sdelay $0x4  }
0x3e4: {  	[tilespmem:v5+s29+$0x0] =	vst.idx.add.f32.msk vm0, v4  }
0x3e5: {  	v5 =	vld [tilespmem:s5+$0x6040]  }
0x3e6: {  	v6 =	vld [tilespmem:s5+$0x4040];
	_ =	sdelay $0x3  }
0x3e7: {  	v5 =	vshll.u32 v5, $0xB  }
0x3e8: {  	v5 =	vadd.s32 v6, v5  }
0x3e9: {  	vm8 =	vge.s32 v5, v0;
	vm9 =	vlt.s32 v5, v1  }
0x3ea: {  	v5 =	vsub.s32 v5, v0;
	vm0 =	vmand vm8, vm9  }
0x3eb: {  	v5 =	vnsel vm0, $0x0, v5;
	_ =	sdelay $0x4  }
0x3ec: {  	[tilespmem:v5+s29+$0x0] =	vst.idx.add.f32.msk vm0, v4  }
0x3ed: {  	v5 =	vld [tilespmem:s5+$0x6050]  }
0x3ee: {  	v6 =	vld [tilespmem:s5+$0x4050];
	_ =	sdelay $0x3  }
0x3ef: {  	v5 =	vshll.u32 v5, $0xB  }
0x3f0: {  	v5 =	vadd.s32 v6, v5  }
0x3f1: {  	vm10 =	vge.s32 v5, v0;
	vm11 =	vlt.s32 v5, v1  }
0x3f2: {  	v5 =	vsub.s32 v5, v0;
	vm0 =	vmand vm10, vm11  }
0x3f3: {  	v5 =	vnsel vm0, $0x0, v5;
	_ =	sdelay $0x4  }
0x3f4: {  	[tilespmem:v5+s29+$0x0] =	vst.idx.add.f32.msk vm0, v4  }
0x3f5: {  	v5 =	vld [tilespmem:s5+$0x6060]  }
0x3f6: {  	v6 =	vld [tilespmem:s5+$0x4060];
	_ =	sdelay $0x3  }
0x3f7: {  	v5 =	vshll.u32 v5, $0xB  }
0x3f8: {  	v5 =	vadd.s32 v6, v5  }
0x3f9: {  	vm12 =	vge.s32 v5, v0;
	vm13 =	vlt.s32 v5, v1  }
0x3fa: {  	v5 =	vsub.s32 v5, v0;
	vm0 =	vmand vm12, vm13  }
0x3fb: {  	v5 =	vnsel vm0, $0x0, v5;
	_ =	sdelay $0x4  }
0x3fc: {  	[tilespmem:v5+s29+$0x0] =	vst.idx.add.f32.msk vm0, v4  }
0x3fd: {  	v5 =	vld [tilespmem:s5+$0x6070]  }
0x3fe: {  	v6 =	vld [tilespmem:s5+$0x4070];
	_ =	sdelay $0x3  }
0x3ff: {  	v5 =	vshll.u32 v5, $0xB  }
0x400: {  	v5 =	vadd.s32 v6, v5  }
0x401: {  	vm14 =	vge.s32 v5, v0;
	vm15 =	vlt.s32 v5, v1  }
0x402: {  	v5 =	vsub.s32 v5, v0;
	vm0 =	vmand vm14, vm15  }
0x403: {  	p0 =	sne.s32 s4, $0x7E00;
	v5 =	vnsel vm0, $0x0, v5  }
.Ltmp14:
0x404: {  	_ = 	snop;
	(pc) =	sbr.rel @p0 .LBB2_30-.Ltmp14, $2  }
0x405: {  	_ =	sdelay $0x2  }
0x406: {  	s4 =	sadd.s32 $0x200, s4;
	[tilespmem:v5+s29+$0x0] =	vst.idx.add.f32.msk vm0, v4  }
0x407: {  	s4 =	simm.s32 $0x0  }
0x408: {  	[hbm4b:s19+s4] =	stream.linear.scatter [tilespmem:s29], [sflag:$0x5], $0x10000, $0x38;
	[tilespmem:$0x19000] =	vst v63  }
0x409: {  	_ =	swait.ge [sflag:s22], $0x10000  }
0x40a: {  	[sflag:s22] =	ssyncset.done $0x0  }
0x40b: {  	s5 =	simm.s32 $0x200;
	s4 =	simm.s32 $0x0;
	[sflag:s22] =	ssyncadd.s32 $0xFFFF0000  }
.LBB2_32:
0x40c: {  	p0 =	sne.s32 s5, $0x3FE00;
	[tilespmem:s4+$0x8070] =	vst v3  }
0x40d: {  	[tilespmem:s4+$0x8000] =	vst v3  }
0x40e: {  	[tilespmem:s4+$0x8010] =	vst v3  }
.Ltmp15:
0x40f: {  	[tilespmem:s4+$0x8020] =	vst v3;
	(pc) =	sbr.rel @p0 .LBB2_32-.Ltmp15, $4  }
0x410: {  	[tilespmem:s4+$0x8030] =	vst v3  }
0x411: {  	[tilespmem:s4+$0x8040] =	vst v3  }
0x412: {  	[tilespmem:s4+$0x8050] =	vst v3  }
0x413: {  	[tilespmem:s4+$0x8060] =	vst v3;
	s4 =	sshra.s32 s5, $0x2;
	s5 =	sadd.s32 $0x200, s5  }
0x414: {  	[tilespmem:s4+$0x8070] =	vst v3  }
0x415: {  	[tilespmem:s4+$0x8000] =	vst v3  }
0x416: {  	[tilespmem:s4+$0x8010] =	vst v3  }
0x417: {  	[tilespmem:s4+$0x8020] =	vst v3  }
0x418: {  	[tilespmem:s4+$0x8030] =	vst v3  }
0x419: {  	[tilespmem:s4+$0x8040] =	vst v3  }
0x41a: {  	[tilespmem:s4+$0x8050] =	vst v3  }
0x41b: {  	[tilespmem:s4+$0x8060] =	vst v3;
	s4 =	simm.s32 $0x0  }
0x41c: {  	[tilespmem:s4], [sflag:$0x1] =	stream.linear.gather [spmem:s1], $0x2000, $0x38;
	[tilespmem:$0x19000] =	vst v63  }
0x41d: {  	_ = 	snop  }
0x41e: {  	[tilespmem:s23], [sflag:$0x2] =	stream.linear.gather [spmem:s2], $0x2000, $0x38;
	[tilespmem:$0x19000] =	vst v63  }
0x41f: {  	_ =	swait.ge [sflag:s24], $0x2000  }
0x420: {  	[sflag:s24] =	ssyncset.done $0x0  }
0x421: {  	[sflag:s24] =	ssyncadd.s32 $0xFFFFE000  }
0x422: {  	_ =	swait.ge [sflag:s25], $0x2000  }
0x423: {  	[sflag:s25] =	ssyncset.done $0x0  }
0x424: {  	[sflag:s25] =	ssyncadd.s32 $0xFFFFE000  }
0x425: {  	[tilespmem:s26], [sflag:$0x3] =	stream.linear.gather [spmem:s9], $0x2000, $0x38;
	[tilespmem:$0x19000] =	vst v63  }
0x426: {  	_ = 	snop  }
0x427: {  	[tilespmem:s28], [sflag:$0x4] =	stream.linear.gather [spmem:s10], $0x2000, $0x38;
	[tilespmem:$0x19000] =	vst v63  }
.LBB2_34:
0x428: {  	s5 =	sshra.s32 s4, $0x2  }
0x429: {  	v5 =	vld [tilespmem:s5+$0x2000]  }
0x42a: {  	v6 =	vld [tilespmem:s5+$0x0];
	_ =	sdelay $0x3  }
0x42b: {  	v5 =	vshll.u32 v5, $0xB  }
0x42c: {  	v5 =	vadd.s32 v6, v5  }
0x42d: {  	vm0 =	vge.s32 v5, v1;
	vm1 =	vlt.s32 v5, v2  }
0x42e: {  	v5 =	vsub.s32 v5, v1;
	vm0 =	vmand vm0, vm1  }
0x42f: {  	v5 =	vnsel vm0, $0x0, v5;
	_ =	sdelay $0x4  }
0x430: {  	[tilespmem:v5+s29+$0x0] =	vst.idx.add.f32.msk vm0, v4  }
0x431: {  	v5 =	vld [tilespmem:s5+$0x2010]  }
0x432: {  	v6 =	vld [tilespmem:s5+$0x10];
	_ =	sdelay $0x3  }
0x433: {  	v5 =	vshll.u32 v5, $0xB  }
0x434: {  	v5 =	vadd.s32 v6, v5  }
0x435: {  	vm14 =	vge.s32 v5, v1;
	vm15 =	vlt.s32 v5, v2  }
0x436: {  	v5 =	vsub.s32 v5, v1;
	vm0 =	vmand vm14, vm15  }
0x437: {  	v5 =	vnsel vm0, $0x0, v5;
	_ =	sdelay $0x4  }
0x438: {  	[tilespmem:v5+s29+$0x0] =	vst.idx.add.f32.msk vm0, v4  }
0x439: {  	v5 =	vld [tilespmem:s5+$0x2020]  }
0x43a: {  	v6 =	vld [tilespmem:s5+$0x20];
	_ =	sdelay $0x3  }
0x43b: {  	v5 =	vshll.u32 v5, $0xB  }
0x43c: {  	v5 =	vadd.s32 v6, v5  }
0x43d: {  	vm4 =	vge.s32 v5, v1;
	vm5 =	vlt.s32 v5, v2  }
0x43e: {  	v5 =	vsub.s32 v5, v1;
	vm0 =	vmand vm4, vm5  }
0x43f: {  	v5 =	vnsel vm0, $0x0, v5;
	_ =	sdelay $0x4  }
0x440: {  	[tilespmem:v5+s29+$0x0] =	vst.idx.add.f32.msk vm0, v4  }
0x441: {  	v5 =	vld [tilespmem:s5+$0x2030]  }
0x442: {  	v6 =	vld [tilespmem:s5+$0x30];
	_ =	sdelay $0x3  }
0x443: {  	v5 =	vshll.u32 v5, $0xB  }
0x444: {  	v5 =	vadd.s32 v6, v5  }
0x445: {  	vm6 =	vge.s32 v5, v1;
	vm7 =	vlt.s32 v5, v2  }
0x446: {  	v5 =	vsub.s32 v5, v1;
	vm0 =	vmand vm6, vm7  }
0x447: {  	v5 =	vnsel vm0, $0x0, v5;
	_ =	sdelay $0x4  }
0x448: {  	[tilespmem:v5+s29+$0x0] =	vst.idx.add.f32.msk vm0, v4  }
0x449: {  	v5 =	vld [tilespmem:s5+$0x2040]  }
0x44a: {  	v6 =	vld [tilespmem:s5+$0x40];
	_ =	sdelay $0x3  }
0x44b: {  	v5 =	vshll.u32 v5, $0xB  }
0x44c: {  	v5 =	vadd.s32 v6, v5  }
0x44d: {  	vm8 =	vge.s32 v5, v1;
	vm9 =	vlt.s32 v5, v2  }
0x44e: {  	v5 =	vsub.s32 v5, v1;
	vm0 =	vmand vm8, vm9  }
0x44f: {  	v5 =	vnsel vm0, $0x0, v5;
	_ =	sdelay $0x4  }
0x450: {  	[tilespmem:v5+s29+$0x0] =	vst.idx.add.f32.msk vm0, v4  }
0x451: {  	v5 =	vld [tilespmem:s5+$0x2050]  }
0x452: {  	v6 =	vld [tilespmem:s5+$0x50];
	_ =	sdelay $0x3  }
0x453: {  	v5 =	vshll.u32 v5, $0xB  }
0x454: {  	v5 =	vadd.s32 v6, v5  }
0x455: {  	vm10 =	vge.s32 v5, v1;
	vm11 =	vlt.s32 v5, v2  }
0x456: {  	v5 =	vsub.s32 v5, v1;
	vm0 =	vmand vm10, vm11  }
0x457: {  	v5 =	vnsel vm0, $0x0, v5;
	_ =	sdelay $0x4  }
0x458: {  	[tilespmem:v5+s29+$0x0] =	vst.idx.add.f32.msk vm0, v4  }
0x459: {  	v5 =	vld [tilespmem:s5+$0x2060]  }
0x45a: {  	v6 =	vld [tilespmem:s5+$0x60];
	_ =	sdelay $0x3  }
0x45b: {  	v5 =	vshll.u32 v5, $0xB  }
0x45c: {  	v5 =	vadd.s32 v6, v5  }
0x45d: {  	vm12 =	vge.s32 v5, v1;
	vm13 =	vlt.s32 v5, v2  }
0x45e: {  	v5 =	vsub.s32 v5, v1;
	vm0 =	vmand vm12, vm13  }
0x45f: {  	v5 =	vnsel vm0, $0x0, v5;
	_ =	sdelay $0x4  }
0x460: {  	[tilespmem:v5+s29+$0x0] =	vst.idx.add.f32.msk vm0, v4  }
0x461: {  	v5 =	vld [tilespmem:s5+$0x2070]  }
0x462: {  	v6 =	vld [tilespmem:s5+$0x70];
	_ =	sdelay $0x3  }
0x463: {  	v5 =	vshll.u32 v5, $0xB  }
0x464: {  	v5 =	vadd.s32 v6, v5  }
0x465: {  	vm14 =	vge.s32 v5, v1;
	vm15 =	vlt.s32 v5, v2  }
0x466: {  	v5 =	vsub.s32 v5, v1;
	vm0 =	vmand vm14, vm15  }
0x467: {  	p0 =	sne.s32 s4, $0x7E00;
	v5 =	vnsel vm0, $0x0, v5  }
.Ltmp16:
0x468: {  	_ = 	snop;
	(pc) =	sbr.rel @p0 .LBB2_34-.Ltmp16, $2  }
0x469: {  	_ =	sdelay $0x2  }
0x46a: {  	s4 =	sadd.s32 $0x200, s4;
	[tilespmem:v5+s29+$0x0] =	vst.idx.add.f32.msk vm0, v4  }
0x46b: {  	_ =	swait.ge [sflag:s30], $0x2000  }
0x46c: {  	[sflag:s30] =	ssyncset.done $0x0  }
0x46d: {  	[sflag:s30] =	ssyncadd.s32 $0xFFFFE000  }
0x46e: {  	_ =	swait.ge [sflag:s31], $0x2000  }
0x46f: {  	[sflag:s31] =	ssyncset.done $0x0  }
0x470: {  	s4 =	simm.s32 $0x0;
	[sflag:s31] =	ssyncadd.s32 $0xFFFFE000  }
0x471: {  	[tilespmem:s4], [sflag:$0x1] =	stream.linear.gather [spmem:s11], $0x2000, $0x38;
	[tilespmem:$0x19000] =	vst v63  }
0x472: {  	_ = 	snop  }
0x473: {  	[tilespmem:s23], [sflag:$0x2] =	stream.linear.gather [spmem:s12], $0x2000, $0x38;
	[tilespmem:$0x19000] =	vst v63  }
.LBB2_36:
0x474: {  	s5 =	sshra.s32 s4, $0x2  }
0x475: {  	v5 =	vld [tilespmem:s5+$0x6000]  }
0x476: {  	v6 =	vld [tilespmem:s5+$0x4000];
	_ =	sdelay $0x3  }
0x477: {  	v5 =	vshll.u32 v5, $0xB  }
0x478: {  	v5 =	vadd.s32 v6, v5  }
0x479: {  	vm0 =	vge.s32 v5, v1;
	vm1 =	vlt.s32 v5, v2  }
0x47a: {  	v5 =	vsub.s32 v5, v1;
	vm0 =	vmand vm0, vm1  }
0x47b: {  	v5 =	vnsel vm0, $0x0, v5;
	_ =	sdelay $0x4  }
0x47c: {  	[tilespmem:v5+s29+$0x0] =	vst.idx.add.f32.msk vm0, v4  }
0x47d: {  	v5 =	vld [tilespmem:s5+$0x6010]  }
0x47e: {  	v6 =	vld [tilespmem:s5+$0x4010];
	_ =	sdelay $0x3  }
0x47f: {  	v5 =	vshll.u32 v5, $0xB  }
0x480: {  	v5 =	vadd.s32 v6, v5  }
0x481: {  	vm14 =	vge.s32 v5, v1;
	vm15 =	vlt.s32 v5, v2  }
0x482: {  	v5 =	vsub.s32 v5, v1;
	vm0 =	vmand vm14, vm15  }
0x483: {  	v5 =	vnsel vm0, $0x0, v5;
	_ =	sdelay $0x4  }
0x484: {  	[tilespmem:v5+s29+$0x0] =	vst.idx.add.f32.msk vm0, v4  }
0x485: {  	v5 =	vld [tilespmem:s5+$0x6020]  }
0x486: {  	v6 =	vld [tilespmem:s5+$0x4020];
	_ =	sdelay $0x3  }
0x487: {  	v5 =	vshll.u32 v5, $0xB  }
0x488: {  	v5 =	vadd.s32 v6, v5  }
0x489: {  	vm4 =	vge.s32 v5, v1;
	vm5 =	vlt.s32 v5, v2  }
0x48a: {  	v5 =	vsub.s32 v5, v1;
	vm0 =	vmand vm4, vm5  }
0x48b: {  	v5 =	vnsel vm0, $0x0, v5;
	_ =	sdelay $0x4  }
0x48c: {  	[tilespmem:v5+s29+$0x0] =	vst.idx.add.f32.msk vm0, v4  }
0x48d: {  	v5 =	vld [tilespmem:s5+$0x6030]  }
0x48e: {  	v6 =	vld [tilespmem:s5+$0x4030];
	_ =	sdelay $0x3  }
0x48f: {  	v5 =	vshll.u32 v5, $0xB  }
0x490: {  	v5 =	vadd.s32 v6, v5  }
0x491: {  	vm6 =	vge.s32 v5, v1;
	vm7 =	vlt.s32 v5, v2  }
0x492: {  	v5 =	vsub.s32 v5, v1;
	vm0 =	vmand vm6, vm7  }
0x493: {  	v5 =	vnsel vm0, $0x0, v5;
	_ =	sdelay $0x4  }
0x494: {  	[tilespmem:v5+s29+$0x0] =	vst.idx.add.f32.msk vm0, v4  }
0x495: {  	v5 =	vld [tilespmem:s5+$0x6040]  }
0x496: {  	v6 =	vld [tilespmem:s5+$0x4040];
	_ =	sdelay $0x3  }
0x497: {  	v5 =	vshll.u32 v5, $0xB  }
0x498: {  	v5 =	vadd.s32 v6, v5  }
0x499: {  	vm8 =	vge.s32 v5, v1;
	vm9 =	vlt.s32 v5, v2  }
0x49a: {  	v5 =	vsub.s32 v5, v1;
	vm0 =	vmand vm8, vm9  }
0x49b: {  	v5 =	vnsel vm0, $0x0, v5;
	_ =	sdelay $0x4  }
0x49c: {  	[tilespmem:v5+s29+$0x0] =	vst.idx.add.f32.msk vm0, v4  }
0x49d: {  	v5 =	vld [tilespmem:s5+$0x6050]  }
0x49e: {  	v6 =	vld [tilespmem:s5+$0x4050];
	_ =	sdelay $0x3  }
0x49f: {  	v5 =	vshll.u32 v5, $0xB  }
0x4a0: {  	v5 =	vadd.s32 v6, v5  }
0x4a1: {  	vm10 =	vge.s32 v5, v1;
	vm11 =	vlt.s32 v5, v2  }
0x4a2: {  	v5 =	vsub.s32 v5, v1;
	vm0 =	vmand vm10, vm11  }
0x4a3: {  	v5 =	vnsel vm0, $0x0, v5;
	_ =	sdelay $0x4  }
0x4a4: {  	[tilespmem:v5+s29+$0x0] =	vst.idx.add.f32.msk vm0, v4  }
0x4a5: {  	v5 =	vld [tilespmem:s5+$0x6060]  }
0x4a6: {  	v6 =	vld [tilespmem:s5+$0x4060];
	_ =	sdelay $0x3  }
0x4a7: {  	v5 =	vshll.u32 v5, $0xB  }
0x4a8: {  	v5 =	vadd.s32 v6, v5  }
0x4a9: {  	vm12 =	vge.s32 v5, v1;
	vm13 =	vlt.s32 v5, v2  }
0x4aa: {  	v5 =	vsub.s32 v5, v1;
	vm0 =	vmand vm12, vm13  }
0x4ab: {  	v5 =	vnsel vm0, $0x0, v5;
	_ =	sdelay $0x4  }
0x4ac: {  	[tilespmem:v5+s29+$0x0] =	vst.idx.add.f32.msk vm0, v4  }
0x4ad: {  	v5 =	vld [tilespmem:s5+$0x6070]  }
0x4ae: {  	v6 =	vld [tilespmem:s5+$0x4070];
	_ =	sdelay $0x3  }
0x4af: {  	v5 =	vshll.u32 v5, $0xB  }
0x4b0: {  	v5 =	vadd.s32 v6, v5  }
0x4b1: {  	vm14 =	vge.s32 v5, v1;
	vm15 =	vlt.s32 v5, v2  }
0x4b2: {  	v5 =	vsub.s32 v5, v1;
	vm0 =	vmand vm14, vm15  }
0x4b3: {  	p0 =	sne.s32 s4, $0x7E00;
	v5 =	vnsel vm0, $0x0, v5  }
.Ltmp17:
0x4b4: {  	_ = 	snop;
	(pc) =	sbr.rel @p0 .LBB2_36-.Ltmp17, $2  }
0x4b5: {  	_ =	sdelay $0x2  }
0x4b6: {  	s4 =	sadd.s32 $0x200, s4;
	[tilespmem:v5+s29+$0x0] =	vst.idx.add.f32.msk vm0, v4  }
0x4b7: {  	_ =	swait.ge [sflag:s24], $0x2000  }
0x4b8: {  	[sflag:s24] =	ssyncset.done $0x0  }
0x4b9: {  	[sflag:s24] =	ssyncadd.s32 $0xFFFFE000  }
0x4ba: {  	_ =	swait.ge [sflag:s25], $0x2000  }
0x4bb: {  	[sflag:s25] =	ssyncset.done $0x0  }
0x4bc: {  	[sflag:s25] =	ssyncadd.s32 $0xFFFFE000  }
0x4bd: {  	[tilespmem:s26], [sflag:$0x3] =	stream.linear.gather [spmem:s13], $0x2000, $0x38;
	[tilespmem:$0x19000] =	vst v63  }
0x4be: {  	s4 =	simm.s32 $0x0  }
0x4bf: {  	[tilespmem:s28], [sflag:$0x4] =	stream.linear.gather [spmem:s14], $0x2000, $0x38;
	[tilespmem:$0x19000] =	vst v63  }
.LBB2_38:
0x4c0: {  	s5 =	sshra.s32 s4, $0x2  }
0x4c1: {  	v5 =	vld [tilespmem:s5+$0x2000]  }
0x4c2: {  	v6 =	vld [tilespmem:s5+$0x0];
	_ =	sdelay $0x3  }
0x4c3: {  	v5 =	vshll.u32 v5, $0xB  }
0x4c4: {  	v5 =	vadd.s32 v6, v5  }
0x4c5: {  	vm0 =	vge.s32 v5, v1;
	vm1 =	vlt.s32 v5, v2  }
0x4c6: {  	v5 =	vsub.s32 v5, v1;
	vm0 =	vmand vm0, vm1  }
0x4c7: {  	v5 =	vnsel vm0, $0x0, v5;
	_ =	sdelay $0x4  }
0x4c8: {  	[tilespmem:v5+s29+$0x0] =	vst.idx.add.f32.msk vm0, v4  }
0x4c9: {  	v5 =	vld [tilespmem:s5+$0x2010]  }
0x4ca: {  	v6 =	vld [tilespmem:s5+$0x10];
	_ =	sdelay $0x3  }
0x4cb: {  	v5 =	vshll.u32 v5, $0xB  }
0x4cc: {  	v5 =	vadd.s32 v6, v5  }
0x4cd: {  	vm14 =	vge.s32 v5, v1;
	vm15 =	vlt.s32 v5, v2  }
0x4ce: {  	v5 =	vsub.s32 v5, v1;
	vm0 =	vmand vm14, vm15  }
0x4cf: {  	v5 =	vnsel vm0, $0x0, v5;
	_ =	sdelay $0x4  }
0x4d0: {  	[tilespmem:v5+s29+$0x0] =	vst.idx.add.f32.msk vm0, v4  }
0x4d1: {  	v5 =	vld [tilespmem:s5+$0x2020]  }
0x4d2: {  	v6 =	vld [tilespmem:s5+$0x20];
	_ =	sdelay $0x3  }
0x4d3: {  	v5 =	vshll.u32 v5, $0xB  }
0x4d4: {  	v5 =	vadd.s32 v6, v5  }
0x4d5: {  	vm4 =	vge.s32 v5, v1;
	vm5 =	vlt.s32 v5, v2  }
0x4d6: {  	v5 =	vsub.s32 v5, v1;
	vm0 =	vmand vm4, vm5  }
0x4d7: {  	v5 =	vnsel vm0, $0x0, v5;
	_ =	sdelay $0x4  }
0x4d8: {  	[tilespmem:v5+s29+$0x0] =	vst.idx.add.f32.msk vm0, v4  }
0x4d9: {  	v5 =	vld [tilespmem:s5+$0x2030]  }
0x4da: {  	v6 =	vld [tilespmem:s5+$0x30];
	_ =	sdelay $0x3  }
0x4db: {  	v5 =	vshll.u32 v5, $0xB  }
0x4dc: {  	v5 =	vadd.s32 v6, v5  }
0x4dd: {  	vm6 =	vge.s32 v5, v1;
	vm7 =	vlt.s32 v5, v2  }
0x4de: {  	v5 =	vsub.s32 v5, v1;
	vm0 =	vmand vm6, vm7  }
0x4df: {  	v5 =	vnsel vm0, $0x0, v5;
	_ =	sdelay $0x4  }
0x4e0: {  	[tilespmem:v5+s29+$0x0] =	vst.idx.add.f32.msk vm0, v4  }
0x4e1: {  	v5 =	vld [tilespmem:s5+$0x2040]  }
0x4e2: {  	v6 =	vld [tilespmem:s5+$0x40];
	_ =	sdelay $0x3  }
0x4e3: {  	v5 =	vshll.u32 v5, $0xB  }
0x4e4: {  	v5 =	vadd.s32 v6, v5  }
0x4e5: {  	vm8 =	vge.s32 v5, v1;
	vm9 =	vlt.s32 v5, v2  }
0x4e6: {  	v5 =	vsub.s32 v5, v1;
	vm0 =	vmand vm8, vm9  }
0x4e7: {  	v5 =	vnsel vm0, $0x0, v5;
	_ =	sdelay $0x4  }
0x4e8: {  	[tilespmem:v5+s29+$0x0] =	vst.idx.add.f32.msk vm0, v4  }
0x4e9: {  	v5 =	vld [tilespmem:s5+$0x2050]  }
0x4ea: {  	v6 =	vld [tilespmem:s5+$0x50];
	_ =	sdelay $0x3  }
0x4eb: {  	v5 =	vshll.u32 v5, $0xB  }
0x4ec: {  	v5 =	vadd.s32 v6, v5  }
0x4ed: {  	vm10 =	vge.s32 v5, v1;
	vm11 =	vlt.s32 v5, v2  }
0x4ee: {  	v5 =	vsub.s32 v5, v1;
	vm0 =	vmand vm10, vm11  }
0x4ef: {  	v5 =	vnsel vm0, $0x0, v5;
	_ =	sdelay $0x4  }
0x4f0: {  	[tilespmem:v5+s29+$0x0] =	vst.idx.add.f32.msk vm0, v4  }
0x4f1: {  	v5 =	vld [tilespmem:s5+$0x2060]  }
0x4f2: {  	v6 =	vld [tilespmem:s5+$0x60];
	_ =	sdelay $0x3  }
0x4f3: {  	v5 =	vshll.u32 v5, $0xB  }
0x4f4: {  	v5 =	vadd.s32 v6, v5  }
0x4f5: {  	vm12 =	vge.s32 v5, v1;
	vm13 =	vlt.s32 v5, v2  }
0x4f6: {  	v5 =	vsub.s32 v5, v1;
	vm0 =	vmand vm12, vm13  }
0x4f7: {  	v5 =	vnsel vm0, $0x0, v5;
	_ =	sdelay $0x4  }
0x4f8: {  	[tilespmem:v5+s29+$0x0] =	vst.idx.add.f32.msk vm0, v4  }
0x4f9: {  	v5 =	vld [tilespmem:s5+$0x2070]  }
0x4fa: {  	v6 =	vld [tilespmem:s5+$0x70];
	_ =	sdelay $0x3  }
0x4fb: {  	v5 =	vshll.u32 v5, $0xB  }
0x4fc: {  	v5 =	vadd.s32 v6, v5  }
0x4fd: {  	vm14 =	vge.s32 v5, v1;
	vm15 =	vlt.s32 v5, v2  }
0x4fe: {  	v5 =	vsub.s32 v5, v1;
	vm0 =	vmand vm14, vm15  }
0x4ff: {  	p0 =	sne.s32 s4, $0x7E00;
	v5 =	vnsel vm0, $0x0, v5  }
.Ltmp18:
0x500: {  	_ = 	snop;
	(pc) =	sbr.rel @p0 .LBB2_38-.Ltmp18, $2  }
0x501: {  	_ =	sdelay $0x2  }
0x502: {  	s4 =	sadd.s32 $0x200, s4;
	[tilespmem:v5+s29+$0x0] =	vst.idx.add.f32.msk vm0, v4  }
0x503: {  	_ =	swait.ge [sflag:s30], $0x2000  }
0x504: {  	[sflag:s30] =	ssyncset.done $0x0  }
0x505: {  	[sflag:s30] =	ssyncadd.s32 $0xFFFFE000  }
0x506: {  	_ =	swait.ge [sflag:s31], $0x2000  }
0x507: {  	[sflag:s31] =	ssyncset.done $0x0  }
0x508: {  	s4 =	simm.s32 $0x0;
	[sflag:s31] =	ssyncadd.s32 $0xFFFFE000  }
.LBB2_40:
0x509: {  	s5 =	sshra.s32 s4, $0x2  }
0x50a: {  	v5 =	vld [tilespmem:s5+$0x6000]  }
0x50b: {  	v6 =	vld [tilespmem:s5+$0x4000];
	_ =	sdelay $0x3  }
0x50c: {  	v5 =	vshll.u32 v5, $0xB  }
0x50d: {  	v5 =	vadd.s32 v6, v5  }
0x50e: {  	vm0 =	vge.s32 v5, v1;
	vm1 =	vlt.s32 v5, v2  }
0x50f: {  	v5 =	vsub.s32 v5, v1;
	vm0 =	vmand vm0, vm1  }
0x510: {  	v5 =	vnsel vm0, $0x0, v5;
	_ =	sdelay $0x4  }
0x511: {  	[tilespmem:v5+s29+$0x0] =	vst.idx.add.f32.msk vm0, v4  }
0x512: {  	v5 =	vld [tilespmem:s5+$0x6010]  }
0x513: {  	v6 =	vld [tilespmem:s5+$0x4010];
	_ =	sdelay $0x3  }
0x514: {  	v5 =	vshll.u32 v5, $0xB  }
0x515: {  	v5 =	vadd.s32 v6, v5  }
0x516: {  	vm14 =	vge.s32 v5, v1;
	vm15 =	vlt.s32 v5, v2  }
0x517: {  	v5 =	vsub.s32 v5, v1;
	vm0 =	vmand vm14, vm15  }
0x518: {  	v5 =	vnsel vm0, $0x0, v5;
	_ =	sdelay $0x4  }
0x519: {  	[tilespmem:v5+s29+$0x0] =	vst.idx.add.f32.msk vm0, v4  }
0x51a: {  	v5 =	vld [tilespmem:s5+$0x6020]  }
0x51b: {  	v6 =	vld [tilespmem:s5+$0x4020];
	_ =	sdelay $0x3  }
0x51c: {  	v5 =	vshll.u32 v5, $0xB  }
0x51d: {  	v5 =	vadd.s32 v6, v5  }
0x51e: {  	vm4 =	vge.s32 v5, v1;
	vm5 =	vlt.s32 v5, v2  }
0x51f: {  	v5 =	vsub.s32 v5, v1;
	vm0 =	vmand vm4, vm5  }
0x520: {  	v5 =	vnsel vm0, $0x0, v5;
	_ =	sdelay $0x4  }
0x521: {  	[tilespmem:v5+s29+$0x0] =	vst.idx.add.f32.msk vm0, v4  }
0x522: {  	v5 =	vld [tilespmem:s5+$0x6030]  }
0x523: {  	v6 =	vld [tilespmem:s5+$0x4030];
	_ =	sdelay $0x3  }
0x524: {  	v5 =	vshll.u32 v5, $0xB  }
0x525: {  	v5 =	vadd.s32 v6, v5  }
0x526: {  	vm6 =	vge.s32 v5, v1;
	vm7 =	vlt.s32 v5, v2  }
0x527: {  	v5 =	vsub.s32 v5, v1;
	vm0 =	vmand vm6, vm7  }
0x528: {  	v5 =	vnsel vm0, $0x0, v5;
	_ =	sdelay $0x4  }
0x529: {  	[tilespmem:v5+s29+$0x0] =	vst.idx.add.f32.msk vm0, v4  }
0x52a: {  	v5 =	vld [tilespmem:s5+$0x6040]  }
0x52b: {  	v6 =	vld [tilespmem:s5+$0x4040];
	_ =	sdelay $0x3  }
0x52c: {  	v5 =	vshll.u32 v5, $0xB  }
0x52d: {  	v5 =	vadd.s32 v6, v5  }
0x52e: {  	vm8 =	vge.s32 v5, v1;
	vm9 =	vlt.s32 v5, v2  }
0x52f: {  	v5 =	vsub.s32 v5, v1;
	vm0 =	vmand vm8, vm9  }
0x530: {  	v5 =	vnsel vm0, $0x0, v5;
	_ =	sdelay $0x4  }
0x531: {  	[tilespmem:v5+s29+$0x0] =	vst.idx.add.f32.msk vm0, v4  }
0x532: {  	v5 =	vld [tilespmem:s5+$0x6050]  }
0x533: {  	v6 =	vld [tilespmem:s5+$0x4050];
	_ =	sdelay $0x3  }
0x534: {  	v5 =	vshll.u32 v5, $0xB  }
0x535: {  	v5 =	vadd.s32 v6, v5  }
0x536: {  	vm10 =	vge.s32 v5, v1;
	vm11 =	vlt.s32 v5, v2  }
0x537: {  	v5 =	vsub.s32 v5, v1;
	vm0 =	vmand vm10, vm11  }
0x538: {  	v5 =	vnsel vm0, $0x0, v5;
	_ =	sdelay $0x4  }
0x539: {  	[tilespmem:v5+s29+$0x0] =	vst.idx.add.f32.msk vm0, v4  }
0x53a: {  	v5 =	vld [tilespmem:s5+$0x6060]  }
0x53b: {  	v6 =	vld [tilespmem:s5+$0x4060];
	_ =	sdelay $0x3  }
0x53c: {  	v5 =	vshll.u32 v5, $0xB  }
0x53d: {  	v5 =	vadd.s32 v6, v5  }
0x53e: {  	vm12 =	vge.s32 v5, v1;
	vm13 =	vlt.s32 v5, v2  }
0x53f: {  	v5 =	vsub.s32 v5, v1;
	vm0 =	vmand vm12, vm13  }
0x540: {  	v5 =	vnsel vm0, $0x0, v5;
	_ =	sdelay $0x4  }
0x541: {  	[tilespmem:v5+s29+$0x0] =	vst.idx.add.f32.msk vm0, v4  }
0x542: {  	v5 =	vld [tilespmem:s5+$0x6070]  }
0x543: {  	v6 =	vld [tilespmem:s5+$0x4070];
	_ =	sdelay $0x3  }
0x544: {  	v5 =	vshll.u32 v5, $0xB  }
0x545: {  	v5 =	vadd.s32 v6, v5  }
0x546: {  	vm14 =	vge.s32 v5, v1;
	vm15 =	vlt.s32 v5, v2  }
0x547: {  	v5 =	vsub.s32 v5, v1;
	vm0 =	vmand vm14, vm15  }
0x548: {  	p0 =	sne.s32 s4, $0x7E00;
	v5 =	vnsel vm0, $0x0, v5  }
.Ltmp19:
0x549: {  	_ = 	snop;
	(pc) =	sbr.rel @p0 .LBB2_40-.Ltmp19, $2  }
0x54a: {  	_ =	sdelay $0x2  }
0x54b: {  	s4 =	sadd.s32 $0x200, s4;
	[tilespmem:v5+s29+$0x0] =	vst.idx.add.f32.msk vm0, v4  }
0x54c: {  	s0 =	sadd.s32 $0x1, s0  }
0x54d: {  	p0 =	sne.s32 s0, s21  }
.Ltmp20:
0x54e: {  	_ = 	snop;
	(pc) =	sbr.rel @p0 .LBB2_1-.Ltmp20, $4  }
0x54f: {  	[hbm4b:s20+s3] =	stream.linear.scatter [tilespmem:s29], [sflag:$0x5], $0x10000, $0x38;
	[tilespmem:$0x19000] =	vst v63  }
0x550: {  	_ =	swait.ge [sflag:s22], $0x10000  }
0x551: {  	[sflag:s22] =	ssyncset.done $0x0  }
0x552: {  	[sflag:s22] =	ssyncadd.s32 $0xFFFF0000  }
0x553: {  	_ =	sfence.sel $0x180000  }
0x554: {  	[bflag:$0x0] =	sbarrier.arrive $0xFFFF  }
0x555: {  	_ =	strace $0x90000047  }
0x556: {  	s0 =	stileid.u32;
	[bflag:$0x2] =	sbarrier.arrive $0xFFFF  }
0x557: {  	p0 =	sne.s32 s0, $0x0;
	s0 =	rddreg [dreg:$0x8]  }
0x558: {  	s0 =	sadd.s32 @!p0 $0x100000, s0  }
0x559: {  	[sflag:s0] =	ssyncadd.tile.s32 @!p0 $0x1;
	_ =	shalt  }
.Lfunc_end2:
_tile_overlayer_lowered:
.L_overlay_start_2:
0x55a: {  	(tag) =	ssettag $0x2  }
0x55b: {  	s0 =	rddreg [dreg:$0x0];
	s2 =	stileid.u32  }
0x55c: {  	s1 =	rddreg [dreg:$0x1];
	p0 =	sne.s32 s2, $0x0  }
0x55d: {  	s3 =	rddreg [dreg:$0x2];
	[bflag:$0x3] =	sbarrier.arrive $0xFFFF;
	s2 =	simm.s32 @!p0 $0x1C05  }
0x55e: {  	[timem:s3], [sflag:s2] =	dma.local @!p0 [hbm:s0], s1  }
0x55f: {  	s0 =	simm.s32 @!p0 $0x5  }
0x560: {  	_ =	swait.ge @!p0 [sflag:s0], s1  }
0x561: {  	s1 =	ssub.s32 @!p0 $0x0, s1;
	[sflag:s0] =	ssyncset.done @!p0 $0x0  }
0x562: {  	[sflag:s0] =	ssyncadd.s32 @!p0 s1  }
0x563: {  	[bflag:$0x3] =	sbarrier.arrive $0xFFFF  }
0x564: {  	_ =	shalt  }

</sc_bundles>
